<compile_context>
chip_gen: v7x
topology: tpu7x:2x2x1
jax: 0.10.2.dev20260603
libtpu: 0.0.44.dev20260713+nightly
codegen_flags: <defaults>
</compile_context>

<pallas_src>
import functools

import jax
import jax.numpy as jnp
from jax import lax
from jax.experimental import pallas as pl
from jax.experimental.pallas import tpu as pltpu
from jax.experimental.pallas import tpu_sc as plsc

_NC = 2
_NS = 16
_K = 80


def _make_segsum(n, e, d):
    nw = _NC * _NS
    epw = e // nw
    nstep = epw // _K
    assert nstep * _K * nw == e
    wchunk = 80
    nchunk = n // wchunk
    assert nchunk * wchunk == n

    mesh = plsc.VectorSubcoreMesh(core_axis_name="c", subcore_axis_name="s")

    assert _K % 8 == 0
    npair = nstep // 2
    tail = nstep - 2 * npair

    def body(p_hbm, src_hbm, dst_hbm, zero_hbm, out_hbm,
             idx_s, idx_d, r0, r1,
             acc, g0, g1, s0, s1):
        rows = (r0, r1)
        semg = (g0, g1)
        sems = (s0, s1)
        cid = lax.axis_index("c")
        sid = lax.axis_index("s")
        wid = sid * _NC + cid

        pltpu.sync_copy(zero_hbm, r0.at[pl.ds(0, wchunk)])

        def zloop(t, carry):
            c = sid + t * _NS

            @pl.when(c < nchunk)
            def _():
                off = pl.multiple_of(c * wchunk, wchunk)
                pltpu.sync_copy(r0.at[pl.ds(0, wchunk)],
                                acc.at[pl.ds(off, wchunk)])
            return carry

        lax.fori_loop(0, (nchunk + _NS - 1) // _NS, zloop, 0)
        plsc.subcore_barrier()

        def sl(j):
            return pl.ds(pl.multiple_of(j * _K, _K), _K)

        pltpu.sync_copy(src_hbm.at[wid], idx_s)
        pltpu.sync_copy(dst_hbm.at[wid], idx_d)
        pltpu.async_copy(p_hbm.at[idx_s.at[sl(0)]], rows[0], semg[0])

        def step(j, u):
            uu = (u + 1) % 2
            pltpu.make_async_copy(p_hbm.at[idx_s.at[sl(j)]],
                                  rows[u], semg[u]).wait()

            @pl.when(j + 1 < nstep)
            def _():
                pltpu.async_copy(p_hbm.at[idx_s.at[sl(j + 1)]],
                                 rows[uu], semg[uu])

            pltpu.sync_copy(rows[u], acc.at[idx_d.at[sl(j)]], add=True)

        def pair(t, carry):
            for u in range(2):
                step(2 * t + u, u)
            return carry

        lax.fori_loop(0, npair, pair, 0)
        for u in range(tail):
            step(nstep - tail + u, u)
        plsc.subcore_barrier()

        def wb(t, carry):
            c = sid + t * _NS

            @pl.when(c < nchunk)
            def _():
                off = pl.multiple_of(c * wchunk, wchunk)
                pltpu.sync_copy(acc.at[pl.ds(off, wchunk)],
                                r0.at[pl.ds(0, wchunk)])
                pltpu.sync_copy(r0.at[pl.ds(0, wchunk)],
                                out_hbm.at[cid, pl.ds(off, wchunk)])
            return carry

        lax.fori_loop(0, (nchunk + _NS - 1) // _NS, wb, 0)

    kern = pl.kernel(
        body,
        out_type=jax.ShapeDtypeStruct((_NC, n, d), jnp.float32),
        mesh=mesh,
        scratch_types=(
            [pltpu.VMEM((epw,), jnp.int32),
             pltpu.VMEM((epw,), jnp.int32)]
            + [pltpu.VMEM((_K, d), jnp.float32)] * 2
            + [pltpu.VMEM_SHARED((n, d), jnp.float32)]
            + [pltpu.SemaphoreType.DMA] * 4
        ),
    )
    return kern


def _mm(x, w):
    return jnp.dot(x.astype(jnp.bfloat16), w.astype(jnp.bfloat16),
                   preferred_element_type=jnp.float32)


def _tc_layer(h, a0, a1, w, b, relu, rblk=1000):
    n, d = h.shape

    def body(h_ref, a0_ref, a1_ref, w_ref, b_ref, o_ref):
        ht = jnp.concatenate([h_ref[...], a0_ref[...] + a1_ref[...]], axis=1)
        o = _mm(ht, w_ref[...]) + b_ref[...]
        o_ref[...] = jnp.maximum(o, 0.0) if relu else o

    return pl.pallas_call(
        body,
        grid=(n // rblk,),
        in_specs=[
            pl.BlockSpec((rblk, d), lambda i: (i, 0)),
            pl.BlockSpec((rblk, d), lambda i: (i, 0)),
            pl.BlockSpec((rblk, d), lambda i: (i, 0)),
            pl.BlockSpec((2 * d, d), lambda i: (0, 0)),
            pl.BlockSpec((1, d), lambda i: (0, 0)),
        ],
        out_specs=pl.BlockSpec((rblk, d), lambda i: (i, 0)),
        out_shape=jax.ShapeDtypeStruct((n, d), jnp.float32),
    )(h, a0, a1, w, b)


def _tc_head(r1, w2, b2, w3, b3, rblk=1000):
    n, d = r1.shape

    def body(r1_ref, w2_ref, b2_ref, w3_ref, b3_ref, o_ref):
        r2 = jnp.maximum(_mm(r1_ref[...], w2_ref[...]) + b2_ref[...], 0.0)
        o_ref[...] = _mm(r2, w3_ref[...]) + b3_ref[...]

    return pl.pallas_call(
        body,
        grid=(n // rblk,),
        in_specs=[
            pl.BlockSpec((rblk, d), lambda i: (i, 0)),
            pl.BlockSpec((d, d), lambda i: (0, 0)),
            pl.BlockSpec((1, d), lambda i: (0, 0)),
            pl.BlockSpec((d, 1), lambda i: (0, 0)),
            pl.BlockSpec((1, 1), lambda i: (0, 0)),
        ],
        out_specs=pl.BlockSpec((rblk, 1), lambda i: (i, 0)),
        out_shape=jax.ShapeDtypeStruct((n, 1), jnp.float32),
    )(r1, w2, b2, w3, b3)


def kernel(node_feat, edge_index, edge_feat,
           W1, b1, Wm1, bm1, Wm2, bm2, Wm3, bm3, Wm4, bm4,
           Wr1, br1, Wr2, br2, Wr3, br3):
    n, d = node_feat.shape
    e = edge_index.shape[1]
    nw = _NC * _NS

    perm = jnp.argsort(edge_index[1], stable=True)
    src_r = edge_index[0][perm].reshape(nw, e // nw)
    dst_r = edge_index[1][perm].reshape(nw, e // nw)
    zeros_hbm = jnp.zeros((80, d), jnp.float32)

    segsum = _make_segsum(n, e, d)

    h = node_feat
    for (w, b) in ((W1, b1), (Wm1, bm1), (Wm2, bm2), (Wm3, bm3), (Wm4, bm4),
                   (Wr1, br1)):
        a = segsum(h, src_r, dst_r, zeros_hbm)
        h = _tc_layer(h, a[0], a[1], w, b.reshape(1, d), relu=True)
    return _tc_head(h, Wr2, br2.reshape(1, d), Wr3, br3.reshape(1, 1))

# --- scband reference (transcript-rebuilt; emitter-appended) ---
"""Pipeline reference for scband-graph-sage-conv-xn-only-76192719831692 (READ-ONLY COPY).

The authoritative reference and input builder live on the scoring server;
editing this copy changes nothing except your own understanding.
"""

import jax, jax.numpy as jnp
import numpy as np

N = 10000
E = 320000
D = 128
OUT = 1


def setup_inputs(seed: int = 0) -> dict:
    key = jax.random.key(seed)
    ks = jax.random.split(key, 24)
    inp = {}
    inp["node_feat"] = jax.random.normal(ks[0], (N, D), dtype=jnp.float32)
    inp["edge_index"] = jax.random.randint(ks[1], (2, E), 0, N, dtype=jnp.int32)
    inp["edge_feat"] = jnp.zeros((E, 4), dtype=jnp.float32)

    def lin(k, fin, fout):
        return 0.05 * jax.random.normal(k, (fin, fout), dtype=jnp.float32), jnp.zeros((fout,), dtype=jnp.float32)

    inp["W1"], inp["b1"] = lin(ks[2], 2 * D, D)
    inp["Wm1"], inp["bm1"] = lin(ks[3], 2 * D, D)
    inp["Wm2"], inp["bm2"] = lin(ks[4], 2 * D, D)
    inp["Wm3"], inp["bm3"] = lin(ks[5], 2 * D, D)
    inp["Wm4"], inp["bm4"] = lin(ks[6], 2 * D, D)
    inp["Wr1"], inp["br1"] = lin(ks[7], 2 * D, D)
    inp["Wr2"], inp["br2"] = lin(ks[8], D, D)
    inp["Wr3"], inp["br3"] = lin(ks[9], D, OUT)
    return inp


def _sage(hn, src, dst, W, b):
    # DGL update_all(copy_u, sum): aggregate src features into dst nodes
    aggr = jax.ops.segment_sum(hn[src], dst, num_segments=N)
    h_total = jnp.concatenate([hn, aggr], axis=1)
    return h_total @ W + b


def reference(node_feat, edge_index, edge_feat, W1, b1, Wm1, bm1, Wm2, bm2, Wm3, bm3, Wm4, bm4, Wr1, br1, Wr2, br2, Wr3, br3):
    src = edge_index[0]
    dst = edge_index[1]
    # dropout p=0.1 is identity in eval mode
    h = jax.nn.relu(_sage(node_feat, src, dst, W1, b1))
    h = jax.nn.relu(_sage(h, src, dst, Wm1, bm1))
    h = jax.nn.relu(_sage(h, src, dst, Wm2, bm2))
    h = jax.nn.relu(_sage(h, src, dst, Wm3, bm3))
    h = jax.nn.relu(_sage(h, src, dst, Wm4, bm4))
    # RegressionBranch: aggregate once more, then 3-layer MLP
    aggr = jax.ops.segment_sum(h[src], dst, num_segments=N)
    h_total = jnp.concatenate([h, aggr], axis=1)
    r = jax.nn.relu(h_total @ Wr1 + br1)
    r = jax.nn.relu(r @ Wr2 + br2)
    r = r @ Wr3 + br3
    return r

if __name__ == "__main__":
    import jax
    _d = setup_inputs()
    print(jax.jit(kernel)(*tuple(_d.values())))

</pallas_src>

<mosaic_0001>
#map = affine_map<(d0, d1) -> (0, 0)>
#map1 = affine_map<(d0, d1) -> (0, 0, 0)>
module attributes {stable_mosaic.version = 14 : i64} {
  func.func @body(%arg0: i32, %arg1: i32, %arg2: memref<10000x128xf32, #tpu.memory_space<hbm>>, %arg3: memref<32x10000xi32, #tpu.memory_space<hbm>>, %arg4: memref<32x10000xi32, #tpu.memory_space<hbm>>, %arg5: memref<80x128xf32, #tpu.memory_space<hbm>>, %arg6: memref<2x10000x128xf32, #tpu.memory_space<hbm>>, %arg7: memref<10000xi32, #tpu.memory_space<vmem>>, %arg8: memref<10000xi32, #tpu.memory_space<vmem>>, %arg9: memref<80x128xf32, #tpu.memory_space<vmem>>, %arg10: memref<80x128xf32, #tpu.memory_space<vmem>>, %arg11: memref<10000x128xf32, #tpu.memory_space<vmem_shared>>, %arg12: memref<!tpu.dma_semaphore, #tpu.memory_space<semaphore_mem>>, %arg13: memref<!tpu.dma_semaphore, #tpu.memory_space<semaphore_mem>>, %arg14: memref<!tpu.dma_semaphore, #tpu.memory_space<semaphore_mem>>, %arg15: memref<!tpu.dma_semaphore, #tpu.memory_space<semaphore_mem>>) attributes {dimension_semantics = [#tpu.dimension_semantics<core_parallel>, #tpu.dimension_semantics<subcore_parallel>], iteration_bounds = array<i64: 2, 16>, scalar_prefetch = 0 : i64, scratch_operands = 9 : i64, tpu.core_type = #tpu.core_type<sc_vector_subcore>, window_params = [{transform_indices = #map}, {transform_indices = #map}, {transform_indices = #map}, {transform_indices = #map}, {transform_indices = #map1}]} {
    %mul3A = arith.constant 2 : i32
    %mul3A_0 = arith.muli %arg1, %mul3A : i32
    %add3A = arith.addi %mul3A_0, %arg0 : i32
    "tpu.region"() ({
      %run_scoped3A = tpu.sem_alloc : memref<!tpu.dma_semaphore, #tpu.memory_space<semaphore_mem>>
      %dma_start3A_30 = arith.constant 0 : i32
      %dma_start3A_31 = arith.constant 0 : i32
      %dma_start3A_32 = tpu.memref_slice %arg9[%dma_start3A_30, %dma_start3A_31] : memref<80x128xf32, #tpu.memory_space<vmem>> -> memref<80x128xf32, #tpu.memory_space<vmem>>
      %dma_start3A_33 = arith.constant 0 : i32
      %dma_start3A_34 = arith.constant 0 : i32
      %dma_start3A_35 = tpu.memref_slice %arg9[%dma_start3A_33, %dma_start3A_34] : memref<80x128xf32, #tpu.memory_space<vmem>> -> memref<80x128xf32, #tpu.memory_space<vmem>>
      tpu.enqueue_dma source(%arg5 : memref<80x128xf32, #tpu.memory_space<hbm>>) target(%dma_start3A_35 : memref<80x128xf32, #tpu.memory_space<vmem>>) target_semaphore(%run_scoped3A : memref<!tpu.dma_semaphore, #tpu.memory_space<semaphore_mem>>)
      %dma_wait3A_36 = arith.constant 0 : i32
      %dma_wait3A_37 = arith.constant 0 : i32
      %dma_wait3A_38 = tpu.memref_slice %arg9[%dma_wait3A_36, %dma_wait3A_37] : memref<80x128xf32, #tpu.memory_space<vmem>> -> memref<80x128xf32, #tpu.memory_space<vmem>>
      %dma_wait3A_39 = arith.constant 0 : i32
      %dma_wait3A_40 = arith.constant 0 : i32
      %dma_wait3A_41 = tpu.memref_slice %arg9[%dma_wait3A_39, %dma_wait3A_40] : memref<80x128xf32, #tpu.memory_space<vmem>> -> memref<80x128xf32, #tpu.memory_space<vmem>>
      tpu.wait_dma2 semaphore(%run_scoped3A : memref<!tpu.dma_semaphore, #tpu.memory_space<semaphore_mem>>) src(%arg5 : memref<80x128xf32, #tpu.memory_space<hbm>>) dst(%dma_wait3A_41 : memref<80x128xf32, #tpu.memory_space<vmem>>)
      tpu.yield
    }) : () -> ()
    %scan3A = arith.constant 0 : i32
    %scan3A_1 = arith.constant 0 : i32
    %scan3A_2 = arith.constant 8 : i32
    %scan3A_3 = arith.addi %scan3A_1, %scan3A_2 : i32
    %scan3A_4 = arith.constant 1 : i32
    scf.for %scan3A_30 = %scan3A_1 to %scan3A_3 step %scan3A_4  : i32 {
      %mul3A_31 = arith.constant 16 : i32
      %mul3A_32 = arith.muli %scan3A_30, %mul3A_31 : i32
      %add3A_33 = arith.addi %arg1, %mul3A_32 : i32
      %lt3A = arith.constant 125 : i32
      %lt3A_34 = arith.cmpi slt, %add3A_33, %lt3A : i32
      %convert_element_type3A = arith.extui %lt3A_34 : i1 to i32
      %cond3A = arith.constant 0 : i32
      %cond3A_35 = arith.cmpi ne, %convert_element_type3A, %cond3A : i32
      scf.if %cond3A_35 {
        %mul3A_36 = arith.constant 80 : i32
        %mul3A_37 = arith.muli %add3A_33, %mul3A_36 : i32
        %multiple_of3A_38 = tpu.assume_multiple %mul3A_37, 80 : i32
        "tpu.region"() ({
          %run_scoped3A = tpu.sem_alloc : memref<!tpu.dma_semaphore, #tpu.memory_space<semaphore_mem>>
          %dma_start3A_39 = arith.constant 0 : i32
          %dma_start3A_40 = arith.constant 0 : i32
          %dma_start3A_41 = tpu.memref_slice %arg9[%dma_start3A_39, %dma_start3A_40] : memref<80x128xf32, #tpu.memory_space<vmem>> -> memref<80x128xf32, #tpu.memory_space<vmem>>
          %dma_start3A_42 = arith.constant 0 : i32
          %dma_start3A_43 = tpu.memref_slice %arg11[%multiple_of3A_38, %dma_start3A_42] : memref<10000x128xf32, #tpu.memory_space<vmem_shared>> -> memref<80x128xf32, #tpu.memory_space<vmem_shared>>
          %dma_start3A_44 = arith.constant 0 : i32
          %dma_start3A_45 = tpu.memref_slice %arg11[%multiple_of3A_38, %dma_start3A_44] : memref<10000x128xf32, #tpu.memory_space<vmem_shared>> -> memref<80x128xf32, #tpu.memory_space<vmem_shared>>
          %dma_start3A_46 = arith.constant 0 : i32
          %dma_start3A_47 = arith.constant 0 : i32
          %dma_start3A_48 = tpu.memref_slice %arg9[%dma_start3A_46, %dma_start3A_47] : memref<80x128xf32, #tpu.memory_space<vmem>> -> memref<80x128xf32, #tpu.memory_space<vmem>>
          tpu.enqueue_dma source(%dma_start3A_48 : memref<80x128xf32, #tpu.memory_space<vmem>>) target(%dma_start3A_45 : memref<80x128xf32, #tpu.memory_space<vmem_shared>>) target_semaphore(%run_scoped3A : memref<!tpu.dma_semaphore, #tpu.memory_space<semaphore_mem>>)
          %dma_wait3A_49 = arith.constant 0 : i32
          %dma_wait3A_50 = arith.constant 0 : i32
          %dma_wait3A_51 = tpu.memref_slice %arg9[%dma_wait3A_49, %dma_wait3A_50] : memref<80x128xf32, #tpu.memory_space<vmem>> -> memref<80x128xf32, #tpu.memory_space<vmem>>
          %dma_wait3A_52 = arith.constant 0 : i32
          %dma_wait3A_53 = tpu.memref_slice %arg11[%multiple_of3A_38, %dma_wait3A_52] : memref<10000x128xf32, #tpu.memory_space<vmem_shared>> -> memref<80x128xf32, #tpu.memory_space<vmem_shared>>
          %dma_wait3A_54 = arith.constant 0 : i32
          %dma_wait3A_55 = tpu.memref_slice %arg11[%multiple_of3A_38, %dma_wait3A_54] : memref<10000x128xf32, #tpu.memory_space<vmem_shared>> -> memref<80x128xf32, #tpu.memory_space<vmem_shared>>
          %dma_wait3A_56 = arith.constant 0 : i32
          %dma_wait3A_57 = arith.constant 0 : i32
          %dma_wait3A_58 = tpu.memref_slice %arg9[%dma_wait3A_56, %dma_wait3A_57] : memref<80x128xf32, #tpu.memory_space<vmem>> -> memref<80x128xf32, #tpu.memory_space<vmem>>
          tpu.wait_dma2 semaphore(%run_scoped3A : memref<!tpu.dma_semaphore, #tpu.memory_space<semaphore_mem>>) src(%dma_wait3A_58 : memref<80x128xf32, #tpu.memory_space<vmem>>) dst(%dma_wait3A_55 : memref<80x128xf32, #tpu.memory_space<vmem_shared>>)
          tpu.yield
        }) : () -> ()
      } else {
      }
    }
    %scan3A_5 = arith.constant 8 : i32
    %barrier3A = arith.constant 0 : index
    tpu.barrier barrier_id(%barrier3A)
    "tpu.region"() ({
      %run_scoped3A = tpu.sem_alloc : memref<!tpu.dma_semaphore, #tpu.memory_space<semaphore_mem>>
      %dma_start3A_30 = arith.constant 0 : i32
      %dma_start3A_31 = tpu.memref_slice %arg3[%add3A, %dma_start3A_30] : memref<32x10000xi32, #tpu.memory_space<hbm>> -> memref<1x10000xi32, #tpu.memory_space<hbm>>
      %dma_start3A_32 = tpu.memref_squeeze %dma_start3A_31 : memref<1x10000xi32, #tpu.memory_space<hbm>> -> memref<10000xi32, #tpu.memory_space<hbm>>
      %dma_start3A_33 = arith.constant 0 : i32
      %dma_start3A_34 = tpu.memref_slice %arg3[%add3A, %dma_start3A_33] : memref<32x10000xi32, #tpu.memory_space<hbm>> -> memref<1x10000xi32, #tpu.memory_space<hbm>>
      %dma_start3A_35 = tpu.memref_squeeze %dma_start3A_34 : memref<1x10000xi32, #tpu.memory_space<hbm>> -> memref<10000xi32, #tpu.memory_space<hbm>>
      tpu.enqueue_dma source(%dma_start3A_35 : memref<10000xi32, #tpu.memory_space<hbm>>) target(%arg7 : memref<10000xi32, #tpu.memory_space<vmem>>) target_semaphore(%run_scoped3A : memref<!tpu.dma_semaphore, #tpu.memory_space<semaphore_mem>>)
      %dma_wait3A_36 = arith.constant 0 : i32
      %dma_wait3A_37 = tpu.memref_slice %arg3[%add3A, %dma_wait3A_36] : memref<32x10000xi32, #tpu.memory_space<hbm>> -> memref<1x10000xi32, #tpu.memory_space<hbm>>
      %dma_wait3A_38 = tpu.memref_squeeze %dma_wait3A_37 : memref<1x10000xi32, #tpu.memory_space<hbm>> -> memref<10000xi32, #tpu.memory_space<hbm>>
      %dma_wait3A_39 = arith.constant 0 : i32
      %dma_wait3A_40 = tpu.memref_slice %arg3[%add3A, %dma_wait3A_39] : memref<32x10000xi32, #tpu.memory_space<hbm>> -> memref<1x10000xi32, #tpu.memory_space<hbm>>
      %dma_wait3A_41 = tpu.memref_squeeze %dma_wait3A_40 : memref<1x10000xi32, #tpu.memory_space<hbm>> -> memref<10000xi32, #tpu.memory_space<hbm>>
      tpu.wait_dma2 semaphore(%run_scoped3A : memref<!tpu.dma_semaphore, #tpu.memory_space<semaphore_mem>>) src(%dma_wait3A_41 : memref<10000xi32, #tpu.memory_space<hbm>>) dst(%arg7 : memref<10000xi32, #tpu.memory_space<vmem>>)
      tpu.yield
    }) : () -> ()
    "tpu.region"() ({
      %run_scoped3A = tpu.sem_alloc : memref<!tpu.dma_semaphore, #tpu.memory_space<semaphore_mem>>
      %dma_start3A_30 = arith.constant 0 : i32
      %dma_start3A_31 = tpu.memref_slice %arg4[%add3A, %dma_start3A_30] : memref<32x10000xi32, #tpu.memory_space<hbm>> -> memref<1x10000xi32, #tpu.memory_space<hbm>>
      %dma_start3A_32 = tpu.memref_squeeze %dma_start3A_31 : memref<1x10000xi32, #tpu.memory_space<hbm>> -> memref<10000xi32, #tpu.memory_space<hbm>>
      %dma_start3A_33 = arith.constant 0 : i32
      %dma_start3A_34 = tpu.memref_slice %arg4[%add3A, %dma_start3A_33] : memref<32x10000xi32, #tpu.memory_space<hbm>> -> memref<1x10000xi32, #tpu.memory_space<hbm>>
      %dma_start3A_35 = tpu.memref_squeeze %dma_start3A_34 : memref<1x10000xi32, #tpu.memory_space<hbm>> -> memref<10000xi32, #tpu.memory_space<hbm>>
      tpu.enqueue_dma source(%dma_start3A_35 : memref<10000xi32, #tpu.memory_space<hbm>>) target(%arg8 : memref<10000xi32, #tpu.memory_space<vmem>>) target_semaphore(%run_scoped3A : memref<!tpu.dma_semaphore, #tpu.memory_space<semaphore_mem>>)
      %dma_wait3A_36 = arith.constant 0 : i32
      %dma_wait3A_37 = tpu.memref_slice %arg4[%add3A, %dma_wait3A_36] : memref<32x10000xi32, #tpu.memory_space<hbm>> -> memref<1x10000xi32, #tpu.memory_space<hbm>>
      %dma_wait3A_38 = tpu.memref_squeeze %dma_wait3A_37 : memref<1x10000xi32, #tpu.memory_space<hbm>> -> memref<10000xi32, #tpu.memory_space<hbm>>
      %dma_wait3A_39 = arith.constant 0 : i32
      %dma_wait3A_40 = tpu.memref_slice %arg4[%add3A, %dma_wait3A_39] : memref<32x10000xi32, #tpu.memory_space<hbm>> -> memref<1x10000xi32, #tpu.memory_space<hbm>>
      %dma_wait3A_41 = tpu.memref_squeeze %dma_wait3A_40 : memref<1x10000xi32, #tpu.memory_space<hbm>> -> memref<10000xi32, #tpu.memory_space<hbm>>
      tpu.wait_dma2 semaphore(%run_scoped3A : memref<!tpu.dma_semaphore, #tpu.memory_space<semaphore_mem>>) src(%dma_wait3A_41 : memref<10000xi32, #tpu.memory_space<hbm>>) dst(%arg8 : memref<10000xi32, #tpu.memory_space<vmem>>)
      tpu.yield
    }) : () -> ()
    %multiple_of3A = arith.constant 0 : i32
    %multiple_of3A_6 = tpu.assume_multiple %multiple_of3A, 80 : i32
    %dma_start3A = tpu.memref_slice %arg7[%multiple_of3A_6] : memref<10000xi32, #tpu.memory_space<vmem>> -> memref<80xi32, #tpu.memory_space<vmem>>
    %dma_start3A_7 = arith.constant 0 : i32
    %dma_start3A_8 = arith.constant 0 : i32
    %dma_start3A_9 = tpu.memref_slice %arg2[%dma_start3A_7, %dma_start3A_8] : memref<10000x128xf32, #tpu.memory_space<hbm>> -> memref<10000x128xf32, #tpu.memory_space<hbm>>
    tpu.enqueue_indirect_dma source(%dma_start3A_9 : memref<10000x128xf32, #tpu.memory_space<hbm>>) target(%arg9 : memref<80x128xf32, #tpu.memory_space<vmem>>) offsets(%dma_start3A : memref<80xi32, #tpu.memory_space<vmem>>) semaphore(%arg12 : memref<!tpu.dma_semaphore, #tpu.memory_space<semaphore_mem>>)
    %scan3A_10 = arith.constant 0 : i32
    %scan3A_11 = arith.constant 0 : i32
    %scan3A_12 = arith.constant 62 : i32
    %scan3A_13 = arith.addi %scan3A_11, %scan3A_12 : i32
    %scan3A_14 = arith.constant 1 : i32
    scf.for %scan3A_30 = %scan3A_11 to %scan3A_13 step %scan3A_14  : i32 {
      %mul3A_31 = arith.constant 2 : i32
      %mul3A_32 = arith.muli %mul3A_31, %scan3A_30 : i32
      %add3A_33 = arith.constant 0 : i32
      %add3A_34 = arith.addi %mul3A_32, %add3A_33 : i32
      %mul3A_35 = arith.constant 80 : i32
      %mul3A_36 = arith.muli %add3A_34, %mul3A_35 : i32
      %multiple_of3A_37 = tpu.assume_multiple %mul3A_36, 80 : i32
      %dma_wait3A_38 = tpu.memref_slice %arg7[%multiple_of3A_37] : memref<10000xi32, #tpu.memory_space<vmem>> -> memref<80xi32, #tpu.memory_space<vmem>>
      %dma_wait3A_39 = arith.constant 0 : i32
      %dma_wait3A_40 = arith.constant 0 : i32
      %dma_wait3A_41 = tpu.memref_slice %arg2[%dma_wait3A_39, %dma_wait3A_40] : memref<10000x128xf32, #tpu.memory_space<hbm>> -> memref<10000x128xf32, #tpu.memory_space<hbm>>
      tpu.wait_indirect_dma semaphore(%arg12 : memref<!tpu.dma_semaphore, #tpu.memory_space<semaphore_mem>>) src(%dma_wait3A_41 : memref<10000x128xf32, #tpu.memory_space<hbm>>) dst(%arg9 : memref<80x128xf32, #tpu.memory_space<vmem>>)
      %add3A_42 = arith.constant 1 : i32
      %add3A_43 = arith.addi %add3A_34, %add3A_42 : i32
      %lt3A = arith.constant 125 : i32
      %lt3A_44 = arith.cmpi slt, %add3A_43, %lt3A : i32
      %convert_element_type3A = arith.extui %lt3A_44 : i1 to i32
      %cond3A = arith.constant 0 : i32
      %cond3A_45 = arith.cmpi ne, %convert_element_type3A, %cond3A : i32
      scf.if %cond3A_45 {
        %add3A_70 = arith.constant 1 : i32
        %add3A_71 = arith.addi %add3A_34, %add3A_70 : i32
        %mul3A_72 = arith.constant 80 : i32
        %mul3A_73 = arith.muli %add3A_71, %mul3A_72 : i32
        %multiple_of3A_74 = tpu.assume_multiple %mul3A_73, 80 : i32
        %dma_start3A_75 = tpu.memref_slice %arg7[%multiple_of3A_74] : memref<10000xi32, #tpu.memory_space<vmem>> -> memref<80xi32, #tpu.memory_space<vmem>>
        %dma_start3A_76 = arith.constant 0 : i32
        %dma_start3A_77 = arith.constant 0 : i32
        %dma_start3A_78 = tpu.memref_slice %arg2[%dma_start3A_76, %dma_start3A_77] : memref<10000x128xf32, #tpu.memory_space<hbm>> -> memref<10000x128xf32, #tpu.memory_space<hbm>>
        tpu.enqueue_indirect_dma source(%dma_start3A_78 : memref<10000x128xf32, #tpu.memory_space<hbm>>) target(%arg10 : memref<80x128xf32, #tpu.memory_space<vmem>>) offsets(%dma_start3A_75 : memref<80xi32, #tpu.memory_space<vmem>>) semaphore(%arg13 : memref<!tpu.dma_semaphore, #tpu.memory_space<semaphore_mem>>)
      } else {
      }
      %mul3A_46 = arith.constant 80 : i32
      %mul3A_47 = arith.muli %add3A_34, %mul3A_46 : i32
      %multiple_of3A_48 = tpu.assume_multiple %mul3A_47, 80 : i32
      "tpu.region"() ({
        %run_scoped3A = tpu.sem_alloc : memref<!tpu.dma_semaphore, #tpu.memory_space<semaphore_mem>>
        %dma_start3A_70 = tpu.memref_slice %arg8[%multiple_of3A_48] : memref<10000xi32, #tpu.memory_space<vmem>> -> memref<80xi32, #tpu.memory_space<vmem>>
        %dma_start3A_71 = arith.constant 0 : i32
        %dma_start3A_72 = arith.constant 0 : i32
        %dma_start3A_73 = tpu.memref_slice %arg11[%dma_start3A_71, %dma_start3A_72] : memref<10000x128xf32, #tpu.memory_space<vmem_shared>> -> memref<10000x128xf32, #tpu.memory_space<vmem_shared>>
        tpu.enqueue_indirect_dma source(%arg9 : memref<80x128xf32, #tpu.memory_space<vmem>>) target(%dma_start3A_73 : memref<10000x128xf32, #tpu.memory_space<vmem_shared>>) offsets(%dma_start3A_70 : memref<80xi32, #tpu.memory_space<vmem>>) semaphore(%run_scoped3A : memref<!tpu.dma_semaphore, #tpu.memory_space<semaphore_mem>>) {add = true}
        %dma_wait3A_74 = tpu.memref_slice %arg8[%multiple_of3A_48] : memref<10000xi32, #tpu.memory_space<vmem>> -> memref<80xi32, #tpu.memory_space<vmem>>
        %dma_wait3A_75 = arith.constant 0 : i32
        %dma_wait3A_76 = arith.constant 0 : i32
        %dma_wait3A_77 = tpu.memref_slice %arg11[%dma_wait3A_75, %dma_wait3A_76] : memref<10000x128xf32, #tpu.memory_space<vmem_shared>> -> memref<10000x128xf32, #tpu.memory_space<vmem_shared>>
        tpu.wait_indirect_dma semaphore(%run_scoped3A : memref<!tpu.dma_semaphore, #tpu.memory_space<semaphore_mem>>) src(%arg9 : memref<80x128xf32, #tpu.memory_space<vmem>>) dst(%dma_wait3A_77 : memref<10000x128xf32, #tpu.memory_space<vmem_shared>>)
        tpu.yield
      }) : () -> ()
      %mul3A_49 = arith.constant 2 : i32
      %mul3A_50 = arith.muli %mul3A_49, %scan3A_30 : i32
      %add3A_51 = arith.constant 1 : i32
      %add3A_52 = arith.addi %mul3A_50, %add3A_51 : i32
      %mul3A_53 = arith.constant 80 : i32
      %mul3A_54 = arith.muli %add3A_52, %mul3A_53 : i32
      %multiple_of3A_55 = tpu.assume_multiple %mul3A_54, 80 : i32
      %dma_wait3A_56 = tpu.memref_slice %arg7[%multiple_of3A_55] : memref<10000xi32, #tpu.memory_space<vmem>> -> memref<80xi32, #tpu.memory_space<vmem>>
      %dma_wait3A_57 = arith.constant 0 : i32
      %dma_wait3A_58 = arith.constant 0 : i32
      %dma_wait3A_59 = tpu.memref_slice %arg2[%dma_wait3A_57, %dma_wait3A_58] : memref<10000x128xf32, #tpu.memory_space<hbm>> -> memref<10000x128xf32, #tpu.memory_space<hbm>>
      tpu.wait_indirect_dma semaphore(%arg13 : memref<!tpu.dma_semaphore, #tpu.memory_space<semaphore_mem>>) src(%dma_wait3A_59 : memref<10000x128xf32, #tpu.memory_space<hbm>>) dst(%arg10 : memref<80x128xf32, #tpu.memory_space<vmem>>)
      %add3A_60 = arith.constant 1 : i32
      %add3A_61 = arith.addi %add3A_52, %add3A_60 : i32
      %lt3A_62 = arith.constant 125 : i32
      %lt3A_63 = arith.cmpi slt, %add3A_61, %lt3A_62 : i32
      %convert_element_type3A_64 = arith.extui %lt3A_63 : i1 to i32
      %cond3A_65 = arith.constant 0 : i32
      %cond3A_66 = arith.cmpi ne, %convert_element_type3A_64, %cond3A_65 : i32
      scf.if %cond3A_66 {
        %add3A_70 = arith.constant 1 : i32
        %add3A_71 = arith.addi %add3A_52, %add3A_70 : i32
        %mul3A_72 = arith.constant 80 : i32
        %mul3A_73 = arith.muli %add3A_71, %mul3A_72 : i32
        %multiple_of3A_74 = tpu.assume_multiple %mul3A_73, 80 : i32
        %dma_start3A_75 = tpu.memref_slice %arg7[%multiple_of3A_74] : memref<10000xi32, #tpu.memory_space<vmem>> -> memref<80xi32, #tpu.memory_space<vmem>>
        %dma_start3A_76 = arith.constant 0 : i32
        %dma_start3A_77 = arith.constant 0 : i32
        %dma_start3A_78 = tpu.memref_slice %arg2[%dma_start3A_76, %dma_start3A_77] : memref<10000x128xf32, #tpu.memory_space<hbm>> -> memref<10000x128xf32, #tpu.memory_space<hbm>>
        tpu.enqueue_indirect_dma source(%dma_start3A_78 : memref<10000x128xf32, #tpu.memory_space<hbm>>) target(%arg9 : memref<80x128xf32, #tpu.memory_space<vmem>>) offsets(%dma_start3A_75 : memref<80xi32, #tpu.memory_space<vmem>>) semaphore(%arg12 : memref<!tpu.dma_semaphore, #tpu.memory_space<semaphore_mem>>)
      } else {
      }
      %mul3A_67 = arith.constant 80 : i32
      %mul3A_68 = arith.muli %add3A_52, %mul3A_67 : i32
      %multiple_of3A_69 = tpu.assume_multiple %mul3A_68, 80 : i32
      "tpu.region"() ({
        %run_scoped3A = tpu.sem_alloc : memref<!tpu.dma_semaphore, #tpu.memory_space<semaphore_mem>>
        %dma_start3A_70 = tpu.memref_slice %arg8[%multiple_of3A_69] : memref<10000xi32, #tpu.memory_space<vmem>> -> memref<80xi32, #tpu.memory_space<vmem>>
        %dma_start3A_71 = arith.constant 0 : i32
        %dma_start3A_72 = arith.constant 0 : i32
        %dma_start3A_73 = tpu.memref_slice %arg11[%dma_start3A_71, %dma_start3A_72] : memref<10000x128xf32, #tpu.memory_space<vmem_shared>> -> memref<10000x128xf32, #tpu.memory_space<vmem_shared>>
        tpu.enqueue_indirect_dma source(%arg10 : memref<80x128xf32, #tpu.memory_space<vmem>>) target(%dma_start3A_73 : memref<10000x128xf32, #tpu.memory_space<vmem_shared>>) offsets(%dma_start3A_70 : memref<80xi32, #tpu.memory_space<vmem>>) semaphore(%run_scoped3A : memref<!tpu.dma_semaphore, #tpu.memory_space<semaphore_mem>>) {add = true}
        %dma_wait3A_74 = tpu.memref_slice %arg8[%multiple_of3A_69] : memref<10000xi32, #tpu.memory_space<vmem>> -> memref<80xi32, #tpu.memory_space<vmem>>
        %dma_wait3A_75 = arith.constant 0 : i32
        %dma_wait3A_76 = arith.constant 0 : i32
        %dma_wait3A_77 = tpu.memref_slice %arg11[%dma_wait3A_75, %dma_wait3A_76] : memref<10000x128xf32, #tpu.memory_space<vmem_shared>> -> memref<10000x128xf32, #tpu.memory_space<vmem_shared>>
        tpu.wait_indirect_dma semaphore(%run_scoped3A : memref<!tpu.dma_semaphore, #tpu.memory_space<semaphore_mem>>) src(%arg10 : memref<80x128xf32, #tpu.memory_space<vmem>>) dst(%dma_wait3A_77 : memref<10000x128xf32, #tpu.memory_space<vmem_shared>>)
        tpu.yield
      }) : () -> ()
    }
    %scan3A_15 = arith.constant 62 : i32
    %multiple_of3A_16 = arith.constant 9920 : i32
    %multiple_of3A_17 = tpu.assume_multiple %multiple_of3A_16, 80 : i32
    %dma_wait3A = tpu.memref_slice %arg7[%multiple_of3A_17] : memref<10000xi32, #tpu.memory_space<vmem>> -> memref<80xi32, #tpu.memory_space<vmem>>
    %dma_wait3A_18 = arith.constant 0 : i32
    %dma_wait3A_19 = arith.constant 0 : i32
    %dma_wait3A_20 = tpu.memref_slice %arg2[%dma_wait3A_18, %dma_wait3A_19] : memref<10000x128xf32, #tpu.memory_space<hbm>> -> memref<10000x128xf32, #tpu.memory_space<hbm>>
    tpu.wait_indirect_dma semaphore(%arg12 : memref<!tpu.dma_semaphore, #tpu.memory_space<semaphore_mem>>) src(%dma_wait3A_20 : memref<10000x128xf32, #tpu.memory_space<hbm>>) dst(%arg9 : memref<80x128xf32, #tpu.memory_space<vmem>>)
    %multiple_of3A_21 = arith.constant 9920 : i32
    %multiple_of3A_22 = tpu.assume_multiple %multiple_of3A_21, 80 : i32
    "tpu.region"() ({
      %run_scoped3A = tpu.sem_alloc : memref<!tpu.dma_semaphore, #tpu.memory_space<semaphore_mem>>
      %dma_start3A_30 = tpu.memref_slice %arg8[%multiple_of3A_22] : memref<10000xi32, #tpu.memory_space<vmem>> -> memref<80xi32, #tpu.memory_space<vmem>>
      %dma_start3A_31 = arith.constant 0 : i32
      %dma_start3A_32 = arith.constant 0 : i32
      %dma_start3A_33 = tpu.memref_slice %arg11[%dma_start3A_31, %dma_start3A_32] : memref<10000x128xf32, #tpu.memory_space<vmem_shared>> -> memref<10000x128xf32, #tpu.memory_space<vmem_shared>>
      tpu.enqueue_indirect_dma source(%arg9 : memref<80x128xf32, #tpu.memory_space<vmem>>) target(%dma_start3A_33 : memref<10000x128xf32, #tpu.memory_space<vmem_shared>>) offsets(%dma_start3A_30 : memref<80xi32, #tpu.memory_space<vmem>>) semaphore(%run_scoped3A : memref<!tpu.dma_semaphore, #tpu.memory_space<semaphore_mem>>) {add = true}
      %dma_wait3A_34 = tpu.memref_slice %arg8[%multiple_of3A_22] : memref<10000xi32, #tpu.memory_space<vmem>> -> memref<80xi32, #tpu.memory_space<vmem>>
      %dma_wait3A_35 = arith.constant 0 : i32
      %dma_wait3A_36 = arith.constant 0 : i32
      %dma_wait3A_37 = tpu.memref_slice %arg11[%dma_wait3A_35, %dma_wait3A_36] : memref<10000x128xf32, #tpu.memory_space<vmem_shared>> -> memref<10000x128xf32, #tpu.memory_space<vmem_shared>>
      tpu.wait_indirect_dma semaphore(%run_scoped3A : memref<!tpu.dma_semaphore, #tpu.memory_space<semaphore_mem>>) src(%arg9 : memref<80x128xf32, #tpu.memory_space<vmem>>) dst(%dma_wait3A_37 : memref<10000x128xf32, #tpu.memory_space<vmem_shared>>)
      tpu.yield
    }) : () -> ()
    %barrier3A_23 = arith.constant 0 : index
    tpu.barrier barrier_id(%barrier3A_23)
    %scan3A_24 = arith.constant 0 : i32
    %scan3A_25 = arith.constant 0 : i32
    %scan3A_26 = arith.constant 8 : i32
    %scan3A_27 = arith.addi %scan3A_25, %scan3A_26 : i32
    %scan3A_28 = arith.constant 1 : i32
    scf.for %scan3A_30 = %scan3A_25 to %scan3A_27 step %scan3A_28  : i32 {
      %mul3A_31 = arith.constant 16 : i32
      %mul3A_32 = arith.muli %scan3A_30, %mul3A_31 : i32
      %add3A_33 = arith.addi %arg1, %mul3A_32 : i32
      %lt3A = arith.constant 125 : i32
      %lt3A_34 = arith.cmpi slt, %add3A_33, %lt3A : i32
      %convert_element_type3A = arith.extui %lt3A_34 : i1 to i32
      %cond3A = arith.constant 0 : i32
      %cond3A_35 = arith.cmpi ne, %convert_element_type3A, %cond3A : i32
      scf.if %cond3A_35 {
        %mul3A_36 = arith.constant 80 : i32
        %mul3A_37 = arith.muli %add3A_33, %mul3A_36 : i32
        %multiple_of3A_38 = tpu.assume_multiple %mul3A_37, 80 : i32
        "tpu.region"() ({
          %run_scoped3A = tpu.sem_alloc : memref<!tpu.dma_semaphore, #tpu.memory_space<semaphore_mem>>
          %dma_start3A_39 = arith.constant 0 : i32
          %dma_start3A_40 = arith.constant 0 : i32
          %dma_start3A_41 = tpu.memref_slice %arg9[%dma_start3A_39, %dma_start3A_40] : memref<80x128xf32, #tpu.memory_space<vmem>> -> memref<80x128xf32, #tpu.memory_space<vmem>>
          %dma_start3A_42 = arith.constant 0 : i32
          %dma_start3A_43 = tpu.memref_slice %arg11[%multiple_of3A_38, %dma_start3A_42] : memref<10000x128xf32, #tpu.memory_space<vmem_shared>> -> memref<80x128xf32, #tpu.memory_space<vmem_shared>>
          %dma_start3A_44 = arith.constant 0 : i32
          %dma_start3A_45 = arith.constant 0 : i32
          %dma_start3A_46 = tpu.memref_slice %arg9[%dma_start3A_44, %dma_start3A_45] : memref<80x128xf32, #tpu.memory_space<vmem>> -> memref<80x128xf32, #tpu.memory_space<vmem>>
          %dma_start3A_47 = arith.constant 0 : i32
          %dma_start3A_48 = tpu.memref_slice %arg11[%multiple_of3A_38, %dma_start3A_47] : memref<10000x128xf32, #tpu.memory_space<vmem_shared>> -> memref<80x128xf32, #tpu.memory_space<vmem_shared>>
          tpu.enqueue_dma source(%dma_start3A_48 : memref<80x128xf32, #tpu.memory_space<vmem_shared>>) target(%dma_start3A_46 : memref<80x128xf32, #tpu.memory_space<vmem>>) target_semaphore(%run_scoped3A : memref<!tpu.dma_semaphore, #tpu.memory_space<semaphore_mem>>)
          %dma_wait3A_49 = arith.constant 0 : i32
          %dma_wait3A_50 = arith.constant 0 : i32
          %dma_wait3A_51 = tpu.memref_slice %arg9[%dma_wait3A_49, %dma_wait3A_50] : memref<80x128xf32, #tpu.memory_space<vmem>> -> memref<80x128xf32, #tpu.memory_space<vmem>>
          %dma_wait3A_52 = arith.constant 0 : i32
          %dma_wait3A_53 = tpu.memref_slice %arg11[%multiple_of3A_38, %dma_wait3A_52] : memref<10000x128xf32, #tpu.memory_space<vmem_shared>> -> memref<80x128xf32, #tpu.memory_space<vmem_shared>>
          %dma_wait3A_54 = arith.constant 0 : i32
          %dma_wait3A_55 = arith.constant 0 : i32
          %dma_wait3A_56 = tpu.memref_slice %arg9[%dma_wait3A_54, %dma_wait3A_55] : memref<80x128xf32, #tpu.memory_space<vmem>> -> memref<80x128xf32, #tpu.memory_space<vmem>>
          %dma_wait3A_57 = arith.constant 0 : i32
          %dma_wait3A_58 = tpu.memref_slice %arg11[%multiple_of3A_38, %dma_wait3A_57] : memref<10000x128xf32, #tpu.memory_space<vmem_shared>> -> memref<80x128xf32, #tpu.memory_space<vmem_shared>>
          tpu.wait_dma2 semaphore(%run_scoped3A : memref<!tpu.dma_semaphore, #tpu.memory_space<semaphore_mem>>) src(%dma_wait3A_58 : memref<80x128xf32, #tpu.memory_space<vmem_shared>>) dst(%dma_wait3A_56 : memref<80x128xf32, #tpu.memory_space<vmem>>)
          tpu.yield
        }) : () -> ()
        "tpu.region"() ({
          %run_scoped3A = tpu.sem_alloc : memref<!tpu.dma_semaphore, #tpu.memory_space<semaphore_mem>>
          %dma_start3A_39 = arith.constant 0 : i32
          %dma_start3A_40 = arith.constant 0 : i32
          %dma_start3A_41 = tpu.memref_slice %arg9[%dma_start3A_39, %dma_start3A_40] : memref<80x128xf32, #tpu.memory_space<vmem>> -> memref<80x128xf32, #tpu.memory_space<vmem>>
          %dma_start3A_42 = arith.constant 0 : i32
          %dma_start3A_43 = tpu.memref_slice %arg6[%arg0, %multiple_of3A_38, %dma_start3A_42] : memref<2x10000x128xf32, #tpu.memory_space<hbm>> -> memref<1x80x128xf32, #tpu.memory_space<hbm>>
          %dma_start3A_44 = tpu.memref_squeeze %dma_start3A_43 : memref<1x80x128xf32, #tpu.memory_space<hbm>> -> memref<80x128xf32, #tpu.memory_space<hbm>>
          %dma_start3A_45 = arith.constant 0 : i32
          %dma_start3A_46 = tpu.memref_slice %arg6[%arg0, %multiple_of3A_38, %dma_start3A_45] : memref<2x10000x128xf32, #tpu.memory_space<hbm>> -> memref<1x80x128xf32, #tpu.memory_space<hbm>>
          %dma_start3A_47 = tpu.memref_squeeze %dma_start3A_46 : memref<1x80x128xf32, #tpu.memory_space<hbm>> -> memref<80x128xf32, #tpu.memory_space<hbm>>
          %dma_start3A_48 = arith.constant 0 : i32
          %dma_start3A_49 = arith.constant 0 : i32
          %dma_start3A_50 = tpu.memref_slice %arg9[%dma_start3A_48, %dma_start3A_49] : memref<80x128xf32, #tpu.memory_space<vmem>> -> memref<80x128xf32, #tpu.memory_space<vmem>>
          tpu.enqueue_dma source(%dma_start3A_50 : memref<80x128xf32, #tpu.memory_space<vmem>>) target(%dma_start3A_47 : memref<80x128xf32, #tpu.memory_space<hbm>>) target_semaphore(%run_scoped3A : memref<!tpu.dma_semaphore, #tpu.memory_space<semaphore_mem>>)
          %dma_wait3A_51 = arith.constant 0 : i32
          %dma_wait3A_52 = arith.constant 0 : i32
          %dma_wait3A_53 = tpu.memref_slice %arg9[%dma_wait3A_51, %dma_wait3A_52] : memref<80x128xf32, #tpu.memory_space<vmem>> -> memref<80x128xf32, #tpu.memory_space<vmem>>
          %dma_wait3A_54 = arith.constant 0 : i32
          %dma_wait3A_55 = tpu.memref_slice %arg6[%arg0, %multiple_of3A_38, %dma_wait3A_54] : memref<2x10000x128xf32, #tpu.memory_space<hbm>> -> memref<1x80x128xf32, #tpu.memory_space<hbm>>
          %dma_wait3A_56 = tpu.memref_squeeze %dma_wait3A_55 : memref<1x80x128xf32, #tpu.memory_space<hbm>> -> memref<80x128xf32, #tpu.memory_space<hbm>>
          %dma_wait3A_57 = arith.constant 0 : i32
          %dma_wait3A_58 = tpu.memref_slice %arg6[%arg0, %multiple_of3A_38, %dma_wait3A_57] : memref<2x10000x128xf32, #tpu.memory_space<hbm>> -> memref<1x80x128xf32, #tpu.memory_space<hbm>>
          %dma_wait3A_59 = tpu.memref_squeeze %dma_wait3A_58 : memref<1x80x128xf32, #tpu.memory_space<hbm>> -> memref<80x128xf32, #tpu.memory_space<hbm>>
          %dma_wait3A_60 = arith.constant 0 : i32
          %dma_wait3A_61 = arith.constant 0 : i32
          %dma_wait3A_62 = tpu.memref_slice %arg9[%dma_wait3A_60, %dma_wait3A_61] : memref<80x128xf32, #tpu.memory_space<vmem>> -> memref<80x128xf32, #tpu.memory_space<vmem>>
          tpu.wait_dma2 semaphore(%run_scoped3A : memref<!tpu.dma_semaphore, #tpu.memory_space<semaphore_mem>>) src(%dma_wait3A_62 : memref<80x128xf32, #tpu.memory_space<vmem>>) dst(%dma_wait3A_59 : memref<80x128xf32, #tpu.memory_space<hbm>>)
          tpu.yield
        }) : () -> ()
      } else {
      }
    }
    %scan3A_29 = arith.constant 8 : i32
    return
  }
}

#map = affine_map<(d0, d1) -> (0, 0)>
#map1 = affine_map<(d0, d1) -> (0, 0, 0)>
module attributes {stable_mosaic.version = 14 : i64} {
  func.func @body(%arg0: i32, %arg1: i32, %arg2: memref<10000x128xf32, #tpu.memory_space<hbm>>, %arg3: memref<32x10000xi32, #tpu.memory_space<hbm>>, %arg4: memref<32x10000xi32, #tpu.memory_space<hbm>>, %arg5: memref<80x128xf32, #tpu.memory_space<hbm>>, %arg6: memref<2x10000x128xf32, #tpu.memory_space<hbm>>, %arg7: memref<10000xi32, #tpu.memory_space<vmem>>, %arg8: memref<10000xi32, #tpu.memory_space<vmem>>, %arg9: memref<80x128xf32, #tpu.memory_space<vmem>>, %arg10: memref<80x128xf32, #tpu.memory_space<vmem>>, %arg11: memref<10000x128xf32, #tpu.memory_space<vmem_shared>>, %arg12: memref<!tpu.dma_semaphore, #tpu.memory_space<semaphore_mem>>, %arg13: memref<!tpu.dma_semaphore, #tpu.memory_space<semaphore_mem>>, %arg14: memref<!tpu.dma_semaphore, #tpu.memory_space<semaphore_mem>>, %arg15: memref<!tpu.dma_semaphore, #tpu.memory_space<semaphore_mem>>) attributes {dimension_semantics = [#tpu.dimension_semantics<core_parallel>, #tpu.dimension_semantics<subcore_parallel>], iteration_bounds = array<i64: 2, 16>, scalar_prefetch = 0 : i64, scratch_operands = 9 : i64, tpu.core_type = #tpu.core_type<sc_vector_subcore>, window_params = [{transform_indices = #map}, {transform_indices = #map}, {transform_indices = #map}, {transform_indices = #map}, {transform_indices = #map1}]} {
    %mul3A = arith.constant 2 : i32
    %mul3A_0 = arith.muli %arg1, %mul3A : i32
    %add3A = arith.addi %mul3A_0, %arg0 : i32
    "tpu.region"() ({
      %run_scoped3A = tpu.sem_alloc : memref<!tpu.dma_semaphore, #tpu.memory_space<semaphore_mem>>
      %dma_start3A_30 = arith.constant 0 : i32
      %dma_start3A_31 = arith.constant 0 : i32
      %dma_start3A_32 = tpu.memref_slice %arg9[%dma_start3A_30, %dma_start3A_31] : memref<80x128xf32, #tpu.memory_space<vmem>> -> memref<80x128xf32, #tpu.memory_space<vmem>>
      %dma_start3A_33 = arith.constant 0 : i32
      %dma_start3A_34 = arith.constant 0 : i32
      %dma_start3A_35 = tpu.memref_slice %arg9[%dma_start3A_33, %dma_start3A_34] : memref<80x128xf32, #tpu.memory_space<vmem>> -> memref<80x128xf32, #tpu.memory_space<vmem>>
      tpu.enqueue_dma source(%arg5 : memref<80x128xf32, #tpu.memory_space<hbm>>) target(%dma_start3A_35 : memref<80x128xf32, #tpu.memory_space<vmem>>) target_semaphore(%run_scoped3A : memref<!tpu.dma_semaphore, #tpu.memory_space<semaphore_mem>>)
      %dma_wait3A_36 = arith.constant 0 : i32
      %dma_wait3A_37 = arith.constant 0 : i32
      %dma_wait3A_38 = tpu.memref_slice %arg9[%dma_wait3A_36, %dma_wait3A_37] : memref<80x128xf32, #tpu.memory_space<vmem>> -> memref<80x128xf32, #tpu.memory_space<vmem>>
      %dma_wait3A_39 = arith.constant 0 : i32
      %dma_wait3A_40 = arith.constant 0 : i32
      %dma_wait3A_41 = tpu.memref_slice %arg9[%dma_wait3A_39, %dma_wait3A_40] : memref<80x128xf32, #tpu.memory_space<vmem>> -> memref<80x128xf32, #tpu.memory_space<vmem>>
      tpu.wait_dma2 semaphore(%run_scoped3A : memref<!tpu.dma_semaphore, #tpu.memory_space<semaphore_mem>>) src(%arg5 : memref<80x128xf32, #tpu.memory_space<hbm>>) dst(%dma_wait3A_41 : memref<80x128xf32, #tpu.memory_space<vmem>>)
      tpu.yield
    }) : () -> ()
    %scan3A = arith.constant 0 : i32
    %scan3A_1 = arith.constant 0 : i32
    %scan3A_2 = arith.constant 8 : i32
    %scan3A_3 = arith.addi %scan3A_1, %scan3A_2 : i32
    %scan3A_4 = arith.constant 1 : i32
    scf.for %scan3A_30 = %scan3A_1 to %scan3A_3 step %scan3A_4  : i32 {
      %mul3A_31 = arith.constant 16 : i32
      %mul3A_32 = arith.muli %scan3A_30, %mul3A_31 : i32
      %add3A_33 = arith.addi %arg1, %mul3A_32 : i32
      %lt3A = arith.constant 125 : i32
      %lt3A_34 = arith.cmpi slt, %add3A_33, %lt3A : i32
      %convert_element_type3A = arith.extui %lt3A_34 : i1 to i32
      %cond3A = arith.constant 0 : i32
      %cond3A_35 = arith.cmpi ne, %convert_element_type3A, %cond3A : i32
      scf.if %cond3A_35 {
        %mul3A_36 = arith.constant 80 : i32
        %mul3A_37 = arith.muli %add3A_33, %mul3A_36 : i32
        %multiple_of3A_38 = tpu.assume_multiple %mul3A_37, 80 : i32
        "tpu.region"() ({
          %run_scoped3A = tpu.sem_alloc : memref<!tpu.dma_semaphore, #tpu.memory_space<semaphore_mem>>
          %dma_start3A_39 = arith.constant 0 : i32
          %dma_start3A_40 = arith.constant 0 : i32
          %dma_start3A_41 = tpu.memref_slice %arg9[%dma_start3A_39, %dma_start3A_40] : memref<80x128xf32, #tpu.memory_space<vmem>> -> memref<80x128xf32, #tpu.memory_space<vmem>>
          %dma_start3A_42 = arith.constant 0 : i32
          %dma_start3A_43 = tpu.memref_slice %arg11[%multiple_of3A_38, %dma_start3A_42] : memref<10000x128xf32, #tpu.memory_space<vmem_shared>> -> memref<80x128xf32, #tpu.memory_space<vmem_shared>>
          %dma_start3A_44 = arith.constant 0 : i32
          %dma_start3A_45 = tpu.memref_slice %arg11[%multiple_of3A_38, %dma_start3A_44] : memref<10000x128xf32, #tpu.memory_space<vmem_shared>> -> memref<80x128xf32, #tpu.memory_space<vmem_shared>>
          %dma_start3A_46 = arith.constant 0 : i32
          %dma_start3A_47 = arith.constant 0 : i32
          %dma_start3A_48 = tpu.memref_slice %arg9[%dma_start3A_46, %dma_start3A_47] : memref<80x128xf32, #tpu.memory_space<vmem>> -> memref<80x128xf32, #tpu.memory_space<vmem>>
          tpu.enqueue_dma source(%dma_start3A_48 : memref<80x128xf32, #tpu.memory_space<vmem>>) target(%dma_start3A_45 : memref<80x128xf32, #tpu.memory_space<vmem_shared>>) target_semaphore(%run_scoped3A : memref<!tpu.dma_semaphore, #tpu.memory_space<semaphore_mem>>)
          %dma_wait3A_49 = arith.constant 0 : i32
          %dma_wait3A_50 = arith.constant 0 : i32
          %dma_wait3A_51 = tpu.memref_slice %arg9[%dma_wait3A_49, %dma_wait3A_50] : memref<80x128xf32, #tpu.memory_space<vmem>> -> memref<80x128xf32, #tpu.memory_space<vmem>>
          %dma_wait3A_52 = arith.constant 0 : i32
          %dma_wait3A_53 = tpu.memref_slice %arg11[%multiple_of3A_38, %dma_wait3A_52] : memref<10000x128xf32, #tpu.memory_space<vmem_shared>> -> memref<80x128xf32, #tpu.memory_space<vmem_shared>>
          %dma_wait3A_54 = arith.constant 0 : i32
          %dma_wait3A_55 = tpu.memref_slice %arg11[%multiple_of3A_38, %dma_wait3A_54] : memref<10000x128xf32, #tpu.memory_space<vmem_shared>> -> memref<80x128xf32, #tpu.memory_space<vmem_shared>>
          %dma_wait3A_56 = arith.constant 0 : i32
          %dma_wait3A_57 = arith.constant 0 : i32
          %dma_wait3A_58 = tpu.memref_slice %arg9[%dma_wait3A_56, %dma_wait3A_57] : memref<80x128xf32, #tpu.memory_space<vmem>> -> memref<80x128xf32, #tpu.memory_space<vmem>>
          tpu.wait_dma2 semaphore(%run_scoped3A : memref<!tpu.dma_semaphore, #tpu.memory_space<semaphore_mem>>) src(%dma_wait3A_58 : memref<80x128xf32, #tpu.memory_space<vmem>>) dst(%dma_wait3A_55 : memref<80x128xf32, #tpu.memory_space<vmem_shared>>)
          tpu.yield
        }) : () -> ()
      } else {
      }
    }
    %scan3A_5 = arith.constant 8 : i32
    %barrier3A = arith.constant 0 : index
    tpu.barrier barrier_id(%barrier3A)
    "tpu.region"() ({
      %run_scoped3A = tpu.sem_alloc : memref<!tpu.dma_semaphore, #tpu.memory_space<semaphore_mem>>
      %dma_start3A_30 = arith.constant 0 : i32
      %dma_start3A_31 = tpu.memref_slice %arg3[%add3A, %dma_start3A_30] : memref<32x10000xi32, #tpu.memory_space<hbm>> -> memref<1x10000xi32, #tpu.memory_space<hbm>>
      %dma_start3A_32 = tpu.memref_squeeze %dma_start3A_31 : memref<1x10000xi32, #tpu.memory_space<hbm>> -> memref<10000xi32, #tpu.memory_space<hbm>>
      %dma_start3A_33 = arith.constant 0 : i32
      %dma_start3A_34 = tpu.memref_slice %arg3[%add3A, %dma_start3A_33] : memref<32x10000xi32, #tpu.memory_space<hbm>> -> memref<1x10000xi32, #tpu.memory_space<hbm>>
      %dma_start3A_35 = tpu.memref_squeeze %dma_start3A_34 : memref<1x10000xi32, #tpu.memory_space<hbm>> -> memref<10000xi32, #tpu.memory_space<hbm>>
      tpu.enqueue_dma source(%dma_start3A_35 : memref<10000xi32, #tpu.memory_space<hbm>>) target(%arg7 : memref<10000xi32, #tpu.memory_space<vmem>>) target_semaphore(%run_scoped3A : memref<!tpu.dma_semaphore, #tpu.memory_space<semaphore_mem>>)
      %dma_wait3A_36 = arith.constant 0 : i32
      %dma_wait3A_37 = tpu.memref_slice %arg3[%add3A, %dma_wait3A_36] : memref<32x10000xi32, #tpu.memory_space<hbm>> -> memref<1x10000xi32, #tpu.memory_space<hbm>>
      %dma_wait3A_38 = tpu.memref_squeeze %dma_wait3A_37 : memref<1x10000xi32, #tpu.memory_space<hbm>> -> memref<10000xi32, #tpu.memory_space<hbm>>
      %dma_wait3A_39 = arith.constant 0 : i32
      %dma_wait3A_40 = tpu.memref_slice %arg3[%add3A, %dma_wait3A_39] : memref<32x10000xi32, #tpu.memory_space<hbm>> -> memref<1x10000xi32, #tpu.memory_space<hbm>>
      %dma_wait3A_41 = tpu.memref_squeeze %dma_wait3A_40 : memref<1x10000xi32, #tpu.memory_space<hbm>> -> memref<10000xi32, #tpu.memory_space<hbm>>
      tpu.wait_dma2 semaphore(%run_scoped3A : memref<!tpu.dma_semaphore, #tpu.memory_space<semaphore_mem>>) src(%dma_wait3A_41 : memref<10000xi32, #tpu.memory_space<hbm>>) dst(%arg7 : memref<10000xi32, #tpu.memory_space<vmem>>)
      tpu.yield
    }) : () -> ()
    "tpu.region"() ({
      %run_scoped3A = tpu.sem_alloc : memref<!tpu.dma_semaphore, #tpu.memory_space<semaphore_mem>>
      %dma_start3A_30 = arith.constant 0 : i32
      %dma_start3A_31 = tpu.memref_slice %arg4[%add3A, %dma_start3A_30] : memref<32x10000xi32, #tpu.memory_space<hbm>> -> memref<1x10000xi32, #tpu.memory_space<hbm>>
      %dma_start3A_32 = tpu.memref_squeeze %dma_start3A_31 : memref<1x10000xi32, #tpu.memory_space<hbm>> -> memref<10000xi32, #tpu.memory_space<hbm>>
      %dma_start3A_33 = arith.constant 0 : i32
      %dma_start3A_34 = tpu.memref_slice %arg4[%add3A, %dma_start3A_33] : memref<32x10000xi32, #tpu.memory_space<hbm>> -> memref<1x10000xi32, #tpu.memory_space<hbm>>
      %dma_start3A_35 = tpu.memref_squeeze %dma_start3A_34 : memref<1x10000xi32, #tpu.memory_space<hbm>> -> memref<10000xi32, #tpu.memory_space<hbm>>
      tpu.enqueue_dma source(%dma_start3A_35 : memref<10000xi32, #tpu.memory_space<hbm>>) target(%arg8 : memref<10000xi32, #tpu.memory_space<vmem>>) target_semaphore(%run_scoped3A : memref<!tpu.dma_semaphore, #tpu.memory_space<semaphore_mem>>)
      %dma_wait3A_36 = arith.constant 0 : i32
      %dma_wait3A_37 = tpu.memref_slice %arg4[%add3A, %dma_wait3A_36] : memref<32x10000xi32, #tpu.memory_space<hbm>> -> memref<1x10000xi32, #tpu.memory_space<hbm>>
      %dma_wait3A_38 = tpu.memref_squeeze %dma_wait3A_37 : memref<1x10000xi32, #tpu.memory_space<hbm>> -> memref<10000xi32, #tpu.memory_space<hbm>>
      %dma_wait3A_39 = arith.constant 0 : i32
      %dma_wait3A_40 = tpu.memref_slice %arg4[%add3A, %dma_wait3A_39] : memref<32x10000xi32, #tpu.memory_space<hbm>> -> memref<1x10000xi32, #tpu.memory_space<hbm>>
      %dma_wait3A_41 = tpu.memref_squeeze %dma_wait3A_40 : memref<1x10000xi32, #tpu.memory_space<hbm>> -> memref<10000xi32, #tpu.memory_space<hbm>>
      tpu.wait_dma2 semaphore(%run_scoped3A : memref<!tpu.dma_semaphore, #tpu.memory_space<semaphore_mem>>) src(%dma_wait3A_41 : memref<10000xi32, #tpu.memory_space<hbm>>) dst(%arg8 : memref<10000xi32, #tpu.memory_space<vmem>>)
      tpu.yield
    }) : () -> ()
    %multiple_of3A = arith.constant 0 : i32
    %multiple_of3A_6 = tpu.assume_multiple %multiple_of3A, 80 : i32
    %dma_start3A = tpu.memref_slice %arg7[%multiple_of3A_6] : memref<10000xi32, #tpu.memory_space<vmem>> -> memref<80xi32, #tpu.memory_space<vmem>>
    %dma_start3A_7 = arith.constant 0 : i32
    %dma_start3A_8 = arith.constant 0 : i32
    %dma_start3A_9 = tpu.memref_slice %arg2[%dma_start3A_7, %dma_start3A_8] : memref<10000x128xf32, #tpu.memory_space<hbm>> -> memref<10000x128xf32, #tpu.memory_space<hbm>>
    tpu.enqueue_indirect_dma source(%dma_start3A_9 : memref<10000x128xf32, #tpu.memory_space<hbm>>) target(%arg9 : memref<80x128xf32, #tpu.memory_space<vmem>>) offsets(%dma_start3A : memref<80xi32, #tpu.memory_space<vmem>>) semaphore(%arg12 : memref<!tpu.dma_semaphore, #tpu.memory_space<semaphore_mem>>)
    %scan3A_10 = arith.constant 0 : i32
    %scan3A_11 = arith.constant 0 : i32
    %scan3A_12 = arith.constant 62 : i32
    %scan3A_13 = arith.addi %scan3A_11, %scan3A_12 : i32
    %scan3A_14 = arith.constant 1 : i32
    scf.for %scan3A_30 = %scan3A_11 to %scan3A_13 step %scan3A_14  : i32 {
      %mul3A_31 = arith.constant 2 : i32
      %mul3A_32 = arith.muli %mul3A_31, %scan3A_30 : i32
      %add3A_33 = arith.constant 0 : i32
      %add3A_34 = arith.addi %mul3A_32, %add3A_33 : i32
      %mul3A_35 = arith.constant 80 : i32
      %mul3A_36 = arith.muli %add3A_34, %mul3A_35 : i32
      %multiple_of3A_37 = tpu.assume_multiple %mul3A_36, 80 : i32
      %dma_wait3A_38 = tpu.memref_slice %arg7[%multiple_of3A_37] : memref<10000xi32, #tpu.memory_space<vmem>> -> memref<80xi32, #tpu.memory_space<vmem>>
      %dma_wait3A_39 = arith.constant 0 : i32
      %dma_wait3A_40 = arith.constant 0 : i32
      %dma_wait3A_41 = tpu.memref_slice %arg2[%dma_wait3A_39, %dma_wait3A_40] : memref<10000x128xf32, #tpu.memory_space<hbm>> -> memref<10000x128xf32, #tpu.memory_space<hbm>>
      tpu.wait_indirect_dma semaphore(%arg12 : memref<!tpu.dma_semaphore, #tpu.memory_space<semaphore_mem>>) src(%dma_wait3A_41 : memref<10000x128xf32, #tpu.memory_space<hbm>>) dst(%arg9 : memref<80x128xf32, #tpu.memory_space<vmem>>)
      %add3A_42 = arith.constant 1 : i32
      %add3A_43 = arith.addi %add3A_34, %add3A_42 : i32
      %lt3A = arith.constant 125 : i32
      %lt3A_44 = arith.cmpi slt, %add3A_43, %lt3A : i32
      %convert_element_type3A = arith.extui %lt3A_44 : i1 to i32
      %cond3A = arith.constant 0 : i32
      %cond3A_45 = arith.cmpi ne, %convert_element_type3A, %cond3A : i32
      scf.if %cond3A_45 {
        %add3A_70 = arith.constant 1 : i32
        %add3A_71 = arith.addi %add3A_34, %add3A_70 : i32
        %mul3A_72 = arith.constant 80 : i32
        %mul3A_73 = arith.muli %add3A_71, %mul3A_72 : i32
        %multiple_of3A_74 = tpu.assume_multiple %mul3A_73, 80 : i32
        %dma_start3A_75 = tpu.memref_slice %arg7[%multiple_of3A_74] : memref<10000xi32, #tpu.memory_space<vmem>> -> memref<80xi32, #tpu.memory_space<vmem>>
        %dma_start3A_76 = arith.constant 0 : i32
        %dma_start3A_77 = arith.constant 0 : i32
        %dma_start3A_78 = tpu.memref_slice %arg2[%dma_start3A_76, %dma_start3A_77] : memref<10000x128xf32, #tpu.memory_space<hbm>> -> memref<10000x128xf32, #tpu.memory_space<hbm>>
        tpu.enqueue_indirect_dma source(%dma_start3A_78 : memref<10000x128xf32, #tpu.memory_space<hbm>>) target(%arg10 : memref<80x128xf32, #tpu.memory_space<vmem>>) offsets(%dma_start3A_75 : memref<80xi32, #tpu.memory_space<vmem>>) semaphore(%arg13 : memref<!tpu.dma_semaphore, #tpu.memory_space<semaphore_mem>>)
      } else {
      }
      %mul3A_46 = arith.constant 80 : i32
      %mul3A_47 = arith.muli %add3A_34, %mul3A_46 : i32
      %multiple_of3A_48 = tpu.assume_multiple %mul3A_47, 80 : i32
      "tpu.region"() ({
        %run_scoped3A = tpu.sem_alloc : memref<!tpu.dma_semaphore, #tpu.memory_space<semaphore_mem>>
        %dma_start3A_70 = tpu.memref_slice %arg8[%multiple_of3A_48] : memref<10000xi32, #tpu.memory_space<vmem>> -> memref<80xi32, #tpu.memory_space<vmem>>
        %dma_start3A_71 = arith.constant 0 : i32
        %dma_start3A_72 = arith.constant 0 : i32
        %dma_start3A_73 = tpu.memref_slice %arg11[%dma_start3A_71, %dma_start3A_72] : memref<10000x128xf32, #tpu.memory_space<vmem_shared>> -> memref<10000x128xf32, #tpu.memory_space<vmem_shared>>
        tpu.enqueue_indirect_dma source(%arg9 : memref<80x128xf32, #tpu.memory_space<vmem>>) target(%dma_start3A_73 : memref<10000x128xf32, #tpu.memory_space<vmem_shared>>) offsets(%dma_start3A_70 : memref<80xi32, #tpu.memory_space<vmem>>) semaphore(%run_scoped3A : memref<!tpu.dma_semaphore, #tpu.memory_space<semaphore_mem>>) {add = true}
        %dma_wait3A_74 = tpu.memref_slice %arg8[%multiple_of3A_48] : memref<10000xi32, #tpu.memory_space<vmem>> -> memref<80xi32, #tpu.memory_space<vmem>>
        %dma_wait3A_75 = arith.constant 0 : i32
        %dma_wait3A_76 = arith.constant 0 : i32
        %dma_wait3A_77 = tpu.memref_slice %arg11[%dma_wait3A_75, %dma_wait3A_76] : memref<10000x128xf32, #tpu.memory_space<vmem_shared>> -> memref<10000x128xf32, #tpu.memory_space<vmem_shared>>
        tpu.wait_indirect_dma semaphore(%run_scoped3A : memref<!tpu.dma_semaphore, #tpu.memory_space<semaphore_mem>>) src(%arg9 : memref<80x128xf32, #tpu.memory_space<vmem>>) dst(%dma_wait3A_77 : memref<10000x128xf32, #tpu.memory_space<vmem_shared>>)
        tpu.yield
      }) : () -> ()
      %mul3A_49 = arith.constant 2 : i32
      %mul3A_50 = arith.muli %mul3A_49, %scan3A_30 : i32
      %add3A_51 = arith.constant 1 : i32
      %add3A_52 = arith.addi %mul3A_50, %add3A_51 : i32
      %mul3A_53 = arith.constant 80 : i32
      %mul3A_54 = arith.muli %add3A_52, %mul3A_53 : i32
      %multiple_of3A_55 = tpu.assume_multiple %mul3A_54, 80 : i32
      %dma_wait3A_56 = tpu.memref_slice %arg7[%multiple_of3A_55] : memref<10000xi32, #tpu.memory_space<vmem>> -> memref<80xi32, #tpu.memory_space<vmem>>
      %dma_wait3A_57 = arith.constant 0 : i32
      %dma_wait3A_58 = arith.constant 0 : i32
      %dma_wait3A_59 = tpu.memref_slice %arg2[%dma_wait3A_57, %dma_wait3A_58] : memref<10000x128xf32, #tpu.memory_space<hbm>> -> memref<10000x128xf32, #tpu.memory_space<hbm>>
      tpu.wait_indirect_dma semaphore(%arg13 : memref<!tpu.dma_semaphore, #tpu.memory_space<semaphore_mem>>) src(%dma_wait3A_59 : memref<10000x128xf32, #tpu.memory_space<hbm>>) dst(%arg10 : memref<80x128xf32, #tpu.memory_space<vmem>>)
      %add3A_60 = arith.constant 1 : i32
      %add3A_61 = arith.addi %add3A_52, %add3A_60 : i32
      %lt3A_62 = arith.constant 125 : i32
      %lt3A_63 = arith.cmpi slt, %add3A_61, %lt3A_62 : i32
      %convert_element_type3A_64 = arith.extui %lt3A_63 : i1 to i32
      %cond3A_65 = arith.constant 0 : i32
      %cond3A_66 = arith.cmpi ne, %convert_element_type3A_64, %cond3A_65 : i32
      scf.if %cond3A_66 {
        %add3A_70 = arith.constant 1 : i32
        %add3A_71 = arith.addi %add3A_52, %add3A_70 : i32
        %mul3A_72 = arith.constant 80 : i32
        %mul3A_73 = arith.muli %add3A_71, %mul3A_72 : i32
        %multiple_of3A_74 = tpu.assume_multiple %mul3A_73, 80 : i32
        %dma_start3A_75 = tpu.memref_slice %arg7[%multiple_of3A_74] : memref<10000xi32, #tpu.memory_space<vmem>> -> memref<80xi32, #tpu.memory_space<vmem>>
        %dma_start3A_76 = arith.constant 0 : i32
        %dma_start3A_77 = arith.constant 0 : i32
        %dma_start3A_78 = tpu.memref_slice %arg2[%dma_start3A_76, %dma_start3A_77] : memref<10000x128xf32, #tpu.memory_space<hbm>> -> memref<10000x128xf32, #tpu.memory_space<hbm>>
        tpu.enqueue_indirect_dma source(%dma_start3A_78 : memref<10000x128xf32, #tpu.memory_space<hbm>>) target(%arg9 : memref<80x128xf32, #tpu.memory_space<vmem>>) offsets(%dma_start3A_75 : memref<80xi32, #tpu.memory_space<vmem>>) semaphore(%arg12 : memref<!tpu.dma_semaphore, #tpu.memory_space<semaphore_mem>>)
      } else {
      }
      %mul3A_67 = arith.constant 80 : i32
      %mul3A_68 = arith.muli %add3A_52, %mul3A_67 : i32
      %multiple_of3A_69 = tpu.assume_multiple %mul3A_68, 80 : i32
      "tpu.region"() ({
        %run_scoped3A = tpu.sem_alloc : memref<!tpu.dma_semaphore, #tpu.memory_space<semaphore_mem>>
        %dma_start3A_70 = tpu.memref_slice %arg8[%multiple_of3A_69] : memref<10000xi32, #tpu.memory_space<vmem>> -> memref<80xi32, #tpu.memory_space<vmem>>
        %dma_start3A_71 = arith.constant 0 : i32
        %dma_start3A_72 = arith.constant 0 : i32
        %dma_start3A_73 = tpu.memref_slice %arg11[%dma_start3A_71, %dma_start3A_72] : memref<10000x128xf32, #tpu.memory_space<vmem_shared>> -> memref<10000x128xf32, #tpu.memory_space<vmem_shared>>
        tpu.enqueue_indirect_dma source(%arg10 : memref<80x128xf32, #tpu.memory_space<vmem>>) target(%dma_start3A_73 : memref<10000x128xf32, #tpu.memory_space<vmem_shared>>) offsets(%dma_start3A_70 : memref<80xi32, #tpu.memory_space<vmem>>) semaphore(%run_scoped3A : memref<!tpu.dma_semaphore, #tpu.memory_space<semaphore_mem>>) {add = true}
        %dma_wait3A_74 = tpu.memref_slice %arg8[%multiple_of3A_69] : memref<10000xi32, #tpu.memory_space<vmem>> -> memref<80xi32, #tpu.memory_space<vmem>>
        %dma_wait3A_75 = arith.constant 0 : i32
        %dma_wait3A_76 = arith.constant 0 : i32
        %dma_wait3A_77 = tpu.memref_slice %arg11[%dma_wait3A_75, %dma_wait3A_76] : memref<10000x128xf32, #tpu.memory_space<vmem_shared>> -> memref<10000x128xf32, #tpu.memory_space<vmem_shared>>
        tpu.wait_indirect_dma semaphore(%run_scoped3A : memref<!tpu.dma_semaphore, #tpu.memory_space<semaphore_mem>>) src(%arg10 : memref<80x128xf32, #tpu.memory_space<vmem>>) dst(%dma_wait3A_77 : memref<10000x128xf32, #tpu.memory_space<vmem_shared>>)
        tpu.yield
      }) : () -> ()
    }
    %scan3A_15 = arith.constant 62 : i32
    %multiple_of3A_16 = arith.constant 9920 : i32
    %multiple_of3A_17 = tpu.assume_multiple %multiple_of3A_16, 80 : i32
    %dma_wait3A = tpu.memref_slice %arg7[%multiple_of3A_17] : memref<10000xi32, #tpu.memory_space<vmem>> -> memref<80xi32, #tpu.memory_space<vmem>>
    %dma_wait3A_18 = arith.constant 0 : i32
    %dma_wait3A_19 = arith.constant 0 : i32
    %dma_wait3A_20 = tpu.memref_slice %arg2[%dma_wait3A_18, %dma_wait3A_19] : memref<10000x128xf32, #tpu.memory_space<hbm>> -> memref<10000x128xf32, #tpu.memory_space<hbm>>
    tpu.wait_indirect_dma semaphore(%arg12 : memref<!tpu.dma_semaphore, #tpu.memory_space<semaphore_mem>>) src(%dma_wait3A_20 : memref<10000x128xf32, #tpu.memory_space<hbm>>) dst(%arg9 : memref<80x128xf32, #tpu.memory_space<vmem>>)
    %multiple_of3A_21 = arith.constant 9920 : i32
    %multiple_of3A_22 = tpu.assume_multiple %multiple_of3A_21, 80 : i32
    "tpu.region"() ({
      %run_scoped3A = tpu.sem_alloc : memref<!tpu.dma_semaphore, #tpu.memory_space<semaphore_mem>>
      %dma_start3A_30 = tpu.memref_slice %arg8[%multiple_of3A_22] : memref<10000xi32, #tpu.memory_space<vmem>> -> memref<80xi32, #tpu.memory_space<vmem>>
      %dma_start3A_31 = arith.constant 0 : i32
      %dma_start3A_32 = arith.constant 0 : i32
      %dma_start3A_33 = tpu.memref_slice %arg11[%dma_start3A_31, %dma_start3A_32] : memref<10000x128xf32, #tpu.memory_space<vmem_shared>> -> memref<10000x128xf32, #tpu.memory_space<vmem_shared>>
      tpu.enqueue_indirect_dma source(%arg9 : memref<80x128xf32, #tpu.memory_space<vmem>>) target(%dma_start3A_33 : memref<10000x128xf32, #tpu.memory_space<vmem_shared>>) offsets(%dma_start3A_30 : memref<80xi32, #tpu.memory_space<vmem>>) semaphore(%run_scoped3A : memref<!tpu.dma_semaphore, #tpu.memory_space<semaphore_mem>>) {add = true}
      %dma_wait3A_34 = tpu.memref_slice %arg8[%multiple_of3A_22] : memref<10000xi32, #tpu.memory_space<vmem>> -> memref<80xi32, #tpu.memory_space<vmem>>
      %dma_wait3A_35 = arith.constant 0 : i32
      %dma_wait3A_36 = arith.constant 0 : i32
      %dma_wait3A_37 = tpu.memref_slice %arg11[%dma_wait3A_35, %dma_wait3A_36] : memref<10000x128xf32, #tpu.memory_space<vmem_shared>> -> memref<10000x128xf32, #tpu.memory_space<vmem_shared>>
      tpu.wait_indirect_dma semaphore(%run_scoped3A : memref<!tpu.dma_semaphore, #tpu.memory_space<semaphore_mem>>) src(%arg9 : memref<80x128xf32, #tpu.memory_space<vmem>>) dst(%dma_wait3A_37 : memref<10000x128xf32, #tpu.memory_space<vmem_shared>>)
      tpu.yield
    }) : () -> ()
    %barrier3A_23 = arith.constant 0 : index
    tpu.barrier barrier_id(%barrier3A_23)
    %scan3A_24 = arith.constant 0 : i32
    %scan3A_25 = arith.constant 0 : i32
    %scan3A_26 = arith.constant 8 : i32
    %scan3A_27 = arith.addi %scan3A_25, %scan3A_26 : i32
    %scan3A_28 = arith.constant 1 : i32
    scf.for %scan3A_30 = %scan3A_25 to %scan3A_27 step %scan3A_28  : i32 {
      %mul3A_31 = arith.constant 16 : i32
      %mul3A_32 = arith.muli %scan3A_30, %mul3A_31 : i32
      %add3A_33 = arith.addi %arg1, %mul3A_32 : i32
      %lt3A = arith.constant 125 : i32
      %lt3A_34 = arith.cmpi slt, %add3A_33, %lt3A : i32
      %convert_element_type3A = arith.extui %lt3A_34 : i1 to i32
      %cond3A = arith.constant 0 : i32
      %cond3A_35 = arith.cmpi ne, %convert_element_type3A, %cond3A : i32
      scf.if %cond3A_35 {
        %mul3A_36 = arith.constant 80 : i32
        %mul3A_37 = arith.muli %add3A_33, %mul3A_36 : i32
        %multiple_of3A_38 = tpu.assume_multiple %mul3A_37, 80 : i32
        "tpu.region"() ({
          %run_scoped3A = tpu.sem_alloc : memref<!tpu.dma_semaphore, #tpu.memory_space<semaphore_mem>>
          %dma_start3A_39 = arith.constant 0 : i32
          %dma_start3A_40 = arith.constant 0 : i32
          %dma_start3A_41 = tpu.memref_slice %arg9[%dma_start3A_39, %dma_start3A_40] : memref<80x128xf32, #tpu.memory_space<vmem>> -> memref<80x128xf32, #tpu.memory_space<vmem>>
          %dma_start3A_42 = arith.constant 0 : i32
          %dma_start3A_43 = tpu.memref_slice %arg11[%multiple_of3A_38, %dma_start3A_42] : memref<10000x128xf32, #tpu.memory_space<vmem_shared>> -> memref<80x128xf32, #tpu.memory_space<vmem_shared>>
          %dma_start3A_44 = arith.constant 0 : i32
          %dma_start3A_45 = arith.constant 0 : i32
          %dma_start3A_46 = tpu.memref_slice %arg9[%dma_start3A_44, %dma_start3A_45] : memref<80x128xf32, #tpu.memory_space<vmem>> -> memref<80x128xf32, #tpu.memory_space<vmem>>
          %dma_start3A_47 = arith.constant 0 : i32
          %dma_start3A_48 = tpu.memref_slice %arg11[%multiple_of3A_38, %dma_start3A_47] : memref<10000x128xf32, #tpu.memory_space<vmem_shared>> -> memref<80x128xf32, #tpu.memory_space<vmem_shared>>
          tpu.enqueue_dma source(%dma_start3A_48 : memref<80x128xf32, #tpu.memory_space<vmem_shared>>) target(%dma_start3A_46 : memref<80x128xf32, #tpu.memory_space<vmem>>) target_semaphore(%run_scoped3A : memref<!tpu.dma_semaphore, #tpu.memory_space<semaphore_mem>>)
          %dma_wait3A_49 = arith.constant 0 : i32
          %dma_wait3A_50 = arith.constant 0 : i32
          %dma_wait3A_51 = tpu.memref_slice %arg9[%dma_wait3A_49, %dma_wait3A_50] : memref<80x128xf32, #tpu.memory_space<vmem>> -> memref<80x128xf32, #tpu.memory_space<vmem>>
          %dma_wait3A_52 = arith.constant 0 : i32
          %dma_wait3A_53 = tpu.memref_slice %arg11[%multiple_of3A_38, %dma_wait3A_52] : memref<10000x128xf32, #tpu.memory_space<vmem_shared>> -> memref<80x128xf32, #tpu.memory_space<vmem_shared>>
          %dma_wait3A_54 = arith.constant 0 : i32
          %dma_wait3A_55 = arith.constant 0 : i32
          %dma_wait3A_56 = tpu.memref_slice %arg9[%dma_wait3A_54, %dma_wait3A_55] : memref<80x128xf32, #tpu.memory_space<vmem>> -> memref<80x128xf32, #tpu.memory_space<vmem>>
          %dma_wait3A_57 = arith.constant 0 : i32
          %dma_wait3A_58 = tpu.memref_slice %arg11[%multiple_of3A_38, %dma_wait3A_57] : memref<10000x128xf32, #tpu.memory_space<vmem_shared>> -> memref<80x128xf32, #tpu.memory_space<vmem_shared>>
          tpu.wait_dma2 semaphore(%run_scoped3A : memref<!tpu.dma_semaphore, #tpu.memory_space<semaphore_mem>>) src(%dma_wait3A_58 : memref<80x128xf32, #tpu.memory_space<vmem_shared>>) dst(%dma_wait3A_56 : memref<80x128xf32, #tpu.memory_space<vmem>>)
          tpu.yield
        }) : () -> ()
        "tpu.region"() ({
          %run_scoped3A = tpu.sem_alloc : memref<!tpu.dma_semaphore, #tpu.memory_space<semaphore_mem>>
          %dma_start3A_39 = arith.constant 0 : i32
          %dma_start3A_40 = arith.constant 0 : i32
          %dma_start3A_41 = tpu.memref_slice %arg9[%dma_start3A_39, %dma_start3A_40] : memref<80x128xf32, #tpu.memory_space<vmem>> -> memref<80x128xf32, #tpu.memory_space<vmem>>
          %dma_start3A_42 = arith.constant 0 : i32
          %dma_start3A_43 = tpu.memref_slice %arg6[%arg0, %multiple_of3A_38, %dma_start3A_42] : memref<2x10000x128xf32, #tpu.memory_space<hbm>> -> memref<1x80x128xf32, #tpu.memory_space<hbm>>
          %dma_start3A_44 = tpu.memref_squeeze %dma_start3A_43 : memref<1x80x128xf32, #tpu.memory_space<hbm>> -> memref<80x128xf32, #tpu.memory_space<hbm>>
          %dma_start3A_45 = arith.constant 0 : i32
          %dma_start3A_46 = tpu.memref_slice %arg6[%arg0, %multiple_of3A_38, %dma_start3A_45] : memref<2x10000x128xf32, #tpu.memory_space<hbm>> -> memref<1x80x128xf32, #tpu.memory_space<hbm>>
          %dma_start3A_47 = tpu.memref_squeeze %dma_start3A_46 : memref<1x80x128xf32, #tpu.memory_space<hbm>> -> memref<80x128xf32, #tpu.memory_space<hbm>>
          %dma_start3A_48 = arith.constant 0 : i32
          %dma_start3A_49 = arith.constant 0 : i32
          %dma_start3A_50 = tpu.memref_slice %arg9[%dma_start3A_48, %dma_start3A_49] : memref<80x128xf32, #tpu.memory_space<vmem>> -> memref<80x128xf32, #tpu.memory_space<vmem>>
          tpu.enqueue_dma source(%dma_start3A_50 : memref<80x128xf32, #tpu.memory_space<vmem>>) target(%dma_start3A_47 : memref<80x128xf32, #tpu.memory_space<hbm>>) target_semaphore(%run_scoped3A : memref<!tpu.dma_semaphore, #tpu.memory_space<semaphore_mem>>)
          %dma_wait3A_51 = arith.constant 0 : i32
          %dma_wait3A_52 = arith.constant 0 : i32
          %dma_wait3A_53 = tpu.memref_slice %arg9[%dma_wait3A_51, %dma_wait3A_52] : memref<80x128xf32, #tpu.memory_space<vmem>> -> memref<80x128xf32, #tpu.memory_space<vmem>>
          %dma_wait3A_54 = arith.constant 0 : i32
          %dma_wait3A_55 = tpu.memref_slice %arg6[%arg0, %multiple_of3A_38, %dma_wait3A_54] : memref<2x10000x128xf32, #tpu.memory_space<hbm>> -> memref<1x80x128xf32, #tpu.memory_space<hbm>>
          %dma_wait3A_56 = tpu.memref_squeeze %dma_wait3A_55 : memref<1x80x128xf32, #tpu.memory_space<hbm>> -> memref<80x128xf32, #tpu.memory_space<hbm>>
          %dma_wait3A_57 = arith.constant 0 : i32
          %dma_wait3A_58 = tpu.memref_slice %arg6[%arg0, %multiple_of3A_38, %dma_wait3A_57] : memref<2x10000x128xf32, #tpu.memory_space<hbm>> -> memref<1x80x128xf32, #tpu.memory_space<hbm>>
          %dma_wait3A_59 = tpu.memref_squeeze %dma_wait3A_58 : memref<1x80x128xf32, #tpu.memory_space<hbm>> -> memref<80x128xf32, #tpu.memory_space<hbm>>
          %dma_wait3A_60 = arith.constant 0 : i32
          %dma_wait3A_61 = arith.constant 0 : i32
          %dma_wait3A_62 = tpu.memref_slice %arg9[%dma_wait3A_60, %dma_wait3A_61] : memref<80x128xf32, #tpu.memory_space<vmem>> -> memref<80x128xf32, #tpu.memory_space<vmem>>
          tpu.wait_dma2 semaphore(%run_scoped3A : memref<!tpu.dma_semaphore, #tpu.memory_space<semaphore_mem>>) src(%dma_wait3A_62 : memref<80x128xf32, #tpu.memory_space<vmem>>) dst(%dma_wait3A_59 : memref<80x128xf32, #tpu.memory_space<hbm>>)
          tpu.yield
        }) : () -> ()
      } else {
      }
    }
    %scan3A_29 = arith.constant 8 : i32
    return
  }
}

#map = affine_map<(d0, d1) -> (0, 0)>
#map1 = affine_map<(d0, d1) -> (0, 0, 0)>
module attributes {stable_mosaic.version = 14 : i64} {
  func.func @body(%arg0: i32, %arg1: i32, %arg2: memref<10000x128xf32, #tpu.memory_space<hbm>>, %arg3: memref<32x10000xi32, #tpu.memory_space<hbm>>, %arg4: memref<32x10000xi32, #tpu.memory_space<hbm>>, %arg5: memref<80x128xf32, #tpu.memory_space<hbm>>, %arg6: memref<2x10000x128xf32, #tpu.memory_space<hbm>>, %arg7: memref<10000xi32, #tpu.memory_space<vmem>>, %arg8: memref<10000xi32, #tpu.memory_space<vmem>>, %arg9: memref<80x128xf32, #tpu.memory_space<vmem>>, %arg10: memref<80x128xf32, #tpu.memory_space<vmem>>, %arg11: memref<10000x128xf32, #tpu.memory_space<vmem_shared>>, %arg12: memref<!tpu.dma_semaphore, #tpu.memory_space<semaphore_mem>>, %arg13: memref<!tpu.dma_semaphore, #tpu.memory_space<semaphore_mem>>, %arg14: memref<!tpu.dma_semaphore, #tpu.memory_space<semaphore_mem>>, %arg15: memref<!tpu.dma_semaphore, #tpu.memory_space<semaphore_mem>>) attributes {dimension_semantics = [#tpu.dimension_semantics<core_parallel>, #tpu.dimension_semantics<subcore_parallel>], iteration_bounds = array<i64: 2, 16>, scalar_prefetch = 0 : i64, scratch_operands = 9 : i64, tpu.core_type = #tpu.core_type<sc_vector_subcore>, window_params = [{transform_indices = #map}, {transform_indices = #map}, {transform_indices = #map}, {transform_indices = #map}, {transform_indices = #map1}]} {
    %mul3A = arith.constant 2 : i32
    %mul3A_0 = arith.muli %arg1, %mul3A : i32
    %add3A = arith.addi %mul3A_0, %arg0 : i32
    "tpu.region"() ({
      %run_scoped3A = tpu.sem_alloc : memref<!tpu.dma_semaphore, #tpu.memory_space<semaphore_mem>>
      %dma_start3A_30 = arith.constant 0 : i32
      %dma_start3A_31 = arith.constant 0 : i32
      %dma_start3A_32 = tpu.memref_slice %arg9[%dma_start3A_30, %dma_start3A_31] : memref<80x128xf32, #tpu.memory_space<vmem>> -> memref<80x128xf32, #tpu.memory_space<vmem>>
      %dma_start3A_33 = arith.constant 0 : i32
      %dma_start3A_34 = arith.constant 0 : i32
      %dma_start3A_35 = tpu.memref_slice %arg9[%dma_start3A_33, %dma_start3A_34] : memref<80x128xf32, #tpu.memory_space<vmem>> -> memref<80x128xf32, #tpu.memory_space<vmem>>
      tpu.enqueue_dma source(%arg5 : memref<80x128xf32, #tpu.memory_space<hbm>>) target(%dma_start3A_35 : memref<80x128xf32, #tpu.memory_space<vmem>>) target_semaphore(%run_scoped3A : memref<!tpu.dma_semaphore, #tpu.memory_space<semaphore_mem>>)
      %dma_wait3A_36 = arith.constant 0 : i32
      %dma_wait3A_37 = arith.constant 0 : i32
      %dma_wait3A_38 = tpu.memref_slice %arg9[%dma_wait3A_36, %dma_wait3A_37] : memref<80x128xf32, #tpu.memory_space<vmem>> -> memref<80x128xf32, #tpu.memory_space<vmem>>
      %dma_wait3A_39 = arith.constant 0 : i32
      %dma_wait3A_40 = arith.constant 0 : i32
      %dma_wait3A_41 = tpu.memref_slice %arg9[%dma_wait3A_39, %dma_wait3A_40] : memref<80x128xf32, #tpu.memory_space<vmem>> -> memref<80x128xf32, #tpu.memory_space<vmem>>
      tpu.wait_dma2 semaphore(%run_scoped3A : memref<!tpu.dma_semaphore, #tpu.memory_space<semaphore_mem>>) src(%arg5 : memref<80x128xf32, #tpu.memory_space<hbm>>) dst(%dma_wait3A_41 : memref<80x128xf32, #tpu.memory_space<vmem>>)
      tpu.yield
    }) : () -> ()
    %scan3A = arith.constant 0 : i32
    %scan3A_1 = arith.constant 0 : i32
    %scan3A_2 = arith.constant 8 : i32
    %scan3A_3 = arith.addi %scan3A_1, %scan3A_2 : i32
    %scan3A_4 = arith.constant 1 : i32
    scf.for %scan3A_30 = %scan3A_1 to %scan3A_3 step %scan3A_4  : i32 {
      %mul3A_31 = arith.constant 16 : i32
      %mul3A_32 = arith.muli %scan3A_30, %mul3A_31 : i32
      %add3A_33 = arith.addi %arg1, %mul3A_32 : i32
      %lt3A = arith.constant 125 : i32
      %lt3A_34 = arith.cmpi slt, %add3A_33, %lt3A : i32
      %convert_element_type3A = arith.extui %lt3A_34 : i1 to i32
      %cond3A = arith.constant 0 : i32
      %cond3A_35 = arith.cmpi ne, %convert_element_type3A, %cond3A : i32
      scf.if %cond3A_35 {
        %mul3A_36 = arith.constant 80 : i32
        %mul3A_37 = arith.muli %add3A_33, %mul3A_36 : i32
        %multiple_of3A_38 = tpu.assume_multiple %mul3A_37, 80 : i32
        "tpu.region"() ({
          %run_scoped3A = tpu.sem_alloc : memref<!tpu.dma_semaphore, #tpu.memory_space<semaphore_mem>>
          %dma_start3A_39 = arith.constant 0 : i32
          %dma_start3A_40 = arith.constant 0 : i32
          %dma_start3A_41 = tpu.memref_slice %arg9[%dma_start3A_39, %dma_start3A_40] : memref<80x128xf32, #tpu.memory_space<vmem>> -> memref<80x128xf32, #tpu.memory_space<vmem>>
          %dma_start3A_42 = arith.constant 0 : i32
          %dma_start3A_43 = tpu.memref_slice %arg11[%multiple_of3A_38, %dma_start3A_42] : memref<10000x128xf32, #tpu.memory_space<vmem_shared>> -> memref<80x128xf32, #tpu.memory_space<vmem_shared>>
          %dma_start3A_44 = arith.constant 0 : i32
          %dma_start3A_45 = tpu.memref_slice %arg11[%multiple_of3A_38, %dma_start3A_44] : memref<10000x128xf32, #tpu.memory_space<vmem_shared>> -> memref<80x128xf32, #tpu.memory_space<vmem_shared>>
          %dma_start3A_46 = arith.constant 0 : i32
          %dma_start3A_47 = arith.constant 0 : i32
          %dma_start3A_48 = tpu.memref_slice %arg9[%dma_start3A_46, %dma_start3A_47] : memref<80x128xf32, #tpu.memory_space<vmem>> -> memref<80x128xf32, #tpu.memory_space<vmem>>
          tpu.enqueue_dma source(%dma_start3A_48 : memref<80x128xf32, #tpu.memory_space<vmem>>) target(%dma_start3A_45 : memref<80x128xf32, #tpu.memory_space<vmem_shared>>) target_semaphore(%run_scoped3A : memref<!tpu.dma_semaphore, #tpu.memory_space<semaphore_mem>>)
          %dma_wait3A_49 = arith.constant 0 : i32
          %dma_wait3A_50 = arith.constant 0 : i32
          %dma_wait3A_51 = tpu.memref_slice %arg9[%dma_wait3A_49, %dma_wait3A_50] : memref<80x128xf32, #tpu.memory_space<vmem>> -> memref<80x128xf32, #tpu.memory_space<vmem>>
          %dma_wait3A_52 = arith.constant 0 : i32
          %dma_wait3A_53 = tpu.memref_slice %arg11[%multiple_of3A_38, %dma_wait3A_52] : memref<10000x128xf32, #tpu.memory_space<vmem_shared>> -> memref<80x128xf32, #tpu.memory_space<vmem_shared>>
          %dma_wait3A_54 = arith.constant 0 : i32
          %dma_wait3A_55 = tpu.memref_slice %arg11[%multiple_of3A_38, %dma_wait3A_54] : memref<10000x128xf32, #tpu.memory_space<vmem_shared>> -> memref<80x128xf32, #tpu.memory_space<vmem_shared>>
          %dma_wait3A_56 = arith.constant 0 : i32
          %dma_wait3A_57 = arith.constant 0 : i32
          %dma_wait3A_58 = tpu.memref_slice %arg9[%dma_wait3A_56, %dma_wait3A_57] : memref<80x128xf32, #tpu.memory_space<vmem>> -> memref<80x128xf32, #tpu.memory_space<vmem>>
          tpu.wait_dma2 semaphore(%run_scoped3A : memref<!tpu.dma_semaphore, #tpu.memory_space<semaphore_mem>>) src(%dma_wait3A_58 : memref<80x128xf32, #tpu.memory_space<vmem>>) dst(%dma_wait3A_55 : memref<80x128xf32, #tpu.memory_space<vmem_shared>>)
          tpu.yield
        }) : () -> ()
      } else {
      }
    }
    %scan3A_5 = arith.constant 8 : i32
    %barrier3A = arith.constant 0 : index
    tpu.barrier barrier_id(%barrier3A)
    "tpu.region"() ({
      %run_scoped3A = tpu.sem_alloc : memref<!tpu.dma_semaphore, #tpu.memory_space<semaphore_mem>>
      %dma_start3A_30 = arith.constant 0 : i32
      %dma_start3A_31 = tpu.memref_slice %arg3[%add3A, %dma_start3A_30] : memref<32x10000xi32, #tpu.memory_space<hbm>> -> memref<1x10000xi32, #tpu.memory_space<hbm>>
      %dma_start3A_32 = tpu.memref_squeeze %dma_start3A_31 : memref<1x10000xi32, #tpu.memory_space<hbm>> -> memref<10000xi32, #tpu.memory_space<hbm>>
      %dma_start3A_33 = arith.constant 0 : i32
      %dma_start3A_34 = tpu.memref_slice %arg3[%add3A, %dma_start3A_33] : memref<32x10000xi32, #tpu.memory_space<hbm>> -> memref<1x10000xi32, #tpu.memory_space<hbm>>
      %dma_start3A_35 = tpu.memref_squeeze %dma_start3A_34 : memref<1x10000xi32, #tpu.memory_space<hbm>> -> memref<10000xi32, #tpu.memory_space<hbm>>
      tpu.enqueue_dma source(%dma_start3A_35 : memref<10000xi32, #tpu.memory_space<hbm>>) target(%arg7 : memref<10000xi32, #tpu.memory_space<vmem>>) target_semaphore(%run_scoped3A : memref<!tpu.dma_semaphore, #tpu.memory_space<semaphore_mem>>)
      %dma_wait3A_36 = arith.constant 0 : i32
      %dma_wait3A_37 = tpu.memref_slice %arg3[%add3A, %dma_wait3A_36] : memref<32x10000xi32, #tpu.memory_space<hbm>> -> memref<1x10000xi32, #tpu.memory_space<hbm>>
      %dma_wait3A_38 = tpu.memref_squeeze %dma_wait3A_37 : memref<1x10000xi32, #tpu.memory_space<hbm>> -> memref<10000xi32, #tpu.memory_space<hbm>>
      %dma_wait3A_39 = arith.constant 0 : i32
      %dma_wait3A_40 = tpu.memref_slice %arg3[%add3A, %dma_wait3A_39] : memref<32x10000xi32, #tpu.memory_space<hbm>> -> memref<1x10000xi32, #tpu.memory_space<hbm>>
      %dma_wait3A_41 = tpu.memref_squeeze %dma_wait3A_40 : memref<1x10000xi32, #tpu.memory_space<hbm>> -> memref<10000xi32, #tpu.memory_space<hbm>>
      tpu.wait_dma2 semaphore(%run_scoped3A : memref<!tpu.dma_semaphore, #tpu.memory_space<semaphore_mem>>) src(%dma_wait3A_41 : memref<10000xi32, #tpu.memory_space<hbm>>) dst(%arg7 : memref<10000xi32, #tpu.memory_space<vmem>>)
      tpu.yield
    }) : () -> ()
    "tpu.region"() ({
      %run_scoped3A = tpu.sem_alloc : memref<!tpu.dma_semaphore, #tpu.memory_space<semaphore_mem>>
      %dma_start3A_30 = arith.constant 0 : i32
      %dma_start3A_31 = tpu.memref_slice %arg4[%add3A, %dma_start3A_30] : memref<32x10000xi32, #tpu.memory_space<hbm>> -> memref<1x10000xi32, #tpu.memory_space<hbm>>
      %dma_start3A_32 = tpu.memref_squeeze %dma_start3A_31 : memref<1x10000xi32, #tpu.memory_space<hbm>> -> memref<10000xi32, #tpu.memory_space<hbm>>
      %dma_start3A_33 = arith.constant 0 : i32
      %dma_start3A_34 = tpu.memref_slice %arg4[%add3A, %dma_start3A_33] : memref<32x10000xi32, #tpu.memory_space<hbm>> -> memref<1x10000xi32, #tpu.memory_space<hbm>>
      %dma_start3A_35 = tpu.memref_squeeze %dma_start3A_34 : memref<1x10000xi32, #tpu.memory_space<hbm>> -> memref<10000xi32, #tpu.memory_space<hbm>>
      tpu.enqueue_dma source(%dma_start3A_35 : memref<10000xi32, #tpu.memory_space<hbm>>) target(%arg8 : memref<10000xi32, #tpu.memory_space<vmem>>) target_semaphore(%run_scoped3A : memref<!tpu.dma_semaphore, #tpu.memory_space<semaphore_mem>>)
      %dma_wait3A_36 = arith.constant 0 : i32
      %dma_wait3A_37 = tpu.memref_slice %arg4[%add3A, %dma_wait3A_36] : memref<32x10000xi32, #tpu.memory_space<hbm>> -> memref<1x10000xi32, #tpu.memory_space<hbm>>
      %dma_wait3A_38 = tpu.memref_squeeze %dma_wait3A_37 : memref<1x10000xi32, #tpu.memory_space<hbm>> -> memref<10000xi32, #tpu.memory_space<hbm>>
      %dma_wait3A_39 = arith.constant 0 : i32
      %dma_wait3A_40 = tpu.memref_slice %arg4[%add3A, %dma_wait3A_39] : memref<32x10000xi32, #tpu.memory_space<hbm>> -> memref<1x10000xi32, #tpu.memory_space<hbm>>
      %dma_wait3A_41 = tpu.memref_squeeze %dma_wait3A_40 : memref<1x10000xi32, #tpu.memory_space<hbm>> -> memref<10000xi32, #tpu.memory_space<hbm>>
      tpu.wait_dma2 semaphore(%run_scoped3A : memref<!tpu.dma_semaphore, #tpu.memory_space<semaphore_mem>>) src(%dma_wait3A_41 : memref<10000xi32, #tpu.memory_space<hbm>>) dst(%arg8 : memref<10000xi32, #tpu.memory_space<vmem>>)
      tpu.yield
    }) : () -> ()
    %multiple_of3A = arith.constant 0 : i32
    %multiple_of3A_6 = tpu.assume_multiple %multiple_of3A, 80 : i32
    %dma_start3A = tpu.memref_slice %arg7[%multiple_of3A_6] : memref<10000xi32, #tpu.memory_space<vmem>> -> memref<80xi32, #tpu.memory_space<vmem>>
    %dma_start3A_7 = arith.constant 0 : i32
    %dma_start3A_8 = arith.constant 0 : i32
    %dma_start3A_9 = tpu.memref_slice %arg2[%dma_start3A_7, %dma_start3A_8] : memref<10000x128xf32, #tpu.memory_space<hbm>> -> memref<10000x128xf32, #tpu.memory_space<hbm>>
    tpu.enqueue_indirect_dma source(%dma_start3A_9 : memref<10000x128xf32, #tpu.memory_space<hbm>>) target(%arg9 : memref<80x128xf32, #tpu.memory_space<vmem>>) offsets(%dma_start3A : memref<80xi32, #tpu.memory_space<vmem>>) semaphore(%arg12 : memref<!tpu.dma_semaphore, #tpu.memory_space<semaphore_mem>>)
    %scan3A_10 = arith.constant 0 : i32
    %scan3A_11 = arith.constant 0 : i32
    %scan3A_12 = arith.constant 62 : i32
    %scan3A_13 = arith.addi %scan3A_11, %scan3A_12 : i32
    %scan3A_14 = arith.constant 1 : i32
    scf.for %scan3A_30 = %scan3A_11 to %scan3A_13 step %scan3A_14  : i32 {
      %mul3A_31 = arith.constant 2 : i32
      %mul3A_32 = arith.muli %mul3A_31, %scan3A_30 : i32
      %add3A_33 = arith.constant 0 : i32
      %add3A_34 = arith.addi %mul3A_32, %add3A_33 : i32
      %mul3A_35 = arith.constant 80 : i32
      %mul3A_36 = arith.muli %add3A_34, %mul3A_35 : i32
      %multiple_of3A_37 = tpu.assume_multiple %mul3A_36, 80 : i32
      %dma_wait3A_38 = tpu.memref_slice %arg7[%multiple_of3A_37] : memref<10000xi32, #tpu.memory_space<vmem>> -> memref<80xi32, #tpu.memory_space<vmem>>
      %dma_wait3A_39 = arith.constant 0 : i32
      %dma_wait3A_40 = arith.constant 0 : i32
      %dma_wait3A_41 = tpu.memref_slice %arg2[%dma_wait3A_39, %dma_wait3A_40] : memref<10000x128xf32, #tpu.memory_space<hbm>> -> memref<10000x128xf32, #tpu.memory_space<hbm>>
      tpu.wait_indirect_dma semaphore(%arg12 : memref<!tpu.dma_semaphore, #tpu.memory_space<semaphore_mem>>) src(%dma_wait3A_41 : memref<10000x128xf32, #tpu.memory_space<hbm>>) dst(%arg9 : memref<80x128xf32, #tpu.memory_space<vmem>>)
      %add3A_42 = arith.constant 1 : i32
      %add3A_43 = arith.addi %add3A_34, %add3A_42 : i32
      %lt3A = arith.constant 125 : i32
      %lt3A_44 = arith.cmpi slt, %add3A_43, %lt3A : i32
      %convert_element_type3A = arith.extui %lt3A_44 : i1 to i32
      %cond3A = arith.constant 0 : i32
      %cond3A_45 = arith.cmpi ne, %convert_element_type3A, %cond3A : i32
      scf.if %cond3A_45 {
        %add3A_70 = arith.constant 1 : i32
        %add3A_71 = arith.addi %add3A_34, %add3A_70 : i32
        %mul3A_72 = arith.constant 80 : i32
        %mul3A_73 = arith.muli %add3A_71, %mul3A_72 : i32
        %multiple_of3A_74 = tpu.assume_multiple %mul3A_73, 80 : i32
        %dma_start3A_75 = tpu.memref_slice %arg7[%multiple_of3A_74] : memref<10000xi32, #tpu.memory_space<vmem>> -> memref<80xi32, #tpu.memory_space<vmem>>
        %dma_start3A_76 = arith.constant 0 : i32
        %dma_start3A_77 = arith.constant 0 : i32
        %dma_start3A_78 = tpu.memref_slice %arg2[%dma_start3A_76, %dma_start3A_77] : memref<10000x128xf32, #tpu.memory_space<hbm>> -> memref<10000x128xf32, #tpu.memory_space<hbm>>
        tpu.enqueue_indirect_dma source(%dma_start3A_78 : memref<10000x128xf32, #tpu.memory_space<hbm>>) target(%arg10 : memref<80x128xf32, #tpu.memory_space<vmem>>) offsets(%dma_start3A_75 : memref<80xi32, #tpu.memory_space<vmem>>) semaphore(%arg13 : memref<!tpu.dma_semaphore, #tpu.memory_space<semaphore_mem>>)
      } else {
      }
      %mul3A_46 = arith.constant 80 : i32
      %mul3A_47 = arith.muli %add3A_34, %mul3A_46 : i32
      %multiple_of3A_48 = tpu.assume_multiple %mul3A_47, 80 : i32
      "tpu.region"() ({
        %run_scoped3A = tpu.sem_alloc : memref<!tpu.dma_semaphore, #tpu.memory_space<semaphore_mem>>
        %dma_start3A_70 = tpu.memref_slice %arg8[%multiple_of3A_48] : memref<10000xi32, #tpu.memory_space<vmem>> -> memref<80xi32, #tpu.memory_space<vmem>>
        %dma_start3A_71 = arith.constant 0 : i32
        %dma_start3A_72 = arith.constant 0 : i32
        %dma_start3A_73 = tpu.memref_slice %arg11[%dma_start3A_71, %dma_start3A_72] : memref<10000x128xf32, #tpu.memory_space<vmem_shared>> -> memref<10000x128xf32, #tpu.memory_space<vmem_shared>>
        tpu.enqueue_indirect_dma source(%arg9 : memref<80x128xf32, #tpu.memory_space<vmem>>) target(%dma_start3A_73 : memref<10000x128xf32, #tpu.memory_space<vmem_shared>>) offsets(%dma_start3A_70 : memref<80xi32, #tpu.memory_space<vmem>>) semaphore(%run_scoped3A : memref<!tpu.dma_semaphore, #tpu.memory_space<semaphore_mem>>) {add = true}
        %dma_wait3A_74 = tpu.memref_slice %arg8[%multiple_of3A_48] : memref<10000xi32, #tpu.memory_space<vmem>> -> memref<80xi32, #tpu.memory_space<vmem>>
        %dma_wait3A_75 = arith.constant 0 : i32
        %dma_wait3A_76 = arith.constant 0 : i32
        %dma_wait3A_77 = tpu.memref_slice %arg11[%dma_wait3A_75, %dma_wait3A_76] : memref<10000x128xf32, #tpu.memory_space<vmem_shared>> -> memref<10000x128xf32, #tpu.memory_space<vmem_shared>>
        tpu.wait_indirect_dma semaphore(%run_scoped3A : memref<!tpu.dma_semaphore, #tpu.memory_space<semaphore_mem>>) src(%arg9 : memref<80x128xf32, #tpu.memory_space<vmem>>) dst(%dma_wait3A_77 : memref<10000x128xf32, #tpu.memory_space<vmem_shared>>)
        tpu.yield
      }) : () -> ()
      %mul3A_49 = arith.constant 2 : i32
      %mul3A_50 = arith.muli %mul3A_49, %scan3A_30 : i32
      %add3A_51 = arith.constant 1 : i32
      %add3A_52 = arith.addi %mul3A_50, %add3A_51 : i32
      %mul3A_53 = arith.constant 80 : i32
      %mul3A_54 = arith.muli %add3A_52, %mul3A_53 : i32
      %multiple_of3A_55 = tpu.assume_multiple %mul3A_54, 80 : i32
      %dma_wait3A_56 = tpu.memref_slice %arg7[%multiple_of3A_55] : memref<10000xi32, #tpu.memory_space<vmem>> -> memref<80xi32, #tpu.memory_space<vmem>>
      %dma_wait3A_57 = arith.constant 0 : i32
      %dma_wait3A_58 = arith.constant 0 : i32
      %dma_wait3A_59 = tpu.memref_slice %arg2[%dma_wait3A_57, %dma_wait3A_58] : memref<10000x128xf32, #tpu.memory_space<hbm>> -> memref<10000x128xf32, #tpu.memory_space<hbm>>
      tpu.wait_indirect_dma semaphore(%arg13 : memref<!tpu.dma_semaphore, #tpu.memory_space<semaphore_mem>>) src(%dma_wait3A_59 : memref<10000x128xf32, #tpu.memory_space<hbm>>) dst(%arg10 : memref<80x128xf32, #tpu.memory_space<vmem>>)
      %add3A_60 = arith.constant 1 : i32
      %add3A_61 = arith.addi %add3A_52, %add3A_60 : i32
      %lt3A_62 = arith.constant 125 : i32
      %lt3A_63 = arith.cmpi slt, %add3A_61, %lt3A_62 : i32
      %convert_element_type3A_64 = arith.extui %lt3A_63 : i1 to i32
      %cond3A_65 = arith.constant 0 : i32
      %cond3A_66 = arith.cmpi ne, %convert_element_type3A_64, %cond3A_65 : i32
      scf.if %cond3A_66 {
        %add3A_70 = arith.constant 1 : i32
        %add3A_71 = arith.addi %add3A_52, %add3A_70 : i32
        %mul3A_72 = arith.constant 80 : i32
        %mul3A_73 = arith.muli %add3A_71, %mul3A_72 : i32
        %multiple_of3A_74 = tpu.assume_multiple %mul3A_73, 80 : i32
        %dma_start3A_75 = tpu.memref_slice %arg7[%multiple_of3A_74] : memref<10000xi32, #tpu.memory_space<vmem>> -> memref<80xi32, #tpu.memory_space<vmem>>
        %dma_start3A_76 = arith.constant 0 : i32
        %dma_start3A_77 = arith.constant 0 : i32
        %dma_start3A_78 = tpu.memref_slice %arg2[%dma_start3A_76, %dma_start3A_77] : memref<10000x128xf32, #tpu.memory_space<hbm>> -> memref<10000x128xf32, #tpu.memory_space<hbm>>
        tpu.enqueue_indirect_dma source(%dma_start3A_78 : memref<10000x128xf32, #tpu.memory_space<hbm>>) target(%arg9 : memref<80x128xf32, #tpu.memory_space<vmem>>) offsets(%dma_start3A_75 : memref<80xi32, #tpu.memory_space<vmem>>) semaphore(%arg12 : memref<!tpu.dma_semaphore, #tpu.memory_space<semaphore_mem>>)
      } else {
      }
      %mul3A_67 = arith.constant 80 : i32
      %mul3A_68 = arith.muli %add3A_52, %mul3A_67 : i32
      %multiple_of3A_69 = tpu.assume_multiple %mul3A_68, 80 : i32
      "tpu.region"() ({
        %run_scoped3A = tpu.sem_alloc : memref<!tpu.dma_semaphore, #tpu.memory_space<semaphore_mem>>
        %dma_start3A_70 = tpu.memref_slice %arg8[%multiple_of3A_69] : memref<10000xi32, #tpu.memory_space<vmem>> -> memref<80xi32, #tpu.memory_space<vmem>>
        %dma_start3A_71 = arith.constant 0 : i32
        %dma_start3A_72 = arith.constant 0 : i32
        %dma_start3A_73 = tpu.memref_slice %arg11[%dma_start3A_71, %dma_start3A_72] : memref<10000x128xf32, #tpu.memory_space<vmem_shared>> -> memref<10000x128xf32, #tpu.memory_space<vmem_shared>>
        tpu.enqueue_indirect_dma source(%arg10 : memref<80x128xf32, #tpu.memory_space<vmem>>) target(%dma_start3A_73 : memref<10000x128xf32, #tpu.memory_space<vmem_shared>>) offsets(%dma_start3A_70 : memref<80xi32, #tpu.memory_space<vmem>>) semaphore(%run_scoped3A : memref<!tpu.dma_semaphore, #tpu.memory_space<semaphore_mem>>) {add = true}
        %dma_wait3A_74 = tpu.memref_slice %arg8[%multiple_of3A_69] : memref<10000xi32, #tpu.memory_space<vmem>> -> memref<80xi32, #tpu.memory_space<vmem>>
        %dma_wait3A_75 = arith.constant 0 : i32
        %dma_wait3A_76 = arith.constant 0 : i32
        %dma_wait3A_77 = tpu.memref_slice %arg11[%dma_wait3A_75, %dma_wait3A_76] : memref<10000x128xf32, #tpu.memory_space<vmem_shared>> -> memref<10000x128xf32, #tpu.memory_space<vmem_shared>>
        tpu.wait_indirect_dma semaphore(%run_scoped3A : memref<!tpu.dma_semaphore, #tpu.memory_space<semaphore_mem>>) src(%arg10 : memref<80x128xf32, #tpu.memory_space<vmem>>) dst(%dma_wait3A_77 : memref<10000x128xf32, #tpu.memory_space<vmem_shared>>)
        tpu.yield
      }) : () -> ()
    }
    %scan3A_15 = arith.constant 62 : i32
    %multiple_of3A_16 = arith.constant 9920 : i32
    %multiple_of3A_17 = tpu.assume_multiple %multiple_of3A_16, 80 : i32
    %dma_wait3A = tpu.memref_slice %arg7[%multiple_of3A_17] : memref<10000xi32, #tpu.memory_space<vmem>> -> memref<80xi32, #tpu.memory_space<vmem>>
    %dma_wait3A_18 = arith.constant 0 : i32
    %dma_wait3A_19 = arith.constant 0 : i32
    %dma_wait3A_20 = tpu.memref_slice %arg2[%dma_wait3A_18, %dma_wait3A_19] : memref<10000x128xf32, #tpu.memory_space<hbm>> -> memref<10000x128xf32, #tpu.memory_space<hbm>>
    tpu.wait_indirect_dma semaphore(%arg12 : memref<!tpu.dma_semaphore, #tpu.memory_space<semaphore_mem>>) src(%dma_wait3A_20 : memref<10000x128xf32, #tpu.memory_space<hbm>>) dst(%arg9 : memref<80x128xf32, #tpu.memory_space<vmem>>)
    %multiple_of3A_21 = arith.constant 9920 : i32
    %multiple_of3A_22 = tpu.assume_multiple %multiple_of3A_21, 80 : i32
    "tpu.region"() ({
      %run_scoped3A = tpu.sem_alloc : memref<!tpu.dma_semaphore, #tpu.memory_space<semaphore_mem>>
      %dma_start3A_30 = tpu.memref_slice %arg8[%multiple_of3A_22] : memref<10000xi32, #tpu.memory_space<vmem>> -> memref<80xi32, #tpu.memory_space<vmem>>
      %dma_start3A_31 = arith.constant 0 : i32
      %dma_start3A_32 = arith.constant 0 : i32
      %dma_start3A_33 = tpu.memref_slice %arg11[%dma_start3A_31, %dma_start3A_32] : memref<10000x128xf32, #tpu.memory_space<vmem_shared>> -> memref<10000x128xf32, #tpu.memory_space<vmem_shared>>
      tpu.enqueue_indirect_dma source(%arg9 : memref<80x128xf32, #tpu.memory_space<vmem>>) target(%dma_start3A_33 : memref<10000x128xf32, #tpu.memory_space<vmem_shared>>) offsets(%dma_start3A_30 : memref<80xi32, #tpu.memory_space<vmem>>) semaphore(%run_scoped3A : memref<!tpu.dma_semaphore, #tpu.memory_space<semaphore_mem>>) {add = true}
      %dma_wait3A_34 = tpu.memref_slice %arg8[%multiple_of3A_22] : memref<10000xi32, #tpu.memory_space<vmem>> -> memref<80xi32, #tpu.memory_space<vmem>>
      %dma_wait3A_35 = arith.constant 0 : i32
      %dma_wait3A_36 = arith.constant 0 : i32
      %dma_wait3A_37 = tpu.memref_slice %arg11[%dma_wait3A_35, %dma_wait3A_36] : memref<10000x128xf32, #tpu.memory_space<vmem_shared>> -> memref<10000x128xf32, #tpu.memory_space<vmem_shared>>
      tpu.wait_indirect_dma semaphore(%run_scoped3A : memref<!tpu.dma_semaphore, #tpu.memory_space<semaphore_mem>>) src(%arg9 : memref<80x128xf32, #tpu.memory_space<vmem>>) dst(%dma_wait3A_37 : memref<10000x128xf32, #tpu.memory_space<vmem_shared>>)
      tpu.yield
    }) : () -> ()
    %barrier3A_23 = arith.constant 0 : index
    tpu.barrier barrier_id(%barrier3A_23)
    %scan3A_24 = arith.constant 0 : i32
    %scan3A_25 = arith.constant 0 : i32
    %scan3A_26 = arith.constant 8 : i32
    %scan3A_27 = arith.addi %scan3A_25, %scan3A_26 : i32
    %scan3A_28 = arith.constant 1 : i32
    scf.for %scan3A_30 = %scan3A_25 to %scan3A_27 step %scan3A_28  : i32 {
      %mul3A_31 = arith.constant 16 : i32
      %mul3A_32 = arith.muli %scan3A_30, %mul3A_31 : i32
      %add3A_33 = arith.addi %arg1, %mul3A_32 : i32
      %lt3A = arith.constant 125 : i32
      %lt3A_34 = arith.cmpi slt, %add3A_33, %lt3A : i32
      %convert_element_type3A = arith.extui %lt3A_34 : i1 to i32
      %cond3A = arith.constant 0 : i32
      %cond3A_35 = arith.cmpi ne, %convert_element_type3A, %cond3A : i32
      scf.if %cond3A_35 {
        %mul3A_36 = arith.constant 80 : i32
        %mul3A_37 = arith.muli %add3A_33, %mul3A_36 : i32
        %multiple_of3A_38 = tpu.assume_multiple %mul3A_37, 80 : i32
        "tpu.region"() ({
          %run_scoped3A = tpu.sem_alloc : memref<!tpu.dma_semaphore, #tpu.memory_space<semaphore_mem>>
          %dma_start3A_39 = arith.constant 0 : i32
          %dma_start3A_40 = arith.constant 0 : i32
          %dma_start3A_41 = tpu.memref_slice %arg9[%dma_start3A_39, %dma_start3A_40] : memref<80x128xf32, #tpu.memory_space<vmem>> -> memref<80x128xf32, #tpu.memory_space<vmem>>
          %dma_start3A_42 = arith.constant 0 : i32
          %dma_start3A_43 = tpu.memref_slice %arg11[%multiple_of3A_38, %dma_start3A_42] : memref<10000x128xf32, #tpu.memory_space<vmem_shared>> -> memref<80x128xf32, #tpu.memory_space<vmem_shared>>
          %dma_start3A_44 = arith.constant 0 : i32
          %dma_start3A_45 = arith.constant 0 : i32
          %dma_start3A_46 = tpu.memref_slice %arg9[%dma_start3A_44, %dma_start3A_45] : memref<80x128xf32, #tpu.memory_space<vmem>> -> memref<80x128xf32, #tpu.memory_space<vmem>>
          %dma_start3A_47 = arith.constant 0 : i32
          %dma_start3A_48 = tpu.memref_slice %arg11[%multiple_of3A_38, %dma_start3A_47] : memref<10000x128xf32, #tpu.memory_space<vmem_shared>> -> memref<80x128xf32, #tpu.memory_space<vmem_shared>>
          tpu.enqueue_dma source(%dma_start3A_48 : memref<80x128xf32, #tpu.memory_space<vmem_shared>>) target(%dma_start3A_46 : memref<80x128xf32, #tpu.memory_space<vmem>>) target_semaphore(%run_scoped3A : memref<!tpu.dma_semaphore, #tpu.memory_space<semaphore_mem>>)
          %dma_wait3A_49 = arith.constant 0 : i32
          %dma_wait3A_50 = arith.constant 0 : i32
          %dma_wait3A_51 = tpu.memref_slice %arg9[%dma_wait3A_49, %dma_wait3A_50] : memref<80x128xf32, #tpu.memory_space<vmem>> -> memref<80x128xf32, #tpu.memory_space<vmem>>
          %dma_wait3A_52 = arith.constant 0 : i32
          %dma_wait3A_53 = tpu.memref_slice %arg11[%multiple_of3A_38, %dma_wait3A_52] : memref<10000x128xf32, #tpu.memory_space<vmem_shared>> -> memref<80x128xf32, #tpu.memory_space<vmem_shared>>
          %dma_wait3A_54 = arith.constant 0 : i32
          %dma_wait3A_55 = arith.constant 0 : i32
          %dma_wait3A_56 = tpu.memref_slice %arg9[%dma_wait3A_54, %dma_wait3A_55] : memref<80x128xf32, #tpu.memory_space<vmem>> -> memref<80x128xf32, #tpu.memory_space<vmem>>
          %dma_wait3A_57 = arith.constant 0 : i32
          %dma_wait3A_58 = tpu.memref_slice %arg11[%multiple_of3A_38, %dma_wait3A_57] : memref<10000x128xf32, #tpu.memory_space<vmem_shared>> -> memref<80x128xf32, #tpu.memory_space<vmem_shared>>
          tpu.wait_dma2 semaphore(%run_scoped3A : memref<!tpu.dma_semaphore, #tpu.memory_space<semaphore_mem>>) src(%dma_wait3A_58 : memref<80x128xf32, #tpu.memory_space<vmem_shared>>) dst(%dma_wait3A_56 : memref<80x128xf32, #tpu.memory_space<vmem>>)
          tpu.yield
        }) : () -> ()
        "tpu.region"() ({
          %run_scoped3A = tpu.sem_alloc : memref<!tpu.dma_semaphore, #tpu.memory_space<semaphore_mem>>
          %dma_start3A_39 = arith.constant 0 : i32
          %dma_start3A_40 = arith.constant 0 : i32
          %dma_start3A_41 = tpu.memref_slice %arg9[%dma_start3A_39, %dma_start3A_40] : memref<80x128xf32, #tpu.memory_space<vmem>> -> memref<80x128xf32, #tpu.memory_space<vmem>>
          %dma_start3A_42 = arith.constant 0 : i32
          %dma_start3A_43 = tpu.memref_slice %arg6[%arg0, %multiple_of3A_38, %dma_start3A_42] : memref<2x10000x128xf32, #tpu.memory_space<hbm>> -> memref<1x80x128xf32, #tpu.memory_space<hbm>>
          %dma_start3A_44 = tpu.memref_squeeze %dma_start3A_43 : memref<1x80x128xf32, #tpu.memory_space<hbm>> -> memref<80x128xf32, #tpu.memory_space<hbm>>
          %dma_start3A_45 = arith.constant 0 : i32
          %dma_start3A_46 = tpu.memref_slice %arg6[%arg0, %multiple_of3A_38, %dma_start3A_45] : memref<2x10000x128xf32, #tpu.memory_space<hbm>> -> memref<1x80x128xf32, #tpu.memory_space<hbm>>
          %dma_start3A_47 = tpu.memref_squeeze %dma_start3A_46 : memref<1x80x128xf32, #tpu.memory_space<hbm>> -> memref<80x128xf32, #tpu.memory_space<hbm>>
          %dma_start3A_48 = arith.constant 0 : i32
          %dma_start3A_49 = arith.constant 0 : i32
          %dma_start3A_50 = tpu.memref_slice %arg9[%dma_start3A_48, %dma_start3A_49] : memref<80x128xf32, #tpu.memory_space<vmem>> -> memref<80x128xf32, #tpu.memory_space<vmem>>
          tpu.enqueue_dma source(%dma_start3A_50 : memref<80x128xf32, #tpu.memory_space<vmem>>) target(%dma_start3A_47 : memref<80x128xf32, #tpu.memory_space<hbm>>) target_semaphore(%run_scoped3A : memref<!tpu.dma_semaphore, #tpu.memory_space<semaphore_mem>>)
          %dma_wait3A_51 = arith.constant 0 : i32
          %dma_wait3A_52 = arith.constant 0 : i32
          %dma_wait3A_53 = tpu.memref_slice %arg9[%dma_wait3A_51, %dma_wait3A_52] : memref<80x128xf32, #tpu.memory_space<vmem>> -> memref<80x128xf32, #tpu.memory_space<vmem>>
          %dma_wait3A_54 = arith.constant 0 : i32
          %dma_wait3A_55 = tpu.memref_slice %arg6[%arg0, %multiple_of3A_38, %dma_wait3A_54] : memref<2x10000x128xf32, #tpu.memory_space<hbm>> -> memref<1x80x128xf32, #tpu.memory_space<hbm>>
          %dma_wait3A_56 = tpu.memref_squeeze %dma_wait3A_55 : memref<1x80x128xf32, #tpu.memory_space<hbm>> -> memref<80x128xf32, #tpu.memory_space<hbm>>
          %dma_wait3A_57 = arith.constant 0 : i32
          %dma_wait3A_58 = tpu.memref_slice %arg6[%arg0, %multiple_of3A_38, %dma_wait3A_57] : memref<2x10000x128xf32, #tpu.memory_space<hbm>> -> memref<1x80x128xf32, #tpu.memory_space<hbm>>
          %dma_wait3A_59 = tpu.memref_squeeze %dma_wait3A_58 : memref<1x80x128xf32, #tpu.memory_space<hbm>> -> memref<80x128xf32, #tpu.memory_space<hbm>>
          %dma_wait3A_60 = arith.constant 0 : i32
          %dma_wait3A_61 = arith.constant 0 : i32
          %dma_wait3A_62 = tpu.memref_slice %arg9[%dma_wait3A_60, %dma_wait3A_61] : memref<80x128xf32, #tpu.memory_space<vmem>> -> memref<80x128xf32, #tpu.memory_space<vmem>>
          tpu.wait_dma2 semaphore(%run_scoped3A : memref<!tpu.dma_semaphore, #tpu.memory_space<semaphore_mem>>) src(%dma_wait3A_62 : memref<80x128xf32, #tpu.memory_space<vmem>>) dst(%dma_wait3A_59 : memref<80x128xf32, #tpu.memory_space<hbm>>)
          tpu.yield
        }) : () -> ()
      } else {
      }
    }
    %scan3A_29 = arith.constant 8 : i32
    return
  }
}

#map = affine_map<(d0, d1) -> (0, 0)>
#map1 = affine_map<(d0, d1) -> (0, 0, 0)>
module attributes {stable_mosaic.version = 14 : i64} {
  func.func @body(%arg0: i32, %arg1: i32, %arg2: memref<10000x128xf32, #tpu.memory_space<hbm>>, %arg3: memref<32x10000xi32, #tpu.memory_space<hbm>>, %arg4: memref<32x10000xi32, #tpu.memory_space<hbm>>, %arg5: memref<80x128xf32, #tpu.memory_space<hbm>>, %arg6: memref<2x10000x128xf32, #tpu.memory_space<hbm>>, %arg7: memref<10000xi32, #tpu.memory_space<vmem>>, %arg8: memref<10000xi32, #tpu.memory_space<vmem>>, %arg9: memref<80x128xf32, #tpu.memory_space<vmem>>, %arg10: memref<80x128xf32, #tpu.memory_space<vmem>>, %arg11: memref<10000x128xf32, #tpu.memory_space<vmem_shared>>, %arg12: memref<!tpu.dma_semaphore, #tpu.memory_space<semaphore_mem>>, %arg13: memref<!tpu.dma_semaphore, #tpu.memory_space<semaphore_mem>>, %arg14: memref<!tpu.dma_semaphore, #tpu.memory_space<semaphore_mem>>, %arg15: memref<!tpu.dma_semaphore, #tpu.memory_space<semaphore_mem>>) attributes {dimension_semantics = [#tpu.dimension_semantics<core_parallel>, #tpu.dimension_semantics<subcore_parallel>], iteration_bounds = array<i64: 2, 16>, scalar_prefetch = 0 : i64, scratch_operands = 9 : i64, tpu.core_type = #tpu.core_type<sc_vector_subcore>, window_params = [{transform_indices = #map}, {transform_indices = #map}, {transform_indices = #map}, {transform_indices = #map}, {transform_indices = #map1}]} {
    %mul3A = arith.constant 2 : i32
    %mul3A_0 = arith.muli %arg1, %mul3A : i32
    %add3A = arith.addi %mul3A_0, %arg0 : i32
    "tpu.region"() ({
      %run_scoped3A = tpu.sem_alloc : memref<!tpu.dma_semaphore, #tpu.memory_space<semaphore_mem>>
      %dma_start3A_30 = arith.constant 0 : i32
      %dma_start3A_31 = arith.constant 0 : i32
      %dma_start3A_32 = tpu.memref_slice %arg9[%dma_start3A_30, %dma_start3A_31] : memref<80x128xf32, #tpu.memory_space<vmem>> -> memref<80x128xf32, #tpu.memory_space<vmem>>
      %dma_start3A_33 = arith.constant 0 : i32
      %dma_start3A_34 = arith.constant 0 : i32
      %dma_start3A_35 = tpu.memref_slice %arg9[%dma_start3A_33, %dma_start3A_34] : memref<80x128xf32, #tpu.memory_space<vmem>> -> memref<80x128xf32, #tpu.memory_space<vmem>>
      tpu.enqueue_dma source(%arg5 : memref<80x128xf32, #tpu.memory_space<hbm>>) target(%dma_start3A_35 : memref<80x128xf32, #tpu.memory_space<vmem>>) target_semaphore(%run_scoped3A : memref<!tpu.dma_semaphore, #tpu.memory_space<semaphore_mem>>)
      %dma_wait3A_36 = arith.constant 0 : i32
      %dma_wait3A_37 = arith.constant 0 : i32
      %dma_wait3A_38 = tpu.memref_slice %arg9[%dma_wait3A_36, %dma_wait3A_37] : memref<80x128xf32, #tpu.memory_space<vmem>> -> memref<80x128xf32, #tpu.memory_space<vmem>>
      %dma_wait3A_39 = arith.constant 0 : i32
      %dma_wait3A_40 = arith.constant 0 : i32
      %dma_wait3A_41 = tpu.memref_slice %arg9[%dma_wait3A_39, %dma_wait3A_40] : memref<80x128xf32, #tpu.memory_space<vmem>> -> memref<80x128xf32, #tpu.memory_space<vmem>>
      tpu.wait_dma2 semaphore(%run_scoped3A : memref<!tpu.dma_semaphore, #tpu.memory_space<semaphore_mem>>) src(%arg5 : memref<80x128xf32, #tpu.memory_space<hbm>>) dst(%dma_wait3A_41 : memref<80x128xf32, #tpu.memory_space<vmem>>)
      tpu.yield
    }) : () -> ()
    %scan3A = arith.constant 0 : i32
    %scan3A_1 = arith.constant 0 : i32
    %scan3A_2 = arith.constant 8 : i32
    %scan3A_3 = arith.addi %scan3A_1, %scan3A_2 : i32
    %scan3A_4 = arith.constant 1 : i32
    scf.for %scan3A_30 = %scan3A_1 to %scan3A_3 step %scan3A_4  : i32 {
      %mul3A_31 = arith.constant 16 : i32
      %mul3A_32 = arith.muli %scan3A_30, %mul3A_31 : i32
      %add3A_33 = arith.addi %arg1, %mul3A_32 : i32
      %lt3A = arith.constant 125 : i32
      %lt3A_34 = arith.cmpi slt, %add3A_33, %lt3A : i32
      %convert_element_type3A = arith.extui %lt3A_34 : i1 to i32
      %cond3A = arith.constant 0 : i32
      %cond3A_35 = arith.cmpi ne, %convert_element_type3A, %cond3A : i32
      scf.if %cond3A_35 {
        %mul3A_36 = arith.constant 80 : i32
        %mul3A_37 = arith.muli %add3A_33, %mul3A_36 : i32
        %multiple_of3A_38 = tpu.assume_multiple %mul3A_37, 80 : i32
        "tpu.region"() ({
          %run_scoped3A = tpu.sem_alloc : memref<!tpu.dma_semaphore, #tpu.memory_space<semaphore_mem>>
          %dma_start3A_39 = arith.constant 0 : i32
          %dma_start3A_40 = arith.constant 0 : i32
          %dma_start3A_41 = tpu.memref_slice %arg9[%dma_start3A_39, %dma_start3A_40] : memref<80x128xf32, #tpu.memory_space<vmem>> -> memref<80x128xf32, #tpu.memory_space<vmem>>
          %dma_start3A_42 = arith.constant 0 : i32
          %dma_start3A_43 = tpu.memref_slice %arg11[%multiple_of3A_38, %dma_start3A_42] : memref<10000x128xf32, #tpu.memory_space<vmem_shared>> -> memref<80x128xf32, #tpu.memory_space<vmem_shared>>
          %dma_start3A_44 = arith.constant 0 : i32
          %dma_start3A_45 = tpu.memref_slice %arg11[%multiple_of3A_38, %dma_start3A_44] : memref<10000x128xf32, #tpu.memory_space<vmem_shared>> -> memref<80x128xf32, #tpu.memory_space<vmem_shared>>
          %dma_start3A_46 = arith.constant 0 : i32
          %dma_start3A_47 = arith.constant 0 : i32
          %dma_start3A_48 = tpu.memref_slice %arg9[%dma_start3A_46, %dma_start3A_47] : memref<80x128xf32, #tpu.memory_space<vmem>> -> memref<80x128xf32, #tpu.memory_space<vmem>>
          tpu.enqueue_dma source(%dma_start3A_48 : memref<80x128xf32, #tpu.memory_space<vmem>>) target(%dma_start3A_45 : memref<80x128xf32, #tpu.memory_space<vmem_shared>>) target_semaphore(%run_scoped3A : memref<!tpu.dma_semaphore, #tpu.memory_space<semaphore_mem>>)
          %dma_wait3A_49 = arith.constant 0 : i32
          %dma_wait3A_50 = arith.constant 0 : i32
          %dma_wait3A_51 = tpu.memref_slice %arg9[%dma_wait3A_49, %dma_wait3A_50] : memref<80x128xf32, #tpu.memory_space<vmem>> -> memref<80x128xf32, #tpu.memory_space<vmem>>
          %dma_wait3A_52 = arith.constant 0 : i32
          %dma_wait3A_53 = tpu.memref_slice %arg11[%multiple_of3A_38, %dma_wait3A_52] : memref<10000x128xf32, #tpu.memory_space<vmem_shared>> -> memref<80x128xf32, #tpu.memory_space<vmem_shared>>
          %dma_wait3A_54 = arith.constant 0 : i32
          %dma_wait3A_55 = tpu.memref_slice %arg11[%multiple_of3A_38, %dma_wait3A_54] : memref<10000x128xf32, #tpu.memory_space<vmem_shared>> -> memref<80x128xf32, #tpu.memory_space<vmem_shared>>
          %dma_wait3A_56 = arith.constant 0 : i32
          %dma_wait3A_57 = arith.constant 0 : i32
          %dma_wait3A_58 = tpu.memref_slice %arg9[%dma_wait3A_56, %dma_wait3A_57] : memref<80x128xf32, #tpu.memory_space<vmem>> -> memref<80x128xf32, #tpu.memory_space<vmem>>
          tpu.wait_dma2 semaphore(%run_scoped3A : memref<!tpu.dma_semaphore, #tpu.memory_space<semaphore_mem>>) src(%dma_wait3A_58 : memref<80x128xf32, #tpu.memory_space<vmem>>) dst(%dma_wait3A_55 : memref<80x128xf32, #tpu.memory_space<vmem_shared>>)
          tpu.yield
        }) : () -> ()
      } else {
      }
    }
    %scan3A_5 = arith.constant 8 : i32
    %barrier3A = arith.constant 0 : index
    tpu.barrier barrier_id(%barrier3A)
    "tpu.region"() ({
      %run_scoped3A = tpu.sem_alloc : memref<!tpu.dma_semaphore, #tpu.memory_space<semaphore_mem>>
      %dma_start3A_30 = arith.constant 0 : i32
      %dma_start3A_31 = tpu.memref_slice %arg3[%add3A, %dma_start3A_30] : memref<32x10000xi32, #tpu.memory_space<hbm>> -> memref<1x10000xi32, #tpu.memory_space<hbm>>
      %dma_start3A_32 = tpu.memref_squeeze %dma_start3A_31 : memref<1x10000xi32, #tpu.memory_space<hbm>> -> memref<10000xi32, #tpu.memory_space<hbm>>
      %dma_start3A_33 = arith.constant 0 : i32
      %dma_start3A_34 = tpu.memref_slice %arg3[%add3A, %dma_start3A_33] : memref<32x10000xi32, #tpu.memory_space<hbm>> -> memref<1x10000xi32, #tpu.memory_space<hbm>>
      %dma_start3A_35 = tpu.memref_squeeze %dma_start3A_34 : memref<1x10000xi32, #tpu.memory_space<hbm>> -> memref<10000xi32, #tpu.memory_space<hbm>>
      tpu.enqueue_dma source(%dma_start3A_35 : memref<10000xi32, #tpu.memory_space<hbm>>) target(%arg7 : memref<10000xi32, #tpu.memory_space<vmem>>) target_semaphore(%run_scoped3A : memref<!tpu.dma_semaphore, #tpu.memory_space<semaphore_mem>>)
      %dma_wait3A_36 = arith.constant 0 : i32
      %dma_wait3A_37 = tpu.memref_slice %arg3[%add3A, %dma_wait3A_36] : memref<32x10000xi32, #tpu.memory_space<hbm>> -> memref<1x10000xi32, #tpu.memory_space<hbm>>
      %dma_wait3A_38 = tpu.memref_squeeze %dma_wait3A_37 : memref<1x10000xi32, #tpu.memory_space<hbm>> -> memref<10000xi32, #tpu.memory_space<hbm>>
      %dma_wait3A_39 = arith.constant 0 : i32
      %dma_wait3A_40 = tpu.memref_slice %arg3[%add3A, %dma_wait3A_39] : memref<32x10000xi32, #tpu.memory_space<hbm>> -> memref<1x10000xi32, #tpu.memory_space<hbm>>
      %dma_wait3A_41 = tpu.memref_squeeze %dma_wait3A_40 : memref<1x10000xi32, #tpu.memory_space<hbm>> -> memref<10000xi32, #tpu.memory_space<hbm>>
      tpu.wait_dma2 semaphore(%run_scoped3A : memref<!tpu.dma_semaphore, #tpu.memory_space<semaphore_mem>>) src(%dma_wait3A_41 : memref<10000xi32, #tpu.memory_space<hbm>>) dst(%arg7 : memref<10000xi32, #tpu.memory_space<vmem>>)
      tpu.yield
    }) : () -> ()
    "tpu.region"() ({
      %run_scoped3A = tpu.sem_alloc : memref<!tpu.dma_semaphore, #tpu.memory_space<semaphore_mem>>
      %dma_start3A_30 = arith.constant 0 : i32
      %dma_start3A_31 = tpu.memref_slice %arg4[%add3A, %dma_start3A_30] : memref<32x10000xi32, #tpu.memory_space<hbm>> -> memref<1x10000xi32, #tpu.memory_space<hbm>>
      %dma_start3A_32 = tpu.memref_squeeze %dma_start3A_31 : memref<1x10000xi32, #tpu.memory_space<hbm>> -> memref<10000xi32, #tpu.memory_space<hbm>>
      %dma_start3A_33 = arith.constant 0 : i32
      %dma_start3A_34 = tpu.memref_slice %arg4[%add3A, %dma_start3A_33] : memref<32x10000xi32, #tpu.memory_space<hbm>> -> memref<1x10000xi32, #tpu.memory_space<hbm>>
      %dma_start3A_35 = tpu.memref_squeeze %dma_start3A_34 : memref<1x10000xi32, #tpu.memory_space<hbm>> -> memref<10000xi32, #tpu.memory_space<hbm>>
      tpu.enqueue_dma source(%dma_start3A_35 : memref<10000xi32, #tpu.memory_space<hbm>>) target(%arg8 : memref<10000xi32, #tpu.memory_space<vmem>>) target_semaphore(%run_scoped3A : memref<!tpu.dma_semaphore, #tpu.memory_space<semaphore_mem>>)
      %dma_wait3A_36 = arith.constant 0 : i32
      %dma_wait3A_37 = tpu.memref_slice %arg4[%add3A, %dma_wait3A_36] : memref<32x10000xi32, #tpu.memory_space<hbm>> -> memref<1x10000xi32, #tpu.memory_space<hbm>>
      %dma_wait3A_38 = tpu.memref_squeeze %dma_wait3A_37 : memref<1x10000xi32, #tpu.memory_space<hbm>> -> memref<10000xi32, #tpu.memory_space<hbm>>
      %dma_wait3A_39 = arith.constant 0 : i32
      %dma_wait3A_40 = tpu.memref_slice %arg4[%add3A, %dma_wait3A_39] : memref<32x10000xi32, #tpu.memory_space<hbm>> -> memref<1x10000xi32, #tpu.memory_space<hbm>>
      %dma_wait3A_41 = tpu.memref_squeeze %dma_wait3A_40 : memref<1x10000xi32, #tpu.memory_space<hbm>> -> memref<10000xi32, #tpu.memory_space<hbm>>
      tpu.wait_dma2 semaphore(%run_scoped3A : memref<!tpu.dma_semaphore, #tpu.memory_space<semaphore_mem>>) src(%dma_wait3A_41 : memref<10000xi32, #tpu.memory_space<hbm>>) dst(%arg8 : memref<10000xi32, #tpu.memory_space<vmem>>)
      tpu.yield
    }) : () -> ()
    %multiple_of3A = arith.constant 0 : i32
    %multiple_of3A_6 = tpu.assume_multiple %multiple_of3A, 80 : i32
    %dma_start3A = tpu.memref_slice %arg7[%multiple_of3A_6] : memref<10000xi32, #tpu.memory_space<vmem>> -> memref<80xi32, #tpu.memory_space<vmem>>
    %dma_start3A_7 = arith.constant 0 : i32
    %dma_start3A_8 = arith.constant 0 : i32
    %dma_start3A_9 = tpu.memref_slice %arg2[%dma_start3A_7, %dma_start3A_8] : memref<10000x128xf32, #tpu.memory_space<hbm>> -> memref<10000x128xf32, #tpu.memory_space<hbm>>
    tpu.enqueue_indirect_dma source(%dma_start3A_9 : memref<10000x128xf32, #tpu.memory_space<hbm>>) target(%arg9 : memref<80x128xf32, #tpu.memory_space<vmem>>) offsets(%dma_start3A : memref<80xi32, #tpu.memory_space<vmem>>) semaphore(%arg12 : memref<!tpu.dma_semaphore, #tpu.memory_space<semaphore_mem>>)
    %scan3A_10 = arith.constant 0 : i32
    %scan3A_11 = arith.constant 0 : i32
    %scan3A_12 = arith.constant 62 : i32
    %scan3A_13 = arith.addi %scan3A_11, %scan3A_12 : i32
    %scan3A_14 = arith.constant 1 : i32
    scf.for %scan3A_30 = %scan3A_11 to %scan3A_13 step %scan3A_14  : i32 {
      %mul3A_31 = arith.constant 2 : i32
      %mul3A_32 = arith.muli %mul3A_31, %scan3A_30 : i32
      %add3A_33 = arith.constant 0 : i32
      %add3A_34 = arith.addi %mul3A_32, %add3A_33 : i32
      %mul3A_35 = arith.constant 80 : i32
      %mul3A_36 = arith.muli %add3A_34, %mul3A_35 : i32
      %multiple_of3A_37 = tpu.assume_multiple %mul3A_36, 80 : i32
      %dma_wait3A_38 = tpu.memref_slice %arg7[%multiple_of3A_37] : memref<10000xi32, #tpu.memory_space<vmem>> -> memref<80xi32, #tpu.memory_space<vmem>>
      %dma_wait3A_39 = arith.constant 0 : i32
      %dma_wait3A_40 = arith.constant 0 : i32
      %dma_wait3A_41 = tpu.memref_slice %arg2[%dma_wait3A_39, %dma_wait3A_40] : memref<10000x128xf32, #tpu.memory_space<hbm>> -> memref<10000x128xf32, #tpu.memory_space<hbm>>
      tpu.wait_indirect_dma semaphore(%arg12 : memref<!tpu.dma_semaphore, #tpu.memory_space<semaphore_mem>>) src(%dma_wait3A_41 : memref<10000x128xf32, #tpu.memory_space<hbm>>) dst(%arg9 : memref<80x128xf32, #tpu.memory_space<vmem>>)
      %add3A_42 = arith.constant 1 : i32
      %add3A_43 = arith.addi %add3A_34, %add3A_42 : i32
      %lt3A = arith.constant 125 : i32
      %lt3A_44 = arith.cmpi slt, %add3A_43, %lt3A : i32
      %convert_element_type3A = arith.extui %lt3A_44 : i1 to i32
      %cond3A = arith.constant 0 : i32
      %cond3A_45 = arith.cmpi ne, %convert_element_type3A, %cond3A : i32
      scf.if %cond3A_45 {
        %add3A_70 = arith.constant 1 : i32
        %add3A_71 = arith.addi %add3A_34, %add3A_70 : i32
        %mul3A_72 = arith.constant 80 : i32
        %mul3A_73 = arith.muli %add3A_71, %mul3A_72 : i32
        %multiple_of3A_74 = tpu.assume_multiple %mul3A_73, 80 : i32
        %dma_start3A_75 = tpu.memref_slice %arg7[%multiple_of3A_74] : memref<10000xi32, #tpu.memory_space<vmem>> -> memref<80xi32, #tpu.memory_space<vmem>>
        %dma_start3A_76 = arith.constant 0 : i32
        %dma_start3A_77 = arith.constant 0 : i32
        %dma_start3A_78 = tpu.memref_slice %arg2[%dma_start3A_76, %dma_start3A_77] : memref<10000x128xf32, #tpu.memory_space<hbm>> -> memref<10000x128xf32, #tpu.memory_space<hbm>>
        tpu.enqueue_indirect_dma source(%dma_start3A_78 : memref<10000x128xf32, #tpu.memory_space<hbm>>) target(%arg10 : memref<80x128xf32, #tpu.memory_space<vmem>>) offsets(%dma_start3A_75 : memref<80xi32, #tpu.memory_space<vmem>>) semaphore(%arg13 : memref<!tpu.dma_semaphore, #tpu.memory_space<semaphore_mem>>)
      } else {
      }
      %mul3A_46 = arith.constant 80 : i32
      %mul3A_47 = arith.muli %add3A_34, %mul3A_46 : i32
      %multiple_of3A_48 = tpu.assume_multiple %mul3A_47, 80 : i32
      "tpu.region"() ({
        %run_scoped3A = tpu.sem_alloc : memref<!tpu.dma_semaphore, #tpu.memory_space<semaphore_mem>>
        %dma_start3A_70 = tpu.memref_slice %arg8[%multiple_of3A_48] : memref<10000xi32, #tpu.memory_space<vmem>> -> memref<80xi32, #tpu.memory_space<vmem>>
        %dma_start3A_71 = arith.constant 0 : i32
        %dma_start3A_72 = arith.constant 0 : i32
        %dma_start3A_73 = tpu.memref_slice %arg11[%dma_start3A_71, %dma_start3A_72] : memref<10000x128xf32, #tpu.memory_space<vmem_shared>> -> memref<10000x128xf32, #tpu.memory_space<vmem_shared>>
        tpu.enqueue_indirect_dma source(%arg9 : memref<80x128xf32, #tpu.memory_space<vmem>>) target(%dma_start3A_73 : memref<10000x128xf32, #tpu.memory_space<vmem_shared>>) offsets(%dma_start3A_70 : memref<80xi32, #tpu.memory_space<vmem>>) semaphore(%run_scoped3A : memref<!tpu.dma_semaphore, #tpu.memory_space<semaphore_mem>>) {add = true}
        %dma_wait3A_74 = tpu.memref_slice %arg8[%multiple_of3A_48] : memref<10000xi32, #tpu.memory_space<vmem>> -> memref<80xi32, #tpu.memory_space<vmem>>
        %dma_wait3A_75 = arith.constant 0 : i32
        %dma_wait3A_76 = arith.constant 0 : i32
        %dma_wait3A_77 = tpu.memref_slice %arg11[%dma_wait3A_75, %dma_wait3A_76] : memref<10000x128xf32, #tpu.memory_space<vmem_shared>> -> memref<10000x128xf32, #tpu.memory_space<vmem_shared>>
        tpu.wait_indirect_dma semaphore(%run_scoped3A : memref<!tpu.dma_semaphore, #tpu.memory_space<semaphore_mem>>) src(%arg9 : memref<80x128xf32, #tpu.memory_space<vmem>>) dst(%dma_wait3A_77 : memref<10000x128xf32, #tpu.memory_space<vmem_shared>>)
        tpu.yield
      }) : () -> ()
      %mul3A_49 = arith.constant 2 : i32
      %mul3A_50 = arith.muli %mul3A_49, %scan3A_30 : i32
      %add3A_51 = arith.constant 1 : i32
      %add3A_52 = arith.addi %mul3A_50, %add3A_51 : i32
      %mul3A_53 = arith.constant 80 : i32
      %mul3A_54 = arith.muli %add3A_52, %mul3A_53 : i32
      %multiple_of3A_55 = tpu.assume_multiple %mul3A_54, 80 : i32
      %dma_wait3A_56 = tpu.memref_slice %arg7[%multiple_of3A_55] : memref<10000xi32, #tpu.memory_space<vmem>> -> memref<80xi32, #tpu.memory_space<vmem>>
      %dma_wait3A_57 = arith.constant 0 : i32
      %dma_wait3A_58 = arith.constant 0 : i32
      %dma_wait3A_59 = tpu.memref_slice %arg2[%dma_wait3A_57, %dma_wait3A_58] : memref<10000x128xf32, #tpu.memory_space<hbm>> -> memref<10000x128xf32, #tpu.memory_space<hbm>>
      tpu.wait_indirect_dma semaphore(%arg13 : memref<!tpu.dma_semaphore, #tpu.memory_space<semaphore_mem>>) src(%dma_wait3A_59 : memref<10000x128xf32, #tpu.memory_space<hbm>>) dst(%arg10 : memref<80x128xf32, #tpu.memory_space<vmem>>)
      %add3A_60 = arith.constant 1 : i32
      %add3A_61 = arith.addi %add3A_52, %add3A_60 : i32
      %lt3A_62 = arith.constant 125 : i32
      %lt3A_63 = arith.cmpi slt, %add3A_61, %lt3A_62 : i32
      %convert_element_type3A_64 = arith.extui %lt3A_63 : i1 to i32
      %cond3A_65 = arith.constant 0 : i32
      %cond3A_66 = arith.cmpi ne, %convert_element_type3A_64, %cond3A_65 : i32
      scf.if %cond3A_66 {
        %add3A_70 = arith.constant 1 : i32
        %add3A_71 = arith.addi %add3A_52, %add3A_70 : i32
        %mul3A_72 = arith.constant 80 : i32
        %mul3A_73 = arith.muli %add3A_71, %mul3A_72 : i32
        %multiple_of3A_74 = tpu.assume_multiple %mul3A_73, 80 : i32
        %dma_start3A_75 = tpu.memref_slice %arg7[%multiple_of3A_74] : memref<10000xi32, #tpu.memory_space<vmem>> -> memref<80xi32, #tpu.memory_space<vmem>>
        %dma_start3A_76 = arith.constant 0 : i32
        %dma_start3A_77 = arith.constant 0 : i32
        %dma_start3A_78 = tpu.memref_slice %arg2[%dma_start3A_76, %dma_start3A_77] : memref<10000x128xf32, #tpu.memory_space<hbm>> -> memref<10000x128xf32, #tpu.memory_space<hbm>>
        tpu.enqueue_indirect_dma source(%dma_start3A_78 : memref<10000x128xf32, #tpu.memory_space<hbm>>) target(%arg9 : memref<80x128xf32, #tpu.memory_space<vmem>>) offsets(%dma_start3A_75 : memref<80xi32, #tpu.memory_space<vmem>>) semaphore(%arg12 : memref<!tpu.dma_semaphore, #tpu.memory_space<semaphore_mem>>)
      } else {
      }
      %mul3A_67 = arith.constant 80 : i32
      %mul3A_68 = arith.muli %add3A_52, %mul3A_67 : i32
      %multiple_of3A_69 = tpu.assume_multiple %mul3A_68, 80 : i32
      "tpu.region"() ({
        %run_scoped3A = tpu.sem_alloc : memref<!tpu.dma_semaphore, #tpu.memory_space<semaphore_mem>>
        %dma_start3A_70 = tpu.memref_slice %arg8[%multiple_of3A_69] : memref<10000xi32, #tpu.memory_space<vmem>> -> memref<80xi32, #tpu.memory_space<vmem>>
        %dma_start3A_71 = arith.constant 0 : i32
        %dma_start3A_72 = arith.constant 0 : i32
        %dma_start3A_73 = tpu.memref_slice %arg11[%dma_start3A_71, %dma_start3A_72] : memref<10000x128xf32, #tpu.memory_space<vmem_shared>> -> memref<10000x128xf32, #tpu.memory_space<vmem_shared>>
        tpu.enqueue_indirect_dma source(%arg10 : memref<80x128xf32, #tpu.memory_space<vmem>>) target(%dma_start3A_73 : memref<10000x128xf32, #tpu.memory_space<vmem_shared>>) offsets(%dma_start3A_70 : memref<80xi32, #tpu.memory_space<vmem>>) semaphore(%run_scoped3A : memref<!tpu.dma_semaphore, #tpu.memory_space<semaphore_mem>>) {add = true}
        %dma_wait3A_74 = tpu.memref_slice %arg8[%multiple_of3A_69] : memref<10000xi32, #tpu.memory_space<vmem>> -> memref<80xi32, #tpu.memory_space<vmem>>
        %dma_wait3A_75 = arith.constant 0 : i32
        %dma_wait3A_76 = arith.constant 0 : i32
        %dma_wait3A_77 = tpu.memref_slice %arg11[%dma_wait3A_75, %dma_wait3A_76] : memref<10000x128xf32, #tpu.memory_space<vmem_shared>> -> memref<10000x128xf32, #tpu.memory_space<vmem_shared>>
        tpu.wait_indirect_dma semaphore(%run_scoped3A : memref<!tpu.dma_semaphore, #tpu.memory_space<semaphore_mem>>) src(%arg10 : memref<80x128xf32, #tpu.memory_space<vmem>>) dst(%dma_wait3A_77 : memref<10000x128xf32, #tpu.memory_space<vmem_shared>>)
        tpu.yield
      }) : () -> ()
    }
    %scan3A_15 = arith.constant 62 : i32
    %multiple_of3A_16 = arith.constant 9920 : i32
    %multiple_of3A_17 = tpu.assume_multiple %multiple_of3A_16, 80 : i32
    %dma_wait3A = tpu.memref_slice %arg7[%multiple_of3A_17] : memref<10000xi32, #tpu.memory_space<vmem>> -> memref<80xi32, #tpu.memory_space<vmem>>
    %dma_wait3A_18 = arith.constant 0 : i32
    %dma_wait3A_19 = arith.constant 0 : i32
    %dma_wait3A_20 = tpu.memref_slice %arg2[%dma_wait3A_18, %dma_wait3A_19] : memref<10000x128xf32, #tpu.memory_space<hbm>> -> memref<10000x128xf32, #tpu.memory_space<hbm>>
    tpu.wait_indirect_dma semaphore(%arg12 : memref<!tpu.dma_semaphore, #tpu.memory_space<semaphore_mem>>) src(%dma_wait3A_20 : memref<10000x128xf32, #tpu.memory_space<hbm>>) dst(%arg9 : memref<80x128xf32, #tpu.memory_space<vmem>>)
    %multiple_of3A_21 = arith.constant 9920 : i32
    %multiple_of3A_22 = tpu.assume_multiple %multiple_of3A_21, 80 : i32
    "tpu.region"() ({
      %run_scoped3A = tpu.sem_alloc : memref<!tpu.dma_semaphore, #tpu.memory_space<semaphore_mem>>
      %dma_start3A_30 = tpu.memref_slice %arg8[%multiple_of3A_22] : memref<10000xi32, #tpu.memory_space<vmem>> -> memref<80xi32, #tpu.memory_space<vmem>>
      %dma_start3A_31 = arith.constant 0 : i32
      %dma_start3A_32 = arith.constant 0 : i32
      %dma_start3A_33 = tpu.memref_slice %arg11[%dma_start3A_31, %dma_start3A_32] : memref<10000x128xf32, #tpu.memory_space<vmem_shared>> -> memref<10000x128xf32, #tpu.memory_space<vmem_shared>>
      tpu.enqueue_indirect_dma source(%arg9 : memref<80x128xf32, #tpu.memory_space<vmem>>) target(%dma_start3A_33 : memref<10000x128xf32, #tpu.memory_space<vmem_shared>>) offsets(%dma_start3A_30 : memref<80xi32, #tpu.memory_space<vmem>>) semaphore(%run_scoped3A : memref<!tpu.dma_semaphore, #tpu.memory_space<semaphore_mem>>) {add = true}
      %dma_wait3A_34 = tpu.memref_slice %arg8[%multiple_of3A_22] : memref<10000xi32, #tpu.memory_space<vmem>> -> memref<80xi32, #tpu.memory_space<vmem>>
      %dma_wait3A_35 = arith.constant 0 : i32
      %dma_wait3A_36 = arith.constant 0 : i32
      %dma_wait3A_37 = tpu.memref_slice %arg11[%dma_wait3A_35, %dma_wait3A_36] : memref<10000x128xf32, #tpu.memory_space<vmem_shared>> -> memref<10000x128xf32, #tpu.memory_space<vmem_shared>>
      tpu.wait_indirect_dma semaphore(%run_scoped3A : memref<!tpu.dma_semaphore, #tpu.memory_space<semaphore_mem>>) src(%arg9 : memref<80x128xf32, #tpu.memory_space<vmem>>) dst(%dma_wait3A_37 : memref<10000x128xf32, #tpu.memory_space<vmem_shared>>)
      tpu.yield
    }) : () -> ()
    %barrier3A_23 = arith.constant 0 : index
    tpu.barrier barrier_id(%barrier3A_23)
    %scan3A_24 = arith.constant 0 : i32
    %scan3A_25 = arith.constant 0 : i32
    %scan3A_26 = arith.constant 8 : i32
    %scan3A_27 = arith.addi %scan3A_25, %scan3A_26 : i32
    %scan3A_28 = arith.constant 1 : i32
    scf.for %scan3A_30 = %scan3A_25 to %scan3A_27 step %scan3A_28  : i32 {
      %mul3A_31 = arith.constant 16 : i32
      %mul3A_32 = arith.muli %scan3A_30, %mul3A_31 : i32
      %add3A_33 = arith.addi %arg1, %mul3A_32 : i32
      %lt3A = arith.constant 125 : i32
      %lt3A_34 = arith.cmpi slt, %add3A_33, %lt3A : i32
      %convert_element_type3A = arith.extui %lt3A_34 : i1 to i32
      %cond3A = arith.constant 0 : i32
      %cond3A_35 = arith.cmpi ne, %convert_element_type3A, %cond3A : i32
      scf.if %cond3A_35 {
        %mul3A_36 = arith.constant 80 : i32
        %mul3A_37 = arith.muli %add3A_33, %mul3A_36 : i32
        %multiple_of3A_38 = tpu.assume_multiple %mul3A_37, 80 : i32
        "tpu.region"() ({
          %run_scoped3A = tpu.sem_alloc : memref<!tpu.dma_semaphore, #tpu.memory_space<semaphore_mem>>
          %dma_start3A_39 = arith.constant 0 : i32
          %dma_start3A_40 = arith.constant 0 : i32
          %dma_start3A_41 = tpu.memref_slice %arg9[%dma_start3A_39, %dma_start3A_40] : memref<80x128xf32, #tpu.memory_space<vmem>> -> memref<80x128xf32, #tpu.memory_space<vmem>>
          %dma_start3A_42 = arith.constant 0 : i32
          %dma_start3A_43 = tpu.memref_slice %arg11[%multiple_of3A_38, %dma_start3A_42] : memref<10000x128xf32, #tpu.memory_space<vmem_shared>> -> memref<80x128xf32, #tpu.memory_space<vmem_shared>>
          %dma_start3A_44 = arith.constant 0 : i32
          %dma_start3A_45 = arith.constant 0 : i32
          %dma_start3A_46 = tpu.memref_slice %arg9[%dma_start3A_44, %dma_start3A_45] : memref<80x128xf32, #tpu.memory_space<vmem>> -> memref<80x128xf32, #tpu.memory_space<vmem>>
          %dma_start3A_47 = arith.constant 0 : i32
          %dma_start3A_48 = tpu.memref_slice %arg11[%multiple_of3A_38, %dma_start3A_47] : memref<10000x128xf32, #tpu.memory_space<vmem_shared>> -> memref<80x128xf32, #tpu.memory_space<vmem_shared>>
          tpu.enqueue_dma source(%dma_start3A_48 : memref<80x128xf32, #tpu.memory_space<vmem_shared>>) target(%dma_start3A_46 : memref<80x128xf32, #tpu.memory_space<vmem>>) target_semaphore(%run_scoped3A : memref<!tpu.dma_semaphore, #tpu.memory_space<semaphore_mem>>)
          %dma_wait3A_49 = arith.constant 0 : i32
          %dma_wait3A_50 = arith.constant 0 : i32
          %dma_wait3A_51 = tpu.memref_slice %arg9[%dma_wait3A_49, %dma_wait3A_50] : memref<80x128xf32, #tpu.memory_space<vmem>> -> memref<80x128xf32, #tpu.memory_space<vmem>>
          %dma_wait3A_52 = arith.constant 0 : i32
          %dma_wait3A_53 = tpu.memref_slice %arg11[%multiple_of3A_38, %dma_wait3A_52] : memref<10000x128xf32, #tpu.memory_space<vmem_shared>> -> memref<80x128xf32, #tpu.memory_space<vmem_shared>>
          %dma_wait3A_54 = arith.constant 0 : i32
          %dma_wait3A_55 = arith.constant 0 : i32
          %dma_wait3A_56 = tpu.memref_slice %arg9[%dma_wait3A_54, %dma_wait3A_55] : memref<80x128xf32, #tpu.memory_space<vmem>> -> memref<80x128xf32, #tpu.memory_space<vmem>>
          %dma_wait3A_57 = arith.constant 0 : i32
          %dma_wait3A_58 = tpu.memref_slice %arg11[%multiple_of3A_38, %dma_wait3A_57] : memref<10000x128xf32, #tpu.memory_space<vmem_shared>> -> memref<80x128xf32, #tpu.memory_space<vmem_shared>>
          tpu.wait_dma2 semaphore(%run_scoped3A : memref<!tpu.dma_semaphore, #tpu.memory_space<semaphore_mem>>) src(%dma_wait3A_58 : memref<80x128xf32, #tpu.memory_space<vmem_shared>>) dst(%dma_wait3A_56 : memref<80x128xf32, #tpu.memory_space<vmem>>)
          tpu.yield
        }) : () -> ()
        "tpu.region"() ({
          %run_scoped3A = tpu.sem_alloc : memref<!tpu.dma_semaphore, #tpu.memory_space<semaphore_mem>>
          %dma_start3A_39 = arith.constant 0 : i32
          %dma_start3A_40 = arith.constant 0 : i32
          %dma_start3A_41 = tpu.memref_slice %arg9[%dma_start3A_39, %dma_start3A_40] : memref<80x128xf32, #tpu.memory_space<vmem>> -> memref<80x128xf32, #tpu.memory_space<vmem>>
          %dma_start3A_42 = arith.constant 0 : i32
          %dma_start3A_43 = tpu.memref_slice %arg6[%arg0, %multiple_of3A_38, %dma_start3A_42] : memref<2x10000x128xf32, #tpu.memory_space<hbm>> -> memref<1x80x128xf32, #tpu.memory_space<hbm>>
          %dma_start3A_44 = tpu.memref_squeeze %dma_start3A_43 : memref<1x80x128xf32, #tpu.memory_space<hbm>> -> memref<80x128xf32, #tpu.memory_space<hbm>>
          %dma_start3A_45 = arith.constant 0 : i32
          %dma_start3A_46 = tpu.memref_slice %arg6[%arg0, %multiple_of3A_38, %dma_start3A_45] : memref<2x10000x128xf32, #tpu.memory_space<hbm>> -> memref<1x80x128xf32, #tpu.memory_space<hbm>>
          %dma_start3A_47 = tpu.memref_squeeze %dma_start3A_46 : memref<1x80x128xf32, #tpu.memory_space<hbm>> -> memref<80x128xf32, #tpu.memory_space<hbm>>
          %dma_start3A_48 = arith.constant 0 : i32
          %dma_start3A_49 = arith.constant 0 : i32
          %dma_start3A_50 = tpu.memref_slice %arg9[%dma_start3A_48, %dma_start3A_49] : memref<80x128xf32, #tpu.memory_space<vmem>> -> memref<80x128xf32, #tpu.memory_space<vmem>>
          tpu.enqueue_dma source(%dma_start3A_50 : memref<80x128xf32, #tpu.memory_space<vmem>>) target(%dma_start3A_47 : memref<80x128xf32, #tpu.memory_space<hbm>>) target_semaphore(%run_scoped3A : memref<!tpu.dma_semaphore, #tpu.memory_space<semaphore_mem>>)
          %dma_wait3A_51 = arith.constant 0 : i32
          %dma_wait3A_52 = arith.constant 0 : i32
          %dma_wait3A_53 = tpu.memref_slice %arg9[%dma_wait3A_51, %dma_wait3A_52] : memref<80x128xf32, #tpu.memory_space<vmem>> -> memref<80x128xf32, #tpu.memory_space<vmem>>
          %dma_wait3A_54 = arith.constant 0 : i32
          %dma_wait3A_55 = tpu.memref_slice %arg6[%arg0, %multiple_of3A_38, %dma_wait3A_54] : memref<2x10000x128xf32, #tpu.memory_space<hbm>> -> memref<1x80x128xf32, #tpu.memory_space<hbm>>
          %dma_wait3A_56 = tpu.memref_squeeze %dma_wait3A_55 : memref<1x80x128xf32, #tpu.memory_space<hbm>> -> memref<80x128xf32, #tpu.memory_space<hbm>>
          %dma_wait3A_57 = arith.constant 0 : i32
          %dma_wait3A_58 = tpu.memref_slice %arg6[%arg0, %multiple_of3A_38, %dma_wait3A_57] : memref<2x10000x128xf32, #tpu.memory_space<hbm>> -> memref<1x80x128xf32, #tpu.memory_space<hbm>>
          %dma_wait3A_59 = tpu.memref_squeeze %dma_wait3A_58 : memref<1x80x128xf32, #tpu.memory_space<hbm>> -> memref<80x128xf32, #tpu.memory_space<hbm>>
          %dma_wait3A_60 = arith.constant 0 : i32
          %dma_wait3A_61 = arith.constant 0 : i32
          %dma_wait3A_62 = tpu.memref_slice %arg9[%dma_wait3A_60, %dma_wait3A_61] : memref<80x128xf32, #tpu.memory_space<vmem>> -> memref<80x128xf32, #tpu.memory_space<vmem>>
          tpu.wait_dma2 semaphore(%run_scoped3A : memref<!tpu.dma_semaphore, #tpu.memory_space<semaphore_mem>>) src(%dma_wait3A_62 : memref<80x128xf32, #tpu.memory_space<vmem>>) dst(%dma_wait3A_59 : memref<80x128xf32, #tpu.memory_space<hbm>>)
          tpu.yield
        }) : () -> ()
      } else {
      }
    }
    %scan3A_29 = arith.constant 8 : i32
    return
  }
}

#map = affine_map<(d0, d1) -> (0, 0)>
#map1 = affine_map<(d0, d1) -> (0, 0, 0)>
module attributes {stable_mosaic.version = 14 : i64} {
  func.func @body(%arg0: i32, %arg1: i32, %arg2: memref<10000x128xf32, #tpu.memory_space<hbm>>, %arg3: memref<32x10000xi32, #tpu.memory_space<hbm>>, %arg4: memref<32x10000xi32, #tpu.memory_space<hbm>>, %arg5: memref<80x128xf32, #tpu.memory_space<hbm>>, %arg6: memref<2x10000x128xf32, #tpu.memory_space<hbm>>, %arg7: memref<10000xi32, #tpu.memory_space<vmem>>, %arg8: memref<10000xi32, #tpu.memory_space<vmem>>, %arg9: memref<80x128xf32, #tpu.memory_space<vmem>>, %arg10: memref<80x128xf32, #tpu.memory_space<vmem>>, %arg11: memref<10000x128xf32, #tpu.memory_space<vmem_shared>>, %arg12: memref<!tpu.dma_semaphore, #tpu.memory_space<semaphore_mem>>, %arg13: memref<!tpu.dma_semaphore, #tpu.memory_space<semaphore_mem>>, %arg14: memref<!tpu.dma_semaphore, #tpu.memory_space<semaphore_mem>>, %arg15: memref<!tpu.dma_semaphore, #tpu.memory_space<semaphore_mem>>) attributes {dimension_semantics = [#tpu.dimension_semantics<core_parallel>, #tpu.dimension_semantics<subcore_parallel>], iteration_bounds = array<i64: 2, 16>, scalar_prefetch = 0 : i64, scratch_operands = 9 : i64, tpu.core_type = #tpu.core_type<sc_vector_subcore>, window_params = [{transform_indices = #map}, {transform_indices = #map}, {transform_indices = #map}, {transform_indices = #map}, {transform_indices = #map1}]} {
    %mul3A = arith.constant 2 : i32
    %mul3A_0 = arith.muli %arg1, %mul3A : i32
    %add3A = arith.addi %mul3A_0, %arg0 : i32
    "tpu.region"() ({
      %run_scoped3A = tpu.sem_alloc : memref<!tpu.dma_semaphore, #tpu.memory_space<semaphore_mem>>
      %dma_start3A_30 = arith.constant 0 : i32
      %dma_start3A_31 = arith.constant 0 : i32
      %dma_start3A_32 = tpu.memref_slice %arg9[%dma_start3A_30, %dma_start3A_31] : memref<80x128xf32, #tpu.memory_space<vmem>> -> memref<80x128xf32, #tpu.memory_space<vmem>>
      %dma_start3A_33 = arith.constant 0 : i32
      %dma_start3A_34 = arith.constant 0 : i32
      %dma_start3A_35 = tpu.memref_slice %arg9[%dma_start3A_33, %dma_start3A_34] : memref<80x128xf32, #tpu.memory_space<vmem>> -> memref<80x128xf32, #tpu.memory_space<vmem>>
      tpu.enqueue_dma source(%arg5 : memref<80x128xf32, #tpu.memory_space<hbm>>) target(%dma_start3A_35 : memref<80x128xf32, #tpu.memory_space<vmem>>) target_semaphore(%run_scoped3A : memref<!tpu.dma_semaphore, #tpu.memory_space<semaphore_mem>>)
      %dma_wait3A_36 = arith.constant 0 : i32
      %dma_wait3A_37 = arith.constant 0 : i32
      %dma_wait3A_38 = tpu.memref_slice %arg9[%dma_wait3A_36, %dma_wait3A_37] : memref<80x128xf32, #tpu.memory_space<vmem>> -> memref<80x128xf32, #tpu.memory_space<vmem>>
      %dma_wait3A_39 = arith.constant 0 : i32
      %dma_wait3A_40 = arith.constant 0 : i32
      %dma_wait3A_41 = tpu.memref_slice %arg9[%dma_wait3A_39, %dma_wait3A_40] : memref<80x128xf32, #tpu.memory_space<vmem>> -> memref<80x128xf32, #tpu.memory_space<vmem>>
      tpu.wait_dma2 semaphore(%run_scoped3A : memref<!tpu.dma_semaphore, #tpu.memory_space<semaphore_mem>>) src(%arg5 : memref<80x128xf32, #tpu.memory_space<hbm>>) dst(%dma_wait3A_41 : memref<80x128xf32, #tpu.memory_space<vmem>>)
      tpu.yield
    }) : () -> ()
    %scan3A = arith.constant 0 : i32
    %scan3A_1 = arith.constant 0 : i32
    %scan3A_2 = arith.constant 8 : i32
    %scan3A_3 = arith.addi %scan3A_1, %scan3A_2 : i32
    %scan3A_4 = arith.constant 1 : i32
    scf.for %scan3A_30 = %scan3A_1 to %scan3A_3 step %scan3A_4  : i32 {
      %mul3A_31 = arith.constant 16 : i32
      %mul3A_32 = arith.muli %scan3A_30, %mul3A_31 : i32
      %add3A_33 = arith.addi %arg1, %mul3A_32 : i32
      %lt3A = arith.constant 125 : i32
      %lt3A_34 = arith.cmpi slt, %add3A_33, %lt3A : i32
      %convert_element_type3A = arith.extui %lt3A_34 : i1 to i32
      %cond3A = arith.constant 0 : i32
      %cond3A_35 = arith.cmpi ne, %convert_element_type3A, %cond3A : i32
      scf.if %cond3A_35 {
        %mul3A_36 = arith.constant 80 : i32
        %mul3A_37 = arith.muli %add3A_33, %mul3A_36 : i32
        %multiple_of3A_38 = tpu.assume_multiple %mul3A_37, 80 : i32
        "tpu.region"() ({
          %run_scoped3A = tpu.sem_alloc : memref<!tpu.dma_semaphore, #tpu.memory_space<semaphore_mem>>
          %dma_start3A_39 = arith.constant 0 : i32
          %dma_start3A_40 = arith.constant 0 : i32
          %dma_start3A_41 = tpu.memref_slice %arg9[%dma_start3A_39, %dma_start3A_40] : memref<80x128xf32, #tpu.memory_space<vmem>> -> memref<80x128xf32, #tpu.memory_space<vmem>>
          %dma_start3A_42 = arith.constant 0 : i32
          %dma_start3A_43 = tpu.memref_slice %arg11[%multiple_of3A_38, %dma_start3A_42] : memref<10000x128xf32, #tpu.memory_space<vmem_shared>> -> memref<80x128xf32, #tpu.memory_space<vmem_shared>>
          %dma_start3A_44 = arith.constant 0 : i32
          %dma_start3A_45 = tpu.memref_slice %arg11[%multiple_of3A_38, %dma_start3A_44] : memref<10000x128xf32, #tpu.memory_space<vmem_shared>> -> memref<80x128xf32, #tpu.memory_space<vmem_shared>>
          %dma_start3A_46 = arith.constant 0 : i32
          %dma_start3A_47 = arith.constant 0 : i32
          %dma_start3A_48 = tpu.memref_slice %arg9[%dma_start3A_46, %dma_start3A_47] : memref<80x128xf32, #tpu.memory_space<vmem>> -> memref<80x128xf32, #tpu.memory_space<vmem>>
          tpu.enqueue_dma source(%dma_start3A_48 : memref<80x128xf32, #tpu.memory_space<vmem>>) target(%dma_start3A_45 : memref<80x128xf32, #tpu.memory_space<vmem_shared>>) target_semaphore(%run_scoped3A : memref<!tpu.dma_semaphore, #tpu.memory_space<semaphore_mem>>)
          %dma_wait3A_49 = arith.constant 0 : i32
          %dma_wait3A_50 = arith.constant 0 : i32
          %dma_wait3A_51 = tpu.memref_slice %arg9[%dma_wait3A_49, %dma_wait3A_50] : memref<80x128xf32, #tpu.memory_space<vmem>> -> memref<80x128xf32, #tpu.memory_space<vmem>>
          %dma_wait3A_52 = arith.constant 0 : i32
          %dma_wait3A_53 = tpu.memref_slice %arg11[%multiple_of3A_38, %dma_wait3A_52] : memref<10000x128xf32, #tpu.memory_space<vmem_shared>> -> memref<80x128xf32, #tpu.memory_space<vmem_shared>>
          %dma_wait3A_54 = arith.constant 0 : i32
          %dma_wait3A_55 = tpu.memref_slice %arg11[%multiple_of3A_38, %dma_wait3A_54] : memref<10000x128xf32, #tpu.memory_space<vmem_shared>> -> memref<80x128xf32, #tpu.memory_space<vmem_shared>>
          %dma_wait3A_56 = arith.constant 0 : i32
          %dma_wait3A_57 = arith.constant 0 : i32
          %dma_wait3A_58 = tpu.memref_slice %arg9[%dma_wait3A_56, %dma_wait3A_57] : memref<80x128xf32, #tpu.memory_space<vmem>> -> memref<80x128xf32, #tpu.memory_space<vmem>>
          tpu.wait_dma2 semaphore(%run_scoped3A : memref<!tpu.dma_semaphore, #tpu.memory_space<semaphore_mem>>) src(%dma_wait3A_58 : memref<80x128xf32, #tpu.memory_space<vmem>>) dst(%dma_wait3A_55 : memref<80x128xf32, #tpu.memory_space<vmem_shared>>)
          tpu.yield
        }) : () -> ()
      } else {
      }
    }
    %scan3A_5 = arith.constant 8 : i32
    %barrier3A = arith.constant 0 : index
    tpu.barrier barrier_id(%barrier3A)
    "tpu.region"() ({
      %run_scoped3A = tpu.sem_alloc : memref<!tpu.dma_semaphore, #tpu.memory_space<semaphore_mem>>
      %dma_start3A_30 = arith.constant 0 : i32
      %dma_start3A_31 = tpu.memref_slice %arg3[%add3A, %dma_start3A_30] : memref<32x10000xi32, #tpu.memory_space<hbm>> -> memref<1x10000xi32, #tpu.memory_space<hbm>>
      %dma_start3A_32 = tpu.memref_squeeze %dma_start3A_31 : memref<1x10000xi32, #tpu.memory_space<hbm>> -> memref<10000xi32, #tpu.memory_space<hbm>>
      %dma_start3A_33 = arith.constant 0 : i32
      %dma_start3A_34 = tpu.memref_slice %arg3[%add3A, %dma_start3A_33] : memref<32x10000xi32, #tpu.memory_space<hbm>> -> memref<1x10000xi32, #tpu.memory_space<hbm>>
      %dma_start3A_35 = tpu.memref_squeeze %dma_start3A_34 : memref<1x10000xi32, #tpu.memory_space<hbm>> -> memref<10000xi32, #tpu.memory_space<hbm>>
      tpu.enqueue_dma source(%dma_start3A_35 : memref<10000xi32, #tpu.memory_space<hbm>>) target(%arg7 : memref<10000xi32, #tpu.memory_space<vmem>>) target_semaphore(%run_scoped3A : memref<!tpu.dma_semaphore, #tpu.memory_space<semaphore_mem>>)
      %dma_wait3A_36 = arith.constant 0 : i32
      %dma_wait3A_37 = tpu.memref_slice %arg3[%add3A, %dma_wait3A_36] : memref<32x10000xi32, #tpu.memory_space<hbm>> -> memref<1x10000xi32, #tpu.memory_space<hbm>>
      %dma_wait3A_38 = tpu.memref_squeeze %dma_wait3A_37 : memref<1x10000xi32, #tpu.memory_space<hbm>> -> memref<10000xi32, #tpu.memory_space<hbm>>
      %dma_wait3A_39 = arith.constant 0 : i32
      %dma_wait3A_40 = tpu.memref_slice %arg3[%add3A, %dma_wait3A_39] : memref<32x10000xi32, #tpu.memory_space<hbm>> -> memref<1x10000xi32, #tpu.memory_space<hbm>>
      %dma_wait3A_41 = tpu.memref_squeeze %dma_wait3A_40 : memref<1x10000xi32, #tpu.memory_space<hbm>> -> memref<10000xi32, #tpu.memory_space<hbm>>
      tpu.wait_dma2 semaphore(%run_scoped3A : memref<!tpu.dma_semaphore, #tpu.memory_space<semaphore_mem>>) src(%dma_wait3A_41 : memref<10000xi32, #tpu.memory_space<hbm>>) dst(%arg7 : memref<10000xi32, #tpu.memory_space<vmem>>)
      tpu.yield
    }) : () -> ()
    "tpu.region"() ({
      %run_scoped3A = tpu.sem_alloc : memref<!tpu.dma_semaphore, #tpu.memory_space<semaphore_mem>>
      %dma_start3A_30 = arith.constant 0 : i32
      %dma_start3A_31 = tpu.memref_slice %arg4[%add3A, %dma_start3A_30] : memref<32x10000xi32, #tpu.memory_space<hbm>> -> memref<1x10000xi32, #tpu.memory_space<hbm>>
      %dma_start3A_32 = tpu.memref_squeeze %dma_start3A_31 : memref<1x10000xi32, #tpu.memory_space<hbm>> -> memref<10000xi32, #tpu.memory_space<hbm>>
      %dma_start3A_33 = arith.constant 0 : i32
      %dma_start3A_34 = tpu.memref_slice %arg4[%add3A, %dma_start3A_33] : memref<32x10000xi32, #tpu.memory_space<hbm>> -> memref<1x10000xi32, #tpu.memory_space<hbm>>
      %dma_start3A_35 = tpu.memref_squeeze %dma_start3A_34 : memref<1x10000xi32, #tpu.memory_space<hbm>> -> memref<10000xi32, #tpu.memory_space<hbm>>
      tpu.enqueue_dma source(%dma_start3A_35 : memref<10000xi32, #tpu.memory_space<hbm>>) target(%arg8 : memref<10000xi32, #tpu.memory_space<vmem>>) target_semaphore(%run_scoped3A : memref<!tpu.dma_semaphore, #tpu.memory_space<semaphore_mem>>)
      %dma_wait3A_36 = arith.constant 0 : i32
      %dma_wait3A_37 = tpu.memref_slice %arg4[%add3A, %dma_wait3A_36] : memref<32x10000xi32, #tpu.memory_space<hbm>> -> memref<1x10000xi32, #tpu.memory_space<hbm>>
      %dma_wait3A_38 = tpu.memref_squeeze %dma_wait3A_37 : memref<1x10000xi32, #tpu.memory_space<hbm>> -> memref<10000xi32, #tpu.memory_space<hbm>>
      %dma_wait3A_39 = arith.constant 0 : i32
      %dma_wait3A_40 = tpu.memref_slice %arg4[%add3A, %dma_wait3A_39] : memref<32x10000xi32, #tpu.memory_space<hbm>> -> memref<1x10000xi32, #tpu.memory_space<hbm>>
      %dma_wait3A_41 = tpu.memref_squeeze %dma_wait3A_40 : memref<1x10000xi32, #tpu.memory_space<hbm>> -> memref<10000xi32, #tpu.memory_space<hbm>>
      tpu.wait_dma2 semaphore(%run_scoped3A : memref<!tpu.dma_semaphore, #tpu.memory_space<semaphore_mem>>) src(%dma_wait3A_41 : memref<10000xi32, #tpu.memory_space<hbm>>) dst(%arg8 : memref<10000xi32, #tpu.memory_space<vmem>>)
      tpu.yield
    }) : () -> ()
    %multiple_of3A = arith.constant 0 : i32
    %multiple_of3A_6 = tpu.assume_multiple %multiple_of3A, 80 : i32
    %dma_start3A = tpu.memref_slice %arg7[%multiple_of3A_6] : memref<10000xi32, #tpu.memory_space<vmem>> -> memref<80xi32, #tpu.memory_space<vmem>>
    %dma_start3A_7 = arith.constant 0 : i32
    %dma_start3A_8 = arith.constant 0 : i32
    %dma_start3A_9 = tpu.memref_slice %arg2[%dma_start3A_7, %dma_start3A_8] : memref<10000x128xf32, #tpu.memory_space<hbm>> -> memref<10000x128xf32, #tpu.memory_space<hbm>>
    tpu.enqueue_indirect_dma source(%dma_start3A_9 : memref<10000x128xf32, #tpu.memory_space<hbm>>) target(%arg9 : memref<80x128xf32, #tpu.memory_space<vmem>>) offsets(%dma_start3A : memref<80xi32, #tpu.memory_space<vmem>>) semaphore(%arg12 : memref<!tpu.dma_semaphore, #tpu.memory_space<semaphore_mem>>)
    %scan3A_10 = arith.constant 0 : i32
    %scan3A_11 = arith.constant 0 : i32
    %scan3A_12 = arith.constant 62 : i32
    %scan3A_13 = arith.addi %scan3A_11, %scan3A_12 : i32
    %scan3A_14 = arith.constant 1 : i32
    scf.for %scan3A_30 = %scan3A_11 to %scan3A_13 step %scan3A_14  : i32 {
      %mul3A_31 = arith.constant 2 : i32
      %mul3A_32 = arith.muli %mul3A_31, %scan3A_30 : i32
      %add3A_33 = arith.constant 0 : i32
      %add3A_34 = arith.addi %mul3A_32, %add3A_33 : i32
      %mul3A_35 = arith.constant 80 : i32
      %mul3A_36 = arith.muli %add3A_34, %mul3A_35 : i32
      %multiple_of3A_37 = tpu.assume_multiple %mul3A_36, 80 : i32
      %dma_wait3A_38 = tpu.memref_slice %arg7[%multiple_of3A_37] : memref<10000xi32, #tpu.memory_space<vmem>> -> memref<80xi32, #tpu.memory_space<vmem>>
      %dma_wait3A_39 = arith.constant 0 : i32
      %dma_wait3A_40 = arith.constant 0 : i32
      %dma_wait3A_41 = tpu.memref_slice %arg2[%dma_wait3A_39, %dma_wait3A_40] : memref<10000x128xf32, #tpu.memory_space<hbm>> -> memref<10000x128xf32, #tpu.memory_space<hbm>>
      tpu.wait_indirect_dma semaphore(%arg12 : memref<!tpu.dma_semaphore, #tpu.memory_space<semaphore_mem>>) src(%dma_wait3A_41 : memref<10000x128xf32, #tpu.memory_space<hbm>>) dst(%arg9 : memref<80x128xf32, #tpu.memory_space<vmem>>)
      %add3A_42 = arith.constant 1 : i32
      %add3A_43 = arith.addi %add3A_34, %add3A_42 : i32
      %lt3A = arith.constant 125 : i32
      %lt3A_44 = arith.cmpi slt, %add3A_43, %lt3A : i32
      %convert_element_type3A = arith.extui %lt3A_44 : i1 to i32
      %cond3A = arith.constant 0 : i32
      %cond3A_45 = arith.cmpi ne, %convert_element_type3A, %cond3A : i32
      scf.if %cond3A_45 {
        %add3A_70 = arith.constant 1 : i32
        %add3A_71 = arith.addi %add3A_34, %add3A_70 : i32
        %mul3A_72 = arith.constant 80 : i32
        %mul3A_73 = arith.muli %add3A_71, %mul3A_72 : i32
        %multiple_of3A_74 = tpu.assume_multiple %mul3A_73, 80 : i32
        %dma_start3A_75 = tpu.memref_slice %arg7[%multiple_of3A_74] : memref<10000xi32, #tpu.memory_space<vmem>> -> memref<80xi32, #tpu.memory_space<vmem>>
        %dma_start3A_76 = arith.constant 0 : i32
        %dma_start3A_77 = arith.constant 0 : i32
        %dma_start3A_78 = tpu.memref_slice %arg2[%dma_start3A_76, %dma_start3A_77] : memref<10000x128xf32, #tpu.memory_space<hbm>> -> memref<10000x128xf32, #tpu.memory_space<hbm>>
        tpu.enqueue_indirect_dma source(%dma_start3A_78 : memref<10000x128xf32, #tpu.memory_space<hbm>>) target(%arg10 : memref<80x128xf32, #tpu.memory_space<vmem>>) offsets(%dma_start3A_75 : memref<80xi32, #tpu.memory_space<vmem>>) semaphore(%arg13 : memref<!tpu.dma_semaphore, #tpu.memory_space<semaphore_mem>>)
      } else {
      }
      %mul3A_46 = arith.constant 80 : i32
      %mul3A_47 = arith.muli %add3A_34, %mul3A_46 : i32
      %multiple_of3A_48 = tpu.assume_multiple %mul3A_47, 80 : i32
      "tpu.region"() ({
        %run_scoped3A = tpu.sem_alloc : memref<!tpu.dma_semaphore, #tpu.memory_space<semaphore_mem>>
        %dma_start3A_70 = tpu.memref_slice %arg8[%multiple_of3A_48] : memref<10000xi32, #tpu.memory_space<vmem>> -> memref<80xi32, #tpu.memory_space<vmem>>
        %dma_start3A_71 = arith.constant 0 : i32
        %dma_start3A_72 = arith.constant 0 : i32
        %dma_start3A_73 = tpu.memref_slice %arg11[%dma_start3A_71, %dma_start3A_72] : memref<10000x128xf32, #tpu.memory_space<vmem_shared>> -> memref<10000x128xf32, #tpu.memory_space<vmem_shared>>
        tpu.enqueue_indirect_dma source(%arg9 : memref<80x128xf32, #tpu.memory_space<vmem>>) target(%dma_start3A_73 : memref<10000x128xf32, #tpu.memory_space<vmem_shared>>) offsets(%dma_start3A_70 : memref<80xi32, #tpu.memory_space<vmem>>) semaphore(%run_scoped3A : memref<!tpu.dma_semaphore, #tpu.memory_space<semaphore_mem>>) {add = true}
        %dma_wait3A_74 = tpu.memref_slice %arg8[%multiple_of3A_48] : memref<10000xi32, #tpu.memory_space<vmem>> -> memref<80xi32, #tpu.memory_space<vmem>>
        %dma_wait3A_75 = arith.constant 0 : i32
        %dma_wait3A_76 = arith.constant 0 : i32
        %dma_wait3A_77 = tpu.memref_slice %arg11[%dma_wait3A_75, %dma_wait3A_76] : memref<10000x128xf32, #tpu.memory_space<vmem_shared>> -> memref<10000x128xf32, #tpu.memory_space<vmem_shared>>
        tpu.wait_indirect_dma semaphore(%run_scoped3A : memref<!tpu.dma_semaphore, #tpu.memory_space<semaphore_mem>>) src(%arg9 : memref<80x128xf32, #tpu.memory_space<vmem>>) dst(%dma_wait3A_77 : memref<10000x128xf32, #tpu.memory_space<vmem_shared>>)
        tpu.yield
      }) : () -> ()
      %mul3A_49 = arith.constant 2 : i32
      %mul3A_50 = arith.muli %mul3A_49, %scan3A_30 : i32
      %add3A_51 = arith.constant 1 : i32
      %add3A_52 = arith.addi %mul3A_50, %add3A_51 : i32
      %mul3A_53 = arith.constant 80 : i32
      %mul3A_54 = arith.muli %add3A_52, %mul3A_53 : i32
      %multiple_of3A_55 = tpu.assume_multiple %mul3A_54, 80 : i32
      %dma_wait3A_56 = tpu.memref_slice %arg7[%multiple_of3A_55] : memref<10000xi32, #tpu.memory_space<vmem>> -> memref<80xi32, #tpu.memory_space<vmem>>
      %dma_wait3A_57 = arith.constant 0 : i32
      %dma_wait3A_58 = arith.constant 0 : i32
      %dma_wait3A_59 = tpu.memref_slice %arg2[%dma_wait3A_57, %dma_wait3A_58] : memref<10000x128xf32, #tpu.memory_space<hbm>> -> memref<10000x128xf32, #tpu.memory_space<hbm>>
      tpu.wait_indirect_dma semaphore(%arg13 : memref<!tpu.dma_semaphore, #tpu.memory_space<semaphore_mem>>) src(%dma_wait3A_59 : memref<10000x128xf32, #tpu.memory_space<hbm>>) dst(%arg10 : memref<80x128xf32, #tpu.memory_space<vmem>>)
      %add3A_60 = arith.constant 1 : i32
      %add3A_61 = arith.addi %add3A_52, %add3A_60 : i32
      %lt3A_62 = arith.constant 125 : i32
      %lt3A_63 = arith.cmpi slt, %add3A_61, %lt3A_62 : i32
      %convert_element_type3A_64 = arith.extui %lt3A_63 : i1 to i32
      %cond3A_65 = arith.constant 0 : i32
      %cond3A_66 = arith.cmpi ne, %convert_element_type3A_64, %cond3A_65 : i32
      scf.if %cond3A_66 {
        %add3A_70 = arith.constant 1 : i32
        %add3A_71 = arith.addi %add3A_52, %add3A_70 : i32
        %mul3A_72 = arith.constant 80 : i32
        %mul3A_73 = arith.muli %add3A_71, %mul3A_72 : i32
        %multiple_of3A_74 = tpu.assume_multiple %mul3A_73, 80 : i32
        %dma_start3A_75 = tpu.memref_slice %arg7[%multiple_of3A_74] : memref<10000xi32, #tpu.memory_space<vmem>> -> memref<80xi32, #tpu.memory_space<vmem>>
        %dma_start3A_76 = arith.constant 0 : i32
        %dma_start3A_77 = arith.constant 0 : i32
        %dma_start3A_78 = tpu.memref_slice %arg2[%dma_start3A_76, %dma_start3A_77] : memref<10000x128xf32, #tpu.memory_space<hbm>> -> memref<10000x128xf32, #tpu.memory_space<hbm>>
        tpu.enqueue_indirect_dma source(%dma_start3A_78 : memref<10000x128xf32, #tpu.memory_space<hbm>>) target(%arg9 : memref<80x128xf32, #tpu.memory_space<vmem>>) offsets(%dma_start3A_75 : memref<80xi32, #tpu.memory_space<vmem>>) semaphore(%arg12 : memref<!tpu.dma_semaphore, #tpu.memory_space<semaphore_mem>>)
      } else {
      }
      %mul3A_67 = arith.constant 80 : i32
      %mul3A_68 = arith.muli %add3A_52, %mul3A_67 : i32
      %multiple_of3A_69 = tpu.assume_multiple %mul3A_68, 80 : i32
      "tpu.region"() ({
        %run_scoped3A = tpu.sem_alloc : memref<!tpu.dma_semaphore, #tpu.memory_space<semaphore_mem>>
        %dma_start3A_70 = tpu.memref_slice %arg8[%multiple_of3A_69] : memref<10000xi32, #tpu.memory_space<vmem>> -> memref<80xi32, #tpu.memory_space<vmem>>
        %dma_start3A_71 = arith.constant 0 : i32
        %dma_start3A_72 = arith.constant 0 : i32
        %dma_start3A_73 = tpu.memref_slice %arg11[%dma_start3A_71, %dma_start3A_72] : memref<10000x128xf32, #tpu.memory_space<vmem_shared>> -> memref<10000x128xf32, #tpu.memory_space<vmem_shared>>
        tpu.enqueue_indirect_dma source(%arg10 : memref<80x128xf32, #tpu.memory_space<vmem>>) target(%dma_start3A_73 : memref<10000x128xf32, #tpu.memory_space<vmem_shared>>) offsets(%dma_start3A_70 : memref<80xi32, #tpu.memory_space<vmem>>) semaphore(%run_scoped3A : memref<!tpu.dma_semaphore, #tpu.memory_space<semaphore_mem>>) {add = true}
        %dma_wait3A_74 = tpu.memref_slice %arg8[%multiple_of3A_69] : memref<10000xi32, #tpu.memory_space<vmem>> -> memref<80xi32, #tpu.memory_space<vmem>>
        %dma_wait3A_75 = arith.constant 0 : i32
        %dma_wait3A_76 = arith.constant 0 : i32
        %dma_wait3A_77 = tpu.memref_slice %arg11[%dma_wait3A_75, %dma_wait3A_76] : memref<10000x128xf32, #tpu.memory_space<vmem_shared>> -> memref<10000x128xf32, #tpu.memory_space<vmem_shared>>
        tpu.wait_indirect_dma semaphore(%run_scoped3A : memref<!tpu.dma_semaphore, #tpu.memory_space<semaphore_mem>>) src(%arg10 : memref<80x128xf32, #tpu.memory_space<vmem>>) dst(%dma_wait3A_77 : memref<10000x128xf32, #tpu.memory_space<vmem_shared>>)
        tpu.yield
      }) : () -> ()
    }
    %scan3A_15 = arith.constant 62 : i32
    %multiple_of3A_16 = arith.constant 9920 : i32
    %multiple_of3A_17 = tpu.assume_multiple %multiple_of3A_16, 80 : i32
    %dma_wait3A = tpu.memref_slice %arg7[%multiple_of3A_17] : memref<10000xi32, #tpu.memory_space<vmem>> -> memref<80xi32, #tpu.memory_space<vmem>>
    %dma_wait3A_18 = arith.constant 0 : i32
    %dma_wait3A_19 = arith.constant 0 : i32
    %dma_wait3A_20 = tpu.memref_slice %arg2[%dma_wait3A_18, %dma_wait3A_19] : memref<10000x128xf32, #tpu.memory_space<hbm>> -> memref<10000x128xf32, #tpu.memory_space<hbm>>
    tpu.wait_indirect_dma semaphore(%arg12 : memref<!tpu.dma_semaphore, #tpu.memory_space<semaphore_mem>>) src(%dma_wait3A_20 : memref<10000x128xf32, #tpu.memory_space<hbm>>) dst(%arg9 : memref<80x128xf32, #tpu.memory_space<vmem>>)
    %multiple_of3A_21 = arith.constant 9920 : i32
    %multiple_of3A_22 = tpu.assume_multiple %multiple_of3A_21, 80 : i32
    "tpu.region"() ({
      %run_scoped3A = tpu.sem_alloc : memref<!tpu.dma_semaphore, #tpu.memory_space<semaphore_mem>>
      %dma_start3A_30 = tpu.memref_slice %arg8[%multiple_of3A_22] : memref<10000xi32, #tpu.memory_space<vmem>> -> memref<80xi32, #tpu.memory_space<vmem>>
      %dma_start3A_31 = arith.constant 0 : i32
      %dma_start3A_32 = arith.constant 0 : i32
      %dma_start3A_33 = tpu.memref_slice %arg11[%dma_start3A_31, %dma_start3A_32] : memref<10000x128xf32, #tpu.memory_space<vmem_shared>> -> memref<10000x128xf32, #tpu.memory_space<vmem_shared>>
      tpu.enqueue_indirect_dma source(%arg9 : memref<80x128xf32, #tpu.memory_space<vmem>>) target(%dma_start3A_33 : memref<10000x128xf32, #tpu.memory_space<vmem_shared>>) offsets(%dma_start3A_30 : memref<80xi32, #tpu.memory_space<vmem>>) semaphore(%run_scoped3A : memref<!tpu.dma_semaphore, #tpu.memory_space<semaphore_mem>>) {add = true}
      %dma_wait3A_34 = tpu.memref_slice %arg8[%multiple_of3A_22] : memref<10000xi32, #tpu.memory_space<vmem>> -> memref<80xi32, #tpu.memory_space<vmem>>
      %dma_wait3A_35 = arith.constant 0 : i32
      %dma_wait3A_36 = arith.constant 0 : i32
      %dma_wait3A_37 = tpu.memref_slice %arg11[%dma_wait3A_35, %dma_wait3A_36] : memref<10000x128xf32, #tpu.memory_space<vmem_shared>> -> memref<10000x128xf32, #tpu.memory_space<vmem_shared>>
      tpu.wait_indirect_dma semaphore(%run_scoped3A : memref<!tpu.dma_semaphore, #tpu.memory_space<semaphore_mem>>) src(%arg9 : memref<80x128xf32, #tpu.memory_space<vmem>>) dst(%dma_wait3A_37 : memref<10000x128xf32, #tpu.memory_space<vmem_shared>>)
      tpu.yield
    }) : () -> ()
    %barrier3A_23 = arith.constant 0 : index
    tpu.barrier barrier_id(%barrier3A_23)
    %scan3A_24 = arith.constant 0 : i32
    %scan3A_25 = arith.constant 0 : i32
    %scan3A_26 = arith.constant 8 : i32
    %scan3A_27 = arith.addi %scan3A_25, %scan3A_26 : i32
    %scan3A_28 = arith.constant 1 : i32
    scf.for %scan3A_30 = %scan3A_25 to %scan3A_27 step %scan3A_28  : i32 {
      %mul3A_31 = arith.constant 16 : i32
      %mul3A_32 = arith.muli %scan3A_30, %mul3A_31 : i32
      %add3A_33 = arith.addi %arg1, %mul3A_32 : i32
      %lt3A = arith.constant 125 : i32
      %lt3A_34 = arith.cmpi slt, %add3A_33, %lt3A : i32
      %convert_element_type3A = arith.extui %lt3A_34 : i1 to i32
      %cond3A = arith.constant 0 : i32
      %cond3A_35 = arith.cmpi ne, %convert_element_type3A, %cond3A : i32
      scf.if %cond3A_35 {
        %mul3A_36 = arith.constant 80 : i32
        %mul3A_37 = arith.muli %add3A_33, %mul3A_36 : i32
        %multiple_of3A_38 = tpu.assume_multiple %mul3A_37, 80 : i32
        "tpu.region"() ({
          %run_scoped3A = tpu.sem_alloc : memref<!tpu.dma_semaphore, #tpu.memory_space<semaphore_mem>>
          %dma_start3A_39 = arith.constant 0 : i32
          %dma_start3A_40 = arith.constant 0 : i32
          %dma_start3A_41 = tpu.memref_slice %arg9[%dma_start3A_39, %dma_start3A_40] : memref<80x128xf32, #tpu.memory_space<vmem>> -> memref<80x128xf32, #tpu.memory_space<vmem>>
          %dma_start3A_42 = arith.constant 0 : i32
          %dma_start3A_43 = tpu.memref_slice %arg11[%multiple_of3A_38, %dma_start3A_42] : memref<10000x128xf32, #tpu.memory_space<vmem_shared>> -> memref<80x128xf32, #tpu.memory_space<vmem_shared>>
          %dma_start3A_44 = arith.constant 0 : i32
          %dma_start3A_45 = arith.constant 0 : i32
          %dma_start3A_46 = tpu.memref_slice %arg9[%dma_start3A_44, %dma_start3A_45] : memref<80x128xf32, #tpu.memory_space<vmem>> -> memref<80x128xf32, #tpu.memory_space<vmem>>
          %dma_start3A_47 = arith.constant 0 : i32
          %dma_start3A_48 = tpu.memref_slice %arg11[%multiple_of3A_38, %dma_start3A_47] : memref<10000x128xf32, #tpu.memory_space<vmem_shared>> -> memref<80x128xf32, #tpu.memory_space<vmem_shared>>
          tpu.enqueue_dma source(%dma_start3A_48 : memref<80x128xf32, #tpu.memory_space<vmem_shared>>) target(%dma_start3A_46 : memref<80x128xf32, #tpu.memory_space<vmem>>) target_semaphore(%run_scoped3A : memref<!tpu.dma_semaphore, #tpu.memory_space<semaphore_mem>>)
          %dma_wait3A_49 = arith.constant 0 : i32
          %dma_wait3A_50 = arith.constant 0 : i32
          %dma_wait3A_51 = tpu.memref_slice %arg9[%dma_wait3A_49, %dma_wait3A_50] : memref<80x128xf32, #tpu.memory_space<vmem>> -> memref<80x128xf32, #tpu.memory_space<vmem>>
          %dma_wait3A_52 = arith.constant 0 : i32
          %dma_wait3A_53 = tpu.memref_slice %arg11[%multiple_of3A_38, %dma_wait3A_52] : memref<10000x128xf32, #tpu.memory_space<vmem_shared>> -> memref<80x128xf32, #tpu.memory_space<vmem_shared>>
          %dma_wait3A_54 = arith.constant 0 : i32
          %dma_wait3A_55 = arith.constant 0 : i32
          %dma_wait3A_56 = tpu.memref_slice %arg9[%dma_wait3A_54, %dma_wait3A_55] : memref<80x128xf32, #tpu.memory_space<vmem>> -> memref<80x128xf32, #tpu.memory_space<vmem>>
          %dma_wait3A_57 = arith.constant 0 : i32
          %dma_wait3A_58 = tpu.memref_slice %arg11[%multiple_of3A_38, %dma_wait3A_57] : memref<10000x128xf32, #tpu.memory_space<vmem_shared>> -> memref<80x128xf32, #tpu.memory_space<vmem_shared>>
          tpu.wait_dma2 semaphore(%run_scoped3A : memref<!tpu.dma_semaphore, #tpu.memory_space<semaphore_mem>>) src(%dma_wait3A_58 : memref<80x128xf32, #tpu.memory_space<vmem_shared>>) dst(%dma_wait3A_56 : memref<80x128xf32, #tpu.memory_space<vmem>>)
          tpu.yield
        }) : () -> ()
        "tpu.region"() ({
          %run_scoped3A = tpu.sem_alloc : memref<!tpu.dma_semaphore, #tpu.memory_space<semaphore_mem>>
          %dma_start3A_39 = arith.constant 0 : i32
          %dma_start3A_40 = arith.constant 0 : i32
          %dma_start3A_41 = tpu.memref_slice %arg9[%dma_start3A_39, %dma_start3A_40] : memref<80x128xf32, #tpu.memory_space<vmem>> -> memref<80x128xf32, #tpu.memory_space<vmem>>
          %dma_start3A_42 = arith.constant 0 : i32
          %dma_start3A_43 = tpu.memref_slice %arg6[%arg0, %multiple_of3A_38, %dma_start3A_42] : memref<2x10000x128xf32, #tpu.memory_space<hbm>> -> memref<1x80x128xf32, #tpu.memory_space<hbm>>
          %dma_start3A_44 = tpu.memref_squeeze %dma_start3A_43 : memref<1x80x128xf32, #tpu.memory_space<hbm>> -> memref<80x128xf32, #tpu.memory_space<hbm>>
          %dma_start3A_45 = arith.constant 0 : i32
          %dma_start3A_46 = tpu.memref_slice %arg6[%arg0, %multiple_of3A_38, %dma_start3A_45] : memref<2x10000x128xf32, #tpu.memory_space<hbm>> -> memref<1x80x128xf32, #tpu.memory_space<hbm>>
          %dma_start3A_47 = tpu.memref_squeeze %dma_start3A_46 : memref<1x80x128xf32, #tpu.memory_space<hbm>> -> memref<80x128xf32, #tpu.memory_space<hbm>>
          %dma_start3A_48 = arith.constant 0 : i32
          %dma_start3A_49 = arith.constant 0 : i32
          %dma_start3A_50 = tpu.memref_slice %arg9[%dma_start3A_48, %dma_start3A_49] : memref<80x128xf32, #tpu.memory_space<vmem>> -> memref<80x128xf32, #tpu.memory_space<vmem>>
          tpu.enqueue_dma source(%dma_start3A_50 : memref<80x128xf32, #tpu.memory_space<vmem>>) target(%dma_start3A_47 : memref<80x128xf32, #tpu.memory_space<hbm>>) target_semaphore(%run_scoped3A : memref<!tpu.dma_semaphore, #tpu.memory_space<semaphore_mem>>)
          %dma_wait3A_51 = arith.constant 0 : i32
          %dma_wait3A_52 = arith.constant 0 : i32
          %dma_wait3A_53 = tpu.memref_slice %arg9[%dma_wait3A_51, %dma_wait3A_52] : memref<80x128xf32, #tpu.memory_space<vmem>> -> memref<80x128xf32, #tpu.memory_space<vmem>>
          %dma_wait3A_54 = arith.constant 0 : i32
          %dma_wait3A_55 = tpu.memref_slice %arg6[%arg0, %multiple_of3A_38, %dma_wait3A_54] : memref<2x10000x128xf32, #tpu.memory_space<hbm>> -> memref<1x80x128xf32, #tpu.memory_space<hbm>>
          %dma_wait3A_56 = tpu.memref_squeeze %dma_wait3A_55 : memref<1x80x128xf32, #tpu.memory_space<hbm>> -> memref<80x128xf32, #tpu.memory_space<hbm>>
          %dma_wait3A_57 = arith.constant 0 : i32
          %dma_wait3A_58 = tpu.memref_slice %arg6[%arg0, %multiple_of3A_38, %dma_wait3A_57] : memref<2x10000x128xf32, #tpu.memory_space<hbm>> -> memref<1x80x128xf32, #tpu.memory_space<hbm>>
          %dma_wait3A_59 = tpu.memref_squeeze %dma_wait3A_58 : memref<1x80x128xf32, #tpu.memory_space<hbm>> -> memref<80x128xf32, #tpu.memory_space<hbm>>
          %dma_wait3A_60 = arith.constant 0 : i32
          %dma_wait3A_61 = arith.constant 0 : i32
          %dma_wait3A_62 = tpu.memref_slice %arg9[%dma_wait3A_60, %dma_wait3A_61] : memref<80x128xf32, #tpu.memory_space<vmem>> -> memref<80x128xf32, #tpu.memory_space<vmem>>
          tpu.wait_dma2 semaphore(%run_scoped3A : memref<!tpu.dma_semaphore, #tpu.memory_space<semaphore_mem>>) src(%dma_wait3A_62 : memref<80x128xf32, #tpu.memory_space<vmem>>) dst(%dma_wait3A_59 : memref<80x128xf32, #tpu.memory_space<hbm>>)
          tpu.yield
        }) : () -> ()
      } else {
      }
    }
    %scan3A_29 = arith.constant 8 : i32
    return
  }
}

#map = affine_map<(d0, d1) -> (0, 0)>
#map1 = affine_map<(d0, d1) -> (0, 0, 0)>
module attributes {stable_mosaic.version = 14 : i64} {
  func.func @body(%arg0: i32, %arg1: i32, %arg2: memref<10000x128xf32, #tpu.memory_space<hbm>>, %arg3: memref<32x10000xi32, #tpu.memory_space<hbm>>, %arg4: memref<32x10000xi32, #tpu.memory_space<hbm>>, %arg5: memref<80x128xf32, #tpu.memory_space<hbm>>, %arg6: memref<2x10000x128xf32, #tpu.memory_space<hbm>>, %arg7: memref<10000xi32, #tpu.memory_space<vmem>>, %arg8: memref<10000xi32, #tpu.memory_space<vmem>>, %arg9: memref<80x128xf32, #tpu.memory_space<vmem>>, %arg10: memref<80x128xf32, #tpu.memory_space<vmem>>, %arg11: memref<10000x128xf32, #tpu.memory_space<vmem_shared>>, %arg12: memref<!tpu.dma_semaphore, #tpu.memory_space<semaphore_mem>>, %arg13: memref<!tpu.dma_semaphore, #tpu.memory_space<semaphore_mem>>, %arg14: memref<!tpu.dma_semaphore, #tpu.memory_space<semaphore_mem>>, %arg15: memref<!tpu.dma_semaphore, #tpu.memory_space<semaphore_mem>>) attributes {dimension_semantics = [#tpu.dimension_semantics<core_parallel>, #tpu.dimension_semantics<subcore_parallel>], iteration_bounds = array<i64: 2, 16>, scalar_prefetch = 0 : i64, scratch_operands = 9 : i64, tpu.core_type = #tpu.core_type<sc_vector_subcore>, window_params = [{transform_indices = #map}, {transform_indices = #map}, {transform_indices = #map}, {transform_indices = #map}, {transform_indices = #map1}]} {
    %mul3A = arith.constant 2 : i32
    %mul3A_0 = arith.muli %arg1, %mul3A : i32
    %add3A = arith.addi %mul3A_0, %arg0 : i32
    "tpu.region"() ({
      %run_scoped3A = tpu.sem_alloc : memref<!tpu.dma_semaphore, #tpu.memory_space<semaphore_mem>>
      %dma_start3A_30 = arith.constant 0 : i32
      %dma_start3A_31 = arith.constant 0 : i32
      %dma_start3A_32 = tpu.memref_slice %arg9[%dma_start3A_30, %dma_start3A_31] : memref<80x128xf32, #tpu.memory_space<vmem>> -> memref<80x128xf32, #tpu.memory_space<vmem>>
      %dma_start3A_33 = arith.constant 0 : i32
      %dma_start3A_34 = arith.constant 0 : i32
      %dma_start3A_35 = tpu.memref_slice %arg9[%dma_start3A_33, %dma_start3A_34] : memref<80x128xf32, #tpu.memory_space<vmem>> -> memref<80x128xf32, #tpu.memory_space<vmem>>
      tpu.enqueue_dma source(%arg5 : memref<80x128xf32, #tpu.memory_space<hbm>>) target(%dma_start3A_35 : memref<80x128xf32, #tpu.memory_space<vmem>>) target_semaphore(%run_scoped3A : memref<!tpu.dma_semaphore, #tpu.memory_space<semaphore_mem>>)
      %dma_wait3A_36 = arith.constant 0 : i32
      %dma_wait3A_37 = arith.constant 0 : i32
      %dma_wait3A_38 = tpu.memref_slice %arg9[%dma_wait3A_36, %dma_wait3A_37] : memref<80x128xf32, #tpu.memory_space<vmem>> -> memref<80x128xf32, #tpu.memory_space<vmem>>
      %dma_wait3A_39 = arith.constant 0 : i32
      %dma_wait3A_40 = arith.constant 0 : i32
      %dma_wait3A_41 = tpu.memref_slice %arg9[%dma_wait3A_39, %dma_wait3A_40] : memref<80x128xf32, #tpu.memory_space<vmem>> -> memref<80x128xf32, #tpu.memory_space<vmem>>
      tpu.wait_dma2 semaphore(%run_scoped3A : memref<!tpu.dma_semaphore, #tpu.memory_space<semaphore_mem>>) src(%arg5 : memref<80x128xf32, #tpu.memory_space<hbm>>) dst(%dma_wait3A_41 : memref<80x128xf32, #tpu.memory_space<vmem>>)
      tpu.yield
    }) : () -> ()
    %scan3A = arith.constant 0 : i32
    %scan3A_1 = arith.constant 0 : i32
    %scan3A_2 = arith.constant 8 : i32
    %scan3A_3 = arith.addi %scan3A_1, %scan3A_2 : i32
    %scan3A_4 = arith.constant 1 : i32
    scf.for %scan3A_30 = %scan3A_1 to %scan3A_3 step %scan3A_4  : i32 {
      %mul3A_31 = arith.constant 16 : i32
      %mul3A_32 = arith.muli %scan3A_30, %mul3A_31 : i32
      %add3A_33 = arith.addi %arg1, %mul3A_32 : i32
      %lt3A = arith.constant 125 : i32
      %lt3A_34 = arith.cmpi slt, %add3A_33, %lt3A : i32
      %convert_element_type3A = arith.extui %lt3A_34 : i1 to i32
      %cond3A = arith.constant 0 : i32
      %cond3A_35 = arith.cmpi ne, %convert_element_type3A, %cond3A : i32
      scf.if %cond3A_35 {
        %mul3A_36 = arith.constant 80 : i32
        %mul3A_37 = arith.muli %add3A_33, %mul3A_36 : i32
        %multiple_of3A_38 = tpu.assume_multiple %mul3A_37, 80 : i32
        "tpu.region"() ({
          %run_scoped3A = tpu.sem_alloc : memref<!tpu.dma_semaphore, #tpu.memory_space<semaphore_mem>>
          %dma_start3A_39 = arith.constant 0 : i32
          %dma_start3A_40 = arith.constant 0 : i32
          %dma_start3A_41 = tpu.memref_slice %arg9[%dma_start3A_39, %dma_start3A_40] : memref<80x128xf32, #tpu.memory_space<vmem>> -> memref<80x128xf32, #tpu.memory_space<vmem>>
          %dma_start3A_42 = arith.constant 0 : i32
          %dma_start3A_43 = tpu.memref_slice %arg11[%multiple_of3A_38, %dma_start3A_42] : memref<10000x128xf32, #tpu.memory_space<vmem_shared>> -> memref<80x128xf32, #tpu.memory_space<vmem_shared>>
          %dma_start3A_44 = arith.constant 0 : i32
          %dma_start3A_45 = tpu.memref_slice %arg11[%multiple_of3A_38, %dma_start3A_44] : memref<10000x128xf32, #tpu.memory_space<vmem_shared>> -> memref<80x128xf32, #tpu.memory_space<vmem_shared>>
          %dma_start3A_46 = arith.constant 0 : i32
          %dma_start3A_47 = arith.constant 0 : i32
          %dma_start3A_48 = tpu.memref_slice %arg9[%dma_start3A_46, %dma_start3A_47] : memref<80x128xf32, #tpu.memory_space<vmem>> -> memref<80x128xf32, #tpu.memory_space<vmem>>
          tpu.enqueue_dma source(%dma_start3A_48 : memref<80x128xf32, #tpu.memory_space<vmem>>) target(%dma_start3A_45 : memref<80x128xf32, #tpu.memory_space<vmem_shared>>) target_semaphore(%run_scoped3A : memref<!tpu.dma_semaphore, #tpu.memory_space<semaphore_mem>>)
          %dma_wait3A_49 = arith.constant 0 : i32
          %dma_wait3A_50 = arith.constant 0 : i32
          %dma_wait3A_51 = tpu.memref_slice %arg9[%dma_wait3A_49, %dma_wait3A_50] : memref<80x128xf32, #tpu.memory_space<vmem>> -> memref<80x128xf32, #tpu.memory_space<vmem>>
          %dma_wait3A_52 = arith.constant 0 : i32
          %dma_wait3A_53 = tpu.memref_slice %arg11[%multiple_of3A_38, %dma_wait3A_52] : memref<10000x128xf32, #tpu.memory_space<vmem_shared>> -> memref<80x128xf32, #tpu.memory_space<vmem_shared>>
          %dma_wait3A_54 = arith.constant 0 : i32
          %dma_wait3A_55 = tpu.memref_slice %arg11[%multiple_of3A_38, %dma_wait3A_54] : memref<10000x128xf32, #tpu.memory_space<vmem_shared>> -> memref<80x128xf32, #tpu.memory_space<vmem_shared>>
          %dma_wait3A_56 = arith.constant 0 : i32
          %dma_wait3A_57 = arith.constant 0 : i32
          %dma_wait3A_58 = tpu.memref_slice %arg9[%dma_wait3A_56, %dma_wait3A_57] : memref<80x128xf32, #tpu.memory_space<vmem>> -> memref<80x128xf32, #tpu.memory_space<vmem>>
          tpu.wait_dma2 semaphore(%run_scoped3A : memref<!tpu.dma_semaphore, #tpu.memory_space<semaphore_mem>>) src(%dma_wait3A_58 : memref<80x128xf32, #tpu.memory_space<vmem>>) dst(%dma_wait3A_55 : memref<80x128xf32, #tpu.memory_space<vmem_shared>>)
          tpu.yield
        }) : () -> ()
      } else {
      }
    }
    %scan3A_5 = arith.constant 8 : i32
    %barrier3A = arith.constant 0 : index
    tpu.barrier barrier_id(%barrier3A)
    "tpu.region"() ({
      %run_scoped3A = tpu.sem_alloc : memref<!tpu.dma_semaphore, #tpu.memory_space<semaphore_mem>>
      %dma_start3A_30 = arith.constant 0 : i32
      %dma_start3A_31 = tpu.memref_slice %arg3[%add3A, %dma_start3A_30] : memref<32x10000xi32, #tpu.memory_space<hbm>> -> memref<1x10000xi32, #tpu.memory_space<hbm>>
      %dma_start3A_32 = tpu.memref_squeeze %dma_start3A_31 : memref<1x10000xi32, #tpu.memory_space<hbm>> -> memref<10000xi32, #tpu.memory_space<hbm>>
      %dma_start3A_33 = arith.constant 0 : i32
      %dma_start3A_34 = tpu.memref_slice %arg3[%add3A, %dma_start3A_33] : memref<32x10000xi32, #tpu.memory_space<hbm>> -> memref<1x10000xi32, #tpu.memory_space<hbm>>
      %dma_start3A_35 = tpu.memref_squeeze %dma_start3A_34 : memref<1x10000xi32, #tpu.memory_space<hbm>> -> memref<10000xi32, #tpu.memory_space<hbm>>
      tpu.enqueue_dma source(%dma_start3A_35 : memref<10000xi32, #tpu.memory_space<hbm>>) target(%arg7 : memref<10000xi32, #tpu.memory_space<vmem>>) target_semaphore(%run_scoped3A : memref<!tpu.dma_semaphore, #tpu.memory_space<semaphore_mem>>)
      %dma_wait3A_36 = arith.constant 0 : i32
      %dma_wait3A_37 = tpu.memref_slice %arg3[%add3A, %dma_wait3A_36] : memref<32x10000xi32, #tpu.memory_space<hbm>> -> memref<1x10000xi32, #tpu.memory_space<hbm>>
      %dma_wait3A_38 = tpu.memref_squeeze %dma_wait3A_37 : memref<1x10000xi32, #tpu.memory_space<hbm>> -> memref<10000xi32, #tpu.memory_space<hbm>>
      %dma_wait3A_39 = arith.constant 0 : i32
      %dma_wait3A_40 = tpu.memref_slice %arg3[%add3A, %dma_wait3A_39] : memref<32x10000xi32, #tpu.memory_space<hbm>> -> memref<1x10000xi32, #tpu.memory_space<hbm>>
      %dma_wait3A_41 = tpu.memref_squeeze %dma_wait3A_40 : memref<1x10000xi32, #tpu.memory_space<hbm>> -> memref<10000xi32, #tpu.memory_space<hbm>>
      tpu.wait_dma2 semaphore(%run_scoped3A : memref<!tpu.dma_semaphore, #tpu.memory_space<semaphore_mem>>) src(%dma_wait3A_41 : memref<10000xi32, #tpu.memory_space<hbm>>) dst(%arg7 : memref<10000xi32, #tpu.memory_space<vmem>>)
      tpu.yield
    }) : () -> ()
    "tpu.region"() ({
      %run_scoped3A = tpu.sem_alloc : memref<!tpu.dma_semaphore, #tpu.memory_space<semaphore_mem>>
      %dma_start3A_30 = arith.constant 0 : i32
      %dma_start3A_31 = tpu.memref_slice %arg4[%add3A, %dma_start3A_30] : memref<32x10000xi32, #tpu.memory_space<hbm>> -> memref<1x10000xi32, #tpu.memory_space<hbm>>
      %dma_start3A_32 = tpu.memref_squeeze %dma_start3A_31 : memref<1x10000xi32, #tpu.memory_space<hbm>> -> memref<10000xi32, #tpu.memory_space<hbm>>
      %dma_start3A_33 = arith.constant 0 : i32
      %dma_start3A_34 = tpu.memref_slice %arg4[%add3A, %dma_start3A_33] : memref<32x10000xi32, #tpu.memory_space<hbm>> -> memref<1x10000xi32, #tpu.memory_space<hbm>>
      %dma_start3A_35 = tpu.memref_squeeze %dma_start3A_34 : memref<1x10000xi32, #tpu.memory_space<hbm>> -> memref<10000xi32, #tpu.memory_space<hbm>>
      tpu.enqueue_dma source(%dma_start3A_35 : memref<10000xi32, #tpu.memory_space<hbm>>) target(%arg8 : memref<10000xi32, #tpu.memory_space<vmem>>) target_semaphore(%run_scoped3A : memref<!tpu.dma_semaphore, #tpu.memory_space<semaphore_mem>>)
      %dma_wait3A_36 = arith.constant 0 : i32
      %dma_wait3A_37 = tpu.memref_slice %arg4[%add3A, %dma_wait3A_36] : memref<32x10000xi32, #tpu.memory_space<hbm>> -> memref<1x10000xi32, #tpu.memory_space<hbm>>
      %dma_wait3A_38 = tpu.memref_squeeze %dma_wait3A_37 : memref<1x10000xi32, #tpu.memory_space<hbm>> -> memref<10000xi32, #tpu.memory_space<hbm>>
      %dma_wait3A_39 = arith.constant 0 : i32
      %dma_wait3A_40 = tpu.memref_slice %arg4[%add3A, %dma_wait3A_39] : memref<32x10000xi32, #tpu.memory_space<hbm>> -> memref<1x10000xi32, #tpu.memory_space<hbm>>
      %dma_wait3A_41 = tpu.memref_squeeze %dma_wait3A_40 : memref<1x10000xi32, #tpu.memory_space<hbm>> -> memref<10000xi32, #tpu.memory_space<hbm>>
      tpu.wait_dma2 semaphore(%run_scoped3A : memref<!tpu.dma_semaphore, #tpu.memory_space<semaphore_mem>>) src(%dma_wait3A_41 : memref<10000xi32, #tpu.memory_space<hbm>>) dst(%arg8 : memref<10000xi32, #tpu.memory_space<vmem>>)
      tpu.yield
    }) : () -> ()
    %multiple_of3A = arith.constant 0 : i32
    %multiple_of3A_6 = tpu.assume_multiple %multiple_of3A, 80 : i32
    %dma_start3A = tpu.memref_slice %arg7[%multiple_of3A_6] : memref<10000xi32, #tpu.memory_space<vmem>> -> memref<80xi32, #tpu.memory_space<vmem>>
    %dma_start3A_7 = arith.constant 0 : i32
    %dma_start3A_8 = arith.constant 0 : i32
    %dma_start3A_9 = tpu.memref_slice %arg2[%dma_start3A_7, %dma_start3A_8] : memref<10000x128xf32, #tpu.memory_space<hbm>> -> memref<10000x128xf32, #tpu.memory_space<hbm>>
    tpu.enqueue_indirect_dma source(%dma_start3A_9 : memref<10000x128xf32, #tpu.memory_space<hbm>>) target(%arg9 : memref<80x128xf32, #tpu.memory_space<vmem>>) offsets(%dma_start3A : memref<80xi32, #tpu.memory_space<vmem>>) semaphore(%arg12 : memref<!tpu.dma_semaphore, #tpu.memory_space<semaphore_mem>>)
    %scan3A_10 = arith.constant 0 : i32
    %scan3A_11 = arith.constant 0 : i32
    %scan3A_12 = arith.constant 62 : i32
    %scan3A_13 = arith.addi %scan3A_11, %scan3A_12 : i32
    %scan3A_14 = arith.constant 1 : i32
    scf.for %scan3A_30 = %scan3A_11 to %scan3A_13 step %scan3A_14  : i32 {
      %mul3A_31 = arith.constant 2 : i32
      %mul3A_32 = arith.muli %mul3A_31, %scan3A_30 : i32
      %add3A_33 = arith.constant 0 : i32
      %add3A_34 = arith.addi %mul3A_32, %add3A_33 : i32
      %mul3A_35 = arith.constant 80 : i32
      %mul3A_36 = arith.muli %add3A_34, %mul3A_35 : i32
      %multiple_of3A_37 = tpu.assume_multiple %mul3A_36, 80 : i32
      %dma_wait3A_38 = tpu.memref_slice %arg7[%multiple_of3A_37] : memref<10000xi32, #tpu.memory_space<vmem>> -> memref<80xi32, #tpu.memory_space<vmem>>
      %dma_wait3A_39 = arith.constant 0 : i32
      %dma_wait3A_40 = arith.constant 0 : i32
      %dma_wait3A_41 = tpu.memref_slice %arg2[%dma_wait3A_39, %dma_wait3A_40] : memref<10000x128xf32, #tpu.memory_space<hbm>> -> memref<10000x128xf32, #tpu.memory_space<hbm>>
      tpu.wait_indirect_dma semaphore(%arg12 : memref<!tpu.dma_semaphore, #tpu.memory_space<semaphore_mem>>) src(%dma_wait3A_41 : memref<10000x128xf32, #tpu.memory_space<hbm>>) dst(%arg9 : memref<80x128xf32, #tpu.memory_space<vmem>>)
      %add3A_42 = arith.constant 1 : i32
      %add3A_43 = arith.addi %add3A_34, %add3A_42 : i32
      %lt3A = arith.constant 125 : i32
      %lt3A_44 = arith.cmpi slt, %add3A_43, %lt3A : i32
      %convert_element_type3A = arith.extui %lt3A_44 : i1 to i32
      %cond3A = arith.constant 0 : i32
      %cond3A_45 = arith.cmpi ne, %convert_element_type3A, %cond3A : i32
      scf.if %cond3A_45 {
        %add3A_70 = arith.constant 1 : i32
        %add3A_71 = arith.addi %add3A_34, %add3A_70 : i32
        %mul3A_72 = arith.constant 80 : i32
        %mul3A_73 = arith.muli %add3A_71, %mul3A_72 : i32
        %multiple_of3A_74 = tpu.assume_multiple %mul3A_73, 80 : i32
        %dma_start3A_75 = tpu.memref_slice %arg7[%multiple_of3A_74] : memref<10000xi32, #tpu.memory_space<vmem>> -> memref<80xi32, #tpu.memory_space<vmem>>
        %dma_start3A_76 = arith.constant 0 : i32
        %dma_start3A_77 = arith.constant 0 : i32
        %dma_start3A_78 = tpu.memref_slice %arg2[%dma_start3A_76, %dma_start3A_77] : memref<10000x128xf32, #tpu.memory_space<hbm>> -> memref<10000x128xf32, #tpu.memory_space<hbm>>
        tpu.enqueue_indirect_dma source(%dma_start3A_78 : memref<10000x128xf32, #tpu.memory_space<hbm>>) target(%arg10 : memref<80x128xf32, #tpu.memory_space<vmem>>) offsets(%dma_start3A_75 : memref<80xi32, #tpu.memory_space<vmem>>) semaphore(%arg13 : memref<!tpu.dma_semaphore, #tpu.memory_space<semaphore_mem>>)
      } else {
      }
      %mul3A_46 = arith.constant 80 : i32
      %mul3A_47 = arith.muli %add3A_34, %mul3A_46 : i32
      %multiple_of3A_48 = tpu.assume_multiple %mul3A_47, 80 : i32
      "tpu.region"() ({
        %run_scoped3A = tpu.sem_alloc : memref<!tpu.dma_semaphore, #tpu.memory_space<semaphore_mem>>
        %dma_start3A_70 = tpu.memref_slice %arg8[%multiple_of3A_48] : memref<10000xi32, #tpu.memory_space<vmem>> -> memref<80xi32, #tpu.memory_space<vmem>>
        %dma_start3A_71 = arith.constant 0 : i32
        %dma_start3A_72 = arith.constant 0 : i32
        %dma_start3A_73 = tpu.memref_slice %arg11[%dma_start3A_71, %dma_start3A_72] : memref<10000x128xf32, #tpu.memory_space<vmem_shared>> -> memref<10000x128xf32, #tpu.memory_space<vmem_shared>>
        tpu.enqueue_indirect_dma source(%arg9 : memref<80x128xf32, #tpu.memory_space<vmem>>) target(%dma_start3A_73 : memref<10000x128xf32, #tpu.memory_space<vmem_shared>>) offsets(%dma_start3A_70 : memref<80xi32, #tpu.memory_space<vmem>>) semaphore(%run_scoped3A : memref<!tpu.dma_semaphore, #tpu.memory_space<semaphore_mem>>) {add = true}
        %dma_wait3A_74 = tpu.memref_slice %arg8[%multiple_of3A_48] : memref<10000xi32, #tpu.memory_space<vmem>> -> memref<80xi32, #tpu.memory_space<vmem>>
        %dma_wait3A_75 = arith.constant 0 : i32
        %dma_wait3A_76 = arith.constant 0 : i32
        %dma_wait3A_77 = tpu.memref_slice %arg11[%dma_wait3A_75, %dma_wait3A_76] : memref<10000x128xf32, #tpu.memory_space<vmem_shared>> -> memref<10000x128xf32, #tpu.memory_space<vmem_shared>>
        tpu.wait_indirect_dma semaphore(%run_scoped3A : memref<!tpu.dma_semaphore, #tpu.memory_space<semaphore_mem>>) src(%arg9 : memref<80x128xf32, #tpu.memory_space<vmem>>) dst(%dma_wait3A_77 : memref<10000x128xf32, #tpu.memory_space<vmem_shared>>)
        tpu.yield
      }) : () -> ()
      %mul3A_49 = arith.constant 2 : i32
      %mul3A_50 = arith.muli %mul3A_49, %scan3A_30 : i32
      %add3A_51 = arith.constant 1 : i32
      %add3A_52 = arith.addi %mul3A_50, %add3A_51 : i32
      %mul3A_53 = arith.constant 80 : i32
      %mul3A_54 = arith.muli %add3A_52, %mul3A_53 : i32
      %multiple_of3A_55 = tpu.assume_multiple %mul3A_54, 80 : i32
      %dma_wait3A_56 = tpu.memref_slice %arg7[%multiple_of3A_55] : memref<10000xi32, #tpu.memory_space<vmem>> -> memref<80xi32, #tpu.memory_space<vmem>>
      %dma_wait3A_57 = arith.constant 0 : i32
      %dma_wait3A_58 = arith.constant 0 : i32
      %dma_wait3A_59 = tpu.memref_slice %arg2[%dma_wait3A_57, %dma_wait3A_58] : memref<10000x128xf32, #tpu.memory_space<hbm>> -> memref<10000x128xf32, #tpu.memory_space<hbm>>
      tpu.wait_indirect_dma semaphore(%arg13 : memref<!tpu.dma_semaphore, #tpu.memory_space<semaphore_mem>>) src(%dma_wait3A_59 : memref<10000x128xf32, #tpu.memory_space<hbm>>) dst(%arg10 : memref<80x128xf32, #tpu.memory_space<vmem>>)
      %add3A_60 = arith.constant 1 : i32
      %add3A_61 = arith.addi %add3A_52, %add3A_60 : i32
      %lt3A_62 = arith.constant 125 : i32
      %lt3A_63 = arith.cmpi slt, %add3A_61, %lt3A_62 : i32
      %convert_element_type3A_64 = arith.extui %lt3A_63 : i1 to i32
      %cond3A_65 = arith.constant 0 : i32
      %cond3A_66 = arith.cmpi ne, %convert_element_type3A_64, %cond3A_65 : i32
      scf.if %cond3A_66 {
        %add3A_70 = arith.constant 1 : i32
        %add3A_71 = arith.addi %add3A_52, %add3A_70 : i32
        %mul3A_72 = arith.constant 80 : i32
        %mul3A_73 = arith.muli %add3A_71, %mul3A_72 : i32
        %multiple_of3A_74 = tpu.assume_multiple %mul3A_73, 80 : i32
        %dma_start3A_75 = tpu.memref_slice %arg7[%multiple_of3A_74] : memref<10000xi32, #tpu.memory_space<vmem>> -> memref<80xi32, #tpu.memory_space<vmem>>
        %dma_start3A_76 = arith.constant 0 : i32
        %dma_start3A_77 = arith.constant 0 : i32
        %dma_start3A_78 = tpu.memref_slice %arg2[%dma_start3A_76, %dma_start3A_77] : memref<10000x128xf32, #tpu.memory_space<hbm>> -> memref<10000x128xf32, #tpu.memory_space<hbm>>
        tpu.enqueue_indirect_dma source(%dma_start3A_78 : memref<10000x128xf32, #tpu.memory_space<hbm>>) target(%arg9 : memref<80x128xf32, #tpu.memory_space<vmem>>) offsets(%dma_start3A_75 : memref<80xi32, #tpu.memory_space<vmem>>) semaphore(%arg12 : memref<!tpu.dma_semaphore, #tpu.memory_space<semaphore_mem>>)
      } else {
      }
      %mul3A_67 = arith.constant 80 : i32
      %mul3A_68 = arith.muli %add3A_52, %mul3A_67 : i32
      %multiple_of3A_69 = tpu.assume_multiple %mul3A_68, 80 : i32
      "tpu.region"() ({
        %run_scoped3A = tpu.sem_alloc : memref<!tpu.dma_semaphore, #tpu.memory_space<semaphore_mem>>
        %dma_start3A_70 = tpu.memref_slice %arg8[%multiple_of3A_69] : memref<10000xi32, #tpu.memory_space<vmem>> -> memref<80xi32, #tpu.memory_space<vmem>>
        %dma_start3A_71 = arith.constant 0 : i32
        %dma_start3A_72 = arith.constant 0 : i32
        %dma_start3A_73 = tpu.memref_slice %arg11[%dma_start3A_71, %dma_start3A_72] : memref<10000x128xf32, #tpu.memory_space<vmem_shared>> -> memref<10000x128xf32, #tpu.memory_space<vmem_shared>>
        tpu.enqueue_indirect_dma source(%arg10 : memref<80x128xf32, #tpu.memory_space<vmem>>) target(%dma_start3A_73 : memref<10000x128xf32, #tpu.memory_space<vmem_shared>>) offsets(%dma_start3A_70 : memref<80xi32, #tpu.memory_space<vmem>>) semaphore(%run_scoped3A : memref<!tpu.dma_semaphore, #tpu.memory_space<semaphore_mem>>) {add = true}
        %dma_wait3A_74 = tpu.memref_slice %arg8[%multiple_of3A_69] : memref<10000xi32, #tpu.memory_space<vmem>> -> memref<80xi32, #tpu.memory_space<vmem>>
        %dma_wait3A_75 = arith.constant 0 : i32
        %dma_wait3A_76 = arith.constant 0 : i32
        %dma_wait3A_77 = tpu.memref_slice %arg11[%dma_wait3A_75, %dma_wait3A_76] : memref<10000x128xf32, #tpu.memory_space<vmem_shared>> -> memref<10000x128xf32, #tpu.memory_space<vmem_shared>>
        tpu.wait_indirect_dma semaphore(%run_scoped3A : memref<!tpu.dma_semaphore, #tpu.memory_space<semaphore_mem>>) src(%arg10 : memref<80x128xf32, #tpu.memory_space<vmem>>) dst(%dma_wait3A_77 : memref<10000x128xf32, #tpu.memory_space<vmem_shared>>)
        tpu.yield
      }) : () -> ()
    }
    %scan3A_15 = arith.constant 62 : i32
    %multiple_of3A_16 = arith.constant 9920 : i32
    %multiple_of3A_17 = tpu.assume_multiple %multiple_of3A_16, 80 : i32
    %dma_wait3A = tpu.memref_slice %arg7[%multiple_of3A_17] : memref<10000xi32, #tpu.memory_space<vmem>> -> memref<80xi32, #tpu.memory_space<vmem>>
    %dma_wait3A_18 = arith.constant 0 : i32
    %dma_wait3A_19 = arith.constant 0 : i32
    %dma_wait3A_20 = tpu.memref_slice %arg2[%dma_wait3A_18, %dma_wait3A_19] : memref<10000x128xf32, #tpu.memory_space<hbm>> -> memref<10000x128xf32, #tpu.memory_space<hbm>>
    tpu.wait_indirect_dma semaphore(%arg12 : memref<!tpu.dma_semaphore, #tpu.memory_space<semaphore_mem>>) src(%dma_wait3A_20 : memref<10000x128xf32, #tpu.memory_space<hbm>>) dst(%arg9 : memref<80x128xf32, #tpu.memory_space<vmem>>)
    %multiple_of3A_21 = arith.constant 9920 : i32
    %multiple_of3A_22 = tpu.assume_multiple %multiple_of3A_21, 80 : i32
    "tpu.region"() ({
      %run_scoped3A = tpu.sem_alloc : memref<!tpu.dma_semaphore, #tpu.memory_space<semaphore_mem>>
      %dma_start3A_30 = tpu.memref_slice %arg8[%multiple_of3A_22] : memref<10000xi32, #tpu.memory_space<vmem>> -> memref<80xi32, #tpu.memory_space<vmem>>
      %dma_start3A_31 = arith.constant 0 : i32
      %dma_start3A_32 = arith.constant 0 : i32
      %dma_start3A_33 = tpu.memref_slice %arg11[%dma_start3A_31, %dma_start3A_32] : memref<10000x128xf32, #tpu.memory_space<vmem_shared>> -> memref<10000x128xf32, #tpu.memory_space<vmem_shared>>
      tpu.enqueue_indirect_dma source(%arg9 : memref<80x128xf32, #tpu.memory_space<vmem>>) target(%dma_start3A_33 : memref<10000x128xf32, #tpu.memory_space<vmem_shared>>) offsets(%dma_start3A_30 : memref<80xi32, #tpu.memory_space<vmem>>) semaphore(%run_scoped3A : memref<!tpu.dma_semaphore, #tpu.memory_space<semaphore_mem>>) {add = true}
      %dma_wait3A_34 = tpu.memref_slice %arg8[%multiple_of3A_22] : memref<10000xi32, #tpu.memory_space<vmem>> -> memref<80xi32, #tpu.memory_space<vmem>>
      %dma_wait3A_35 = arith.constant 0 : i32
      %dma_wait3A_36 = arith.constant 0 : i32
      %dma_wait3A_37 = tpu.memref_slice %arg11[%dma_wait3A_35, %dma_wait3A_36] : memref<10000x128xf32, #tpu.memory_space<vmem_shared>> -> memref<10000x128xf32, #tpu.memory_space<vmem_shared>>
      tpu.wait_indirect_dma semaphore(%run_scoped3A : memref<!tpu.dma_semaphore, #tpu.memory_space<semaphore_mem>>) src(%arg9 : memref<80x128xf32, #tpu.memory_space<vmem>>) dst(%dma_wait3A_37 : memref<10000x128xf32, #tpu.memory_space<vmem_shared>>)
      tpu.yield
    }) : () -> ()
    %barrier3A_23 = arith.constant 0 : index
    tpu.barrier barrier_id(%barrier3A_23)
    %scan3A_24 = arith.constant 0 : i32
    %scan3A_25 = arith.constant 0 : i32
    %scan3A_26 = arith.constant 8 : i32
    %scan3A_27 = arith.addi %scan3A_25, %scan3A_26 : i32
    %scan3A_28 = arith.constant 1 : i32
    scf.for %scan3A_30 = %scan3A_25 to %scan3A_27 step %scan3A_28  : i32 {
      %mul3A_31 = arith.constant 16 : i32
      %mul3A_32 = arith.muli %scan3A_30, %mul3A_31 : i32
      %add3A_33 = arith.addi %arg1, %mul3A_32 : i32
      %lt3A = arith.constant 125 : i32
      %lt3A_34 = arith.cmpi slt, %add3A_33, %lt3A : i32
      %convert_element_type3A = arith.extui %lt3A_34 : i1 to i32
      %cond3A = arith.constant 0 : i32
      %cond3A_35 = arith.cmpi ne, %convert_element_type3A, %cond3A : i32
      scf.if %cond3A_35 {
        %mul3A_36 = arith.constant 80 : i32
        %mul3A_37 = arith.muli %add3A_33, %mul3A_36 : i32
        %multiple_of3A_38 = tpu.assume_multiple %mul3A_37, 80 : i32
        "tpu.region"() ({
          %run_scoped3A = tpu.sem_alloc : memref<!tpu.dma_semaphore, #tpu.memory_space<semaphore_mem>>
          %dma_start3A_39 = arith.constant 0 : i32
          %dma_start3A_40 = arith.constant 0 : i32
          %dma_start3A_41 = tpu.memref_slice %arg9[%dma_start3A_39, %dma_start3A_40] : memref<80x128xf32, #tpu.memory_space<vmem>> -> memref<80x128xf32, #tpu.memory_space<vmem>>
          %dma_start3A_42 = arith.constant 0 : i32
          %dma_start3A_43 = tpu.memref_slice %arg11[%multiple_of3A_38, %dma_start3A_42] : memref<10000x128xf32, #tpu.memory_space<vmem_shared>> -> memref<80x128xf32, #tpu.memory_space<vmem_shared>>
          %dma_start3A_44 = arith.constant 0 : i32
          %dma_start3A_45 = arith.constant 0 : i32
          %dma_start3A_46 = tpu.memref_slice %arg9[%dma_start3A_44, %dma_start3A_45] : memref<80x128xf32, #tpu.memory_space<vmem>> -> memref<80x128xf32, #tpu.memory_space<vmem>>
          %dma_start3A_47 = arith.constant 0 : i32
          %dma_start3A_48 = tpu.memref_slice %arg11[%multiple_of3A_38, %dma_start3A_47] : memref<10000x128xf32, #tpu.memory_space<vmem_shared>> -> memref<80x128xf32, #tpu.memory_space<vmem_shared>>
          tpu.enqueue_dma source(%dma_start3A_48 : memref<80x128xf32, #tpu.memory_space<vmem_shared>>) target(%dma_start3A_46 : memref<80x128xf32, #tpu.memory_space<vmem>>) target_semaphore(%run_scoped3A : memref<!tpu.dma_semaphore, #tpu.memory_space<semaphore_mem>>)
          %dma_wait3A_49 = arith.constant 0 : i32
          %dma_wait3A_50 = arith.constant 0 : i32
          %dma_wait3A_51 = tpu.memref_slice %arg9[%dma_wait3A_49, %dma_wait3A_50] : memref<80x128xf32, #tpu.memory_space<vmem>> -> memref<80x128xf32, #tpu.memory_space<vmem>>
          %dma_wait3A_52 = arith.constant 0 : i32
          %dma_wait3A_53 = tpu.memref_slice %arg11[%multiple_of3A_38, %dma_wait3A_52] : memref<10000x128xf32, #tpu.memory_space<vmem_shared>> -> memref<80x128xf32, #tpu.memory_space<vmem_shared>>
          %dma_wait3A_54 = arith.constant 0 : i32
          %dma_wait3A_55 = arith.constant 0 : i32
          %dma_wait3A_56 = tpu.memref_slice %arg9[%dma_wait3A_54, %dma_wait3A_55] : memref<80x128xf32, #tpu.memory_space<vmem>> -> memref<80x128xf32, #tpu.memory_space<vmem>>
          %dma_wait3A_57 = arith.constant 0 : i32
          %dma_wait3A_58 = tpu.memref_slice %arg11[%multiple_of3A_38, %dma_wait3A_57] : memref<10000x128xf32, #tpu.memory_space<vmem_shared>> -> memref<80x128xf32, #tpu.memory_space<vmem_shared>>
          tpu.wait_dma2 semaphore(%run_scoped3A : memref<!tpu.dma_semaphore, #tpu.memory_space<semaphore_mem>>) src(%dma_wait3A_58 : memref<80x128xf32, #tpu.memory_space<vmem_shared>>) dst(%dma_wait3A_56 : memref<80x128xf32, #tpu.memory_space<vmem>>)
          tpu.yield
        }) : () -> ()
        "tpu.region"() ({
          %run_scoped3A = tpu.sem_alloc : memref<!tpu.dma_semaphore, #tpu.memory_space<semaphore_mem>>
          %dma_start3A_39 = arith.constant 0 : i32
          %dma_start3A_40 = arith.constant 0 : i32
          %dma_start3A_41 = tpu.memref_slice %arg9[%dma_start3A_39, %dma_start3A_40] : memref<80x128xf32, #tpu.memory_space<vmem>> -> memref<80x128xf32, #tpu.memory_space<vmem>>
          %dma_start3A_42 = arith.constant 0 : i32
          %dma_start3A_43 = tpu.memref_slice %arg6[%arg0, %multiple_of3A_38, %dma_start3A_42] : memref<2x10000x128xf32, #tpu.memory_space<hbm>> -> memref<1x80x128xf32, #tpu.memory_space<hbm>>
          %dma_start3A_44 = tpu.memref_squeeze %dma_start3A_43 : memref<1x80x128xf32, #tpu.memory_space<hbm>> -> memref<80x128xf32, #tpu.memory_space<hbm>>
          %dma_start3A_45 = arith.constant 0 : i32
          %dma_start3A_46 = tpu.memref_slice %arg6[%arg0, %multiple_of3A_38, %dma_start3A_45] : memref<2x10000x128xf32, #tpu.memory_space<hbm>> -> memref<1x80x128xf32, #tpu.memory_space<hbm>>
          %dma_start3A_47 = tpu.memref_squeeze %dma_start3A_46 : memref<1x80x128xf32, #tpu.memory_space<hbm>> -> memref<80x128xf32, #tpu.memory_space<hbm>>
          %dma_start3A_48 = arith.constant 0 : i32
          %dma_start3A_49 = arith.constant 0 : i32
          %dma_start3A_50 = tpu.memref_slice %arg9[%dma_start3A_48, %dma_start3A_49] : memref<80x128xf32, #tpu.memory_space<vmem>> -> memref<80x128xf32, #tpu.memory_space<vmem>>
          tpu.enqueue_dma source(%dma_start3A_50 : memref<80x128xf32, #tpu.memory_space<vmem>>) target(%dma_start3A_47 : memref<80x128xf32, #tpu.memory_space<hbm>>) target_semaphore(%run_scoped3A : memref<!tpu.dma_semaphore, #tpu.memory_space<semaphore_mem>>)
          %dma_wait3A_51 = arith.constant 0 : i32
          %dma_wait3A_52 = arith.constant 0 : i32
          %dma_wait3A_53 = tpu.memref_slice %arg9[%dma_wait3A_51, %dma_wait3A_52] : memref<80x128xf32, #tpu.memory_space<vmem>> -> memref<80x128xf32, #tpu.memory_space<vmem>>
          %dma_wait3A_54 = arith.constant 0 : i32
          %dma_wait3A_55 = tpu.memref_slice %arg6[%arg0, %multiple_of3A_38, %dma_wait3A_54] : memref<2x10000x128xf32, #tpu.memory_space<hbm>> -> memref<1x80x128xf32, #tpu.memory_space<hbm>>
          %dma_wait3A_56 = tpu.memref_squeeze %dma_wait3A_55 : memref<1x80x128xf32, #tpu.memory_space<hbm>> -> memref<80x128xf32, #tpu.memory_space<hbm>>
          %dma_wait3A_57 = arith.constant 0 : i32
          %dma_wait3A_58 = tpu.memref_slice %arg6[%arg0, %multiple_of3A_38, %dma_wait3A_57] : memref<2x10000x128xf32, #tpu.memory_space<hbm>> -> memref<1x80x128xf32, #tpu.memory_space<hbm>>
          %dma_wait3A_59 = tpu.memref_squeeze %dma_wait3A_58 : memref<1x80x128xf32, #tpu.memory_space<hbm>> -> memref<80x128xf32, #tpu.memory_space<hbm>>
          %dma_wait3A_60 = arith.constant 0 : i32
          %dma_wait3A_61 = arith.constant 0 : i32
          %dma_wait3A_62 = tpu.memref_slice %arg9[%dma_wait3A_60, %dma_wait3A_61] : memref<80x128xf32, #tpu.memory_space<vmem>> -> memref<80x128xf32, #tpu.memory_space<vmem>>
          tpu.wait_dma2 semaphore(%run_scoped3A : memref<!tpu.dma_semaphore, #tpu.memory_space<semaphore_mem>>) src(%dma_wait3A_62 : memref<80x128xf32, #tpu.memory_space<vmem>>) dst(%dma_wait3A_59 : memref<80x128xf32, #tpu.memory_space<hbm>>)
          tpu.yield
        }) : () -> ()
      } else {
      }
    }
    %scan3A_29 = arith.constant 8 : i32
    return
  }
}

module attributes {stable_mosaic.version = 14 : i64} {
  func.func @body(%arg0: i32, %arg1: memref<1000x128xf32, #tpu.memory_space<vmem>>, %arg2: memref<1000x128xf32, #tpu.memory_space<vmem>>, %arg3: memref<1000x128xf32, #tpu.memory_space<vmem>>, %arg4: memref<256x128xf32, #tpu.memory_space<vmem>>, %arg5: memref<1x128xf32, #tpu.memory_space<vmem>>, %arg6: memref<1000x128xf32, #tpu.memory_space<vmem>>) attributes {dimension_semantics = [#tpu.dimension_semantics<arbitrary>], iteration_bounds = array<i64: 10>, scalar_prefetch = 0 : i64, scratch_operands = 0 : i64, tpu.core_type = #tpu.core_type<tc>, window_params = [{transform_indices = @transform_0, window_bounds = array<i64: 1000, 128>}, {transform_indices = @transform_1, window_bounds = array<i64: 1000, 128>}, {transform_indices = @transform_2, window_bounds = array<i64: 1000, 128>}, {pipeline_mode = #tpu.pipeline_mode<synchronous>, transform_indices = @transform_3, window_bounds = array<i64: 256, 128>}, {pipeline_mode = #tpu.pipeline_mode<synchronous>, transform_indices = @transform_4, window_bounds = array<i64: 1, 128>}, {transform_indices = @transform_5, window_bounds = array<i64: 1000, 128>}]} {
    %get3A = arith.constant 0 : index
    %get3A_0 = arith.constant 0 : index
    %get3A_1 = vector.load %arg1[%get3A, %get3A_0] : memref<1000x128xf32, #tpu.memory_space<vmem>>, vector<1000x128xf32>
    %get3A_2 = arith.constant 0 : index
    %get3A_3 = arith.constant 0 : index
    %get3A_4 = vector.load %arg2[%get3A_2, %get3A_3] : memref<1000x128xf32, #tpu.memory_space<vmem>>, vector<1000x128xf32>
    %get3A_5 = arith.constant 0 : index
    %get3A_6 = arith.constant 0 : index
    %get3A_7 = vector.load %arg3[%get3A_5, %get3A_6] : memref<1000x128xf32, #tpu.memory_space<vmem>>, vector<1000x128xf32>
    %add3A = arith.addf %get3A_4, %get3A_7 : vector<1000x128xf32>
    %concatenate3A = tpu.concatenate %get3A_1, %add3A in 1 : vector<1000x128xf32>, vector<1000x128xf32> -> vector<1000x256xf32>
    %get3A_8 = arith.constant 0 : index
    %get3A_9 = arith.constant 0 : index
    %get3A_10 = vector.load %arg4[%get3A_8, %get3A_9] : memref<256x128xf32, #tpu.memory_space<vmem>>, vector<256x128xf32>
    %convert_element_type3A = arith.truncf %concatenate3A : vector<1000x256xf32> to vector<1000x256xbf16>
    %convert_element_type3A_11 = arith.truncf %get3A_10 : vector<256x128xf32> to vector<256x128xbf16>
    %dot_general3A = arith.constant dense<0.000000e+00> : vector<1000x128xf32>
    %dot_general3A_12 = tpu.matmul %convert_element_type3A, %convert_element_type3A_11, %dot_general3A {dimension_numbers = #tpu.dot_dimension_numbers<[1], [0], [0], [1], [0, 0, 1, 1], [], []>, transpose_lhs_hint = false} : vector<1000x256xbf16>, vector<256x128xbf16>, vector<1000x128xf32> -> vector<1000x128xf32>
    %get3A_13 = arith.constant 0 : index
    %get3A_14 = arith.constant 0 : index
    %get3A_15 = vector.load %arg5[%get3A_13, %get3A_14] : memref<1x128xf32, #tpu.memory_space<vmem>>, vector<1x128xf32>
    %add3A_16 = vector.broadcast %get3A_15 : vector<1x128xf32> to vector<1000x128xf32>
    %add3A_17 = arith.addf %dot_general3A_12, %add3A_16 : vector<1000x128xf32>
    %max3A = arith.constant 0.000000e+00 : f32
    %max3A_18 = vector.broadcast %max3A : f32 to vector<1000x128xf32>
    %max3A_19 = arith.maximumf %add3A_17, %max3A_18 : vector<1000x128xf32>
    %swap3A = arith.constant 0 : index
    %swap3A_20 = arith.constant 0 : index
    %swap3A_21 = vector.load %arg6[%swap3A, %swap3A_20] : memref<1000x128xf32, #tpu.memory_space<vmem>>, vector<1000x128xf32>
    tpu.vector_store %arg6[%swap3A, %swap3A_20], %max3A_19 {strides = array<i32>} : memref<1000x128xf32, #tpu.memory_space<vmem>>, vector<1000x128xf32>,
    return
  }
  func.func @transform_0(%arg0: i32) -> (i32, i32) {
    %c0_i32 = arith.constant 0 : i32
    %c0_i32_0 = arith.constant 0 : i32
    return %arg0, %c0_i32 : i32, i32
  }
  func.func @transform_1(%arg0: i32) -> (i32, i32) {
    %c0_i32 = arith.constant 0 : i32
    %c0_i32_0 = arith.constant 0 : i32
    return %arg0, %c0_i32 : i32, i32
  }
  func.func @transform_2(%arg0: i32) -> (i32, i32) {
    %c0_i32 = arith.constant 0 : i32
    %c0_i32_0 = arith.constant 0 : i32
    return %arg0, %c0_i32 : i32, i32
  }
  func.func @transform_3(%arg0: i32) -> (i32, i32) {
    %c0_i32 = arith.constant 0 : i32
    %c0_i32_0 = arith.constant 0 : i32
    %c0_i32_1 = arith.constant 0 : i32
    return %c0_i32, %c0_i32_0 : i32, i32
  }
  func.func @transform_4(%arg0: i32) -> (i32, i32) {
    %c0_i32 = arith.constant 0 : i32
    %c0_i32_0 = arith.constant 0 : i32
    %c0_i32_1 = arith.constant 0 : i32
    return %c0_i32, %c0_i32_0 : i32, i32
  }
  func.func @transform_5(%arg0: i32) -> (i32, i32) {
    %c0_i32 = arith.constant 0 : i32
    %c0_i32_0 = arith.constant 0 : i32
    return %arg0, %c0_i32 : i32, i32
  }
}

module attributes {stable_mosaic.version = 14 : i64} {
  func.func @body(%arg0: i32, %arg1: memref<1000x128xf32, #tpu.memory_space<vmem>>, %arg2: memref<128x128xf32, #tpu.memory_space<vmem>>, %arg3: memref<1x128xf32, #tpu.memory_space<vmem>>, %arg4: memref<128x1xf32, #tpu.memory_space<vmem>>, %arg5: memref<1x1xf32, #tpu.memory_space<vmem>>, %arg6: memref<1000x1xf32, #tpu.memory_space<vmem>>) attributes {dimension_semantics = [#tpu.dimension_semantics<arbitrary>], iteration_bounds = array<i64: 10>, scalar_prefetch = 0 : i64, scratch_operands = 0 : i64, tpu.core_type = #tpu.core_type<tc>, window_params = [{transform_indices = @transform_0, window_bounds = array<i64: 1000, 128>}, {pipeline_mode = #tpu.pipeline_mode<synchronous>, transform_indices = @transform_1, window_bounds = array<i64: 128, 128>}, {pipeline_mode = #tpu.pipeline_mode<synchronous>, transform_indices = @transform_2, window_bounds = array<i64: 1, 128>}, {pipeline_mode = #tpu.pipeline_mode<synchronous>, transform_indices = @transform_3, window_bounds = array<i64: 128, 1>}, {pipeline_mode = #tpu.pipeline_mode<synchronous>, transform_indices = @transform_4, window_bounds = array<i64: 1, 1>}, {transform_indices = @transform_5, window_bounds = array<i64: 1000, 1>}]} {
    %get3A = arith.constant 0 : index
    %get3A_0 = arith.constant 0 : index
    %get3A_1 = vector.load %arg1[%get3A, %get3A_0] : memref<1000x128xf32, #tpu.memory_space<vmem>>, vector<1000x128xf32>
    %get3A_2 = arith.constant 0 : index
    %get3A_3 = arith.constant 0 : index
    %get3A_4 = vector.load %arg2[%get3A_2, %get3A_3] : memref<128x128xf32, #tpu.memory_space<vmem>>, vector<128x128xf32>
    %convert_element_type3A = arith.truncf %get3A_1 : vector<1000x128xf32> to vector<1000x128xbf16>
    %convert_element_type3A_5 = arith.truncf %get3A_4 : vector<128x128xf32> to vector<128x128xbf16>
    %dot_general3A = arith.constant dense<0.000000e+00> : vector<1000x128xf32>
    %dot_general3A_6 = tpu.matmul %convert_element_type3A, %convert_element_type3A_5, %dot_general3A {dimension_numbers = #tpu.dot_dimension_numbers<[1], [0], [0], [1], [0, 0, 1, 1], [], []>, transpose_lhs_hint = false} : vector<1000x128xbf16>, vector<128x128xbf16>, vector<1000x128xf32> -> vector<1000x128xf32>
    %get3A_7 = arith.constant 0 : index
    %get3A_8 = arith.constant 0 : index
    %get3A_9 = vector.load %arg3[%get3A_7, %get3A_8] : memref<1x128xf32, #tpu.memory_space<vmem>>, vector<1x128xf32>
    %add3A = vector.broadcast %get3A_9 : vector<1x128xf32> to vector<1000x128xf32>
    %add3A_10 = arith.addf %dot_general3A_6, %add3A : vector<1000x128xf32>
    %max3A = arith.constant 0.000000e+00 : f32
    %max3A_11 = vector.broadcast %max3A : f32 to vector<1000x128xf32>
    %max3A_12 = arith.maximumf %add3A_10, %max3A_11 : vector<1000x128xf32>
    %get3A_13 = arith.constant 0 : index
    %get3A_14 = arith.constant 0 : index
    %get3A_15 = vector.load %arg4[%get3A_13, %get3A_14] : memref<128x1xf32, #tpu.memory_space<vmem>>, vector<128x1xf32>
    %convert_element_type3A_16 = arith.truncf %max3A_12 : vector<1000x128xf32> to vector<1000x128xbf16>
    %convert_element_type3A_17 = arith.truncf %get3A_15 : vector<128x1xf32> to vector<128x1xbf16>
    %dot_general3A_18 = arith.constant dense<0.000000e+00> : vector<1000x1xf32>
    %dot_general3A_19 = tpu.matmul %convert_element_type3A_16, %convert_element_type3A_17, %dot_general3A_18 {dimension_numbers = #tpu.dot_dimension_numbers<[1], [0], [0], [1], [0, 0, 1, 1], [], []>, transpose_lhs_hint = false} : vector<1000x128xbf16>, vector<128x1xbf16>, vector<1000x1xf32> -> vector<1000x1xf32>
    %get3A_20 = arith.constant 0 : index
    %get3A_21 = arith.constant 0 : index
    %get3A_22 = vector.load %arg5[%get3A_20, %get3A_21] : memref<1x1xf32, #tpu.memory_space<vmem>>, vector<1x1xf32>
    %add3A_23 = vector.broadcast %get3A_22 : vector<1x1xf32> to vector<1000x1xf32>
    %add3A_24 = arith.addf %dot_general3A_19, %add3A_23 : vector<1000x1xf32>
    %swap3A = arith.constant 0 : index
    %swap3A_25 = arith.constant 0 : index
    %swap3A_26 = vector.load %arg6[%swap3A, %swap3A_25] : memref<1000x1xf32, #tpu.memory_space<vmem>>, vector<1000x1xf32>
    tpu.vector_store %arg6[%swap3A, %swap3A_25], %add3A_24 {strides = array<i32>} : memref<1000x1xf32, #tpu.memory_space<vmem>>, vector<1000x1xf32>,
    return
  }
  func.func @transform_0(%arg0: i32) -> (i32, i32) {
    %c0_i32 = arith.constant 0 : i32
    %c0_i32_0 = arith.constant 0 : i32
    return %arg0, %c0_i32 : i32, i32
  }
  func.func @transform_1(%arg0: i32) -> (i32, i32) {
    %c0_i32 = arith.constant 0 : i32
    %c0_i32_0 = arith.constant 0 : i32
    %c0_i32_1 = arith.constant 0 : i32
    return %c0_i32, %c0_i32_0 : i32, i32
  }
  func.func @transform_2(%arg0: i32) -> (i32, i32) {
    %c0_i32 = arith.constant 0 : i32
    %c0_i32_0 = arith.constant 0 : i32
    %c0_i32_1 = arith.constant 0 : i32
    return %c0_i32, %c0_i32_0 : i32, i32
  }
  func.func @transform_3(%arg0: i32) -> (i32, i32) {
    %c0_i32 = arith.constant 0 : i32
    %c0_i32_0 = arith.constant 0 : i32
    %c0_i32_1 = arith.constant 0 : i32
    return %c0_i32, %c0_i32_0 : i32, i32
  }
  func.func @transform_4(%arg0: i32) -> (i32, i32) {
    %c0_i32 = arith.constant 0 : i32
    %c0_i32_0 = arith.constant 0 : i32
    %c0_i32_1 = arith.constant 0 : i32
    return %c0_i32, %c0_i32_0 : i32, i32
  }
  func.func @transform_5(%arg0: i32) -> (i32, i32) {
    %c0_i32 = arith.constant 0 : i32
    %c0_i32_0 = arith.constant 0 : i32
    return %arg0, %c0_i32 : i32, i32
  }
}

</mosaic_0001>

<sc_bundles>
// kernel: gather_offload_async_start.1
scs
__scs_entry_jumppad:
0x0: {  	(pc) =	sbr.rel $0x88, $3  }
0x1: {  	(tag) =	ssettag $0x0;
	lr =	simm.s32 $0x1  }
0x2: {  	[smem:$0x3F8F] =	sst lr;
	_ =	strace $0xD0000000  }
0x3: {  	_ = 	snop  }
0x4: {  	_ = 	snop  }
0x5: {  	_ = 	snop  }
0x6: {  	_ = 	snop  }
0x7: {  	_ = 	snop  }
__scs_overlays_trampoline_lowered:
0x8: {  	[smem:$0x3F9E] =	sst s0  }
0x9: {  	[smem:$0x3F9F] =	sst s1  }
0xa: {  	[smem:$0x3FA0] =	sst s2  }
0xb: {  	[smem:$0x3FA1] =	sst s3  }
0xc: {  	[smem:$0x3FA2] =	sst s4  }
0xd: {  	[smem:$0x3FA3] =	sst s5  }
0xe: {  	[smem:$0x3FA4] =	sst s6  }
0xf: {  	[smem:$0x3FA5] =	sst s7  }
0x10: {  	[smem:$0x3FA6] =	sst s8  }
0x11: {  	[smem:$0x3FA7] =	sst s9;
	s0 =	simm.s32 @!p0 $0x0  }
0x12: {  	s1 =	sld [smem:$0x3F8D];
	s0 =	simm.s32 @p0 $0x1  }
0x13: {  	[smem:$0x3FA8] =	sst s0;
	s0 =	simm.s32 @!p1 $0x0  }
0x14: {  	s2 =	sld [smem:$0x3F8C];
	s0 =	simm.s32 @p1 $0x1  }
0x15: {  	[smem:$0x3FA9] =	sst s0;
	s0 =	simm.s32 @!p2 $0x0  }
0x16: {  	s3 =	sld [smem:$0x3FDB];
	s0 =	simm.s32 @p2 $0x1  }
0x17: {  	s4 =	simm.s32 $0x1BF5;
	[smem:$0x3FAB] =	sst s0  }
0x18: {  	s0 =	sld [smem:$0x3F8E];
	_ =	swait.ge [sflag:s4], $0x0  }
0x19: {  	s7 =	sld [smem:$0x3F8F]  }
0x1a: {  	s8 =	sadd.s32 $0xFFFFE003, lr  }
0x1b: {  	s9 =	sadd.s32 $0xFFFFFEF7, lr;
	s5 =	simm.s32 $0xFFFFFFFF;
	p2 =	slt.u32 s8, $0xFFFFF086  }
0x1c: {  	p1 =	slt.u32 s9, $0xF7A;
	s5 =	simm.s32 @!p2 $0x0  }
0x1d: {  	s5 =	simm.s32 @p1 $0x1;
	p0 =	seq.s32 s7, s2  }
0x1e: {  	s7 =	smul.u32 @!p0 $0xF7A, s2;
	p2 =	seq.s32 @!p0 s5, $0x0  }
0x1f: {  	s9 =	smul.u32 $0xF7A, s1;
	s8 =	simm.s32 @!p0 $0x1BF5;
	p2 =	por !p2, p0  }
0x20: {  	[sflag:s8] =	ssyncset.s32 @!p0 $0xFFFFF086;
	s6 =	sadd.s32 @!p0 s3, s7;
	s7 =	simm.s32 @!p0 $0x108  }
0x21: {  	s3 =	sadd.s32 s3, s9;
	s6 =	sadd.s32 @!p0 $0x88, s6;
	s7 =	simm.s32 @p2 $0x1082  }
0x22: {  	[simem:s7], [sflag:s8] =	dma.local @!p0 [hbm:s6], $0xF7A  }
0x23: {  	s9 =	sor.u32 $0xD0000000, s2;
	s6 =	simm.s32 $0x108;
	_ =	swait.ge @!p0 [sflag:s8], $0x0  }
0x24: {  	s3 =	sadd.s32 $0x88, s3;
	s6 =	simm.s32 @!p1 $0x1082;
	[sflag:s4] =	ssyncset.s32 $0xFFFFF086  }
0x25: {  	[simem:s6], [sflag:s4] =	dma.local [hbm:s3], $0xF7A  }
0x26: {  	[smem:$0x3F8F] =	sst s1;
	(tag) =	ssettag s2;
	_ =	strace s9  }
0x27: {  	s1 =	sld [smem:$0x3F9F]  }
0x28: {  	s2 =	sld [smem:$0x3FA0]  }
0x29: {  	s4 =	sld [smem:$0x3FA2]  }
0x2a: {  	p0 =	seq.s32 s5, $0x0;
	s5 =	sld [smem:$0x3FA3]  }
0x2b: {  	s6 =	sld [smem:$0x3FA4]  }
0x2c: {  	s7 =	sld [smem:$0x3FA5]  }
0x2d: {  	s3 =	simm.s32 $0x108;
	s8 =	sld [smem:$0x3FA6]  }
0x2e: {  	s3 =	simm.s32 @!p0 $0x1082;
	s9 =	sld [smem:$0x3FA7]  }
0x2f: {  	lr =	sadd.s32 s0, s3;
	s0 =	sld [smem:$0x3F9E]  }
0x30: {  	s3 =	sld [smem:$0x3FA1]  }
0x31: {  	[smem:$0x3FAA] =	sst s10  }
0x32: {  	s10 =	sld [smem:$0x3FA8];
	_ =	sdelay $0x3  }
0x33: {  	p0 =	seq.s32 s10, $0x1;
	s10 =	sld [smem:$0x3FAA];
	_ =	sdelay $0x3  }
0x34: {  	[smem:$0x3FAA] =	sst s10  }
0x35: {  	s10 =	sld [smem:$0x3FA9];
	_ =	sdelay $0x3  }
0x36: {  	p1 =	seq.s32 s10, $0x1;
	s10 =	sld [smem:$0x3FAA];
	_ =	sdelay $0x3  }
0x37: {  	[smem:$0x3FAA] =	sst s10  }
0x38: {  	s10 =	sld [smem:$0x3FAB]  }
0x39: {  	_ = 	snop;
	(pc) =	sbr.ind lr, $3  }
0x3a: {  	_ = 	snop  }
0x3b: {  	_ = 	snop  }
0x3c: {  	p2 =	seq.s32 s10, $0x1;
	s10 =	sld [smem:$0x3FAA]  }
0x3d: {  	_ =	shalt  }
0x3e: {  	_ =	shalt  }
0x3f: {  	_ =	shalt  }
0x40: {  	_ =	shalt  }
0x41: {  	_ =	shalt  }
0x42: {  	_ =	shalt  }
0x43: {  	_ =	shalt  }
0x44: {  	_ =	shalt  }
0x45: {  	_ =	shalt  }
0x46: {  	_ =	shalt  }
0x47: {  	_ =	shalt  }
0x48: {  	_ =	shalt  }
0x49: {  	_ =	shalt  }
0x4a: {  	_ =	shalt  }
0x4b: {  	_ =	shalt  }
0x4c: {  	_ =	shalt  }
0x4d: {  	_ =	shalt  }
0x4e: {  	_ =	shalt  }
0x4f: {  	_ =	shalt  }
0x50: {  	_ =	shalt  }
0x51: {  	_ =	shalt  }
0x52: {  	_ =	shalt  }
0x53: {  	_ =	shalt  }
0x54: {  	_ =	shalt  }
0x55: {  	_ =	shalt  }
0x56: {  	_ =	shalt  }
0x57: {  	_ =	shalt  }
0x58: {  	_ =	shalt  }
0x59: {  	_ =	shalt  }
0x5a: {  	_ =	shalt  }
0x5b: {  	_ =	shalt  }
0x5c: {  	_ =	shalt  }
0x5d: {  	_ =	shalt  }
0x5e: {  	_ =	shalt  }
0x5f: {  	_ =	shalt  }
0x60: {  	_ =	shalt  }
0x61: {  	_ =	shalt  }
0x62: {  	_ =	shalt  }
0x63: {  	_ =	shalt  }
0x64: {  	_ =	shalt  }
0x65: {  	_ =	shalt  }
0x66: {  	_ =	shalt  }
0x67: {  	_ =	shalt  }
0x68: {  	_ =	shalt  }
0x69: {  	_ =	shalt  }
0x6a: {  	_ =	shalt  }
0x6b: {  	_ =	shalt  }
0x6c: {  	_ =	shalt  }
0x6d: {  	_ =	shalt  }
0x6e: {  	_ =	shalt  }
0x6f: {  	_ =	shalt  }
0x70: {  	_ =	shalt  }
0x71: {  	_ =	shalt  }
0x72: {  	_ =	shalt  }
0x73: {  	_ =	shalt  }
0x74: {  	_ =	shalt  }
0x75: {  	_ =	shalt  }
0x76: {  	_ =	shalt  }
0x77: {  	_ =	shalt  }
0x78: {  	_ =	shalt  }
0x79: {  	_ =	shalt  }
0x7a: {  	_ =	shalt  }
0x7b: {  	_ =	shalt  }
0x7c: {  	_ =	shalt  }
0x7d: {  	_ =	shalt  }
0x7e: {  	_ =	shalt  }
0x7f: {  	_ =	shalt  }
0x80: {  	_ =	shalt  }
0x81: {  	_ =	shalt  }
0x82: {  	_ =	shalt  }
0x83: {  	_ =	shalt  }
0x84: {  	_ =	shalt  }
0x85: {  	_ =	shalt  }
0x86: {  	_ =	shalt  }
0x87: {  	_ =	shalt  }
.Lfunc_end0:
.L_simem_size_0:
called_computation.1_lowered:
.L_overlay_start_0:
0x88: {  	s2 =	sld [smem:$0x3FD9]  }
0x89: {  	s3 =	sld [smem:$0x3FFE];
	_ =	sdelay $0x1  }
0x8a: {  	s1 =	srdreg.scid  }
0x8b: {  	s0 =	sand.u32 $0x1, s1  }
0x8c: {  	s16 =	sshll.u32 s0, $0xA;
	s2 =	sadd.s32 s3, s2  }
0x8d: {  	s2 =	sadd.s32 s2, s16  }
0x8e: {  	[smem:$0x3FB6] =	sst s2  }
0x8f: {  	_ = 	snop  }
0x90: {  	(tm) =	ssettm $0x1  }
0x91: {  	s17 =	sld [smem:$0x3FFB];
	_ =	sdelay $0x3  }
0x92: {  	_ =	strace s17  }
0x93: {  	s2 =	sld [smem:$0x3FFC];
	_ =	sdelay $0x3  }
0x94: {  	_ =	strace s2  }
0x95: {  	s2 =	sld [smem:$0x3FFD];
	_ =	sdelay $0x3  }
0x96: {  	_ =	strace s2  }
0x97: {  	_ =	strace $0x8FFFFFFF  }
0x98: {  	s18 =	sld [smem:$0x3FDB];
	_ =	sdelay $0x1  }
0x99: {  	s19 =	simm.s32 $_scs_section_size  }
0x9a: {  	s4 =	simm.s32 $_size__tile_overlayer_lowered;
	s5 =	simm.s32 $_tile_overlayer_lowered  }
0x9b: {  	s22 =	simm.s32 $0x1BFF;
	s21 =	sshll.u32 s5, $0x1;
	s2 =	sadd.s32 s19, s18  }
0x9c: {  	s6 =	simm.s32 $0x0;
	s20 =	sshll.u32 s4, $0x1;
	s4 =	sadd.s32 s21, s2  }
0x9d: {  	[timem:s6], [sflag:s22] =	dma.local [hbm:s4], s20  }
0x9e: {  	_ =	swait.ge [sflag:s22], s20  }
0x9f: {  	s3 =	ssub.s32 $0x0, s20;
	[sflag:s22] =	ssyncset.done $0x0  }
0xa0: {  	[sflag:s22] =	ssyncadd.s32 s3;
	_ =	sdelay $0x1  }
0xa1: {  	s23 =	simm.s32 $0x1B8B  }
0xa2: {  	_ =	swait.ge [sflag:s23], $0x1  }
0xa3: {  	[sflag:s23] =	ssyncset.done $0x0  }
0xa4: {  	s25 =	simm.s32 $0x1B8E;
	s24 =	sld [smem:$0x3FFE];
	[sflag:s23] =	ssyncadd.s32 $0xFFFFFFFF  }
0xa5: {  	s26 =	simm.s32 $execute0_lowered;
	[smem:$0x3FD2] =	sst s25  }
0xa6: {  	s4 =	sshll.u32 s26, $0x1;
	_ =	strace $0x80000046;
	[dreg:$0x1] =	wrdreg $0xFFFFFFFF  }
0xa7: {  	s28 =	simm.s32 $_size_execute0_lowered;
	s2 =	sadd.s32 s2, s4;
	[dreg:$0x0] =	wrdreg $0x0  }
0xa8: {  	s4 =	sshll.u32 s28, $0x1;
	[dreg:$0x2] =	wrdreg s2  }
0xa9: {  	[dreg:$0x3] =	wrdreg s4  }
0xaa: {  	[dreg:$0x4] =	wrdreg $0xC0  }
0xab: {  	_ =	task [dreg:s6], $0x5FFFF  }
0xac: {  	[dreg:$0x1] =	wrdreg $0xFFFFFFFF  }
0xad: {  	[dreg:$0x0] =	wrdreg $0x60  }
0xae: {  	[dreg:$0x2] =	wrdreg s24  }
0xaf: {  	[dreg:$0x3] =	wrdreg $0xA  }
0xb0: {  	_ =	task.clear_ibuf [dreg:s6], $0x4FFFF;
	_ =	strace $0x90000046  }
0xb1: {  	s29 =	simm.s32 $0xA;
	_ =	strace $0x80000048  }
0xb2: {  	_ =	swait.ge [sflag:s29], $0x1  }
0xb3: {  	[sflag:s29] =	ssyncadd.s32 $0xFFFFFFFF  }
0xb4: {  	_ =	strace $0x90000048  }
0xb5: {  	_ =	sfence  }
0xb6: {  	s30 =	sld [smem:$0x0];
	_ =	sdelay $0x2  }
0xb7: {  	s31 =	sshll.u32 s1, $0xD;
	s1 =	sshrl.u32 s1, $0x2  }
0xb8: {  	s3 =	sand.u32 $0x4000, s31;
	s1 =	sadd.s32 s1, s30  }
0xb9: {  	s0 =	sor.u32 s3, s0;
	s1 =	sshll.u32 s1, $0x11  }
0xba: {  	s0 =	sor.u32 s1, s0  }
0xbb: {  	s0 =	sadd.s32 $0x8F2B, s0  }
0xbc: {  	[sflag:s0] =	ssyncadd.remote.s32 $0x1  }
0xbd: {  	_ =	sfence.sel $0xFFFF  }
0xbe: {  	[dreg:$0x0] =	wrdreg $0xFFFFFFFF;
	(pc) =	sbr.abs _section_cstart, $3  }
0xbf: {  	[dreg:$0x1] =	wrdreg $0xFFFFFFFF  }
0xc0: {  	_ =	task.clear_ibuf [dreg:s6], $0x2FFFF;
	_ =	strace $0x9FFFFFFF  }
0xc1: {  	(tm) =	ssettm $0x7FFFFFFF  }
tec
execute0_lowered:
.L_overlay_start_1:
0x0: {  	(tag) =	ssettag $0x1  }
0x1: {  	s8 =	rddreg [dreg:$0x0]  }
0x2: {  	s0 =	rddreg [dreg:$0x1];
	_ =	strace $0x80000047;
	s1 =	stileid.u32  }
0x3: {  	s3 =	srdreg.scid;
	s4 =	simm.s32 $0x1;
	s7 =	simm.s32 $0x1  }
0x4: {  	s9 =	simm.s32 $0x1;
	s10 =	simm.s32 $0x3;
	s13 =	simm.s32 $0x0  }
0x5: {  	s12 =	simm.s32 $0x0;
	s5 =	sand.u32 $0x1, s3;
	s6 =	sshll.u32 s1, $0x1  }
0x6: {  	s2 =	sadd.s32 $0x10C00, s8;
	s3 =	sadd.s32 $0x1AA00, s8;
	s5 =	sor.u32 s6, s5  }
.Ltmp0:
0x7: {  	[sflag:s4] =	ssyncpa.u1 $0x0;
	p0 =	slt.u32 s5, $0x9;
	(pc) =	sbr.rel .LBB2_1-.Ltmp0, $4  }
0x8: {  	s6 =	simm.s32 $0x2;
	s7 =	simm.s32 @!p0 $0x0;
	p0 =	sne.s32 s5, $0x8  }
0x9: {  	[sflag:s6] =	ssyncpa.u1 $0x0;
	s5 =	smul.u32 $0x1F40, s5;
	s9 =	simm.s32 @!p0 $0x0  }
0xa: {  	s8 =	sadd.s32 $0x24800, s8;
	[sflag:s10] =	ssyncpa.u1 $0x0;
	s7 =	sadd.s32 s9, s7  }
0xb: {  	vm0 =	vmmov $0xffff;
	s10 =	simm.s32 $0x0;
	s11 =	smov.u32 s5;
	s9 =	sadd.s32 $0x1, s7  }
.LBB2_4:
0xc: {  	v2 =	vnsel vm1, $0x0, v2  }
0xd: {  	vm1 =	vgt.s32 v0, $0x0;
	v2 =	vmin.u32 v2, $0x4E1FF  }
0xe: {  	v0 =	vnsel vm1, $0x0, v0  }
0xf: {  	v0 =	vmin.u32 v0, $0x4E1FF  }
0x10: {  	[tilespmem:s18], [sflag:$0x1] =	stream.indirect_vreg.gather [hbm4b:s2+s10], $0x1, v1, vm0, $0x4038;
	[tilespmem:$0x7D00] =	vst v63  }
0x11: {  	(ifvalue) =	ssetifvalue $0x7FFFFFFF  }
0x12: {  	[tilespmem:s15], [sflag:$0x1] =	stream.indirect_vreg.gather [hbm4b:s2+s10], $0x1, v2, vm0, $0x4038;
	[tilespmem:$0x7D00] =	vst v63  }
0x13: {  	s29 =	sadd.s32 $0x10, s15;
	(ifvalue) =	ssetifvalue $0x7FFFFFFF  }
0x14: {  	[tilespmem:s29], [sflag:$0x1] =	stream.indirect_vreg.gather [hbm4b:s2+s10], $0x1, v0, vm0, $0x4038;
	[tilespmem:$0x7D00] =	vst v63  }
0x15: {  	_ =	swait.ge [sflag:s4], $0x1F40  }
0x16: {  	s30 =	sshrl.u32 s13, $0x3;
	[sflag:s4] =	ssyncset.done $0x0  }
0x17: {  	s31 =	sand.u32 $0x7, s13;
	s15 =	sadd.s32 s8, s30;
	[sflag:s4] =	ssyncadd.s32 $0xFFFFE0C0  }
0x18: {  	[hbm4b:s15+s31] =	stream.linear.scatter [tilespmem:s14], [sflag:$0x3], $0x1F40, $0x38;
	[tilespmem:$0x7D00] =	vst v63  }
.LBB2_5:
0x19: {  	s15 =	sadd.s32 $0x3E800, s11  }
0x1a: {  	p1 =	sgt.s32 s15, $0x4E1FF  }
0x1b: {  	s15 =	smov.u32 @p1 s5;
	p1 =	sne.s32 s12, s9  }
.Ltmp1:
0x1c: {  	p0 =	slt.u32 s12, $0x2;
	(pc) =	sbr.rel @!p1 .LBB2_6-.Ltmp1, $4  }
0x1d: {  	s14 =	simm.s32 @!p0 $0x3  }
0x1e: {  	_ =	swait.ge @!p0 [sflag:s14], $0x1F40  }
0x1f: {  	s16 =	sadd.s32 $0x1, s12;
	s13 =	smov.u32 s11;
	[sflag:s14] =	ssyncset.done @!p0 $0x0  }
0x20: {  	s12 =	smov.u32 s16;
	s11 =	smov.u32 s15;
	[sflag:s14] =	ssyncadd.s32 @!p0 $0xFFFFE0C0  }
.LBB2_1:
0x21: {  	p0 =	sge.u32 s12, s7  }
0x22: {  	s14 =	sxor.u32 @!p0 $0x1, s12  }
0x23: {  	s14 =	smul.u32 @!p0 $0x7D00, s14  }
0x24: {  	s31 =	sadd.s32 $0xFFFFFFFF, s12;
	s15 =	sshrl.u32 @!p0 s11, $0x3  }
0x25: {  	s16 =	sand.u32 @!p0 $0x7, s11;
	s15 =	sadd.s32 @!p0 s3, s15;
	s14 =	sshra.s32 @!p0 s14, $0x2  }
0x26: {  	[tilespmem:s14], [sflag:$0x2] =	stream.linear.gather @!p0 [hbm4b:s15+s16], $0x1F40, $0x38;
	[tilespmem:$0x7D00] =	vst v63  }
0x27: {  	p0 =	sge.u32 s31, s7  }
.Ltmp2:
0x28: {  	_ = 	snop;
	(pc) =	sbr.rel @p0 .LBB2_5-.Ltmp2, $1  }
0x29: {  	_ =	sdelay $0x3  }
0x2a: {  	s14 =	sand.u32 $0x1, s12  }
0x2b: {  	_ =	swait.ge [sflag:s6], $0x1F40;
	p0 =	seq.s32 s14, $0x1;
	s14 =	simm.s32 $0x1F40  }
0x2c: {  	[sflag:s6] =	ssyncset.done $0x0;
	s14 =	simm.s32 @!p0 $0x0  }
0x2d: {  	[sflag:s6] =	ssyncadd.s32 $0xFFFFE0C0;
	(ifvalue) =	ssetifvalue $0x7FFFFFFF;
	v0 =	vld.msk [tilespmem:s14+$0x0 ss:$0x1], $0xffff;
	_ =	sdelay $0x4  }
0x2e: {  	s15 =	sadd.s32 $0x10, s14;
	vm1 =	vgt.s32 v0, $0x0  }
0x2f: {  	v2 =	vld.msk [tilespmem:s15+$0x0 ss:$0x1], $0xffff;
	v1 =	vnsel vm1, $0x0, v0  }
0x30: {  	v1 =	vmin.u32 v1, $0x4E1FF;
	_ =	sdelay $0x2  }
0x31: {  	s17 =	simm.s32 $0x20;
	s14 =	sadd.s32 $0x3E80, s14;
	s16 =	sadd.s32 $0x10, s15  }
0x32: {  	s15 =	sadd.s32 $0x10, s14;
	s18 =	smov.u32 s14;
	v0 =	vld.msk [tilespmem:s16+$0x0 ss:$0x1], $0xffff;
	vm1 =	vgt.s32 v2, $0x0;
	(ifvalue) =	ssetifvalue $0x7FFFFFFF  }
.LBB2_3:
0x33: {  	[tilespmem:s18], [sflag:$0x1] =	stream.indirect_vreg.gather [hbm4b:s2+s10], $0x1, v1, vm0, $0x4038;
	[tilespmem:$0x7D00] =	vst v63  }
0x34: {  	s17 =	sadd.s32 $0x10, s17  }
0x35: {  	v2 =	vnsel vm1, $0x0, v2;
	p0 =	slt.u32 s17, $0x1F30  }
.Ltmp3:
0x36: {  	s18 =	smov.u32 s15;
	v1 =	vmin.u32 v2, $0x4E1FF;
	(pc) =	sbr.rel @p0 .LBB2_3-.Ltmp3, $3  }
0x37: {  	_ =	sdelay $0x1  }
0x38: {  	s16 =	sadd.s32 $0x10, s16  }
0x39: {  	vm1 =	vgt.s32 v0, $0x0;
	s15 =	sadd.s32 $0x10, s15;
	v2 =	vmov v0;
	(ifvalue) =	ssetifvalue $0x7FFFFFFF;
	v0 =	vld.msk [tilespmem:s16+$0x0 ss:$0x1], $0xffff  }
.Ltmp4:
0x3a: {  	_ = 	snop;
	(pc) =	sbr.rel .LBB2_4-.Ltmp4, $1  }
0x3b: {  	_ =	sdelay $0x3  }
.LBB2_6:
0x3c: {  	_ =	sfence.sel $0x180000  }
0x3d: {  	s2 =	simm.s32 $0x2;
	[bflag:$0x0] =	sbarrier.arrive $0xFFFF  }
0x3e: {  	s30 =	simm.s32 $0x3;
	[sflag:s2] =	ssyncpa.u1 $0x1  }
0x3f: {  	s31 =	simm.s32 $0x1;
	[sflag:s30] =	ssyncpa.u1 $0x1  }
0x40: {  	[sflag:s31] =	ssyncpa.u1 $0x1  }
0x41: {  	p0 =	sne.s32 s1, $0x0;
	_ =	strace $0x90000047  }
0x42: {  	s0 =	sadd.s32 @!p0 $0x100000, s0;
	[bflag:$0x2] =	sbarrier.arrive $0xFFFF  }
0x43: {  	[sflag:s0] =	ssyncadd.tile.s32 @!p0 $0x1;
	_ =	shalt  }
.Lfunc_end2:
_tile_overlayer_lowered:
.L_overlay_start_2:
0x44: {  	(tag) =	ssettag $0x2  }
0x45: {  	s0 =	rddreg [dreg:$0x0];
	s2 =	stileid.u32  }
0x46: {  	s1 =	rddreg [dreg:$0x1];
	p0 =	sne.s32 s2, $0x0  }
0x47: {  	s3 =	rddreg [dreg:$0x2];
	[bflag:$0x3] =	sbarrier.arrive $0xFFFF;
	s2 =	simm.s32 @!p0 $0x1C01  }
0x48: {  	[timem:s3], [sflag:s2] =	dma.local @!p0 [hbm:s0], s1  }
0x49: {  	s0 =	simm.s32 @!p0 $0x1  }
0x4a: {  	_ =	swait.ge @!p0 [sflag:s0], s1  }
0x4b: {  	s1 =	ssub.s32 @!p0 $0x0, s1;
	[sflag:s0] =	ssyncset.done @!p0 $0x0  }
0x4c: {  	[sflag:s0] =	ssyncadd.s32 @!p0 s1  }
0x4d: {  	[bflag:$0x3] =	sbarrier.arrive $0xFFFF  }
0x4e: {  	_ =	shalt  }

// kernel: gather_offload_async_start
scs
__scs_entry_jumppad:
0x0: {  	(pc) =	sbr.rel $0x88, $3  }
0x1: {  	(tag) =	ssettag $0x0;
	lr =	simm.s32 $0x1  }
0x2: {  	[smem:$0x3F8F] =	sst lr;
	_ =	strace $0xD0000000  }
0x3: {  	_ = 	snop  }
0x4: {  	_ = 	snop  }
0x5: {  	_ = 	snop  }
0x6: {  	_ = 	snop  }
0x7: {  	_ = 	snop  }
__scs_overlays_trampoline_lowered:
0x8: {  	[smem:$0x3F9E] =	sst s0  }
0x9: {  	[smem:$0x3F9F] =	sst s1  }
0xa: {  	[smem:$0x3FA0] =	sst s2  }
0xb: {  	[smem:$0x3FA1] =	sst s3  }
0xc: {  	[smem:$0x3FA2] =	sst s4  }
0xd: {  	[smem:$0x3FA3] =	sst s5  }
0xe: {  	[smem:$0x3FA4] =	sst s6  }
0xf: {  	[smem:$0x3FA5] =	sst s7  }
0x10: {  	[smem:$0x3FA6] =	sst s8  }
0x11: {  	[smem:$0x3FA7] =	sst s9;
	s0 =	simm.s32 @!p0 $0x0  }
0x12: {  	s1 =	sld [smem:$0x3F8D];
	s0 =	simm.s32 @p0 $0x1  }
0x13: {  	[smem:$0x3FA8] =	sst s0;
	s0 =	simm.s32 @!p1 $0x0  }
0x14: {  	s2 =	sld [smem:$0x3F8C];
	s0 =	simm.s32 @p1 $0x1  }
0x15: {  	[smem:$0x3FA9] =	sst s0;
	s0 =	simm.s32 @!p2 $0x0  }
0x16: {  	s3 =	sld [smem:$0x3FDB];
	s0 =	simm.s32 @p2 $0x1  }
0x17: {  	s4 =	simm.s32 $0x1BF5;
	[smem:$0x3FAB] =	sst s0  }
0x18: {  	s0 =	sld [smem:$0x3F8E];
	_ =	swait.ge [sflag:s4], $0x0  }
0x19: {  	s7 =	sld [smem:$0x3F8F]  }
0x1a: {  	s8 =	sadd.s32 $0xFFFFE003, lr  }
0x1b: {  	s9 =	sadd.s32 $0xFFFFFEF7, lr;
	s5 =	simm.s32 $0xFFFFFFFF;
	p2 =	slt.u32 s8, $0xFFFFF086  }
0x1c: {  	p1 =	slt.u32 s9, $0xF7A;
	s5 =	simm.s32 @!p2 $0x0  }
0x1d: {  	s5 =	simm.s32 @p1 $0x1;
	p0 =	seq.s32 s7, s2  }
0x1e: {  	s7 =	smul.u32 @!p0 $0xF7A, s2;
	p2 =	seq.s32 @!p0 s5, $0x0  }
0x1f: {  	s9 =	smul.u32 $0xF7A, s1;
	s8 =	simm.s32 @!p0 $0x1BF5;
	p2 =	por !p2, p0  }
0x20: {  	[sflag:s8] =	ssyncset.s32 @!p0 $0xFFFFF086;
	s6 =	sadd.s32 @!p0 s3, s7;
	s7 =	simm.s32 @!p0 $0x108  }
0x21: {  	s3 =	sadd.s32 s3, s9;
	s6 =	sadd.s32 @!p0 $0x88, s6;
	s7 =	simm.s32 @p2 $0x1082  }
0x22: {  	[simem:s7], [sflag:s8] =	dma.local @!p0 [hbm:s6], $0xF7A  }
0x23: {  	s9 =	sor.u32 $0xD0000000, s2;
	s6 =	simm.s32 $0x108;
	_ =	swait.ge @!p0 [sflag:s8], $0x0  }
0x24: {  	s3 =	sadd.s32 $0x88, s3;
	s6 =	simm.s32 @!p1 $0x1082;
	[sflag:s4] =	ssyncset.s32 $0xFFFFF086  }
0x25: {  	[simem:s6], [sflag:s4] =	dma.local [hbm:s3], $0xF7A  }
0x26: {  	[smem:$0x3F8F] =	sst s1;
	(tag) =	ssettag s2;
	_ =	strace s9  }
0x27: {  	s1 =	sld [smem:$0x3F9F]  }
0x28: {  	s2 =	sld [smem:$0x3FA0]  }
0x29: {  	s4 =	sld [smem:$0x3FA2]  }
0x2a: {  	p0 =	seq.s32 s5, $0x0;
	s5 =	sld [smem:$0x3FA3]  }
0x2b: {  	s6 =	sld [smem:$0x3FA4]  }
0x2c: {  	s7 =	sld [smem:$0x3FA5]  }
0x2d: {  	s3 =	simm.s32 $0x108;
	s8 =	sld [smem:$0x3FA6]  }
0x2e: {  	s3 =	simm.s32 @!p0 $0x1082;
	s9 =	sld [smem:$0x3FA7]  }
0x2f: {  	lr =	sadd.s32 s0, s3;
	s0 =	sld [smem:$0x3F9E]  }
0x30: {  	s3 =	sld [smem:$0x3FA1]  }
0x31: {  	[smem:$0x3FAA] =	sst s10  }
0x32: {  	s10 =	sld [smem:$0x3FA8];
	_ =	sdelay $0x3  }
0x33: {  	p0 =	seq.s32 s10, $0x1;
	s10 =	sld [smem:$0x3FAA];
	_ =	sdelay $0x3  }
0x34: {  	[smem:$0x3FAA] =	sst s10  }
0x35: {  	s10 =	sld [smem:$0x3FA9];
	_ =	sdelay $0x3  }
0x36: {  	p1 =	seq.s32 s10, $0x1;
	s10 =	sld [smem:$0x3FAA];
	_ =	sdelay $0x3  }
0x37: {  	[smem:$0x3FAA] =	sst s10  }
0x38: {  	s10 =	sld [smem:$0x3FAB]  }
0x39: {  	_ = 	snop;
	(pc) =	sbr.ind lr, $3  }
0x3a: {  	_ = 	snop  }
0x3b: {  	_ = 	snop  }
0x3c: {  	p2 =	seq.s32 s10, $0x1;
	s10 =	sld [smem:$0x3FAA]  }
0x3d: {  	_ =	shalt  }
0x3e: {  	_ =	shalt  }
0x3f: {  	_ =	shalt  }
0x40: {  	_ =	shalt  }
0x41: {  	_ =	shalt  }
0x42: {  	_ =	shalt  }
0x43: {  	_ =	shalt  }
0x44: {  	_ =	shalt  }
0x45: {  	_ =	shalt  }
0x46: {  	_ =	shalt  }
0x47: {  	_ =	shalt  }
0x48: {  	_ =	shalt  }
0x49: {  	_ =	shalt  }
0x4a: {  	_ =	shalt  }
0x4b: {  	_ =	shalt  }
0x4c: {  	_ =	shalt  }
0x4d: {  	_ =	shalt  }
0x4e: {  	_ =	shalt  }
0x4f: {  	_ =	shalt  }
0x50: {  	_ =	shalt  }
0x51: {  	_ =	shalt  }
0x52: {  	_ =	shalt  }
0x53: {  	_ =	shalt  }
0x54: {  	_ =	shalt  }
0x55: {  	_ =	shalt  }
0x56: {  	_ =	shalt  }
0x57: {  	_ =	shalt  }
0x58: {  	_ =	shalt  }
0x59: {  	_ =	shalt  }
0x5a: {  	_ =	shalt  }
0x5b: {  	_ =	shalt  }
0x5c: {  	_ =	shalt  }
0x5d: {  	_ =	shalt  }
0x5e: {  	_ =	shalt  }
0x5f: {  	_ =	shalt  }
0x60: {  	_ =	shalt  }
0x61: {  	_ =	shalt  }
0x62: {  	_ =	shalt  }
0x63: {  	_ =	shalt  }
0x64: {  	_ =	shalt  }
0x65: {  	_ =	shalt  }
0x66: {  	_ =	shalt  }
0x67: {  	_ =	shalt  }
0x68: {  	_ =	shalt  }
0x69: {  	_ =	shalt  }
0x6a: {  	_ =	shalt  }
0x6b: {  	_ =	shalt  }
0x6c: {  	_ =	shalt  }
0x6d: {  	_ =	shalt  }
0x6e: {  	_ =	shalt  }
0x6f: {  	_ =	shalt  }
0x70: {  	_ =	shalt  }
0x71: {  	_ =	shalt  }
0x72: {  	_ =	shalt  }
0x73: {  	_ =	shalt  }
0x74: {  	_ =	shalt  }
0x75: {  	_ =	shalt  }
0x76: {  	_ =	shalt  }
0x77: {  	_ =	shalt  }
0x78: {  	_ =	shalt  }
0x79: {  	_ =	shalt  }
0x7a: {  	_ =	shalt  }
0x7b: {  	_ =	shalt  }
0x7c: {  	_ =	shalt  }
0x7d: {  	_ =	shalt  }
0x7e: {  	_ =	shalt  }
0x7f: {  	_ =	shalt  }
0x80: {  	_ =	shalt  }
0x81: {  	_ =	shalt  }
0x82: {  	_ =	shalt  }
0x83: {  	_ =	shalt  }
0x84: {  	_ =	shalt  }
0x85: {  	_ =	shalt  }
0x86: {  	_ =	shalt  }
0x87: {  	_ =	shalt  }
.Lfunc_end0:
.L_simem_size_0:
called_computation_lowered:
.L_overlay_start_0:
0x88: {  	s2 =	sld [smem:$0x3FD9]  }
0x89: {  	s3 =	sld [smem:$0x3FFE];
	_ =	sdelay $0x1  }
0x8a: {  	s1 =	srdreg.scid  }
0x8b: {  	s0 =	sand.u32 $0x1, s1  }
0x8c: {  	s17 =	sshll.u32 s0, $0xA;
	s2 =	sadd.s32 s3, s2  }
0x8d: {  	s2 =	sadd.s32 s2, s17  }
0x8e: {  	[smem:$0x3FB6] =	sst s2  }
0x8f: {  	_ = 	snop  }
0x90: {  	(tm) =	ssettm $0x1  }
0x91: {  	s18 =	sld [smem:$0x3FFB];
	_ =	sdelay $0x3  }
0x92: {  	_ =	strace s18  }
0x93: {  	s2 =	sld [smem:$0x3FFC];
	_ =	sdelay $0x3  }
0x94: {  	_ =	strace s2  }
0x95: {  	s2 =	sld [smem:$0x3FFD];
	_ =	sdelay $0x3  }
0x96: {  	_ =	strace s2  }
0x97: {  	_ =	strace $0x8FFFFFFF  }
0x98: {  	s19 =	sld [smem:$0x3FDB];
	_ =	sdelay $0x1  }
0x99: {  	s20 =	simm.s32 $_scs_section_size  }
0x9a: {  	s4 =	simm.s32 $_size__tile_overlayer_lowered;
	s5 =	simm.s32 $_tile_overlayer_lowered  }
0x9b: {  	s6 =	simm.s32 $0x1BFF;
	s21 =	sshll.u32 s5, $0x1;
	s3 =	sadd.s32 s20, s19  }
0x9c: {  	s22 =	simm.s32 $0x0;
	s4 =	sshll.u32 s4, $0x1;
	s5 =	sadd.s32 s21, s3  }
0x9d: {  	[timem:s22], [sflag:s6] =	dma.local [hbm:s5], s4  }
0x9e: {  	_ =	swait.ge [sflag:s6], s4  }
0x9f: {  	s4 =	ssub.s32 $0x0, s4;
	[sflag:s6] =	ssyncset.done $0x0  }
0xa0: {  	[sflag:s6] =	ssyncadd.s32 s4;
	_ =	sdelay $0x1  }
0xa1: {  	s23 =	simm.s32 $0x1B8B  }
0xa2: {  	_ =	swait.ge [sflag:s23], $0x1  }
0xa3: {  	[sflag:s23] =	ssyncset.done $0x0  }
0xa4: {  	[sflag:s23] =	ssyncadd.s32 $0xFFFFFFFF  }
0xa5: {  	s4 =	sld [smem:$0x0]  }
0xa6: {  	s5 =	sand.u32 $0xFFFFFFFE, s1  }
0xa7: {  	p0 =	sne.s32 s1, s5  }
0xa8: {  	s5 =	sshll.u32 @p0 s5, $0xE  }
0xa9: {  	s5 =	sadd.s32 @p0 $0x11B8D, s5;
	s6 =	sshll.u32 @p0 s4, $0x11  }
0xaa: {  	s5 =	sor.u32 @p0 s6, s5  }
0xab: {  	[sflag:s5] =	ssyncadd.remote.s32 @p0 $0x1;
	_ =	sdelay $0x1  }
0xac: {  	s5 =	simm.s32 @p0 $0x1B8D  }
0xad: {  	_ =	swait.eq @p0 [sflag:s5], $0x1  }
0xae: {  	[sflag:s5] =	ssyncadd.s32 @p0 $0xFFFFFFFF  }
0xaf: {  	s6 =	sshll.u32 @!p0 s1, $0xE  }
0xb0: {  	s6 =	sor.u32 @!p0 $0x4000, s6;
	s5 =	simm.s32 @!p0 $0x1B8D  }
0xb1: {  	s4 =	sshll.u32 @!p0 s4, $0x11;
	s6 =	sadd.s32 @!p0 $0x11B8D, s6;
	_ =	swait.eq @!p0 [sflag:s5], $0x1  }
0xb2: {  	s4 =	sor.u32 @!p0 s4, s6;
	[sflag:s5] =	ssyncadd.s32 @!p0 $0xFFFFFFFF  }
0xb3: {  	s25 =	simm.s32 $0x1B8E;
	s24 =	sld [smem:$0x3FFE];
	[sflag:s4] =	ssyncadd.remote.s32 @!p0 $0x1  }
0xb4: {  	s26 =	simm.s32 $execute0_lowered;
	[smem:$0x3FD2] =	sst s25  }
0xb5: {  	s5 =	sshll.u32 s26, $0x1;
	_ =	strace $0x80000049;
	[dreg:$0x1] =	wrdreg $0xFFFFFFFF  }
0xb6: {  	s28 =	simm.s32 $_size_execute0_lowered;
	s3 =	sadd.s32 s3, s5;
	[dreg:$0x0] =	wrdreg $0x0  }
0xb7: {  	s5 =	sshll.u32 s28, $0x1;
	[dreg:$0x2] =	wrdreg s3  }
0xb8: {  	[dreg:$0x3] =	wrdreg s5  }
0xb9: {  	[dreg:$0x4] =	wrdreg $0xC0  }
0xba: {  	_ =	task [dreg:s22], $0x5FFFF  }
0xbb: {  	[dreg:$0x1] =	wrdreg $0xFFFFFFFF  }
0xbc: {  	[dreg:$0x0] =	wrdreg $0x60  }
0xbd: {  	[dreg:$0x2] =	wrdreg s24  }
0xbe: {  	[dreg:$0x3] =	wrdreg $0x9  }
0xbf: {  	_ =	task.clear_ibuf [dreg:s22], $0x4FFFF;
	_ =	strace $0x90000049  }
0xc0: {  	s29 =	simm.s32 $0x9;
	_ =	strace $0x8000004B  }
0xc1: {  	_ =	swait.ge [sflag:s29], $0x1  }
0xc2: {  	[sflag:s29] =	ssyncadd.s32 $0xFFFFFFFF  }
0xc3: {  	_ =	strace $0x9000004B  }
0xc4: {  	_ =	sfence  }
0xc5: {  	s30 =	sld [smem:$0x0];
	_ =	sdelay $0x2  }
0xc6: {  	s31 =	sshll.u32 s1, $0xD;
	s1 =	sshrl.u32 s1, $0x2  }
0xc7: {  	s4 =	sand.u32 $0x4000, s31;
	s1 =	sadd.s32 s1, s30  }
0xc8: {  	s0 =	sor.u32 s4, s0;
	s1 =	sshll.u32 s1, $0x11  }
0xc9: {  	s0 =	sor.u32 s1, s0  }
0xca: {  	s0 =	sadd.s32 $0x8F2B, s0  }
0xcb: {  	[sflag:s0] =	ssyncadd.remote.s32 $0x1  }
0xcc: {  	_ =	sfence.sel $0xFFFF  }
0xcd: {  	[dreg:$0x0] =	wrdreg $0xFFFFFFFF;
	(pc) =	sbr.abs _section_cstart, $3  }
0xce: {  	[dreg:$0x1] =	wrdreg $0xFFFFFFFF  }
0xcf: {  	_ =	task.clear_ibuf [dreg:s22], $0x2FFFF;
	_ =	strace $0x9FFFFFFF  }
0xd0: {  	(tm) =	ssettm $0x7FFFFFFF  }
0xd1: {  	_ =	shalt  }
tec
execute0_lowered:
.L_overlay_start_1:
0x0: {  	(tag) =	ssettag $0x1  }
0x1: {  	s8 =	rddreg [dreg:$0x0]  }
0x2: {  	s0 =	rddreg [dreg:$0x1];
	_ =	strace $0x8000004A;
	s1 =	stileid.u32  }
0x3: {  	s3 =	srdreg.scid;
	s4 =	simm.s32 $0x1;
	s7 =	simm.s32 $0x1  }
0x4: {  	s9 =	simm.s32 $0x1;
	s10 =	simm.s32 $0x3;
	s13 =	simm.s32 $0x0  }
0x5: {  	s12 =	simm.s32 $0x0;
	s5 =	sand.u32 $0x1, s3;
	s6 =	sshll.u32 s1, $0x1  }
0x6: {  	s2 =	sadd.s32 $0x6E00, s8;
	s3 =	sadd.s32 $0x1AA00, s8;
	s5 =	sor.u32 s6, s5  }
.Ltmp0:
0x7: {  	[sflag:s4] =	ssyncpa.u1 $0x0;
	p0 =	slt.u32 s5, $0x9;
	(pc) =	sbr.rel .LBB2_1-.Ltmp0, $4  }
0x8: {  	s6 =	simm.s32 $0x2;
	s7 =	simm.s32 @!p0 $0x0;
	p0 =	sne.s32 s5, $0x8  }
0x9: {  	[sflag:s6] =	ssyncpa.u1 $0x0;
	s5 =	smul.u32 $0x1F40, s5;
	s9 =	simm.s32 @!p0 $0x0  }
0xa: {  	s8 =	sadd.s32 $0x2E600, s8;
	[sflag:s10] =	ssyncpa.u1 $0x0;
	s7 =	sadd.s32 s9, s7  }
0xb: {  	vm0 =	vmmov $0xffff;
	s10 =	simm.s32 $0x0;
	s11 =	smov.u32 s5;
	s9 =	sadd.s32 $0x1, s7  }
.LBB2_4:
0xc: {  	v2 =	vnsel vm1, $0x0, v2  }
0xd: {  	vm1 =	vgt.s32 v0, $0x0;
	v2 =	vmin.u32 v2, $0x4E1FF  }
0xe: {  	v0 =	vnsel vm1, $0x0, v0  }
0xf: {  	v0 =	vmin.u32 v0, $0x4E1FF  }
0x10: {  	[tilespmem:s18], [sflag:$0x1] =	stream.indirect_vreg.gather [hbm4b:s2+s10], $0x1, v1, vm0, $0x4038;
	[tilespmem:$0x7D00] =	vst v63  }
0x11: {  	(ifvalue) =	ssetifvalue $0x7FFFFFFF  }
0x12: {  	[tilespmem:s15], [sflag:$0x1] =	stream.indirect_vreg.gather [hbm4b:s2+s10], $0x1, v2, vm0, $0x4038;
	[tilespmem:$0x7D00] =	vst v63  }
0x13: {  	s29 =	sadd.s32 $0x10, s15;
	(ifvalue) =	ssetifvalue $0x7FFFFFFF  }
0x14: {  	[tilespmem:s29], [sflag:$0x1] =	stream.indirect_vreg.gather [hbm4b:s2+s10], $0x1, v0, vm0, $0x4038;
	[tilespmem:$0x7D00] =	vst v63  }
0x15: {  	_ =	swait.ge [sflag:s4], $0x1F40  }
0x16: {  	s30 =	sshrl.u32 s13, $0x3;
	[sflag:s4] =	ssyncset.done $0x0  }
0x17: {  	s31 =	sand.u32 $0x7, s13;
	s15 =	sadd.s32 s8, s30;
	[sflag:s4] =	ssyncadd.s32 $0xFFFFE0C0  }
0x18: {  	[hbm4b:s15+s31] =	stream.linear.scatter [tilespmem:s14], [sflag:$0x3], $0x1F40, $0x38;
	[tilespmem:$0x7D00] =	vst v63  }
.LBB2_5:
0x19: {  	s15 =	sadd.s32 $0x3E800, s11  }
0x1a: {  	p1 =	sgt.s32 s15, $0x4E1FF  }
0x1b: {  	s15 =	smov.u32 @p1 s5;
	p1 =	sne.s32 s12, s9  }
.Ltmp1:
0x1c: {  	p0 =	slt.u32 s12, $0x2;
	(pc) =	sbr.rel @!p1 .LBB2_6-.Ltmp1, $4  }
0x1d: {  	s14 =	simm.s32 @!p0 $0x3  }
0x1e: {  	_ =	swait.ge @!p0 [sflag:s14], $0x1F40  }
0x1f: {  	s16 =	sadd.s32 $0x1, s12;
	s13 =	smov.u32 s11;
	[sflag:s14] =	ssyncset.done @!p0 $0x0  }
0x20: {  	s12 =	smov.u32 s16;
	s11 =	smov.u32 s15;
	[sflag:s14] =	ssyncadd.s32 @!p0 $0xFFFFE0C0  }
.LBB2_1:
0x21: {  	p0 =	sge.u32 s12, s7  }
0x22: {  	s14 =	sxor.u32 @!p0 $0x1, s12  }
0x23: {  	s14 =	smul.u32 @!p0 $0x7D00, s14  }
0x24: {  	s31 =	sadd.s32 $0xFFFFFFFF, s12;
	s15 =	sshrl.u32 @!p0 s11, $0x3  }
0x25: {  	s16 =	sand.u32 @!p0 $0x7, s11;
	s15 =	sadd.s32 @!p0 s3, s15;
	s14 =	sshra.s32 @!p0 s14, $0x2  }
0x26: {  	[tilespmem:s14], [sflag:$0x2] =	stream.linear.gather @!p0 [hbm4b:s15+s16], $0x1F40, $0x38;
	[tilespmem:$0x7D00] =	vst v63  }
0x27: {  	p0 =	sge.u32 s31, s7  }
.Ltmp2:
0x28: {  	_ = 	snop;
	(pc) =	sbr.rel @p0 .LBB2_5-.Ltmp2, $1  }
0x29: {  	_ =	sdelay $0x3  }
0x2a: {  	s14 =	sand.u32 $0x1, s12  }
0x2b: {  	_ =	swait.ge [sflag:s6], $0x1F40;
	p0 =	seq.s32 s14, $0x1;
	s14 =	simm.s32 $0x1F40  }
0x2c: {  	[sflag:s6] =	ssyncset.done $0x0;
	s14 =	simm.s32 @!p0 $0x0  }
0x2d: {  	[sflag:s6] =	ssyncadd.s32 $0xFFFFE0C0;
	(ifvalue) =	ssetifvalue $0x7FFFFFFF;
	v0 =	vld.msk [tilespmem:s14+$0x0 ss:$0x1], $0xffff;
	_ =	sdelay $0x4  }
0x2e: {  	s15 =	sadd.s32 $0x10, s14;
	vm1 =	vgt.s32 v0, $0x0  }
0x2f: {  	v2 =	vld.msk [tilespmem:s15+$0x0 ss:$0x1], $0xffff;
	v1 =	vnsel vm1, $0x0, v0  }
0x30: {  	v1 =	vmin.u32 v1, $0x4E1FF;
	_ =	sdelay $0x2  }
0x31: {  	s17 =	simm.s32 $0x20;
	s14 =	sadd.s32 $0x3E80, s14;
	s16 =	sadd.s32 $0x10, s15  }
0x32: {  	s15 =	sadd.s32 $0x10, s14;
	s18 =	smov.u32 s14;
	v0 =	vld.msk [tilespmem:s16+$0x0 ss:$0x1], $0xffff;
	vm1 =	vgt.s32 v2, $0x0;
	(ifvalue) =	ssetifvalue $0x7FFFFFFF  }
.LBB2_3:
0x33: {  	[tilespmem:s18], [sflag:$0x1] =	stream.indirect_vreg.gather [hbm4b:s2+s10], $0x1, v1, vm0, $0x4038;
	[tilespmem:$0x7D00] =	vst v63  }
0x34: {  	s17 =	sadd.s32 $0x10, s17  }
0x35: {  	v2 =	vnsel vm1, $0x0, v2;
	p0 =	slt.u32 s17, $0x1F30  }
.Ltmp3:
0x36: {  	s18 =	smov.u32 s15;
	v1 =	vmin.u32 v2, $0x4E1FF;
	(pc) =	sbr.rel @p0 .LBB2_3-.Ltmp3, $3  }
0x37: {  	_ =	sdelay $0x1  }
0x38: {  	s16 =	sadd.s32 $0x10, s16  }
0x39: {  	vm1 =	vgt.s32 v0, $0x0;
	s15 =	sadd.s32 $0x10, s15;
	v2 =	vmov v0;
	(ifvalue) =	ssetifvalue $0x7FFFFFFF;
	v0 =	vld.msk [tilespmem:s16+$0x0 ss:$0x1], $0xffff  }
.Ltmp4:
0x3a: {  	_ = 	snop;
	(pc) =	sbr.rel .LBB2_4-.Ltmp4, $1  }
0x3b: {  	_ =	sdelay $0x3  }
.LBB2_6:
0x3c: {  	_ =	sfence.sel $0x180000  }
0x3d: {  	s2 =	simm.s32 $0x2;
	[bflag:$0x0] =	sbarrier.arrive $0xFFFF  }
0x3e: {  	s30 =	simm.s32 $0x3;
	[sflag:s2] =	ssyncpa.u1 $0x1  }
0x3f: {  	s31 =	simm.s32 $0x1;
	[sflag:s30] =	ssyncpa.u1 $0x1  }
0x40: {  	[sflag:s31] =	ssyncpa.u1 $0x1  }
0x41: {  	p0 =	sne.s32 s1, $0x0;
	_ =	strace $0x9000004A  }
0x42: {  	s0 =	sadd.s32 @!p0 $0x100000, s0;
	[bflag:$0x2] =	sbarrier.arrive $0xFFFF  }
0x43: {  	[sflag:s0] =	ssyncadd.tile.s32 @!p0 $0x1;
	_ =	shalt  }
.Lfunc_end2:
_tile_overlayer_lowered:
.L_overlay_start_2:
0x44: {  	(tag) =	ssettag $0x2  }
0x45: {  	s0 =	rddreg [dreg:$0x0];
	s2 =	stileid.u32  }
0x46: {  	s1 =	rddreg [dreg:$0x1];
	p0 =	sne.s32 s2, $0x0  }
0x47: {  	s3 =	rddreg [dreg:$0x2];
	[bflag:$0x3] =	sbarrier.arrive $0xFFFF;
	s2 =	simm.s32 @!p0 $0x1C01  }
0x48: {  	[timem:s3], [sflag:s2] =	dma.local @!p0 [hbm:s0], s1  }
0x49: {  	s0 =	simm.s32 @!p0 $0x1  }
0x4a: {  	_ =	swait.ge @!p0 [sflag:s0], s1  }
0x4b: {  	s1 =	ssub.s32 @!p0 $0x0, s1;
	[sflag:s0] =	ssyncset.done @!p0 $0x0  }
0x4c: {  	[sflag:s0] =	ssyncadd.s32 @!p0 s1  }
0x4d: {  	[bflag:$0x3] =	sbarrier.arrive $0xFFFF  }
0x4e: {  	_ =	shalt  }

// kernel: kernel.15.cloned.1.call-start
scs
__scs_entry_jumppad:
0x0: {  	(pc) =	sbr.rel $0x88, $3  }
0x1: {  	(tag) =	ssettag $0x0;
	lr =	simm.s32 $0x1  }
0x2: {  	[smem:$0x3F8F] =	sst lr;
	_ =	strace $0xD0000000  }
0x3: {  	_ = 	snop  }
0x4: {  	_ = 	snop  }
0x5: {  	_ = 	snop  }
0x6: {  	_ = 	snop  }
0x7: {  	_ = 	snop  }
__scs_overlays_trampoline_lowered:
0x8: {  	[smem:$0x3F9E] =	sst s0  }
0x9: {  	[smem:$0x3F9F] =	sst s1  }
0xa: {  	[smem:$0x3FA0] =	sst s2  }
0xb: {  	[smem:$0x3FA1] =	sst s3  }
0xc: {  	[smem:$0x3FA2] =	sst s4  }
0xd: {  	[smem:$0x3FA3] =	sst s5  }
0xe: {  	[smem:$0x3FA4] =	sst s6  }
0xf: {  	[smem:$0x3FA5] =	sst s7  }
0x10: {  	[smem:$0x3FA6] =	sst s8  }
0x11: {  	[smem:$0x3FA7] =	sst s9;
	s0 =	simm.s32 @!p0 $0x0  }
0x12: {  	s1 =	sld [smem:$0x3F8D];
	s0 =	simm.s32 @p0 $0x1  }
0x13: {  	[smem:$0x3FA8] =	sst s0;
	s0 =	simm.s32 @!p1 $0x0  }
0x14: {  	s2 =	sld [smem:$0x3F8C];
	s0 =	simm.s32 @p1 $0x1  }
0x15: {  	[smem:$0x3FA9] =	sst s0;
	s0 =	simm.s32 @!p2 $0x0  }
0x16: {  	s3 =	sld [smem:$0x3FDB];
	s0 =	simm.s32 @p2 $0x1  }
0x17: {  	s4 =	simm.s32 $0x1BF5;
	[smem:$0x3FAB] =	sst s0  }
0x18: {  	s0 =	sld [smem:$0x3F8E];
	_ =	swait.ge [sflag:s4], $0x0  }
0x19: {  	s7 =	sld [smem:$0x3F8F]  }
0x1a: {  	s8 =	sadd.s32 $0xFFFFE003, lr  }
0x1b: {  	s9 =	sadd.s32 $0xFFFFFEF7, lr;
	s5 =	simm.s32 $0xFFFFFFFF;
	p2 =	slt.u32 s8, $0xFFFFF086  }
0x1c: {  	p1 =	slt.u32 s9, $0xF7A;
	s5 =	simm.s32 @!p2 $0x0  }
0x1d: {  	s5 =	simm.s32 @p1 $0x1;
	p0 =	seq.s32 s7, s2  }
0x1e: {  	s7 =	smul.u32 @!p0 $0xF7A, s2;
	p2 =	seq.s32 @!p0 s5, $0x0  }
0x1f: {  	s9 =	smul.u32 $0xF7A, s1;
	s8 =	simm.s32 @!p0 $0x1BF5;
	p2 =	por !p2, p0  }
0x20: {  	[sflag:s8] =	ssyncset.s32 @!p0 $0xFFFFF086;
	s6 =	sadd.s32 @!p0 s3, s7;
	s7 =	simm.s32 @!p0 $0x108  }
0x21: {  	s3 =	sadd.s32 s3, s9;
	s6 =	sadd.s32 @!p0 $0x88, s6;
	s7 =	simm.s32 @p2 $0x1082  }
0x22: {  	[simem:s7], [sflag:s8] =	dma.local @!p0 [hbm:s6], $0xF7A  }
0x23: {  	s9 =	sor.u32 $0xD0000000, s2;
	s6 =	simm.s32 $0x108;
	_ =	swait.ge @!p0 [sflag:s8], $0x0  }
0x24: {  	s3 =	sadd.s32 $0x88, s3;
	s6 =	simm.s32 @!p1 $0x1082;
	[sflag:s4] =	ssyncset.s32 $0xFFFFF086  }
0x25: {  	[simem:s6], [sflag:s4] =	dma.local [hbm:s3], $0xF7A  }
0x26: {  	[smem:$0x3F8F] =	sst s1;
	(tag) =	ssettag s2;
	_ =	strace s9  }
0x27: {  	s1 =	sld [smem:$0x3F9F]  }
0x28: {  	s2 =	sld [smem:$0x3FA0]  }
0x29: {  	s4 =	sld [smem:$0x3FA2]  }
0x2a: {  	p0 =	seq.s32 s5, $0x0;
	s5 =	sld [smem:$0x3FA3]  }
0x2b: {  	s6 =	sld [smem:$0x3FA4]  }
0x2c: {  	s7 =	sld [smem:$0x3FA5]  }
0x2d: {  	s3 =	simm.s32 $0x108;
	s8 =	sld [smem:$0x3FA6]  }
0x2e: {  	s3 =	simm.s32 @!p0 $0x1082;
	s9 =	sld [smem:$0x3FA7]  }
0x2f: {  	lr =	sadd.s32 s0, s3;
	s0 =	sld [smem:$0x3F9E]  }
0x30: {  	s3 =	sld [smem:$0x3FA1]  }
0x31: {  	[smem:$0x3FAA] =	sst s10  }
0x32: {  	s10 =	sld [smem:$0x3FA8];
	_ =	sdelay $0x3  }
0x33: {  	p0 =	seq.s32 s10, $0x1;
	s10 =	sld [smem:$0x3FAA];
	_ =	sdelay $0x3  }
0x34: {  	[smem:$0x3FAA] =	sst s10  }
0x35: {  	s10 =	sld [smem:$0x3FA9];
	_ =	sdelay $0x3  }
0x36: {  	p1 =	seq.s32 s10, $0x1;
	s10 =	sld [smem:$0x3FAA];
	_ =	sdelay $0x3  }
0x37: {  	[smem:$0x3FAA] =	sst s10  }
0x38: {  	s10 =	sld [smem:$0x3FAB]  }
0x39: {  	_ = 	snop;
	(pc) =	sbr.ind lr, $3  }
0x3a: {  	_ = 	snop  }
0x3b: {  	_ = 	snop  }
0x3c: {  	p2 =	seq.s32 s10, $0x1;
	s10 =	sld [smem:$0x3FAA]  }
0x3d: {  	_ =	shalt  }
0x3e: {  	_ =	shalt  }
0x3f: {  	_ =	shalt  }
0x40: {  	_ =	shalt  }
0x41: {  	_ =	shalt  }
0x42: {  	_ =	shalt  }
0x43: {  	_ =	shalt  }
0x44: {  	_ =	shalt  }
0x45: {  	_ =	shalt  }
0x46: {  	_ =	shalt  }
0x47: {  	_ =	shalt  }
0x48: {  	_ =	shalt  }
0x49: {  	_ =	shalt  }
0x4a: {  	_ =	shalt  }
0x4b: {  	_ =	shalt  }
0x4c: {  	_ =	shalt  }
0x4d: {  	_ =	shalt  }
0x4e: {  	_ =	shalt  }
0x4f: {  	_ =	shalt  }
0x50: {  	_ =	shalt  }
0x51: {  	_ =	shalt  }
0x52: {  	_ =	shalt  }
0x53: {  	_ =	shalt  }
0x54: {  	_ =	shalt  }
0x55: {  	_ =	shalt  }
0x56: {  	_ =	shalt  }
0x57: {  	_ =	shalt  }
0x58: {  	_ =	shalt  }
0x59: {  	_ =	shalt  }
0x5a: {  	_ =	shalt  }
0x5b: {  	_ =	shalt  }
0x5c: {  	_ =	shalt  }
0x5d: {  	_ =	shalt  }
0x5e: {  	_ =	shalt  }
0x5f: {  	_ =	shalt  }
0x60: {  	_ =	shalt  }
0x61: {  	_ =	shalt  }
0x62: {  	_ =	shalt  }
0x63: {  	_ =	shalt  }
0x64: {  	_ =	shalt  }
0x65: {  	_ =	shalt  }
0x66: {  	_ =	shalt  }
0x67: {  	_ =	shalt  }
0x68: {  	_ =	shalt  }
0x69: {  	_ =	shalt  }
0x6a: {  	_ =	shalt  }
0x6b: {  	_ =	shalt  }
0x6c: {  	_ =	shalt  }
0x6d: {  	_ =	shalt  }
0x6e: {  	_ =	shalt  }
0x6f: {  	_ =	shalt  }
0x70: {  	_ =	shalt  }
0x71: {  	_ =	shalt  }
0x72: {  	_ =	shalt  }
0x73: {  	_ =	shalt  }
0x74: {  	_ =	shalt  }
0x75: {  	_ =	shalt  }
0x76: {  	_ =	shalt  }
0x77: {  	_ =	shalt  }
0x78: {  	_ =	shalt  }
0x79: {  	_ =	shalt  }
0x7a: {  	_ =	shalt  }
0x7b: {  	_ =	shalt  }
0x7c: {  	_ =	shalt  }
0x7d: {  	_ =	shalt  }
0x7e: {  	_ =	shalt  }
0x7f: {  	_ =	shalt  }
0x80: {  	_ =	shalt  }
0x81: {  	_ =	shalt  }
0x82: {  	_ =	shalt  }
0x83: {  	_ =	shalt  }
0x84: {  	_ =	shalt  }
0x85: {  	_ =	shalt  }
0x86: {  	_ =	shalt  }
0x87: {  	_ =	shalt  }
.Lfunc_end0:
.L_simem_size_0:
called_computation.2_lowered:
.L_overlay_start_0:
0x88: {  	s2 =	sld [smem:$0x3FD9]  }
0x89: {  	s3 =	sld [smem:$0x3FFE];
	_ =	sdelay $0x1  }
0x8a: {  	s1 =	srdreg.scid  }
0x8b: {  	s0 =	sand.u32 $0x1, s1  }
0x8c: {  	s17 =	sshll.u32 s0, $0xA;
	s2 =	sadd.s32 s3, s2  }
0x8d: {  	s2 =	sadd.s32 s2, s17  }
0x8e: {  	[smem:$0x3FB6] =	sst s2  }
0x8f: {  	_ = 	snop  }
0x90: {  	s2 =	sld [smem:$0x3FC9];
	(tm) =	ssettm $0x1  }
0x91: {  	s18 =	sld [smem:$0x3FFB];
	_ =	sdelay $0x3  }
0x92: {  	_ =	strace s18  }
0x93: {  	s3 =	sld [smem:$0x3FFC];
	_ =	sdelay $0x3  }
0x94: {  	_ =	strace s3  }
0x95: {  	s3 =	sld [smem:$0x3FFD];
	_ =	sdelay $0x3  }
0x96: {  	_ =	strace s3  }
0x97: {  	_ =	strace $0x8FFFFFFF  }
0x98: {  	s19 =	sld [smem:$0x3FDB];
	_ =	sdelay $0x1  }
0x99: {  	s4 =	simm.s32 $_scs_section_size  }
0x9a: {  	s5 =	simm.s32 $_size__tile_overlayer_lowered;
	s6 =	simm.s32 $_tile_overlayer_lowered  }
0x9b: {  	s22 =	simm.s32 $0x1BFF;
	s21 =	sshll.u32 s6, $0x1;
	s3 =	sadd.s32 s4, s19  }
0x9c: {  	s7 =	simm.s32 $0x0;
	s20 =	sshll.u32 s5, $0x1;
	s5 =	sadd.s32 s21, s3  }
0x9d: {  	[timem:s7], [sflag:s22] =	dma.local [hbm:s5], s20  }
0x9e: {  	_ =	swait.ge [sflag:s22], s20  }
0x9f: {  	s4 =	ssub.s32 $0x0, s20;
	[sflag:s22] =	ssyncset.done $0x0  }
0xa0: {  	[sflag:s22] =	ssyncadd.s32 s4;
	_ =	sdelay $0x1  }
0xa1: {  	s23 =	simm.s32 $0x1B8B  }
0xa2: {  	_ =	swait.ge [sflag:s23], $0x1  }
0xa3: {  	[sflag:s23] =	ssyncset.done $0x0  }
0xa4: {  	s25 =	simm.s32 $0x1B8E;
	s24 =	sld [smem:$0x3FFE];
	[sflag:s23] =	ssyncadd.s32 $0xFFFFFFFF  }
0xa5: {  	s26 =	simm.s32 $execute0_lowered;
	[smem:$0x3FD2] =	sst s25  }
0xa6: {  	s5 =	sshll.u32 s26, $0x1;
	_ =	strace $0x8000004C;
	[dreg:$0x1] =	wrdreg $0xFFFFFFFF  }
0xa7: {  	s28 =	simm.s32 $_size_execute0_lowered;
	s3 =	sadd.s32 s3, s5;
	[dreg:$0x0] =	wrdreg $0x0  }
0xa8: {  	s5 =	sshll.u32 s28, $0x1;
	[dreg:$0x2] =	wrdreg s3  }
0xa9: {  	[dreg:$0x3] =	wrdreg s5  }
0xaa: {  	[dreg:$0x4] =	wrdreg $0xC0  }
0xab: {  	_ =	task [dreg:s7], $0x5FFFF  }
0xac: {  	[dreg:$0x1] =	wrdreg $0xFFFFFFFF  }
0xad: {  	[dreg:$0x0] =	wrdreg $0x60  }
0xae: {  	[dreg:$0x2] =	wrdreg s2  }
0xaf: {  	[dreg:$0x3] =	wrdreg s24  }
0xb0: {  	[dreg:$0x4] =	wrdreg $0x9F000  }
0xb1: {  	[dreg:$0x5] =	wrdreg $0x9  }
0xb2: {  	_ =	task.clear_ibuf [dreg:s7], $0x6FFFF;
	_ =	strace $0x9000004C  }
0xb3: {  	s29 =	simm.s32 $0x9;
	_ =	strace $0x8000004E  }
0xb4: {  	_ =	swait.ge [sflag:s29], $0x1  }
0xb5: {  	[sflag:s29] =	ssyncadd.s32 $0xFFFFFFFF  }
0xb6: {  	_ =	strace $0x9000004E  }
0xb7: {  	_ =	sfence  }
0xb8: {  	s30 =	sld [smem:$0x0];
	_ =	sdelay $0x2  }
0xb9: {  	s31 =	sshll.u32 s1, $0xD;
	s1 =	sshrl.u32 s1, $0x2  }
0xba: {  	s3 =	sand.u32 $0x4000, s31;
	s1 =	sadd.s32 s1, s30  }
0xbb: {  	s0 =	sor.u32 s3, s0;
	s1 =	sshll.u32 s1, $0x11  }
0xbc: {  	s0 =	sor.u32 s1, s0  }
0xbd: {  	s0 =	sadd.s32 $0x8F2B, s0  }
0xbe: {  	[sflag:s0] =	ssyncadd.remote.s32 $0x1  }
0xbf: {  	_ =	sfence.sel $0xFFFF  }
0xc0: {  	[dreg:$0x0] =	wrdreg $0xFFFFFFFF;
	(pc) =	sbr.abs _section_cstart, $3  }
0xc1: {  	[dreg:$0x1] =	wrdreg $0xFFFFFFFF  }
0xc2: {  	_ =	task.clear_ibuf [dreg:s7], $0x2FFFF;
	_ =	strace $0x9FFFFFFF  }
0xc3: {  	(tm) =	ssettm $0x7FFFFFFF  }
tec
execute0_lowered:
.L_overlay_start_1:
0x0: {  	(tag) =	ssettag $0x1  }
0x1: {  	s2 =	rddreg [dreg:$0x0]  }
0x2: {  	s0 =	rddreg [dreg:$0x1]  }
0x3: {  	s3 =	rddreg [dreg:$0x2];
	s21 =	stileid.u32  }
0x4: {  	s4 =	simm.s32 $0x0;
	s1 =	srdreg.scid;
	s28 =	simm.s32 $0x80  }
0x5: {  	s29 =	simm.s32 $0x400;
	s5 =	sshrl.u32 s21, $0x2;
	s10 =	smul.u32 $0x2800, s21  }
0x6: {  	s31 =	simm.s32 $0x50;
	s1 =	sand.u32 $0x1, s1;
	s5 =	smul.u32 $0x13C00, s5  }
0x7: {  	s30 =	simm.s32 $0x2;
	s11 =	sor.u32 $0x20, s21;
	s8 =	smul.u32 $0x138800, s1  }
0x8: {  	s6 =	sshll.u32 s21, $0x8;
	s14 =	sor.u32 $0x40, s21;
	s13 =	smul.u32 $0x2800, s11  }
0x9: {  	s9 =	sor.u32 $0x10, s21;
	s16 =	sor.u32 $0x50, s21;
	s17 =	smul.u32 $0x2800, s14  }
0xa: {  	[smem:$0x7FF] =	sst s4;
	s19 =	sor.u32 $0x60, s21;
	s20 =	smul.u32 $0x2800, s16  }
0xb: {  	s12 =	sadd.s32 $0x10C00, s0;
	s25 =	sor.u32 $0x70, s21;
	s24 =	smul.u32 $0x2800, s19  }
0xc: {  	s7 =	sshll.u32 s1, $0x7;
	s6 =	sand.u32 $0x300, s6;
	s26 =	smul.u32 $0x2800, s25  }
0xd: {  	_ =	strace $0x8000004D;
	[dreg:$0x4] =	wrdreg s12;
	s14 =	smul.u32 $0xA000, s14  }
0xe: {  	s12 =	sor.u32 $0x30, s21;
	s6 =	sor.u32 s7, s6;
	s7 =	smul.u32 $0xA000, s21  }
0xf: {  	s1 =	ssub.s32 $0x2, s1;
	p0 =	sgt.u32 s25, $0x7C;
	s15 =	smul.u32 $0x2800, s12  }
0x10: {  	s18 =	sshrl.u32 s1, $0x1;
	s5 =	sor.u32 s5, s6;
	s6 =	smul.u32 $0xA000, s9  }
0x11: {  	s9 =	smul.u32 $0x2800, s9;
	s1 =	ssub.s32 s1, s18;
	s21 =	sadd.s32 s8, s10  }
0x12: {  	s23 =	sadd.s32 s8, s13;
	s17 =	sadd.s32 s8, s17;
	s20 =	sadd.s32 s8, s20  }
0x13: {  	s18 =	sadd.s32 s8, s24;
	s24 =	sadd.s32 s8, s26;
	s10 =	smul.u32 $0xA000, s11  }
0x14: {  	s13 =	smul.u32 $0xA000, s12;
	s5 =	sshrl.u32 s5, $0x3;
	s15 =	sadd.s32 s8, s15  }
0x15: {  	s1 =	smax.u32 s1, $0x1;
	s11 =	sshrl.u32 s7, $0x2;
	s7 =	smul.u32 $0xA000, s19  }
0x16: {  	s21 =	sshrl.u32 s21, $0x3;
	s19 =	sshrl.u32 s17, $0x3;
	s18 =	sshrl.u32 s18, $0x3  }
0x17: {  	s5 =	sadd.s32 s5, s0;
	s0 =	sadd.s32 $0x42200, s0;
	s22 =	sadd.s32 s8, s9  }
0x18: {  	[dreg:$0x7] =	wrdreg s1;
	s6 =	sshrl.u32 s6, $0x2;
	s1 =	sshrl.u32 s13, $0x2  }
0x19: {  	s15 =	sshrl.u32 s15, $0x3;
	s9 =	sadd.s32 $0x6E00, s5;
	s5 =	sadd.s32 $0x38400, s5  }
0x1a: {  	s26 =	sshrl.u32 s22, $0x3;
	s15 =	sadd.s32 s0, s15;
	[dreg:$0x5] =	wrdreg s9  }
0x1b: {  	s22 =	sshrl.u32 s24, $0x3;
	s18 =	sadd.s32 s0, s18;
	[dreg:$0x6] =	wrdreg s5  }
0x1c: {  	s5 =	sshrl.u32 s10, $0x2;
	s9 =	sadd.s32 s11, s3;
	s10 =	sadd.s32 s6, s3  }
0x1d: {  	s6 =	smul.u32 $0xA000, s16;
	s13 =	sadd.s32 s0, s26;
	s16 =	sshrl.u32 s23, $0x3  }
0x1e: {  	s23 =	smul.u32 $0xA000, s25;
	s26 =	sshrl.u32 s7, $0x2;
	s25 =	simm.s32 $0x4F00  }
0x1f: {  	s11 =	sadd.s32 s5, s3;
	s5 =	sshrl.u32 s14, $0x2;
	s14 =	sadd.s32 s0, s21  }
0x20: {  	s21 =	sshrl.u32 s20, $0x3;
	s20 =	sadd.s32 s1, s3;
	s1 =	simm.s32 $0x7700  }
0x21: {  	[dreg:$0x8] =	wrdreg s14;
	s14 =	sadd.s32 s0, s16;
	s16 =	sadd.s32 s0, s19  }
0x22: {  	s17 =	sadd.s32 s0, s21;
	s19 =	sadd.s32 s0, s22;
	s21 =	sadd.s32 s5, s3  }
0x23: {  	s24 =	sshrl.u32 s6, $0x2;
	s0 =	sshrl.u32 s23, $0x2;
	s23 =	sadd.s32 s26, s3  }
0x24: {  	s26 =	simm.s32 $0x3;
	s5 =	simm.s32 $0x4;
	s6 =	simm.s32 $0x0  }
0x25: {  	s22 =	sadd.s32 s24, s3;
	s24 =	sadd.s32 s0, s3;
	s0 =	simm.s32 $0x1  }
.LBB2_1:
0x26: {  	s7 =	rddreg [dreg:$0x4]  }
0x27: {  	[tilespmem:s25], [sflag:$0x3] =	stream.linear.gather [hbm4b:s7+s4], $0x2800, $0x38;
	[tilespmem:$0x1D780] =	vst v63  }
0x28: {  	_ =	swait.ge [sflag:s26], $0x2800  }
0x29: {  	[sflag:s26] =	ssyncset.done $0x0  }
0x2a: {  	[sflag:s26] =	ssyncadd.s32 $0xFFFFD800  }
0x2b: {  	[spmem:s9] =	stream.linear.scatter [tilespmem:s25], [sflag:$0x3], $0x2800, $0x38;
	[tilespmem:$0x1D780] =	vst v63  }
0x2c: {  	_ =	swait.ge [sflag:s26], $0x2800  }
0x2d: {  	[sflag:s26] =	ssyncset.done $0x0  }
0x2e: {  	[sflag:s26] =	ssyncadd.s32 $0xFFFFD800  }
0x2f: {  	[spmem:s10] =	stream.linear.scatter [tilespmem:s25], [sflag:$0x3], $0x2800, $0x38;
	[tilespmem:$0x1D780] =	vst v63  }
0x30: {  	_ =	swait.ge [sflag:s26], $0x2800  }
0x31: {  	[sflag:s26] =	ssyncset.done $0x0  }
0x32: {  	[sflag:s26] =	ssyncadd.s32 $0xFFFFD800  }
0x33: {  	[spmem:s11] =	stream.linear.scatter [tilespmem:s25], [sflag:$0x3], $0x2800, $0x38;
	[tilespmem:$0x1D780] =	vst v63  }
0x34: {  	_ =	swait.ge [sflag:s26], $0x2800  }
0x35: {  	[sflag:s26] =	ssyncset.done $0x0  }
0x36: {  	[sflag:s26] =	ssyncadd.s32 $0xFFFFD800  }
0x37: {  	[spmem:s20] =	stream.linear.scatter [tilespmem:s25], [sflag:$0x3], $0x2800, $0x38;
	[tilespmem:$0x1D780] =	vst v63  }
0x38: {  	_ =	swait.ge [sflag:s26], $0x2800  }
0x39: {  	[sflag:s26] =	ssyncset.done $0x0  }
0x3a: {  	[sflag:s26] =	ssyncadd.s32 $0xFFFFD800  }
0x3b: {  	[spmem:s21] =	stream.linear.scatter [tilespmem:s25], [sflag:$0x3], $0x2800, $0x38;
	[tilespmem:$0x1D780] =	vst v63  }
0x3c: {  	_ =	swait.ge [sflag:s26], $0x2800  }
0x3d: {  	[sflag:s26] =	ssyncset.done $0x0  }
0x3e: {  	[sflag:s26] =	ssyncadd.s32 $0xFFFFD800  }
0x3f: {  	[spmem:s22] =	stream.linear.scatter [tilespmem:s25], [sflag:$0x3], $0x2800, $0x38;
	[tilespmem:$0x1D780] =	vst v63  }
0x40: {  	_ =	swait.ge [sflag:s26], $0x2800  }
0x41: {  	[sflag:s26] =	ssyncset.done $0x0  }
0x42: {  	[sflag:s26] =	ssyncadd.s32 $0xFFFFD800  }
0x43: {  	[spmem:s23] =	stream.linear.scatter [tilespmem:s25], [sflag:$0x3], $0x2800, $0x38;
	[tilespmem:$0x1D780] =	vst v63  }
0x44: {  	_ =	swait.ge [sflag:s26], $0x2800  }
0x45: {  	[sflag:s26] =	ssyncset.done $0x0  }
0x46: {  	s7 =	simm.s32 @!p0 $0x4F00;
	[sflag:s26] =	ssyncadd.s32 $0xFFFFD800  }
0x47: {  	[spmem:s24] =	stream.linear.scatter @!p0 [tilespmem:s7], [sflag:$0x3], $0x2800, $0x38;
	[tilespmem:$0x1D780] =	vst v63  }
0x48: {  	s7 =	simm.s32 @!p0 $0x3  }
0x49: {  	_ =	swait.ge @!p0 [sflag:s7], $0x2800  }
0x4a: {  	[sflag:s7] =	ssyncset.done @!p0 $0x0  }
0x4b: {  	[sflag:s7] =	ssyncadd.s32 @!p0 $0xFFFFD800  }
0x4c: {  	[bflag:$0x0] =	sbarrier.arrive $0xFFFF  }
0x4d: {  	s8 =	rddreg [dreg:$0x5]  }
0x4e: {  	[tilespmem:s4], [sflag:$0x3] =	stream.strided.gather [hbm4b:s8+s28], $0x2780, s29, s28, $0x38;
	[tilespmem:$0x1D780] =	vst v63  }
0x4f: {  	_ =	swait.ge [sflag:s26], $0x2780  }
0x50: {  	[sflag:s26] =	ssyncset.done $0x0  }
0x51: {  	s8 =	simm.s32 $0x2780;
	s12 =	rddreg [dreg:$0x6];
	[sflag:s26] =	ssyncadd.s32 $0xFFFFD880  }
0x52: {  	[tilespmem:s8], [sflag:$0x3] =	stream.strided.gather [hbm4b:s12+s28], $0x2780, s29, s28, $0x38;
	[tilespmem:$0x1D780] =	vst v63  }
0x53: {  	_ =	swait.ge [sflag:s26], $0x2780  }
0x54: {  	[sflag:s26] =	ssyncset.done $0x0  }
0x55: {  	[sflag:s26] =	ssyncadd.s32 $0xFFFFD880  }
0x56: {  	[tilespmem:s25], [sflag:$0x1] =	stream.indirect.gather [hbm4b:s2+s31], $0x80, s4, s31, $0xb8;
	[tilespmem:$0x1D780] =	vst v63  }
0x57: {  	_ =	swait.ge [sflag:s0], $0x2800  }
0x58: {  	[sflag:s0] =	ssyncset.done $0x0  }
0x59: {  	s8 =	simm.s32 $0x50;
	[sflag:s0] =	ssyncadd.s32 $0xFFFFD800  }
0x5a: {  	[tilespmem:s1], [sflag:$0x2] =	stream.indirect.gather [hbm4b:s2+s31], $0x80, s8, s31, $0xb8;
	[tilespmem:$0x1D780] =	vst v63  }
0x5b: {  	s12 =	simm.s32 $0x2780  }
0x5c: {  	[spmem:s3] =	stream.indirect.scatter.add.f32 [tilespmem:s25], [sflag:$0x3], $0x80, s12, s31, $0xb8;
	[tilespmem:$0x1D780] =	vst v63  }
0x5d: {  	_ =	swait.ge [sflag:s26], $0x2800  }
0x5e: {  	[sflag:s26] =	ssyncset.done $0x0  }
0x5f: {  	[sflag:s26] =	ssyncadd.s32 $0xFFFFD800  }
0x60: {  	_ =	swait.ge [sflag:s30], $0x2800  }
0x61: {  	[sflag:s30] =	ssyncset.done $0x0  }
0x62: {  	s8 =	simm.s32 $0xA0;
	[sflag:s30] =	ssyncadd.s32 $0xFFFFD800  }
0x63: {  	[tilespmem:s25], [sflag:$0x1] =	stream.indirect.gather [hbm4b:s2+s31], $0x80, s8, s31, $0xb8;
	[tilespmem:$0x1D780] =	vst v63  }
0x64: {  	s12 =	simm.s32 $0x27D0  }
0x65: {  	[spmem:s3] =	stream.indirect.scatter.add.f32 [tilespmem:s1], [sflag:$0x3], $0x80, s12, s31, $0xb8;
	[tilespmem:$0x1D780] =	vst v63  }
0x66: {  	_ =	swait.ge [sflag:s26], $0x2800  }
0x67: {  	s7 =	simm.s32 $0x280;
	[sflag:s26] =	ssyncset.done $0x0  }
.LBB2_2:
0x68: {  	p1 =	sne.s32 s7, $0x9880  }
0x69: {  	[sflag:s26] =	ssyncadd.s32 $0xFFFFD800;
	s8 =	smov.u32 s7;
	s7 =	sadd.s32 $0x280, s7  }
0x6a: {  	_ = 	snop  }
0x6b: {  	_ =	swait.ge [sflag:s0], $0x2800  }
0x6c: {  	s8 =	sshra.s32 s8, $0x2;
	[sflag:s0] =	ssyncset.done $0x0  }
0x6d: {  	s12 =	sadd.s32 $0x50, s8;
	[sflag:s0] =	ssyncadd.s32 $0xFFFFD800  }
0x6e: {  	[tilespmem:s1], [sflag:$0x2] =	stream.indirect.gather [hbm4b:s2+s31], $0x80, s12, s31, $0xb8;
	[tilespmem:$0x1D780] =	vst v63  }
0x6f: {  	s12 =	sadd.s32 $0x2780, s8  }
0x70: {  	[spmem:s3] =	stream.indirect.scatter.add.f32 [tilespmem:s25], [sflag:$0x3], $0x80, s12, s31, $0xb8;
	[tilespmem:$0x1D780] =	vst v63  }
0x71: {  	_ =	swait.ge [sflag:s26], $0x2800  }
0x72: {  	[sflag:s26] =	ssyncset.done $0x0  }
0x73: {  	[sflag:s26] =	ssyncadd.s32 $0xFFFFD800  }
0x74: {  	_ =	swait.ge [sflag:s30], $0x2800  }
0x75: {  	[sflag:s30] =	ssyncset.done $0x0  }
0x76: {  	s12 =	sadd.s32 $0xA0, s8;
	[sflag:s30] =	ssyncadd.s32 $0xFFFFD800  }
0x77: {  	[tilespmem:s25], [sflag:$0x1] =	stream.indirect.gather [hbm4b:s2+s31], $0x80, s12, s31, $0xb8;
	[tilespmem:$0x1D780] =	vst v63  }
.Ltmp0:
0x78: {  	_ = 	snop;
	(pc) =	sbr.rel @p1 .LBB2_2-.Ltmp0, $4  }
0x79: {  	s8 =	sadd.s32 $0x27D0, s8  }
0x7a: {  	[spmem:s3] =	stream.indirect.scatter.add.f32 [tilespmem:s1], [sflag:$0x3], $0x80, s8, s31, $0xb8;
	[tilespmem:$0x1D780] =	vst v63  }
0x7b: {  	_ =	swait.ge [sflag:s26], $0x2800  }
0x7c: {  	[sflag:s26] =	ssyncset.done $0x0  }
0x7d: {  	[sflag:s26] =	ssyncadd.s32 $0xFFFFD800  }
0x7e: {  	_ =	swait.ge [sflag:s0], $0x2800  }
0x7f: {  	[sflag:s0] =	ssyncset.done $0x0  }
0x80: {  	s7 =	simm.s32 $0x4E40;
	[sflag:s0] =	ssyncadd.s32 $0xFFFFD800  }
0x81: {  	[spmem:s3] =	stream.indirect.scatter.add.f32 [tilespmem:s25], [sflag:$0x3], $0x80, s7, s31, $0xb8;
	[tilespmem:$0x1D780] =	vst v63  }
0x82: {  	_ =	swait.ge [sflag:s26], $0x2800  }
0x83: {  	[sflag:s26] =	ssyncset.done $0x0  }
0x84: {  	[sflag:s26] =	ssyncadd.s32 $0xFFFFD800  }
0x85: {  	[bflag:$0x0] =	sbarrier.arrive $0xFFFF  }
0x86: {  	[tilespmem:s25], [sflag:$0x4] =	stream.linear.gather [spmem:s9], $0x2800, $0x38;
	[tilespmem:$0x1D780] =	vst v63  }
0x87: {  	_ =	swait.ge [sflag:s5], $0x2800  }
0x88: {  	[sflag:s5] =	ssyncset.done $0x0  }
0x89: {  	s8 =	rddreg [dreg:$0x8];
	[sflag:s5] =	ssyncadd.s32 $0xFFFFD800  }
0x8a: {  	[hbm4b:s8+s4] =	stream.linear.scatter [tilespmem:s25], [sflag:$0x3], $0x2800, $0x38;
	[tilespmem:$0x1D780] =	vst v63  }
0x8b: {  	_ =	swait.ge [sflag:s26], $0x2800  }
0x8c: {  	[sflag:s26] =	ssyncset.done $0x0  }
0x8d: {  	[sflag:s26] =	ssyncadd.s32 $0xFFFFD800  }
0x8e: {  	[tilespmem:s25], [sflag:$0x4] =	stream.linear.gather [spmem:s10], $0x2800, $0x38;
	[tilespmem:$0x1D780] =	vst v63  }
0x8f: {  	_ =	swait.ge [sflag:s5], $0x2800  }
0x90: {  	[sflag:s5] =	ssyncset.done $0x0  }
0x91: {  	[sflag:s5] =	ssyncadd.s32 $0xFFFFD800  }
0x92: {  	[hbm4b:s13+s4] =	stream.linear.scatter [tilespmem:s25], [sflag:$0x3], $0x2800, $0x38;
	[tilespmem:$0x1D780] =	vst v63  }
0x93: {  	_ =	swait.ge [sflag:s26], $0x2800  }
0x94: {  	[sflag:s26] =	ssyncset.done $0x0  }
0x95: {  	[sflag:s26] =	ssyncadd.s32 $0xFFFFD800  }
0x96: {  	[tilespmem:s25], [sflag:$0x4] =	stream.linear.gather [spmem:s11], $0x2800, $0x38;
	[tilespmem:$0x1D780] =	vst v63  }
0x97: {  	_ =	swait.ge [sflag:s5], $0x2800  }
0x98: {  	[sflag:s5] =	ssyncset.done $0x0  }
0x99: {  	[sflag:s5] =	ssyncadd.s32 $0xFFFFD800  }
0x9a: {  	[hbm4b:s14+s4] =	stream.linear.scatter [tilespmem:s25], [sflag:$0x3], $0x2800, $0x38;
	[tilespmem:$0x1D780] =	vst v63  }
0x9b: {  	_ =	swait.ge [sflag:s26], $0x2800  }
0x9c: {  	[sflag:s26] =	ssyncset.done $0x0  }
0x9d: {  	[sflag:s26] =	ssyncadd.s32 $0xFFFFD800  }
0x9e: {  	[tilespmem:s25], [sflag:$0x4] =	stream.linear.gather [spmem:s20], $0x2800, $0x38;
	[tilespmem:$0x1D780] =	vst v63  }
0x9f: {  	_ =	swait.ge [sflag:s5], $0x2800  }
0xa0: {  	[sflag:s5] =	ssyncset.done $0x0  }
0xa1: {  	[sflag:s5] =	ssyncadd.s32 $0xFFFFD800  }
0xa2: {  	[hbm4b:s15+s4] =	stream.linear.scatter [tilespmem:s25], [sflag:$0x3], $0x2800, $0x38;
	[tilespmem:$0x1D780] =	vst v63  }
0xa3: {  	_ =	swait.ge [sflag:s26], $0x2800  }
0xa4: {  	[sflag:s26] =	ssyncset.done $0x0  }
0xa5: {  	[sflag:s26] =	ssyncadd.s32 $0xFFFFD800  }
0xa6: {  	[tilespmem:s25], [sflag:$0x4] =	stream.linear.gather [spmem:s21], $0x2800, $0x38;
	[tilespmem:$0x1D780] =	vst v63  }
0xa7: {  	_ =	swait.ge [sflag:s5], $0x2800  }
0xa8: {  	[sflag:s5] =	ssyncset.done $0x0  }
0xa9: {  	[sflag:s5] =	ssyncadd.s32 $0xFFFFD800  }
0xaa: {  	[hbm4b:s16+s4] =	stream.linear.scatter [tilespmem:s25], [sflag:$0x3], $0x2800, $0x38;
	[tilespmem:$0x1D780] =	vst v63  }
0xab: {  	_ =	swait.ge [sflag:s26], $0x2800  }
0xac: {  	[sflag:s26] =	ssyncset.done $0x0  }
0xad: {  	[sflag:s26] =	ssyncadd.s32 $0xFFFFD800  }
0xae: {  	[tilespmem:s25], [sflag:$0x4] =	stream.linear.gather [spmem:s22], $0x2800, $0x38;
	[tilespmem:$0x1D780] =	vst v63  }
0xaf: {  	_ =	swait.ge [sflag:s5], $0x2800  }
0xb0: {  	[sflag:s5] =	ssyncset.done $0x0  }
0xb1: {  	[sflag:s5] =	ssyncadd.s32 $0xFFFFD800  }
0xb2: {  	[hbm4b:s17+s4] =	stream.linear.scatter [tilespmem:s25], [sflag:$0x3], $0x2800, $0x38;
	[tilespmem:$0x1D780] =	vst v63  }
0xb3: {  	_ =	swait.ge [sflag:s26], $0x2800  }
0xb4: {  	[sflag:s26] =	ssyncset.done $0x0  }
0xb5: {  	[sflag:s26] =	ssyncadd.s32 $0xFFFFD800  }
0xb6: {  	[tilespmem:s25], [sflag:$0x4] =	stream.linear.gather [spmem:s23], $0x2800, $0x38;
	[tilespmem:$0x1D780] =	vst v63  }
0xb7: {  	_ =	swait.ge [sflag:s5], $0x2800  }
0xb8: {  	[sflag:s5] =	ssyncset.done $0x0  }
0xb9: {  	[sflag:s5] =	ssyncadd.s32 $0xFFFFD800  }
0xba: {  	[hbm4b:s18+s4] =	stream.linear.scatter [tilespmem:s25], [sflag:$0x3], $0x2800, $0x38;
	[tilespmem:$0x1D780] =	vst v63  }
0xbb: {  	_ =	swait.ge [sflag:s26], $0x2800  }
0xbc: {  	[sflag:s26] =	ssyncset.done $0x0  }
0xbd: {  	s7 =	simm.s32 @!p0 $0x4F00;
	s8 =	simm.s32 @!p0 $0x4;
	[sflag:s26] =	ssyncadd.s32 $0xFFFFD800  }
0xbe: {  	[tilespmem:s7], [sflag:$0x4] =	stream.linear.gather @!p0 [spmem:s24], $0x2800, $0x38;
	[tilespmem:$0x1D780] =	vst v63  }
0xbf: {  	_ =	swait.ge @!p0 [sflag:s8], $0x2800  }
0xc0: {  	[sflag:s8] =	ssyncset.done @!p0 $0x0  }
0xc1: {  	[sflag:s8] =	ssyncadd.s32 @!p0 $0xFFFFD800;
	s8 =	simm.s32 @!p0 $0x0  }
0xc2: {  	[hbm4b:s19+s8] =	stream.linear.scatter @!p0 [tilespmem:s7], [sflag:$0x3], $0x2800, $0x38;
	[tilespmem:$0x1D780] =	vst v63  }
0xc3: {  	s7 =	simm.s32 @!p0 $0x3  }
0xc4: {  	_ =	swait.ge @!p0 [sflag:s7], $0x2800  }
0xc5: {  	s6 =	sadd.s32 $0x1, s6;
	s12 =	rddreg [dreg:$0x7]  }
0xc6: {  	p1 =	sne.s32 s6, s12  }
.Ltmp1:
0xc7: {  	_ = 	snop;
	(pc) =	sbr.rel @p1 .LBB2_1-.Ltmp1, $3  }
0xc8: {  	_ =	sdelay $0x1  }
0xc9: {  	[sflag:s7] =	ssyncset.done @!p0 $0x0  }
0xca: {  	[sflag:s7] =	ssyncadd.s32 @!p0 $0xFFFFD800  }
0xcb: {  	_ =	sfence.sel $0x180000  }
0xcc: {  	[bflag:$0x0] =	sbarrier.arrive $0xFFFF  }
0xcd: {  	_ =	strace $0x9000004D  }
0xce: {  	s0 =	stileid.u32;
	[bflag:$0x2] =	sbarrier.arrive $0xFFFF  }
0xcf: {  	p0 =	sne.s32 s0, $0x0;
	s0 =	rddreg [dreg:$0x3]  }
0xd0: {  	s0 =	sadd.s32 @!p0 $0x100000, s0  }
0xd1: {  	[sflag:s0] =	ssyncadd.tile.s32 @!p0 $0x1;
	_ =	shalt  }
.Lfunc_end2:
_tile_overlayer_lowered:
.L_overlay_start_2:
0xd2: {  	(tag) =	ssettag $0x2  }
0xd3: {  	s0 =	rddreg [dreg:$0x0];
	s2 =	stileid.u32  }
0xd4: {  	s1 =	rddreg [dreg:$0x1];
	p0 =	sne.s32 s2, $0x0  }
0xd5: {  	s3 =	rddreg [dreg:$0x2];
	[bflag:$0x3] =	sbarrier.arrive $0xFFFF;
	s2 =	simm.s32 @!p0 $0x1C03  }
0xd6: {  	[timem:s3], [sflag:s2] =	dma.local @!p0 [hbm:s0], s1  }
0xd7: {  	s0 =	simm.s32 @!p0 $0x3  }
0xd8: {  	_ =	swait.ge @!p0 [sflag:s0], s1  }
0xd9: {  	s1 =	ssub.s32 @!p0 $0x0, s1;
	[sflag:s0] =	ssyncset.done @!p0 $0x0  }
0xda: {  	[sflag:s0] =	ssyncadd.s32 @!p0 s1  }
0xdb: {  	[bflag:$0x3] =	sbarrier.arrive $0xFFFF  }
0xdc: {  	_ =	shalt  }

// kernel: kernel.18.cloned.1.call-start
scs
__scs_entry_jumppad:
0x0: {  	(pc) =	sbr.rel $0x88, $3  }
0x1: {  	(tag) =	ssettag $0x0;
	lr =	simm.s32 $0x1  }
0x2: {  	[smem:$0x3F8F] =	sst lr;
	_ =	strace $0xD0000000  }
0x3: {  	_ = 	snop  }
0x4: {  	_ = 	snop  }
0x5: {  	_ = 	snop  }
0x6: {  	_ = 	snop  }
0x7: {  	_ = 	snop  }
__scs_overlays_trampoline_lowered:
0x8: {  	[smem:$0x3F9E] =	sst s0  }
0x9: {  	[smem:$0x3F9F] =	sst s1  }
0xa: {  	[smem:$0x3FA0] =	sst s2  }
0xb: {  	[smem:$0x3FA1] =	sst s3  }
0xc: {  	[smem:$0x3FA2] =	sst s4  }
0xd: {  	[smem:$0x3FA3] =	sst s5  }
0xe: {  	[smem:$0x3FA4] =	sst s6  }
0xf: {  	[smem:$0x3FA5] =	sst s7  }
0x10: {  	[smem:$0x3FA6] =	sst s8  }
0x11: {  	[smem:$0x3FA7] =	sst s9;
	s0 =	simm.s32 @!p0 $0x0  }
0x12: {  	s1 =	sld [smem:$0x3F8D];
	s0 =	simm.s32 @p0 $0x1  }
0x13: {  	[smem:$0x3FA8] =	sst s0;
	s0 =	simm.s32 @!p1 $0x0  }
0x14: {  	s2 =	sld [smem:$0x3F8C];
	s0 =	simm.s32 @p1 $0x1  }
0x15: {  	[smem:$0x3FA9] =	sst s0;
	s0 =	simm.s32 @!p2 $0x0  }
0x16: {  	s3 =	sld [smem:$0x3FDB];
	s0 =	simm.s32 @p2 $0x1  }
0x17: {  	s4 =	simm.s32 $0x1BF5;
	[smem:$0x3FAB] =	sst s0  }
0x18: {  	s0 =	sld [smem:$0x3F8E];
	_ =	swait.ge [sflag:s4], $0x0  }
0x19: {  	s7 =	sld [smem:$0x3F8F]  }
0x1a: {  	s8 =	sadd.s32 $0xFFFFE003, lr  }
0x1b: {  	s9 =	sadd.s32 $0xFFFFFEF7, lr;
	s5 =	simm.s32 $0xFFFFFFFF;
	p2 =	slt.u32 s8, $0xFFFFF086  }
0x1c: {  	p1 =	slt.u32 s9, $0xF7A;
	s5 =	simm.s32 @!p2 $0x0  }
0x1d: {  	s5 =	simm.s32 @p1 $0x1;
	p0 =	seq.s32 s7, s2  }
0x1e: {  	s7 =	smul.u32 @!p0 $0xF7A, s2;
	p2 =	seq.s32 @!p0 s5, $0x0  }
0x1f: {  	s9 =	smul.u32 $0xF7A, s1;
	s8 =	simm.s32 @!p0 $0x1BF5;
	p2 =	por !p2, p0  }
0x20: {  	[sflag:s8] =	ssyncset.s32 @!p0 $0xFFFFF086;
	s6 =	sadd.s32 @!p0 s3, s7;
	s7 =	simm.s32 @!p0 $0x108  }
0x21: {  	s3 =	sadd.s32 s3, s9;
	s6 =	sadd.s32 @!p0 $0x88, s6;
	s7 =	simm.s32 @p2 $0x1082  }
0x22: {  	[simem:s7], [sflag:s8] =	dma.local @!p0 [hbm:s6], $0xF7A  }
0x23: {  	s9 =	sor.u32 $0xD0000000, s2;
	s6 =	simm.s32 $0x108;
	_ =	swait.ge @!p0 [sflag:s8], $0x0  }
0x24: {  	s3 =	sadd.s32 $0x88, s3;
	s6 =	simm.s32 @!p1 $0x1082;
	[sflag:s4] =	ssyncset.s32 $0xFFFFF086  }
0x25: {  	[simem:s6], [sflag:s4] =	dma.local [hbm:s3], $0xF7A  }
0x26: {  	[smem:$0x3F8F] =	sst s1;
	(tag) =	ssettag s2;
	_ =	strace s9  }
0x27: {  	s1 =	sld [smem:$0x3F9F]  }
0x28: {  	s2 =	sld [smem:$0x3FA0]  }
0x29: {  	s4 =	sld [smem:$0x3FA2]  }
0x2a: {  	p0 =	seq.s32 s5, $0x0;
	s5 =	sld [smem:$0x3FA3]  }
0x2b: {  	s6 =	sld [smem:$0x3FA4]  }
0x2c: {  	s7 =	sld [smem:$0x3FA5]  }
0x2d: {  	s3 =	simm.s32 $0x108;
	s8 =	sld [smem:$0x3FA6]  }
0x2e: {  	s3 =	simm.s32 @!p0 $0x1082;
	s9 =	sld [smem:$0x3FA7]  }
0x2f: {  	lr =	sadd.s32 s0, s3;
	s0 =	sld [smem:$0x3F9E]  }
0x30: {  	s3 =	sld [smem:$0x3FA1]  }
0x31: {  	[smem:$0x3FAA] =	sst s10  }
0x32: {  	s10 =	sld [smem:$0x3FA8];
	_ =	sdelay $0x3  }
0x33: {  	p0 =	seq.s32 s10, $0x1;
	s10 =	sld [smem:$0x3FAA];
	_ =	sdelay $0x3  }
0x34: {  	[smem:$0x3FAA] =	sst s10  }
0x35: {  	s10 =	sld [smem:$0x3FA9];
	_ =	sdelay $0x3  }
0x36: {  	p1 =	seq.s32 s10, $0x1;
	s10 =	sld [smem:$0x3FAA];
	_ =	sdelay $0x3  }
0x37: {  	[smem:$0x3FAA] =	sst s10  }
0x38: {  	s10 =	sld [smem:$0x3FAB]  }
0x39: {  	_ = 	snop;
	(pc) =	sbr.ind lr, $3  }
0x3a: {  	_ = 	snop  }
0x3b: {  	_ = 	snop  }
0x3c: {  	p2 =	seq.s32 s10, $0x1;
	s10 =	sld [smem:$0x3FAA]  }
0x3d: {  	_ =	shalt  }
0x3e: {  	_ =	shalt  }
0x3f: {  	_ =	shalt  }
0x40: {  	_ =	shalt  }
0x41: {  	_ =	shalt  }
0x42: {  	_ =	shalt  }
0x43: {  	_ =	shalt  }
0x44: {  	_ =	shalt  }
0x45: {  	_ =	shalt  }
0x46: {  	_ =	shalt  }
0x47: {  	_ =	shalt  }
0x48: {  	_ =	shalt  }
0x49: {  	_ =	shalt  }
0x4a: {  	_ =	shalt  }
0x4b: {  	_ =	shalt  }
0x4c: {  	_ =	shalt  }
0x4d: {  	_ =	shalt  }
0x4e: {  	_ =	shalt  }
0x4f: {  	_ =	shalt  }
0x50: {  	_ =	shalt  }
0x51: {  	_ =	shalt  }
0x52: {  	_ =	shalt  }
0x53: {  	_ =	shalt  }
0x54: {  	_ =	shalt  }
0x55: {  	_ =	shalt  }
0x56: {  	_ =	shalt  }
0x57: {  	_ =	shalt  }
0x58: {  	_ =	shalt  }
0x59: {  	_ =	shalt  }
0x5a: {  	_ =	shalt  }
0x5b: {  	_ =	shalt  }
0x5c: {  	_ =	shalt  }
0x5d: {  	_ =	shalt  }
0x5e: {  	_ =	shalt  }
0x5f: {  	_ =	shalt  }
0x60: {  	_ =	shalt  }
0x61: {  	_ =	shalt  }
0x62: {  	_ =	shalt  }
0x63: {  	_ =	shalt  }
0x64: {  	_ =	shalt  }
0x65: {  	_ =	shalt  }
0x66: {  	_ =	shalt  }
0x67: {  	_ =	shalt  }
0x68: {  	_ =	shalt  }
0x69: {  	_ =	shalt  }
0x6a: {  	_ =	shalt  }
0x6b: {  	_ =	shalt  }
0x6c: {  	_ =	shalt  }
0x6d: {  	_ =	shalt  }
0x6e: {  	_ =	shalt  }
0x6f: {  	_ =	shalt  }
0x70: {  	_ =	shalt  }
0x71: {  	_ =	shalt  }
0x72: {  	_ =	shalt  }
0x73: {  	_ =	shalt  }
0x74: {  	_ =	shalt  }
0x75: {  	_ =	shalt  }
0x76: {  	_ =	shalt  }
0x77: {  	_ =	shalt  }
0x78: {  	_ =	shalt  }
0x79: {  	_ =	shalt  }
0x7a: {  	_ =	shalt  }
0x7b: {  	_ =	shalt  }
0x7c: {  	_ =	shalt  }
0x7d: {  	_ =	shalt  }
0x7e: {  	_ =	shalt  }
0x7f: {  	_ =	shalt  }
0x80: {  	_ =	shalt  }
0x81: {  	_ =	shalt  }
0x82: {  	_ =	shalt  }
0x83: {  	_ =	shalt  }
0x84: {  	_ =	shalt  }
0x85: {  	_ =	shalt  }
0x86: {  	_ =	shalt  }
0x87: {  	_ =	shalt  }
.Lfunc_end0:
.L_simem_size_0:
called_computation.3_lowered:
.L_overlay_start_0:
0x88: {  	s2 =	sld [smem:$0x3FD9]  }
0x89: {  	s3 =	sld [smem:$0x3FFE];
	_ =	sdelay $0x1  }
0x8a: {  	s1 =	srdreg.scid  }
0x8b: {  	s0 =	sand.u32 $0x1, s1  }
0x8c: {  	s16 =	sshll.u32 s0, $0xA;
	s2 =	sadd.s32 s3, s2  }
0x8d: {  	s2 =	sadd.s32 s2, s16  }
0x8e: {  	[smem:$0x3FB6] =	sst s2  }
0x8f: {  	_ = 	snop  }
0x90: {  	(tm) =	ssettm $0x1  }
0x91: {  	s17 =	sld [smem:$0x3FFB];
	_ =	sdelay $0x3  }
0x92: {  	_ =	strace s17  }
0x93: {  	s2 =	sld [smem:$0x3FFC];
	_ =	sdelay $0x3  }
0x94: {  	_ =	strace s2  }
0x95: {  	s2 =	sld [smem:$0x3FFD];
	_ =	sdelay $0x3  }
0x96: {  	_ =	strace s2  }
0x97: {  	_ =	strace $0x8FFFFFFF  }
0x98: {  	s18 =	sld [smem:$0x3FDB];
	_ =	sdelay $0x1  }
0x99: {  	s19 =	simm.s32 $_scs_section_size  }
0x9a: {  	s4 =	simm.s32 $_size__tile_overlayer_lowered;
	s5 =	simm.s32 $_tile_overlayer_lowered  }
0x9b: {  	s22 =	simm.s32 $0x1BFF;
	s21 =	sshll.u32 s5, $0x1;
	s2 =	sadd.s32 s19, s18  }
0x9c: {  	s6 =	simm.s32 $0x0;
	s20 =	sshll.u32 s4, $0x1;
	s4 =	sadd.s32 s21, s2  }
0x9d: {  	[timem:s6], [sflag:s22] =	dma.local [hbm:s4], s20  }
0x9e: {  	_ =	swait.ge [sflag:s22], s20  }
0x9f: {  	s3 =	ssub.s32 $0x0, s20;
	[sflag:s22] =	ssyncset.done $0x0  }
0xa0: {  	[sflag:s22] =	ssyncadd.s32 s3;
	_ =	sdelay $0x1  }
0xa1: {  	s23 =	simm.s32 $0x1B8B  }
0xa2: {  	_ =	swait.ge [sflag:s23], $0x1  }
0xa3: {  	[sflag:s23] =	ssyncset.done $0x0  }
0xa4: {  	s25 =	simm.s32 $0x1B8E;
	s24 =	sld [smem:$0x3FFE];
	[sflag:s23] =	ssyncadd.s32 $0xFFFFFFFF  }
0xa5: {  	s26 =	simm.s32 $execute0_lowered;
	[smem:$0x3FD2] =	sst s25  }
0xa6: {  	s4 =	sshll.u32 s26, $0x1;
	_ =	strace $0x8000004F;
	[dreg:$0x1] =	wrdreg $0xFFFFFFFF  }
0xa7: {  	s28 =	simm.s32 $_size_execute0_lowered;
	s2 =	sadd.s32 s2, s4;
	[dreg:$0x0] =	wrdreg $0x0  }
0xa8: {  	s4 =	sshll.u32 s28, $0x1;
	[dreg:$0x2] =	wrdreg s2  }
0xa9: {  	[dreg:$0x3] =	wrdreg s4  }
0xaa: {  	[dreg:$0x4] =	wrdreg $0xC0  }
0xab: {  	_ =	task [dreg:s6], $0x5FFFF  }
0xac: {  	[dreg:$0x1] =	wrdreg $0xFFFFFFFF  }
0xad: {  	[dreg:$0x0] =	wrdreg $0x60  }
0xae: {  	[dreg:$0x2] =	wrdreg s24  }
0xaf: {  	[dreg:$0x3] =	wrdreg $0x9F000  }
0xb0: {  	[dreg:$0x4] =	wrdreg $0x9  }
0xb1: {  	_ =	task.clear_ibuf [dreg:s6], $0x5FFFF;
	_ =	strace $0x9000004F  }
0xb2: {  	s29 =	simm.s32 $0x9;
	_ =	strace $0x80000051  }
0xb3: {  	_ =	swait.ge [sflag:s29], $0x1  }
0xb4: {  	[sflag:s29] =	ssyncadd.s32 $0xFFFFFFFF  }
0xb5: {  	_ =	strace $0x90000051  }
0xb6: {  	_ =	sfence  }
0xb7: {  	s30 =	sld [smem:$0x0];
	_ =	sdelay $0x2  }
0xb8: {  	s31 =	sshll.u32 s1, $0xD;
	s1 =	sshrl.u32 s1, $0x2  }
0xb9: {  	s3 =	sand.u32 $0x4000, s31;
	s1 =	sadd.s32 s1, s30  }
0xba: {  	s0 =	sor.u32 s3, s0;
	s1 =	sshll.u32 s1, $0x11  }
0xbb: {  	s0 =	sor.u32 s1, s0  }
0xbc: {  	s0 =	sadd.s32 $0x8F2B, s0  }
0xbd: {  	[sflag:s0] =	ssyncadd.remote.s32 $0x1  }
0xbe: {  	_ =	sfence.sel $0xFFFF  }
0xbf: {  	[dreg:$0x0] =	wrdreg $0xFFFFFFFF;
	(pc) =	sbr.abs _section_cstart, $3  }
0xc0: {  	[dreg:$0x1] =	wrdreg $0xFFFFFFFF  }
0xc1: {  	_ =	task.clear_ibuf [dreg:s6], $0x2FFFF;
	_ =	strace $0x9FFFFFFF  }
0xc2: {  	(tm) =	ssettm $0x7FFFFFFF  }
0xc3: {  	_ =	shalt  }
tec
execute0_lowered:
.L_overlay_start_1:
0x0: {  	(tag) =	ssettag $0x1  }
0x1: {  	s21 =	stileid.u32  }
0x2: {  	s1 =	srdreg.scid;
	s4 =	sshrl.u32 s21, $0x2;
	s10 =	smul.u32 $0x2800, s21  }
0x3: {  	s0 =	rddreg [dreg:$0x0];
	s1 =	sand.u32 $0x1, s1;
	s4 =	smul.u32 $0x13C00, s4  }
0x4: {  	s2 =	rddreg [dreg:$0x1];
	s8 =	sor.u32 $0x10, s21;
	s7 =	smul.u32 $0x138800, s1  }
0x5: {  	s3 =	simm.s32 $0x0;
	s28 =	simm.s32 $0x80;
	s9 =	smul.u32 $0xA000, s8  }
0x6: {  	s29 =	simm.s32 $0x400;
	s11 =	sor.u32 $0x20, s21;
	s8 =	smul.u32 $0x2800, s8  }
0x7: {  	s31 =	simm.s32 $0x50;
	s14 =	sor.u32 $0x40, s21;
	s13 =	smul.u32 $0x2800, s11  }
0x8: {  	[smem:$0x7FF] =	sst s3;
	s16 =	sor.u32 $0x50, s21;
	s17 =	smul.u32 $0x2800, s14  }
0x9: {  	s5 =	sshll.u32 s21, $0x8;
	s19 =	sor.u32 $0x60, s21;
	s20 =	smul.u32 $0x2800, s16  }
0xa: {  	s12 =	sadd.s32 $0x10C00, s0;
	s25 =	sor.u32 $0x70, s21;
	s26 =	smul.u32 $0x2800, s19  }
0xb: {  	s6 =	sshll.u32 s1, $0x7;
	s5 =	sand.u32 $0x300, s5;
	s24 =	smul.u32 $0x2800, s25  }
0xc: {  	_ =	strace $0x80000050;
	[dreg:$0x3] =	wrdreg s12;
	s14 =	smul.u32 $0xA000, s14  }
0xd: {  	s12 =	sor.u32 $0x30, s21;
	s5 =	sor.u32 s6, s5;
	s6 =	smul.u32 $0xA000, s21  }
0xe: {  	s30 =	simm.s32 $0x2;
	s1 =	ssub.s32 $0x2, s1;
	s15 =	smul.u32 $0x2800, s12  }
0xf: {  	p0 =	sgt.u32 s25, $0x7C;
	s18 =	sshrl.u32 s1, $0x1;
	s12 =	smul.u32 $0xA000, s12  }
0x10: {  	s5 =	sor.u32 s4, s5;
	s4 =	sadd.s32 $0x42200, s0;
	s1 =	ssub.s32 s1, s18  }
0x11: {  	s21 =	sadd.s32 s7, s10;
	s22 =	sadd.s32 s7, s8;
	s23 =	sadd.s32 s7, s13  }
0x12: {  	s17 =	sadd.s32 s7, s17;
	s20 =	sadd.s32 s7, s20;
	s18 =	sadd.s32 s7, s26  }
0x13: {  	s10 =	smul.u32 $0xA000, s11;
	s13 =	sshrl.u32 s9, $0x2;
	s5 =	sshrl.u32 s5, $0x3  }
0x14: {  	s15 =	sadd.s32 s7, s15;
	s11 =	sshrl.u32 s6, $0x2;
	s6 =	smul.u32 $0xA000, s16  }
0x15: {  	s7 =	sadd.s32 s7, s24;
	s1 =	smax.u32 s1, $0x1;
	s24 =	smul.u32 $0xA000, s19  }
0x16: {  	s19 =	sshrl.u32 s21, $0x3;
	s21 =	sshrl.u32 s22, $0x3;
	s23 =	sshrl.u32 s23, $0x3  }
0x17: {  	s8 =	sshrl.u32 s20, $0x3;
	s18 =	sshrl.u32 s18, $0x3;
	s5 =	sadd.s32 s5, s0  }
0x18: {  	s0 =	sadd.s32 $0x69400, s0;
	[dreg:$0x6] =	wrdreg s1;
	s9 =	sadd.s32 s11, s2  }
0x19: {  	s1 =	sshrl.u32 s12, $0x2;
	s15 =	sshrl.u32 s15, $0x3;
	s7 =	sshrl.u32 s7, $0x3  }
0x1a: {  	s12 =	smul.u32 $0xA000, s25;
	s25 =	simm.s32 $0x4F00;
	s26 =	sadd.s32 $0x6E00, s5  }
0x1b: {  	s5 =	sadd.s32 $0x38400, s5;
	s22 =	sadd.s32 s0, s19;
	s15 =	sadd.s32 s0, s15  }
0x1c: {  	s18 =	sadd.s32 s0, s18;
	s19 =	sadd.s32 s0, s7;
	[dreg:$0x4] =	wrdreg s26  }
0x1d: {  	s20 =	sadd.s32 s1, s2;
	s1 =	simm.s32 $0x7700;
	[dreg:$0x5] =	wrdreg s5  }
0x1e: {  	s5 =	sshrl.u32 s10, $0x2;
	s10 =	sadd.s32 s13, s2;
	[dreg:$0x7] =	wrdreg s22  }
0x1f: {  	s13 =	sadd.s32 s0, s21;
	s26 =	sshrl.u32 s17, $0x3;
	s17 =	sadd.s32 s0, s8  }
0x20: {  	s11 =	sadd.s32 s5, s2;
	s5 =	sshrl.u32 s14, $0x2;
	s14 =	sadd.s32 s0, s23  }
0x21: {  	s16 =	sadd.s32 s0, s26;
	s23 =	sshrl.u32 s6, $0x2;
	s26 =	sshrl.u32 s24, $0x2  }
0x22: {  	s0 =	sshrl.u32 s12, $0x2;
	s6 =	simm.s32 $0x0;
	s21 =	sadd.s32 s5, s2  }
0x23: {  	s22 =	sadd.s32 s23, s2;
	s23 =	sadd.s32 s26, s2;
	s24 =	sadd.s32 s0, s2  }
0x24: {  	s26 =	simm.s32 $0x3;
	s0 =	simm.s32 $0x1;
	s5 =	simm.s32 $0x4  }
.LBB2_1:
0x25: {  	s7 =	rddreg [dreg:$0x3]  }
0x26: {  	[tilespmem:s25], [sflag:$0x3] =	stream.linear.gather [hbm4b:s7+s3], $0x2800, $0x38;
	[tilespmem:$0x1D780] =	vst v63  }
0x27: {  	_ =	swait.ge [sflag:s26], $0x2800  }
0x28: {  	[sflag:s26] =	ssyncset.done $0x0  }
0x29: {  	[sflag:s26] =	ssyncadd.s32 $0xFFFFD800  }
0x2a: {  	[spmem:s9] =	stream.linear.scatter [tilespmem:s25], [sflag:$0x3], $0x2800, $0x38;
	[tilespmem:$0x1D780] =	vst v63  }
0x2b: {  	_ =	swait.ge [sflag:s26], $0x2800  }
0x2c: {  	[sflag:s26] =	ssyncset.done $0x0  }
0x2d: {  	[sflag:s26] =	ssyncadd.s32 $0xFFFFD800  }
0x2e: {  	[spmem:s10] =	stream.linear.scatter [tilespmem:s25], [sflag:$0x3], $0x2800, $0x38;
	[tilespmem:$0x1D780] =	vst v63  }
0x2f: {  	_ =	swait.ge [sflag:s26], $0x2800  }
0x30: {  	[sflag:s26] =	ssyncset.done $0x0  }
0x31: {  	[sflag:s26] =	ssyncadd.s32 $0xFFFFD800  }
0x32: {  	[spmem:s11] =	stream.linear.scatter [tilespmem:s25], [sflag:$0x3], $0x2800, $0x38;
	[tilespmem:$0x1D780] =	vst v63  }
0x33: {  	_ =	swait.ge [sflag:s26], $0x2800  }
0x34: {  	[sflag:s26] =	ssyncset.done $0x0  }
0x35: {  	[sflag:s26] =	ssyncadd.s32 $0xFFFFD800  }
0x36: {  	[spmem:s20] =	stream.linear.scatter [tilespmem:s25], [sflag:$0x3], $0x2800, $0x38;
	[tilespmem:$0x1D780] =	vst v63  }
0x37: {  	_ =	swait.ge [sflag:s26], $0x2800  }
0x38: {  	[sflag:s26] =	ssyncset.done $0x0  }
0x39: {  	[sflag:s26] =	ssyncadd.s32 $0xFFFFD800  }
0x3a: {  	[spmem:s21] =	stream.linear.scatter [tilespmem:s25], [sflag:$0x3], $0x2800, $0x38;
	[tilespmem:$0x1D780] =	vst v63  }
0x3b: {  	_ =	swait.ge [sflag:s26], $0x2800  }
0x3c: {  	[sflag:s26] =	ssyncset.done $0x0  }
0x3d: {  	[sflag:s26] =	ssyncadd.s32 $0xFFFFD800  }
0x3e: {  	[spmem:s22] =	stream.linear.scatter [tilespmem:s25], [sflag:$0x3], $0x2800, $0x38;
	[tilespmem:$0x1D780] =	vst v63  }
0x3f: {  	_ =	swait.ge [sflag:s26], $0x2800  }
0x40: {  	[sflag:s26] =	ssyncset.done $0x0  }
0x41: {  	[sflag:s26] =	ssyncadd.s32 $0xFFFFD800  }
0x42: {  	[spmem:s23] =	stream.linear.scatter [tilespmem:s25], [sflag:$0x3], $0x2800, $0x38;
	[tilespmem:$0x1D780] =	vst v63  }
0x43: {  	_ =	swait.ge [sflag:s26], $0x2800  }
0x44: {  	[sflag:s26] =	ssyncset.done $0x0  }
0x45: {  	s7 =	simm.s32 @!p0 $0x4F00;
	[sflag:s26] =	ssyncadd.s32 $0xFFFFD800  }
0x46: {  	[spmem:s24] =	stream.linear.scatter @!p0 [tilespmem:s7], [sflag:$0x3], $0x2800, $0x38;
	[tilespmem:$0x1D780] =	vst v63  }
0x47: {  	s7 =	simm.s32 @!p0 $0x3  }
0x48: {  	_ =	swait.ge @!p0 [sflag:s7], $0x2800  }
0x49: {  	[sflag:s7] =	ssyncset.done @!p0 $0x0  }
0x4a: {  	[sflag:s7] =	ssyncadd.s32 @!p0 $0xFFFFD800  }
0x4b: {  	[bflag:$0x0] =	sbarrier.arrive $0xFFFF  }
0x4c: {  	s8 =	rddreg [dreg:$0x4]  }
0x4d: {  	[tilespmem:s3], [sflag:$0x3] =	stream.strided.gather [hbm4b:s8+s28], $0x2780, s29, s28, $0x38;
	[tilespmem:$0x1D780] =	vst v63  }
0x4e: {  	_ =	swait.ge [sflag:s26], $0x2780  }
0x4f: {  	[sflag:s26] =	ssyncset.done $0x0  }
0x50: {  	s8 =	simm.s32 $0x2780;
	s12 =	rddreg [dreg:$0x5];
	[sflag:s26] =	ssyncadd.s32 $0xFFFFD880  }
0x51: {  	[tilespmem:s8], [sflag:$0x3] =	stream.strided.gather [hbm4b:s12+s28], $0x2780, s29, s28, $0x38;
	[tilespmem:$0x1D780] =	vst v63  }
0x52: {  	_ =	swait.ge [sflag:s26], $0x2780  }
0x53: {  	[sflag:s26] =	ssyncset.done $0x0  }
0x54: {  	[sflag:s26] =	ssyncadd.s32 $0xFFFFD880  }
0x55: {  	[tilespmem:s25], [sflag:$0x1] =	stream.indirect.gather [hbm4b:s4+s31], $0x80, s3, s31, $0xb8;
	[tilespmem:$0x1D780] =	vst v63  }
0x56: {  	_ =	swait.ge [sflag:s0], $0x2800  }
0x57: {  	[sflag:s0] =	ssyncset.done $0x0  }
0x58: {  	s8 =	simm.s32 $0x50;
	[sflag:s0] =	ssyncadd.s32 $0xFFFFD800  }
0x59: {  	[tilespmem:s1], [sflag:$0x2] =	stream.indirect.gather [hbm4b:s4+s31], $0x80, s8, s31, $0xb8;
	[tilespmem:$0x1D780] =	vst v63  }
0x5a: {  	s12 =	simm.s32 $0x2780  }
0x5b: {  	[spmem:s2] =	stream.indirect.scatter.add.f32 [tilespmem:s25], [sflag:$0x3], $0x80, s12, s31, $0xb8;
	[tilespmem:$0x1D780] =	vst v63  }
0x5c: {  	_ =	swait.ge [sflag:s26], $0x2800  }
0x5d: {  	[sflag:s26] =	ssyncset.done $0x0  }
0x5e: {  	[sflag:s26] =	ssyncadd.s32 $0xFFFFD800  }
0x5f: {  	_ =	swait.ge [sflag:s30], $0x2800  }
0x60: {  	[sflag:s30] =	ssyncset.done $0x0  }
0x61: {  	s8 =	simm.s32 $0xA0;
	[sflag:s30] =	ssyncadd.s32 $0xFFFFD800  }
0x62: {  	[tilespmem:s25], [sflag:$0x1] =	stream.indirect.gather [hbm4b:s4+s31], $0x80, s8, s31, $0xb8;
	[tilespmem:$0x1D780] =	vst v63  }
0x63: {  	s12 =	simm.s32 $0x27D0  }
0x64: {  	[spmem:s2] =	stream.indirect.scatter.add.f32 [tilespmem:s1], [sflag:$0x3], $0x80, s12, s31, $0xb8;
	[tilespmem:$0x1D780] =	vst v63  }
0x65: {  	_ =	swait.ge [sflag:s26], $0x2800  }
0x66: {  	s7 =	simm.s32 $0x280;
	[sflag:s26] =	ssyncset.done $0x0  }
.LBB2_2:
0x67: {  	p1 =	sne.s32 s7, $0x9880  }
0x68: {  	[sflag:s26] =	ssyncadd.s32 $0xFFFFD800;
	s8 =	smov.u32 s7;
	s7 =	sadd.s32 $0x280, s7  }
0x69: {  	_ = 	snop  }
0x6a: {  	_ =	swait.ge [sflag:s0], $0x2800  }
0x6b: {  	s8 =	sshra.s32 s8, $0x2;
	[sflag:s0] =	ssyncset.done $0x0  }
0x6c: {  	s12 =	sadd.s32 $0x50, s8;
	[sflag:s0] =	ssyncadd.s32 $0xFFFFD800  }
0x6d: {  	[tilespmem:s1], [sflag:$0x2] =	stream.indirect.gather [hbm4b:s4+s31], $0x80, s12, s31, $0xb8;
	[tilespmem:$0x1D780] =	vst v63  }
0x6e: {  	s12 =	sadd.s32 $0x2780, s8  }
0x6f: {  	[spmem:s2] =	stream.indirect.scatter.add.f32 [tilespmem:s25], [sflag:$0x3], $0x80, s12, s31, $0xb8;
	[tilespmem:$0x1D780] =	vst v63  }
0x70: {  	_ =	swait.ge [sflag:s26], $0x2800  }
0x71: {  	[sflag:s26] =	ssyncset.done $0x0  }
0x72: {  	[sflag:s26] =	ssyncadd.s32 $0xFFFFD800  }
0x73: {  	_ =	swait.ge [sflag:s30], $0x2800  }
0x74: {  	[sflag:s30] =	ssyncset.done $0x0  }
0x75: {  	s12 =	sadd.s32 $0xA0, s8;
	[sflag:s30] =	ssyncadd.s32 $0xFFFFD800  }
0x76: {  	[tilespmem:s25], [sflag:$0x1] =	stream.indirect.gather [hbm4b:s4+s31], $0x80, s12, s31, $0xb8;
	[tilespmem:$0x1D780] =	vst v63  }
.Ltmp0:
0x77: {  	_ = 	snop;
	(pc) =	sbr.rel @p1 .LBB2_2-.Ltmp0, $4  }
0x78: {  	s8 =	sadd.s32 $0x27D0, s8  }
0x79: {  	[spmem:s2] =	stream.indirect.scatter.add.f32 [tilespmem:s1], [sflag:$0x3], $0x80, s8, s31, $0xb8;
	[tilespmem:$0x1D780] =	vst v63  }
0x7a: {  	_ =	swait.ge [sflag:s26], $0x2800  }
0x7b: {  	[sflag:s26] =	ssyncset.done $0x0  }
0x7c: {  	[sflag:s26] =	ssyncadd.s32 $0xFFFFD800  }
0x7d: {  	_ =	swait.ge [sflag:s0], $0x2800  }
0x7e: {  	[sflag:s0] =	ssyncset.done $0x0  }
0x7f: {  	s7 =	simm.s32 $0x4E40;
	[sflag:s0] =	ssyncadd.s32 $0xFFFFD800  }
0x80: {  	[spmem:s2] =	stream.indirect.scatter.add.f32 [tilespmem:s25], [sflag:$0x3], $0x80, s7, s31, $0xb8;
	[tilespmem:$0x1D780] =	vst v63  }
0x81: {  	_ =	swait.ge [sflag:s26], $0x2800  }
0x82: {  	[sflag:s26] =	ssyncset.done $0x0  }
0x83: {  	[sflag:s26] =	ssyncadd.s32 $0xFFFFD800  }
0x84: {  	[bflag:$0x0] =	sbarrier.arrive $0xFFFF  }
0x85: {  	[tilespmem:s25], [sflag:$0x4] =	stream.linear.gather [spmem:s9], $0x2800, $0x38;
	[tilespmem:$0x1D780] =	vst v63  }
0x86: {  	_ =	swait.ge [sflag:s5], $0x2800  }
0x87: {  	[sflag:s5] =	ssyncset.done $0x0  }
0x88: {  	s8 =	rddreg [dreg:$0x7];
	[sflag:s5] =	ssyncadd.s32 $0xFFFFD800  }
0x89: {  	[hbm4b:s8+s3] =	stream.linear.scatter [tilespmem:s25], [sflag:$0x3], $0x2800, $0x38;
	[tilespmem:$0x1D780] =	vst v63  }
0x8a: {  	_ =	swait.ge [sflag:s26], $0x2800  }
0x8b: {  	[sflag:s26] =	ssyncset.done $0x0  }
0x8c: {  	[sflag:s26] =	ssyncadd.s32 $0xFFFFD800  }
0x8d: {  	[tilespmem:s25], [sflag:$0x4] =	stream.linear.gather [spmem:s10], $0x2800, $0x38;
	[tilespmem:$0x1D780] =	vst v63  }
0x8e: {  	_ =	swait.ge [sflag:s5], $0x2800  }
0x8f: {  	[sflag:s5] =	ssyncset.done $0x0  }
0x90: {  	[sflag:s5] =	ssyncadd.s32 $0xFFFFD800  }
0x91: {  	[hbm4b:s13+s3] =	stream.linear.scatter [tilespmem:s25], [sflag:$0x3], $0x2800, $0x38;
	[tilespmem:$0x1D780] =	vst v63  }
0x92: {  	_ =	swait.ge [sflag:s26], $0x2800  }
0x93: {  	[sflag:s26] =	ssyncset.done $0x0  }
0x94: {  	[sflag:s26] =	ssyncadd.s32 $0xFFFFD800  }
0x95: {  	[tilespmem:s25], [sflag:$0x4] =	stream.linear.gather [spmem:s11], $0x2800, $0x38;
	[tilespmem:$0x1D780] =	vst v63  }
0x96: {  	_ =	swait.ge [sflag:s5], $0x2800  }
0x97: {  	[sflag:s5] =	ssyncset.done $0x0  }
0x98: {  	[sflag:s5] =	ssyncadd.s32 $0xFFFFD800  }
0x99: {  	[hbm4b:s14+s3] =	stream.linear.scatter [tilespmem:s25], [sflag:$0x3], $0x2800, $0x38;
	[tilespmem:$0x1D780] =	vst v63  }
0x9a: {  	_ =	swait.ge [sflag:s26], $0x2800  }
0x9b: {  	[sflag:s26] =	ssyncset.done $0x0  }
0x9c: {  	[sflag:s26] =	ssyncadd.s32 $0xFFFFD800  }
0x9d: {  	[tilespmem:s25], [sflag:$0x4] =	stream.linear.gather [spmem:s20], $0x2800, $0x38;
	[tilespmem:$0x1D780] =	vst v63  }
0x9e: {  	_ =	swait.ge [sflag:s5], $0x2800  }
0x9f: {  	[sflag:s5] =	ssyncset.done $0x0  }
0xa0: {  	[sflag:s5] =	ssyncadd.s32 $0xFFFFD800  }
0xa1: {  	[hbm4b:s15+s3] =	stream.linear.scatter [tilespmem:s25], [sflag:$0x3], $0x2800, $0x38;
	[tilespmem:$0x1D780] =	vst v63  }
0xa2: {  	_ =	swait.ge [sflag:s26], $0x2800  }
0xa3: {  	[sflag:s26] =	ssyncset.done $0x0  }
0xa4: {  	[sflag:s26] =	ssyncadd.s32 $0xFFFFD800  }
0xa5: {  	[tilespmem:s25], [sflag:$0x4] =	stream.linear.gather [spmem:s21], $0x2800, $0x38;
	[tilespmem:$0x1D780] =	vst v63  }
0xa6: {  	_ =	swait.ge [sflag:s5], $0x2800  }
0xa7: {  	[sflag:s5] =	ssyncset.done $0x0  }
0xa8: {  	[sflag:s5] =	ssyncadd.s32 $0xFFFFD800  }
0xa9: {  	[hbm4b:s16+s3] =	stream.linear.scatter [tilespmem:s25], [sflag:$0x3], $0x2800, $0x38;
	[tilespmem:$0x1D780] =	vst v63  }
0xaa: {  	_ =	swait.ge [sflag:s26], $0x2800  }
0xab: {  	[sflag:s26] =	ssyncset.done $0x0  }
0xac: {  	[sflag:s26] =	ssyncadd.s32 $0xFFFFD800  }
0xad: {  	[tilespmem:s25], [sflag:$0x4] =	stream.linear.gather [spmem:s22], $0x2800, $0x38;
	[tilespmem:$0x1D780] =	vst v63  }
0xae: {  	_ =	swait.ge [sflag:s5], $0x2800  }
0xaf: {  	[sflag:s5] =	ssyncset.done $0x0  }
0xb0: {  	[sflag:s5] =	ssyncadd.s32 $0xFFFFD800  }
0xb1: {  	[hbm4b:s17+s3] =	stream.linear.scatter [tilespmem:s25], [sflag:$0x3], $0x2800, $0x38;
	[tilespmem:$0x1D780] =	vst v63  }
0xb2: {  	_ =	swait.ge [sflag:s26], $0x2800  }
0xb3: {  	[sflag:s26] =	ssyncset.done $0x0  }
0xb4: {  	[sflag:s26] =	ssyncadd.s32 $0xFFFFD800  }
0xb5: {  	[tilespmem:s25], [sflag:$0x4] =	stream.linear.gather [spmem:s23], $0x2800, $0x38;
	[tilespmem:$0x1D780] =	vst v63  }
0xb6: {  	_ =	swait.ge [sflag:s5], $0x2800  }
0xb7: {  	[sflag:s5] =	ssyncset.done $0x0  }
0xb8: {  	[sflag:s5] =	ssyncadd.s32 $0xFFFFD800  }
0xb9: {  	[hbm4b:s18+s3] =	stream.linear.scatter [tilespmem:s25], [sflag:$0x3], $0x2800, $0x38;
	[tilespmem:$0x1D780] =	vst v63  }
0xba: {  	_ =	swait.ge [sflag:s26], $0x2800  }
0xbb: {  	[sflag:s26] =	ssyncset.done $0x0  }
0xbc: {  	s7 =	simm.s32 @!p0 $0x4F00;
	s8 =	simm.s32 @!p0 $0x4;
	[sflag:s26] =	ssyncadd.s32 $0xFFFFD800  }
0xbd: {  	[tilespmem:s7], [sflag:$0x4] =	stream.linear.gather @!p0 [spmem:s24], $0x2800, $0x38;
	[tilespmem:$0x1D780] =	vst v63  }
0xbe: {  	_ =	swait.ge @!p0 [sflag:s8], $0x2800  }
0xbf: {  	[sflag:s8] =	ssyncset.done @!p0 $0x0  }
0xc0: {  	[sflag:s8] =	ssyncadd.s32 @!p0 $0xFFFFD800;
	s8 =	simm.s32 @!p0 $0x0  }
0xc1: {  	[hbm4b:s19+s8] =	stream.linear.scatter @!p0 [tilespmem:s7], [sflag:$0x3], $0x2800, $0x38;
	[tilespmem:$0x1D780] =	vst v63  }
0xc2: {  	s7 =	simm.s32 @!p0 $0x3  }
0xc3: {  	_ =	swait.ge @!p0 [sflag:s7], $0x2800  }
0xc4: {  	s6 =	sadd.s32 $0x1, s6;
	s12 =	rddreg [dreg:$0x6]  }
0xc5: {  	p1 =	sne.s32 s6, s12  }
.Ltmp1:
0xc6: {  	_ = 	snop;
	(pc) =	sbr.rel @p1 .LBB2_1-.Ltmp1, $3  }
0xc7: {  	_ =	sdelay $0x1  }
0xc8: {  	[sflag:s7] =	ssyncset.done @!p0 $0x0  }
0xc9: {  	[sflag:s7] =	ssyncadd.s32 @!p0 $0xFFFFD800  }
0xca: {  	_ =	sfence.sel $0x180000  }
0xcb: {  	[bflag:$0x0] =	sbarrier.arrive $0xFFFF  }
0xcc: {  	_ =	strace $0x90000050  }
0xcd: {  	s0 =	stileid.u32;
	[bflag:$0x2] =	sbarrier.arrive $0xFFFF  }
0xce: {  	p0 =	sne.s32 s0, $0x0;
	s0 =	rddreg [dreg:$0x2]  }
0xcf: {  	s0 =	sadd.s32 @!p0 $0x100000, s0  }
0xd0: {  	[sflag:s0] =	ssyncadd.tile.s32 @!p0 $0x1;
	_ =	shalt  }
.Lfunc_end2:
_tile_overlayer_lowered:
.L_overlay_start_2:
0xd1: {  	(tag) =	ssettag $0x2  }
0xd2: {  	s0 =	rddreg [dreg:$0x0];
	s2 =	stileid.u32  }
0xd3: {  	s1 =	rddreg [dreg:$0x1];
	p0 =	sne.s32 s2, $0x0  }
0xd4: {  	s3 =	rddreg [dreg:$0x2];
	[bflag:$0x3] =	sbarrier.arrive $0xFFFF;
	s2 =	simm.s32 @!p0 $0x1C03  }
0xd5: {  	[timem:s3], [sflag:s2] =	dma.local @!p0 [hbm:s0], s1  }
0xd6: {  	s0 =	simm.s32 @!p0 $0x3  }
0xd7: {  	_ =	swait.ge @!p0 [sflag:s0], s1  }
0xd8: {  	s1 =	ssub.s32 @!p0 $0x0, s1;
	[sflag:s0] =	ssyncset.done @!p0 $0x0  }
0xd9: {  	[sflag:s0] =	ssyncadd.s32 @!p0 s1  }
0xda: {  	[bflag:$0x3] =	sbarrier.arrive $0xFFFF  }
0xdb: {  	_ =	shalt  }

// kernel: kernel.21.cloned.1.call-start
scs
__scs_entry_jumppad:
0x0: {  	(pc) =	sbr.rel $0x88, $3  }
0x1: {  	(tag) =	ssettag $0x0;
	lr =	simm.s32 $0x1  }
0x2: {  	[smem:$0x3F8F] =	sst lr;
	_ =	strace $0xD0000000  }
0x3: {  	_ = 	snop  }
0x4: {  	_ = 	snop  }
0x5: {  	_ = 	snop  }
0x6: {  	_ = 	snop  }
0x7: {  	_ = 	snop  }
__scs_overlays_trampoline_lowered:
0x8: {  	[smem:$0x3F9E] =	sst s0  }
0x9: {  	[smem:$0x3F9F] =	sst s1  }
0xa: {  	[smem:$0x3FA0] =	sst s2  }
0xb: {  	[smem:$0x3FA1] =	sst s3  }
0xc: {  	[smem:$0x3FA2] =	sst s4  }
0xd: {  	[smem:$0x3FA3] =	sst s5  }
0xe: {  	[smem:$0x3FA4] =	sst s6  }
0xf: {  	[smem:$0x3FA5] =	sst s7  }
0x10: {  	[smem:$0x3FA6] =	sst s8  }
0x11: {  	[smem:$0x3FA7] =	sst s9;
	s0 =	simm.s32 @!p0 $0x0  }
0x12: {  	s1 =	sld [smem:$0x3F8D];
	s0 =	simm.s32 @p0 $0x1  }
0x13: {  	[smem:$0x3FA8] =	sst s0;
	s0 =	simm.s32 @!p1 $0x0  }
0x14: {  	s2 =	sld [smem:$0x3F8C];
	s0 =	simm.s32 @p1 $0x1  }
0x15: {  	[smem:$0x3FA9] =	sst s0;
	s0 =	simm.s32 @!p2 $0x0  }
0x16: {  	s3 =	sld [smem:$0x3FDB];
	s0 =	simm.s32 @p2 $0x1  }
0x17: {  	s4 =	simm.s32 $0x1BF5;
	[smem:$0x3FAB] =	sst s0  }
0x18: {  	s0 =	sld [smem:$0x3F8E];
	_ =	swait.ge [sflag:s4], $0x0  }
0x19: {  	s7 =	sld [smem:$0x3F8F]  }
0x1a: {  	s8 =	sadd.s32 $0xFFFFE003, lr  }
0x1b: {  	s9 =	sadd.s32 $0xFFFFFEF7, lr;
	s5 =	simm.s32 $0xFFFFFFFF;
	p2 =	slt.u32 s8, $0xFFFFF086  }
0x1c: {  	p1 =	slt.u32 s9, $0xF7A;
	s5 =	simm.s32 @!p2 $0x0  }
0x1d: {  	s5 =	simm.s32 @p1 $0x1;
	p0 =	seq.s32 s7, s2  }
0x1e: {  	s7 =	smul.u32 @!p0 $0xF7A, s2;
	p2 =	seq.s32 @!p0 s5, $0x0  }
0x1f: {  	s9 =	smul.u32 $0xF7A, s1;
	s8 =	simm.s32 @!p0 $0x1BF5;
	p2 =	por !p2, p0  }
0x20: {  	[sflag:s8] =	ssyncset.s32 @!p0 $0xFFFFF086;
	s6 =	sadd.s32 @!p0 s3, s7;
	s7 =	simm.s32 @!p0 $0x108  }
0x21: {  	s3 =	sadd.s32 s3, s9;
	s6 =	sadd.s32 @!p0 $0x88, s6;
	s7 =	simm.s32 @p2 $0x1082  }
0x22: {  	[simem:s7], [sflag:s8] =	dma.local @!p0 [hbm:s6], $0xF7A  }
0x23: {  	s9 =	sor.u32 $0xD0000000, s2;
	s6 =	simm.s32 $0x108;
	_ =	swait.ge @!p0 [sflag:s8], $0x0  }
0x24: {  	s3 =	sadd.s32 $0x88, s3;
	s6 =	simm.s32 @!p1 $0x1082;
	[sflag:s4] =	ssyncset.s32 $0xFFFFF086  }
0x25: {  	[simem:s6], [sflag:s4] =	dma.local [hbm:s3], $0xF7A  }
0x26: {  	[smem:$0x3F8F] =	sst s1;
	(tag) =	ssettag s2;
	_ =	strace s9  }
0x27: {  	s1 =	sld [smem:$0x3F9F]  }
0x28: {  	s2 =	sld [smem:$0x3FA0]  }
0x29: {  	s4 =	sld [smem:$0x3FA2]  }
0x2a: {  	p0 =	seq.s32 s5, $0x0;
	s5 =	sld [smem:$0x3FA3]  }
0x2b: {  	s6 =	sld [smem:$0x3FA4]  }
0x2c: {  	s7 =	sld [smem:$0x3FA5]  }
0x2d: {  	s3 =	simm.s32 $0x108;
	s8 =	sld [smem:$0x3FA6]  }
0x2e: {  	s3 =	simm.s32 @!p0 $0x1082;
	s9 =	sld [smem:$0x3FA7]  }
0x2f: {  	lr =	sadd.s32 s0, s3;
	s0 =	sld [smem:$0x3F9E]  }
0x30: {  	s3 =	sld [smem:$0x3FA1]  }
0x31: {  	[smem:$0x3FAA] =	sst s10  }
0x32: {  	s10 =	sld [smem:$0x3FA8];
	_ =	sdelay $0x3  }
0x33: {  	p0 =	seq.s32 s10, $0x1;
	s10 =	sld [smem:$0x3FAA];
	_ =	sdelay $0x3  }
0x34: {  	[smem:$0x3FAA] =	sst s10  }
0x35: {  	s10 =	sld [smem:$0x3FA9];
	_ =	sdelay $0x3  }
0x36: {  	p1 =	seq.s32 s10, $0x1;
	s10 =	sld [smem:$0x3FAA];
	_ =	sdelay $0x3  }
0x37: {  	[smem:$0x3FAA] =	sst s10  }
0x38: {  	s10 =	sld [smem:$0x3FAB]  }
0x39: {  	_ = 	snop;
	(pc) =	sbr.ind lr, $3  }
0x3a: {  	_ = 	snop  }
0x3b: {  	_ = 	snop  }
0x3c: {  	p2 =	seq.s32 s10, $0x1;
	s10 =	sld [smem:$0x3FAA]  }
0x3d: {  	_ =	shalt  }
0x3e: {  	_ =	shalt  }
0x3f: {  	_ =	shalt  }
0x40: {  	_ =	shalt  }
0x41: {  	_ =	shalt  }
0x42: {  	_ =	shalt  }
0x43: {  	_ =	shalt  }
0x44: {  	_ =	shalt  }
0x45: {  	_ =	shalt  }
0x46: {  	_ =	shalt  }
0x47: {  	_ =	shalt  }
0x48: {  	_ =	shalt  }
0x49: {  	_ =	shalt  }
0x4a: {  	_ =	shalt  }
0x4b: {  	_ =	shalt  }
0x4c: {  	_ =	shalt  }
0x4d: {  	_ =	shalt  }
0x4e: {  	_ =	shalt  }
0x4f: {  	_ =	shalt  }
0x50: {  	_ =	shalt  }
0x51: {  	_ =	shalt  }
0x52: {  	_ =	shalt  }
0x53: {  	_ =	shalt  }
0x54: {  	_ =	shalt  }
0x55: {  	_ =	shalt  }
0x56: {  	_ =	shalt  }
0x57: {  	_ =	shalt  }
0x58: {  	_ =	shalt  }
0x59: {  	_ =	shalt  }
0x5a: {  	_ =	shalt  }
0x5b: {  	_ =	shalt  }
0x5c: {  	_ =	shalt  }
0x5d: {  	_ =	shalt  }
0x5e: {  	_ =	shalt  }
0x5f: {  	_ =	shalt  }
0x60: {  	_ =	shalt  }
0x61: {  	_ =	shalt  }
0x62: {  	_ =	shalt  }
0x63: {  	_ =	shalt  }
0x64: {  	_ =	shalt  }
0x65: {  	_ =	shalt  }
0x66: {  	_ =	shalt  }
0x67: {  	_ =	shalt  }
0x68: {  	_ =	shalt  }
0x69: {  	_ =	shalt  }
0x6a: {  	_ =	shalt  }
0x6b: {  	_ =	shalt  }
0x6c: {  	_ =	shalt  }
0x6d: {  	_ =	shalt  }
0x6e: {  	_ =	shalt  }
0x6f: {  	_ =	shalt  }
0x70: {  	_ =	shalt  }
0x71: {  	_ =	shalt  }
0x72: {  	_ =	shalt  }
0x73: {  	_ =	shalt  }
0x74: {  	_ =	shalt  }
0x75: {  	_ =	shalt  }
0x76: {  	_ =	shalt  }
0x77: {  	_ =	shalt  }
0x78: {  	_ =	shalt  }
0x79: {  	_ =	shalt  }
0x7a: {  	_ =	shalt  }
0x7b: {  	_ =	shalt  }
0x7c: {  	_ =	shalt  }
0x7d: {  	_ =	shalt  }
0x7e: {  	_ =	shalt  }
0x7f: {  	_ =	shalt  }
0x80: {  	_ =	shalt  }
0x81: {  	_ =	shalt  }
0x82: {  	_ =	shalt  }
0x83: {  	_ =	shalt  }
0x84: {  	_ =	shalt  }
0x85: {  	_ =	shalt  }
0x86: {  	_ =	shalt  }
0x87: {  	_ =	shalt  }
.Lfunc_end0:
.L_simem_size_0:
called_computation.4_lowered:
.L_overlay_start_0:
0x88: {  	s2 =	sld [smem:$0x3FD9]  }
0x89: {  	s3 =	sld [smem:$0x3FFE];
	_ =	sdelay $0x1  }
0x8a: {  	s1 =	srdreg.scid  }
0x8b: {  	s0 =	sand.u32 $0x1, s1  }
0x8c: {  	s16 =	sshll.u32 s0, $0xA;
	s2 =	sadd.s32 s3, s2  }
0x8d: {  	s2 =	sadd.s32 s2, s16  }
0x8e: {  	[smem:$0x3FB6] =	sst s2  }
0x8f: {  	_ = 	snop  }
0x90: {  	(tm) =	ssettm $0x1  }
0x91: {  	s17 =	sld [smem:$0x3FFB];
	_ =	sdelay $0x3  }
0x92: {  	_ =	strace s17  }
0x93: {  	s2 =	sld [smem:$0x3FFC];
	_ =	sdelay $0x3  }
0x94: {  	_ =	strace s2  }
0x95: {  	s2 =	sld [smem:$0x3FFD];
	_ =	sdelay $0x3  }
0x96: {  	_ =	strace s2  }
0x97: {  	_ =	strace $0x8FFFFFFF  }
0x98: {  	s18 =	sld [smem:$0x3FDB];
	_ =	sdelay $0x1  }
0x99: {  	s19 =	simm.s32 $_scs_section_size  }
0x9a: {  	s4 =	simm.s32 $_size__tile_overlayer_lowered;
	s5 =	simm.s32 $_tile_overlayer_lowered  }
0x9b: {  	s22 =	simm.s32 $0x1BFF;
	s21 =	sshll.u32 s5, $0x1;
	s2 =	sadd.s32 s19, s18  }
0x9c: {  	s6 =	simm.s32 $0x0;
	s20 =	sshll.u32 s4, $0x1;
	s4 =	sadd.s32 s21, s2  }
0x9d: {  	[timem:s6], [sflag:s22] =	dma.local [hbm:s4], s20  }
0x9e: {  	_ =	swait.ge [sflag:s22], s20  }
0x9f: {  	s3 =	ssub.s32 $0x0, s20;
	[sflag:s22] =	ssyncset.done $0x0  }
0xa0: {  	[sflag:s22] =	ssyncadd.s32 s3;
	_ =	sdelay $0x1  }
0xa1: {  	s23 =	simm.s32 $0x1B8B  }
0xa2: {  	_ =	swait.ge [sflag:s23], $0x1  }
0xa3: {  	[sflag:s23] =	ssyncset.done $0x0  }
0xa4: {  	s25 =	simm.s32 $0x1B8E;
	s24 =	sld [smem:$0x3FFE];
	[sflag:s23] =	ssyncadd.s32 $0xFFFFFFFF  }
0xa5: {  	s26 =	simm.s32 $execute0_lowered;
	[smem:$0x3FD2] =	sst s25  }
0xa6: {  	s4 =	sshll.u32 s26, $0x1;
	_ =	strace $0x80000052;
	[dreg:$0x1] =	wrdreg $0xFFFFFFFF  }
0xa7: {  	s28 =	simm.s32 $_size_execute0_lowered;
	s2 =	sadd.s32 s2, s4;
	[dreg:$0x0] =	wrdreg $0x0  }
0xa8: {  	s4 =	sshll.u32 s28, $0x1;
	[dreg:$0x2] =	wrdreg s2  }
0xa9: {  	[dreg:$0x3] =	wrdreg s4  }
0xaa: {  	[dreg:$0x4] =	wrdreg $0xC0  }
0xab: {  	_ =	task [dreg:s6], $0x5FFFF  }
0xac: {  	[dreg:$0x1] =	wrdreg $0xFFFFFFFF  }
0xad: {  	[dreg:$0x0] =	wrdreg $0x60  }
0xae: {  	[dreg:$0x2] =	wrdreg s24  }
0xaf: {  	[dreg:$0x3] =	wrdreg $0x9F000  }
0xb0: {  	[dreg:$0x4] =	wrdreg $0x9  }
0xb1: {  	_ =	task.clear_ibuf [dreg:s6], $0x5FFFF;
	_ =	strace $0x90000052  }
0xb2: {  	s29 =	simm.s32 $0x9;
	_ =	strace $0x80000054  }
0xb3: {  	_ =	swait.ge [sflag:s29], $0x1  }
0xb4: {  	[sflag:s29] =	ssyncadd.s32 $0xFFFFFFFF  }
0xb5: {  	_ =	strace $0x90000054  }
0xb6: {  	_ =	sfence  }
0xb7: {  	s30 =	sld [smem:$0x0];
	_ =	sdelay $0x2  }
0xb8: {  	s31 =	sshll.u32 s1, $0xD;
	s1 =	sshrl.u32 s1, $0x2  }
0xb9: {  	s3 =	sand.u32 $0x4000, s31;
	s1 =	sadd.s32 s1, s30  }
0xba: {  	s0 =	sor.u32 s3, s0;
	s1 =	sshll.u32 s1, $0x11  }
0xbb: {  	s0 =	sor.u32 s1, s0  }
0xbc: {  	s0 =	sadd.s32 $0x8F2B, s0  }
0xbd: {  	[sflag:s0] =	ssyncadd.remote.s32 $0x1  }
0xbe: {  	_ =	sfence.sel $0xFFFF  }
0xbf: {  	[dreg:$0x0] =	wrdreg $0xFFFFFFFF;
	(pc) =	sbr.abs _section_cstart, $3  }
0xc0: {  	[dreg:$0x1] =	wrdreg $0xFFFFFFFF  }
0xc1: {  	_ =	task.clear_ibuf [dreg:s6], $0x2FFFF;
	_ =	strace $0x9FFFFFFF  }
0xc2: {  	(tm) =	ssettm $0x7FFFFFFF  }
0xc3: {  	_ =	shalt  }
tec
execute0_lowered:
.L_overlay_start_1:
0x0: {  	(tag) =	ssettag $0x1  }
0x1: {  	s21 =	stileid.u32  }
0x2: {  	s1 =	srdreg.scid;
	s4 =	sshrl.u32 s21, $0x2;
	s10 =	smul.u32 $0x2800, s21  }
0x3: {  	s0 =	rddreg [dreg:$0x0];
	s1 =	sand.u32 $0x1, s1;
	s4 =	smul.u32 $0x13C00, s4  }
0x4: {  	s2 =	rddreg [dreg:$0x1];
	s8 =	sor.u32 $0x10, s21;
	s7 =	smul.u32 $0x138800, s1  }
0x5: {  	s3 =	simm.s32 $0x0;
	s28 =	simm.s32 $0x80;
	s9 =	smul.u32 $0xA000, s8  }
0x6: {  	s29 =	simm.s32 $0x400;
	s11 =	sor.u32 $0x20, s21;
	s8 =	smul.u32 $0x2800, s8  }
0x7: {  	s31 =	simm.s32 $0x50;
	s14 =	sor.u32 $0x40, s21;
	s13 =	smul.u32 $0x2800, s11  }
0x8: {  	[smem:$0x7FF] =	sst s3;
	s16 =	sor.u32 $0x50, s21;
	s17 =	smul.u32 $0x2800, s14  }
0x9: {  	s5 =	sshll.u32 s21, $0x8;
	s19 =	sor.u32 $0x60, s21;
	s20 =	smul.u32 $0x2800, s16  }
0xa: {  	s12 =	sadd.s32 $0x10C00, s0;
	s25 =	sor.u32 $0x70, s21;
	s26 =	smul.u32 $0x2800, s19  }
0xb: {  	s6 =	sshll.u32 s1, $0x7;
	s5 =	sand.u32 $0x300, s5;
	s24 =	smul.u32 $0x2800, s25  }
0xc: {  	_ =	strace $0x80000053;
	[dreg:$0x3] =	wrdreg s12;
	s14 =	smul.u32 $0xA000, s14  }
0xd: {  	s12 =	sor.u32 $0x30, s21;
	s5 =	sor.u32 s6, s5;
	s6 =	smul.u32 $0xA000, s21  }
0xe: {  	s30 =	simm.s32 $0x2;
	s1 =	ssub.s32 $0x2, s1;
	s15 =	smul.u32 $0x2800, s12  }
0xf: {  	p0 =	sgt.u32 s25, $0x7C;
	s18 =	sshrl.u32 s1, $0x1;
	s12 =	smul.u32 $0xA000, s12  }
0x10: {  	s5 =	sor.u32 s4, s5;
	s4 =	sadd.s32 $0x42200, s0;
	s1 =	ssub.s32 s1, s18  }
0x11: {  	s21 =	sadd.s32 s7, s10;
	s22 =	sadd.s32 s7, s8;
	s23 =	sadd.s32 s7, s13  }
0x12: {  	s17 =	sadd.s32 s7, s17;
	s20 =	sadd.s32 s7, s20;
	s18 =	sadd.s32 s7, s26  }
0x13: {  	s10 =	smul.u32 $0xA000, s11;
	s13 =	sshrl.u32 s9, $0x2;
	s5 =	sshrl.u32 s5, $0x3  }
0x14: {  	s15 =	sadd.s32 s7, s15;
	s11 =	sshrl.u32 s6, $0x2;
	s6 =	smul.u32 $0xA000, s16  }
0x15: {  	s7 =	sadd.s32 s7, s24;
	s1 =	smax.u32 s1, $0x1;
	s24 =	smul.u32 $0xA000, s19  }
0x16: {  	s19 =	sshrl.u32 s21, $0x3;
	s21 =	sshrl.u32 s22, $0x3;
	s23 =	sshrl.u32 s23, $0x3  }
0x17: {  	s8 =	sshrl.u32 s20, $0x3;
	s18 =	sshrl.u32 s18, $0x3;
	s5 =	sadd.s32 s5, s0  }
0x18: {  	s0 =	sadd.s32 $0x69400, s0;
	[dreg:$0x6] =	wrdreg s1;
	s9 =	sadd.s32 s11, s2  }
0x19: {  	s1 =	sshrl.u32 s12, $0x2;
	s15 =	sshrl.u32 s15, $0x3;
	s7 =	sshrl.u32 s7, $0x3  }
0x1a: {  	s12 =	smul.u32 $0xA000, s25;
	s25 =	simm.s32 $0x4F00;
	s26 =	sadd.s32 $0x6E00, s5  }
0x1b: {  	s5 =	sadd.s32 $0x38400, s5;
	s22 =	sadd.s32 s0, s19;
	s15 =	sadd.s32 s0, s15  }
0x1c: {  	s18 =	sadd.s32 s0, s18;
	s19 =	sadd.s32 s0, s7;
	[dreg:$0x4] =	wrdreg s26  }
0x1d: {  	s20 =	sadd.s32 s1, s2;
	s1 =	simm.s32 $0x7700;
	[dreg:$0x5] =	wrdreg s5  }
0x1e: {  	s5 =	sshrl.u32 s10, $0x2;
	s10 =	sadd.s32 s13, s2;
	[dreg:$0x7] =	wrdreg s22  }
0x1f: {  	s13 =	sadd.s32 s0, s21;
	s26 =	sshrl.u32 s17, $0x3;
	s17 =	sadd.s32 s0, s8  }
0x20: {  	s11 =	sadd.s32 s5, s2;
	s5 =	sshrl.u32 s14, $0x2;
	s14 =	sadd.s32 s0, s23  }
0x21: {  	s16 =	sadd.s32 s0, s26;
	s23 =	sshrl.u32 s6, $0x2;
	s26 =	sshrl.u32 s24, $0x2  }
0x22: {  	s0 =	sshrl.u32 s12, $0x2;
	s6 =	simm.s32 $0x0;
	s21 =	sadd.s32 s5, s2  }
0x23: {  	s22 =	sadd.s32 s23, s2;
	s23 =	sadd.s32 s26, s2;
	s24 =	sadd.s32 s0, s2  }
0x24: {  	s26 =	simm.s32 $0x3;
	s0 =	simm.s32 $0x1;
	s5 =	simm.s32 $0x4  }
.LBB2_1:
0x25: {  	s7 =	rddreg [dreg:$0x3]  }
0x26: {  	[tilespmem:s25], [sflag:$0x3] =	stream.linear.gather [hbm4b:s7+s3], $0x2800, $0x38;
	[tilespmem:$0x1D780] =	vst v63  }
0x27: {  	_ =	swait.ge [sflag:s26], $0x2800  }
0x28: {  	[sflag:s26] =	ssyncset.done $0x0  }
0x29: {  	[sflag:s26] =	ssyncadd.s32 $0xFFFFD800  }
0x2a: {  	[spmem:s9] =	stream.linear.scatter [tilespmem:s25], [sflag:$0x3], $0x2800, $0x38;
	[tilespmem:$0x1D780] =	vst v63  }
0x2b: {  	_ =	swait.ge [sflag:s26], $0x2800  }
0x2c: {  	[sflag:s26] =	ssyncset.done $0x0  }
0x2d: {  	[sflag:s26] =	ssyncadd.s32 $0xFFFFD800  }
0x2e: {  	[spmem:s10] =	stream.linear.scatter [tilespmem:s25], [sflag:$0x3], $0x2800, $0x38;
	[tilespmem:$0x1D780] =	vst v63  }
0x2f: {  	_ =	swait.ge [sflag:s26], $0x2800  }
0x30: {  	[sflag:s26] =	ssyncset.done $0x0  }
0x31: {  	[sflag:s26] =	ssyncadd.s32 $0xFFFFD800  }
0x32: {  	[spmem:s11] =	stream.linear.scatter [tilespmem:s25], [sflag:$0x3], $0x2800, $0x38;
	[tilespmem:$0x1D780] =	vst v63  }
0x33: {  	_ =	swait.ge [sflag:s26], $0x2800  }
0x34: {  	[sflag:s26] =	ssyncset.done $0x0  }
0x35: {  	[sflag:s26] =	ssyncadd.s32 $0xFFFFD800  }
0x36: {  	[spmem:s20] =	stream.linear.scatter [tilespmem:s25], [sflag:$0x3], $0x2800, $0x38;
	[tilespmem:$0x1D780] =	vst v63  }
0x37: {  	_ =	swait.ge [sflag:s26], $0x2800  }
0x38: {  	[sflag:s26] =	ssyncset.done $0x0  }
0x39: {  	[sflag:s26] =	ssyncadd.s32 $0xFFFFD800  }
0x3a: {  	[spmem:s21] =	stream.linear.scatter [tilespmem:s25], [sflag:$0x3], $0x2800, $0x38;
	[tilespmem:$0x1D780] =	vst v63  }
0x3b: {  	_ =	swait.ge [sflag:s26], $0x2800  }
0x3c: {  	[sflag:s26] =	ssyncset.done $0x0  }
0x3d: {  	[sflag:s26] =	ssyncadd.s32 $0xFFFFD800  }
0x3e: {  	[spmem:s22] =	stream.linear.scatter [tilespmem:s25], [sflag:$0x3], $0x2800, $0x38;
	[tilespmem:$0x1D780] =	vst v63  }
0x3f: {  	_ =	swait.ge [sflag:s26], $0x2800  }
0x40: {  	[sflag:s26] =	ssyncset.done $0x0  }
0x41: {  	[sflag:s26] =	ssyncadd.s32 $0xFFFFD800  }
0x42: {  	[spmem:s23] =	stream.linear.scatter [tilespmem:s25], [sflag:$0x3], $0x2800, $0x38;
	[tilespmem:$0x1D780] =	vst v63  }
0x43: {  	_ =	swait.ge [sflag:s26], $0x2800  }
0x44: {  	[sflag:s26] =	ssyncset.done $0x0  }
0x45: {  	s7 =	simm.s32 @!p0 $0x4F00;
	[sflag:s26] =	ssyncadd.s32 $0xFFFFD800  }
0x46: {  	[spmem:s24] =	stream.linear.scatter @!p0 [tilespmem:s7], [sflag:$0x3], $0x2800, $0x38;
	[tilespmem:$0x1D780] =	vst v63  }
0x47: {  	s7 =	simm.s32 @!p0 $0x3  }
0x48: {  	_ =	swait.ge @!p0 [sflag:s7], $0x2800  }
0x49: {  	[sflag:s7] =	ssyncset.done @!p0 $0x0  }
0x4a: {  	[sflag:s7] =	ssyncadd.s32 @!p0 $0xFFFFD800  }
0x4b: {  	[bflag:$0x0] =	sbarrier.arrive $0xFFFF  }
0x4c: {  	s8 =	rddreg [dreg:$0x4]  }
0x4d: {  	[tilespmem:s3], [sflag:$0x3] =	stream.strided.gather [hbm4b:s8+s28], $0x2780, s29, s28, $0x38;
	[tilespmem:$0x1D780] =	vst v63  }
0x4e: {  	_ =	swait.ge [sflag:s26], $0x2780  }
0x4f: {  	[sflag:s26] =	ssyncset.done $0x0  }
0x50: {  	s8 =	simm.s32 $0x2780;
	s12 =	rddreg [dreg:$0x5];
	[sflag:s26] =	ssyncadd.s32 $0xFFFFD880  }
0x51: {  	[tilespmem:s8], [sflag:$0x3] =	stream.strided.gather [hbm4b:s12+s28], $0x2780, s29, s28, $0x38;
	[tilespmem:$0x1D780] =	vst v63  }
0x52: {  	_ =	swait.ge [sflag:s26], $0x2780  }
0x53: {  	[sflag:s26] =	ssyncset.done $0x0  }
0x54: {  	[sflag:s26] =	ssyncadd.s32 $0xFFFFD880  }
0x55: {  	[tilespmem:s25], [sflag:$0x1] =	stream.indirect.gather [hbm4b:s4+s31], $0x80, s3, s31, $0xb8;
	[tilespmem:$0x1D780] =	vst v63  }
0x56: {  	_ =	swait.ge [sflag:s0], $0x2800  }
0x57: {  	[sflag:s0] =	ssyncset.done $0x0  }
0x58: {  	s8 =	simm.s32 $0x50;
	[sflag:s0] =	ssyncadd.s32 $0xFFFFD800  }
0x59: {  	[tilespmem:s1], [sflag:$0x2] =	stream.indirect.gather [hbm4b:s4+s31], $0x80, s8, s31, $0xb8;
	[tilespmem:$0x1D780] =	vst v63  }
0x5a: {  	s12 =	simm.s32 $0x2780  }
0x5b: {  	[spmem:s2] =	stream.indirect.scatter.add.f32 [tilespmem:s25], [sflag:$0x3], $0x80, s12, s31, $0xb8;
	[tilespmem:$0x1D780] =	vst v63  }
0x5c: {  	_ =	swait.ge [sflag:s26], $0x2800  }
0x5d: {  	[sflag:s26] =	ssyncset.done $0x0  }
0x5e: {  	[sflag:s26] =	ssyncadd.s32 $0xFFFFD800  }
0x5f: {  	_ =	swait.ge [sflag:s30], $0x2800  }
0x60: {  	[sflag:s30] =	ssyncset.done $0x0  }
0x61: {  	s8 =	simm.s32 $0xA0;
	[sflag:s30] =	ssyncadd.s32 $0xFFFFD800  }
0x62: {  	[tilespmem:s25], [sflag:$0x1] =	stream.indirect.gather [hbm4b:s4+s31], $0x80, s8, s31, $0xb8;
	[tilespmem:$0x1D780] =	vst v63  }
0x63: {  	s12 =	simm.s32 $0x27D0  }
0x64: {  	[spmem:s2] =	stream.indirect.scatter.add.f32 [tilespmem:s1], [sflag:$0x3], $0x80, s12, s31, $0xb8;
	[tilespmem:$0x1D780] =	vst v63  }
0x65: {  	_ =	swait.ge [sflag:s26], $0x2800  }
0x66: {  	s7 =	simm.s32 $0x280;
	[sflag:s26] =	ssyncset.done $0x0  }
.LBB2_2:
0x67: {  	p1 =	sne.s32 s7, $0x9880  }
0x68: {  	[sflag:s26] =	ssyncadd.s32 $0xFFFFD800;
	s8 =	smov.u32 s7;
	s7 =	sadd.s32 $0x280, s7  }
0x69: {  	_ = 	snop  }
0x6a: {  	_ =	swait.ge [sflag:s0], $0x2800  }
0x6b: {  	s8 =	sshra.s32 s8, $0x2;
	[sflag:s0] =	ssyncset.done $0x0  }
0x6c: {  	s12 =	sadd.s32 $0x50, s8;
	[sflag:s0] =	ssyncadd.s32 $0xFFFFD800  }
0x6d: {  	[tilespmem:s1], [sflag:$0x2] =	stream.indirect.gather [hbm4b:s4+s31], $0x80, s12, s31, $0xb8;
	[tilespmem:$0x1D780] =	vst v63  }
0x6e: {  	s12 =	sadd.s32 $0x2780, s8  }
0x6f: {  	[spmem:s2] =	stream.indirect.scatter.add.f32 [tilespmem:s25], [sflag:$0x3], $0x80, s12, s31, $0xb8;
	[tilespmem:$0x1D780] =	vst v63  }
0x70: {  	_ =	swait.ge [sflag:s26], $0x2800  }
0x71: {  	[sflag:s26] =	ssyncset.done $0x0  }
0x72: {  	[sflag:s26] =	ssyncadd.s32 $0xFFFFD800  }
0x73: {  	_ =	swait.ge [sflag:s30], $0x2800  }
0x74: {  	[sflag:s30] =	ssyncset.done $0x0  }
0x75: {  	s12 =	sadd.s32 $0xA0, s8;
	[sflag:s30] =	ssyncadd.s32 $0xFFFFD800  }
0x76: {  	[tilespmem:s25], [sflag:$0x1] =	stream.indirect.gather [hbm4b:s4+s31], $0x80, s12, s31, $0xb8;
	[tilespmem:$0x1D780] =	vst v63  }
.Ltmp0:
0x77: {  	_ = 	snop;
	(pc) =	sbr.rel @p1 .LBB2_2-.Ltmp0, $4  }
0x78: {  	s8 =	sadd.s32 $0x27D0, s8  }
0x79: {  	[spmem:s2] =	stream.indirect.scatter.add.f32 [tilespmem:s1], [sflag:$0x3], $0x80, s8, s31, $0xb8;
	[tilespmem:$0x1D780] =	vst v63  }
0x7a: {  	_ =	swait.ge [sflag:s26], $0x2800  }
0x7b: {  	[sflag:s26] =	ssyncset.done $0x0  }
0x7c: {  	[sflag:s26] =	ssyncadd.s32 $0xFFFFD800  }
0x7d: {  	_ =	swait.ge [sflag:s0], $0x2800  }
0x7e: {  	[sflag:s0] =	ssyncset.done $0x0  }
0x7f: {  	s7 =	simm.s32 $0x4E40;
	[sflag:s0] =	ssyncadd.s32 $0xFFFFD800  }
0x80: {  	[spmem:s2] =	stream.indirect.scatter.add.f32 [tilespmem:s25], [sflag:$0x3], $0x80, s7, s31, $0xb8;
	[tilespmem:$0x1D780] =	vst v63  }
0x81: {  	_ =	swait.ge [sflag:s26], $0x2800  }
0x82: {  	[sflag:s26] =	ssyncset.done $0x0  }
0x83: {  	[sflag:s26] =	ssyncadd.s32 $0xFFFFD800  }
0x84: {  	[bflag:$0x0] =	sbarrier.arrive $0xFFFF  }
0x85: {  	[tilespmem:s25], [sflag:$0x4] =	stream.linear.gather [spmem:s9], $0x2800, $0x38;
	[tilespmem:$0x1D780] =	vst v63  }
0x86: {  	_ =	swait.ge [sflag:s5], $0x2800  }
0x87: {  	[sflag:s5] =	ssyncset.done $0x0  }
0x88: {  	s8 =	rddreg [dreg:$0x7];
	[sflag:s5] =	ssyncadd.s32 $0xFFFFD800  }
0x89: {  	[hbm4b:s8+s3] =	stream.linear.scatter [tilespmem:s25], [sflag:$0x3], $0x2800, $0x38;
	[tilespmem:$0x1D780] =	vst v63  }
0x8a: {  	_ =	swait.ge [sflag:s26], $0x2800  }
0x8b: {  	[sflag:s26] =	ssyncset.done $0x0  }
0x8c: {  	[sflag:s26] =	ssyncadd.s32 $0xFFFFD800  }
0x8d: {  	[tilespmem:s25], [sflag:$0x4] =	stream.linear.gather [spmem:s10], $0x2800, $0x38;
	[tilespmem:$0x1D780] =	vst v63  }
0x8e: {  	_ =	swait.ge [sflag:s5], $0x2800  }
0x8f: {  	[sflag:s5] =	ssyncset.done $0x0  }
0x90: {  	[sflag:s5] =	ssyncadd.s32 $0xFFFFD800  }
0x91: {  	[hbm4b:s13+s3] =	stream.linear.scatter [tilespmem:s25], [sflag:$0x3], $0x2800, $0x38;
	[tilespmem:$0x1D780] =	vst v63  }
0x92: {  	_ =	swait.ge [sflag:s26], $0x2800  }
0x93: {  	[sflag:s26] =	ssyncset.done $0x0  }
0x94: {  	[sflag:s26] =	ssyncadd.s32 $0xFFFFD800  }
0x95: {  	[tilespmem:s25], [sflag:$0x4] =	stream.linear.gather [spmem:s11], $0x2800, $0x38;
	[tilespmem:$0x1D780] =	vst v63  }
0x96: {  	_ =	swait.ge [sflag:s5], $0x2800  }
0x97: {  	[sflag:s5] =	ssyncset.done $0x0  }
0x98: {  	[sflag:s5] =	ssyncadd.s32 $0xFFFFD800  }
0x99: {  	[hbm4b:s14+s3] =	stream.linear.scatter [tilespmem:s25], [sflag:$0x3], $0x2800, $0x38;
	[tilespmem:$0x1D780] =	vst v63  }
0x9a: {  	_ =	swait.ge [sflag:s26], $0x2800  }
0x9b: {  	[sflag:s26] =	ssyncset.done $0x0  }
0x9c: {  	[sflag:s26] =	ssyncadd.s32 $0xFFFFD800  }
0x9d: {  	[tilespmem:s25], [sflag:$0x4] =	stream.linear.gather [spmem:s20], $0x2800, $0x38;
	[tilespmem:$0x1D780] =	vst v63  }
0x9e: {  	_ =	swait.ge [sflag:s5], $0x2800  }
0x9f: {  	[sflag:s5] =	ssyncset.done $0x0  }
0xa0: {  	[sflag:s5] =	ssyncadd.s32 $0xFFFFD800  }
0xa1: {  	[hbm4b:s15+s3] =	stream.linear.scatter [tilespmem:s25], [sflag:$0x3], $0x2800, $0x38;
	[tilespmem:$0x1D780] =	vst v63  }
0xa2: {  	_ =	swait.ge [sflag:s26], $0x2800  }
0xa3: {  	[sflag:s26] =	ssyncset.done $0x0  }
0xa4: {  	[sflag:s26] =	ssyncadd.s32 $0xFFFFD800  }
0xa5: {  	[tilespmem:s25], [sflag:$0x4] =	stream.linear.gather [spmem:s21], $0x2800, $0x38;
	[tilespmem:$0x1D780] =	vst v63  }
0xa6: {  	_ =	swait.ge [sflag:s5], $0x2800  }
0xa7: {  	[sflag:s5] =	ssyncset.done $0x0  }
0xa8: {  	[sflag:s5] =	ssyncadd.s32 $0xFFFFD800  }
0xa9: {  	[hbm4b:s16+s3] =	stream.linear.scatter [tilespmem:s25], [sflag:$0x3], $0x2800, $0x38;
	[tilespmem:$0x1D780] =	vst v63  }
0xaa: {  	_ =	swait.ge [sflag:s26], $0x2800  }
0xab: {  	[sflag:s26] =	ssyncset.done $0x0  }
0xac: {  	[sflag:s26] =	ssyncadd.s32 $0xFFFFD800  }
0xad: {  	[tilespmem:s25], [sflag:$0x4] =	stream.linear.gather [spmem:s22], $0x2800, $0x38;
	[tilespmem:$0x1D780] =	vst v63  }
0xae: {  	_ =	swait.ge [sflag:s5], $0x2800  }
0xaf: {  	[sflag:s5] =	ssyncset.done $0x0  }
0xb0: {  	[sflag:s5] =	ssyncadd.s32 $0xFFFFD800  }
0xb1: {  	[hbm4b:s17+s3] =	stream.linear.scatter [tilespmem:s25], [sflag:$0x3], $0x2800, $0x38;
	[tilespmem:$0x1D780] =	vst v63  }
0xb2: {  	_ =	swait.ge [sflag:s26], $0x2800  }
0xb3: {  	[sflag:s26] =	ssyncset.done $0x0  }
0xb4: {  	[sflag:s26] =	ssyncadd.s32 $0xFFFFD800  }
0xb5: {  	[tilespmem:s25], [sflag:$0x4] =	stream.linear.gather [spmem:s23], $0x2800, $0x38;
	[tilespmem:$0x1D780] =	vst v63  }
0xb6: {  	_ =	swait.ge [sflag:s5], $0x2800  }
0xb7: {  	[sflag:s5] =	ssyncset.done $0x0  }
0xb8: {  	[sflag:s5] =	ssyncadd.s32 $0xFFFFD800  }
0xb9: {  	[hbm4b:s18+s3] =	stream.linear.scatter [tilespmem:s25], [sflag:$0x3], $0x2800, $0x38;
	[tilespmem:$0x1D780] =	vst v63  }
0xba: {  	_ =	swait.ge [sflag:s26], $0x2800  }
0xbb: {  	[sflag:s26] =	ssyncset.done $0x0  }
0xbc: {  	s7 =	simm.s32 @!p0 $0x4F00;
	s8 =	simm.s32 @!p0 $0x4;
	[sflag:s26] =	ssyncadd.s32 $0xFFFFD800  }
0xbd: {  	[tilespmem:s7], [sflag:$0x4] =	stream.linear.gather @!p0 [spmem:s24], $0x2800, $0x38;
	[tilespmem:$0x1D780] =	vst v63  }
0xbe: {  	_ =	swait.ge @!p0 [sflag:s8], $0x2800  }
0xbf: {  	[sflag:s8] =	ssyncset.done @!p0 $0x0  }
0xc0: {  	[sflag:s8] =	ssyncadd.s32 @!p0 $0xFFFFD800;
	s8 =	simm.s32 @!p0 $0x0  }
0xc1: {  	[hbm4b:s19+s8] =	stream.linear.scatter @!p0 [tilespmem:s7], [sflag:$0x3], $0x2800, $0x38;
	[tilespmem:$0x1D780] =	vst v63  }
0xc2: {  	s7 =	simm.s32 @!p0 $0x3  }
0xc3: {  	_ =	swait.ge @!p0 [sflag:s7], $0x2800  }
0xc4: {  	s6 =	sadd.s32 $0x1, s6;
	s12 =	rddreg [dreg:$0x6]  }
0xc5: {  	p1 =	sne.s32 s6, s12  }
.Ltmp1:
0xc6: {  	_ = 	snop;
	(pc) =	sbr.rel @p1 .LBB2_1-.Ltmp1, $3  }
0xc7: {  	_ =	sdelay $0x1  }
0xc8: {  	[sflag:s7] =	ssyncset.done @!p0 $0x0  }
0xc9: {  	[sflag:s7] =	ssyncadd.s32 @!p0 $0xFFFFD800  }
0xca: {  	_ =	sfence.sel $0x180000  }
0xcb: {  	[bflag:$0x0] =	sbarrier.arrive $0xFFFF  }
0xcc: {  	_ =	strace $0x90000053  }
0xcd: {  	s0 =	stileid.u32;
	[bflag:$0x2] =	sbarrier.arrive $0xFFFF  }
0xce: {  	p0 =	sne.s32 s0, $0x0;
	s0 =	rddreg [dreg:$0x2]  }
0xcf: {  	s0 =	sadd.s32 @!p0 $0x100000, s0  }
0xd0: {  	[sflag:s0] =	ssyncadd.tile.s32 @!p0 $0x1;
	_ =	shalt  }
.Lfunc_end2:
_tile_overlayer_lowered:
.L_overlay_start_2:
0xd1: {  	(tag) =	ssettag $0x2  }
0xd2: {  	s0 =	rddreg [dreg:$0x0];
	s2 =	stileid.u32  }
0xd3: {  	s1 =	rddreg [dreg:$0x1];
	p0 =	sne.s32 s2, $0x0  }
0xd4: {  	s3 =	rddreg [dreg:$0x2];
	[bflag:$0x3] =	sbarrier.arrive $0xFFFF;
	s2 =	simm.s32 @!p0 $0x1C03  }
0xd5: {  	[timem:s3], [sflag:s2] =	dma.local @!p0 [hbm:s0], s1  }
0xd6: {  	s0 =	simm.s32 @!p0 $0x3  }
0xd7: {  	_ =	swait.ge @!p0 [sflag:s0], s1  }
0xd8: {  	s1 =	ssub.s32 @!p0 $0x0, s1;
	[sflag:s0] =	ssyncset.done @!p0 $0x0  }
0xd9: {  	[sflag:s0] =	ssyncadd.s32 @!p0 s1  }
0xda: {  	[bflag:$0x3] =	sbarrier.arrive $0xFFFF  }
0xdb: {  	_ =	shalt  }

// kernel: kernel.24.cloned.1.call-start
scs
__scs_entry_jumppad:
0x0: {  	(pc) =	sbr.rel $0x88, $3  }
0x1: {  	(tag) =	ssettag $0x0;
	lr =	simm.s32 $0x1  }
0x2: {  	[smem:$0x3F8F] =	sst lr;
	_ =	strace $0xD0000000  }
0x3: {  	_ = 	snop  }
0x4: {  	_ = 	snop  }
0x5: {  	_ = 	snop  }
0x6: {  	_ = 	snop  }
0x7: {  	_ = 	snop  }
__scs_overlays_trampoline_lowered:
0x8: {  	[smem:$0x3F9E] =	sst s0  }
0x9: {  	[smem:$0x3F9F] =	sst s1  }
0xa: {  	[smem:$0x3FA0] =	sst s2  }
0xb: {  	[smem:$0x3FA1] =	sst s3  }
0xc: {  	[smem:$0x3FA2] =	sst s4  }
0xd: {  	[smem:$0x3FA3] =	sst s5  }
0xe: {  	[smem:$0x3FA4] =	sst s6  }
0xf: {  	[smem:$0x3FA5] =	sst s7  }
0x10: {  	[smem:$0x3FA6] =	sst s8  }
0x11: {  	[smem:$0x3FA7] =	sst s9;
	s0 =	simm.s32 @!p0 $0x0  }
0x12: {  	s1 =	sld [smem:$0x3F8D];
	s0 =	simm.s32 @p0 $0x1  }
0x13: {  	[smem:$0x3FA8] =	sst s0;
	s0 =	simm.s32 @!p1 $0x0  }
0x14: {  	s2 =	sld [smem:$0x3F8C];
	s0 =	simm.s32 @p1 $0x1  }
0x15: {  	[smem:$0x3FA9] =	sst s0;
	s0 =	simm.s32 @!p2 $0x0  }
0x16: {  	s3 =	sld [smem:$0x3FDB];
	s0 =	simm.s32 @p2 $0x1  }
0x17: {  	s4 =	simm.s32 $0x1BF5;
	[smem:$0x3FAB] =	sst s0  }
0x18: {  	s0 =	sld [smem:$0x3F8E];
	_ =	swait.ge [sflag:s4], $0x0  }
0x19: {  	s7 =	sld [smem:$0x3F8F]  }
0x1a: {  	s8 =	sadd.s32 $0xFFFFE003, lr  }
0x1b: {  	s9 =	sadd.s32 $0xFFFFFEF7, lr;
	s5 =	simm.s32 $0xFFFFFFFF;
	p2 =	slt.u32 s8, $0xFFFFF086  }
0x1c: {  	p1 =	slt.u32 s9, $0xF7A;
	s5 =	simm.s32 @!p2 $0x0  }
0x1d: {  	s5 =	simm.s32 @p1 $0x1;
	p0 =	seq.s32 s7, s2  }
0x1e: {  	s7 =	smul.u32 @!p0 $0xF7A, s2;
	p2 =	seq.s32 @!p0 s5, $0x0  }
0x1f: {  	s9 =	smul.u32 $0xF7A, s1;
	s8 =	simm.s32 @!p0 $0x1BF5;
	p2 =	por !p2, p0  }
0x20: {  	[sflag:s8] =	ssyncset.s32 @!p0 $0xFFFFF086;
	s6 =	sadd.s32 @!p0 s3, s7;
	s7 =	simm.s32 @!p0 $0x108  }
0x21: {  	s3 =	sadd.s32 s3, s9;
	s6 =	sadd.s32 @!p0 $0x88, s6;
	s7 =	simm.s32 @p2 $0x1082  }
0x22: {  	[simem:s7], [sflag:s8] =	dma.local @!p0 [hbm:s6], $0xF7A  }
0x23: {  	s9 =	sor.u32 $0xD0000000, s2;
	s6 =	simm.s32 $0x108;
	_ =	swait.ge @!p0 [sflag:s8], $0x0  }
0x24: {  	s3 =	sadd.s32 $0x88, s3;
	s6 =	simm.s32 @!p1 $0x1082;
	[sflag:s4] =	ssyncset.s32 $0xFFFFF086  }
0x25: {  	[simem:s6], [sflag:s4] =	dma.local [hbm:s3], $0xF7A  }
0x26: {  	[smem:$0x3F8F] =	sst s1;
	(tag) =	ssettag s2;
	_ =	strace s9  }
0x27: {  	s1 =	sld [smem:$0x3F9F]  }
0x28: {  	s2 =	sld [smem:$0x3FA0]  }
0x29: {  	s4 =	sld [smem:$0x3FA2]  }
0x2a: {  	p0 =	seq.s32 s5, $0x0;
	s5 =	sld [smem:$0x3FA3]  }
0x2b: {  	s6 =	sld [smem:$0x3FA4]  }
0x2c: {  	s7 =	sld [smem:$0x3FA5]  }
0x2d: {  	s3 =	simm.s32 $0x108;
	s8 =	sld [smem:$0x3FA6]  }
0x2e: {  	s3 =	simm.s32 @!p0 $0x1082;
	s9 =	sld [smem:$0x3FA7]  }
0x2f: {  	lr =	sadd.s32 s0, s3;
	s0 =	sld [smem:$0x3F9E]  }
0x30: {  	s3 =	sld [smem:$0x3FA1]  }
0x31: {  	[smem:$0x3FAA] =	sst s10  }
0x32: {  	s10 =	sld [smem:$0x3FA8];
	_ =	sdelay $0x3  }
0x33: {  	p0 =	seq.s32 s10, $0x1;
	s10 =	sld [smem:$0x3FAA];
	_ =	sdelay $0x3  }
0x34: {  	[smem:$0x3FAA] =	sst s10  }
0x35: {  	s10 =	sld [smem:$0x3FA9];
	_ =	sdelay $0x3  }
0x36: {  	p1 =	seq.s32 s10, $0x1;
	s10 =	sld [smem:$0x3FAA];
	_ =	sdelay $0x3  }
0x37: {  	[smem:$0x3FAA] =	sst s10  }
0x38: {  	s10 =	sld [smem:$0x3FAB]  }
0x39: {  	_ = 	snop;
	(pc) =	sbr.ind lr, $3  }
0x3a: {  	_ = 	snop  }
0x3b: {  	_ = 	snop  }
0x3c: {  	p2 =	seq.s32 s10, $0x1;
	s10 =	sld [smem:$0x3FAA]  }
0x3d: {  	_ =	shalt  }
0x3e: {  	_ =	shalt  }
0x3f: {  	_ =	shalt  }
0x40: {  	_ =	shalt  }
0x41: {  	_ =	shalt  }
0x42: {  	_ =	shalt  }
0x43: {  	_ =	shalt  }
0x44: {  	_ =	shalt  }
0x45: {  	_ =	shalt  }
0x46: {  	_ =	shalt  }
0x47: {  	_ =	shalt  }
0x48: {  	_ =	shalt  }
0x49: {  	_ =	shalt  }
0x4a: {  	_ =	shalt  }
0x4b: {  	_ =	shalt  }
0x4c: {  	_ =	shalt  }
0x4d: {  	_ =	shalt  }
0x4e: {  	_ =	shalt  }
0x4f: {  	_ =	shalt  }
0x50: {  	_ =	shalt  }
0x51: {  	_ =	shalt  }
0x52: {  	_ =	shalt  }
0x53: {  	_ =	shalt  }
0x54: {  	_ =	shalt  }
0x55: {  	_ =	shalt  }
0x56: {  	_ =	shalt  }
0x57: {  	_ =	shalt  }
0x58: {  	_ =	shalt  }
0x59: {  	_ =	shalt  }
0x5a: {  	_ =	shalt  }
0x5b: {  	_ =	shalt  }
0x5c: {  	_ =	shalt  }
0x5d: {  	_ =	shalt  }
0x5e: {  	_ =	shalt  }
0x5f: {  	_ =	shalt  }
0x60: {  	_ =	shalt  }
0x61: {  	_ =	shalt  }
0x62: {  	_ =	shalt  }
0x63: {  	_ =	shalt  }
0x64: {  	_ =	shalt  }
0x65: {  	_ =	shalt  }
0x66: {  	_ =	shalt  }
0x67: {  	_ =	shalt  }
0x68: {  	_ =	shalt  }
0x69: {  	_ =	shalt  }
0x6a: {  	_ =	shalt  }
0x6b: {  	_ =	shalt  }
0x6c: {  	_ =	shalt  }
0x6d: {  	_ =	shalt  }
0x6e: {  	_ =	shalt  }
0x6f: {  	_ =	shalt  }
0x70: {  	_ =	shalt  }
0x71: {  	_ =	shalt  }
0x72: {  	_ =	shalt  }
0x73: {  	_ =	shalt  }
0x74: {  	_ =	shalt  }
0x75: {  	_ =	shalt  }
0x76: {  	_ =	shalt  }
0x77: {  	_ =	shalt  }
0x78: {  	_ =	shalt  }
0x79: {  	_ =	shalt  }
0x7a: {  	_ =	shalt  }
0x7b: {  	_ =	shalt  }
0x7c: {  	_ =	shalt  }
0x7d: {  	_ =	shalt  }
0x7e: {  	_ =	shalt  }
0x7f: {  	_ =	shalt  }
0x80: {  	_ =	shalt  }
0x81: {  	_ =	shalt  }
0x82: {  	_ =	shalt  }
0x83: {  	_ =	shalt  }
0x84: {  	_ =	shalt  }
0x85: {  	_ =	shalt  }
0x86: {  	_ =	shalt  }
0x87: {  	_ =	shalt  }
.Lfunc_end0:
.L_simem_size_0:
called_computation.5_lowered:
.L_overlay_start_0:
0x88: {  	s2 =	sld [smem:$0x3FD9]  }
0x89: {  	s3 =	sld [smem:$0x3FFE];
	_ =	sdelay $0x1  }
0x8a: {  	s1 =	srdreg.scid  }
0x8b: {  	s0 =	sand.u32 $0x1, s1  }
0x8c: {  	s16 =	sshll.u32 s0, $0xA;
	s2 =	sadd.s32 s3, s2  }
0x8d: {  	s2 =	sadd.s32 s2, s16  }
0x8e: {  	[smem:$0x3FB6] =	sst s2  }
0x8f: {  	_ = 	snop  }
0x90: {  	(tm) =	ssettm $0x1  }
0x91: {  	s17 =	sld [smem:$0x3FFB];
	_ =	sdelay $0x3  }
0x92: {  	_ =	strace s17  }
0x93: {  	s2 =	sld [smem:$0x3FFC];
	_ =	sdelay $0x3  }
0x94: {  	_ =	strace s2  }
0x95: {  	s2 =	sld [smem:$0x3FFD];
	_ =	sdelay $0x3  }
0x96: {  	_ =	strace s2  }
0x97: {  	_ =	strace $0x8FFFFFFF  }
0x98: {  	s18 =	sld [smem:$0x3FDB];
	_ =	sdelay $0x1  }
0x99: {  	s19 =	simm.s32 $_scs_section_size  }
0x9a: {  	s4 =	simm.s32 $_size__tile_overlayer_lowered;
	s5 =	simm.s32 $_tile_overlayer_lowered  }
0x9b: {  	s22 =	simm.s32 $0x1BFF;
	s21 =	sshll.u32 s5, $0x1;
	s2 =	sadd.s32 s19, s18  }
0x9c: {  	s6 =	simm.s32 $0x0;
	s20 =	sshll.u32 s4, $0x1;
	s4 =	sadd.s32 s21, s2  }
0x9d: {  	[timem:s6], [sflag:s22] =	dma.local [hbm:s4], s20  }
0x9e: {  	_ =	swait.ge [sflag:s22], s20  }
0x9f: {  	s3 =	ssub.s32 $0x0, s20;
	[sflag:s22] =	ssyncset.done $0x0  }
0xa0: {  	[sflag:s22] =	ssyncadd.s32 s3;
	_ =	sdelay $0x1  }
0xa1: {  	s23 =	simm.s32 $0x1B8B  }
0xa2: {  	_ =	swait.ge [sflag:s23], $0x1  }
0xa3: {  	[sflag:s23] =	ssyncset.done $0x0  }
0xa4: {  	s25 =	simm.s32 $0x1B8E;
	s24 =	sld [smem:$0x3FFE];
	[sflag:s23] =	ssyncadd.s32 $0xFFFFFFFF  }
0xa5: {  	s26 =	simm.s32 $execute0_lowered;
	[smem:$0x3FD2] =	sst s25  }
0xa6: {  	s4 =	sshll.u32 s26, $0x1;
	_ =	strace $0x80000055;
	[dreg:$0x1] =	wrdreg $0xFFFFFFFF  }
0xa7: {  	s28 =	simm.s32 $_size_execute0_lowered;
	s2 =	sadd.s32 s2, s4;
	[dreg:$0x0] =	wrdreg $0x0  }
0xa8: {  	s4 =	sshll.u32 s28, $0x1;
	[dreg:$0x2] =	wrdreg s2  }
0xa9: {  	[dreg:$0x3] =	wrdreg s4  }
0xaa: {  	[dreg:$0x4] =	wrdreg $0xC0  }
0xab: {  	_ =	task [dreg:s6], $0x5FFFF  }
0xac: {  	[dreg:$0x1] =	wrdreg $0xFFFFFFFF  }
0xad: {  	[dreg:$0x0] =	wrdreg $0x60  }
0xae: {  	[dreg:$0x2] =	wrdreg s24  }
0xaf: {  	[dreg:$0x3] =	wrdreg $0x9F000  }
0xb0: {  	[dreg:$0x4] =	wrdreg $0x9  }
0xb1: {  	_ =	task.clear_ibuf [dreg:s6], $0x5FFFF;
	_ =	strace $0x90000055  }
0xb2: {  	s29 =	simm.s32 $0x9;
	_ =	strace $0x80000057  }
0xb3: {  	_ =	swait.ge [sflag:s29], $0x1  }
0xb4: {  	[sflag:s29] =	ssyncadd.s32 $0xFFFFFFFF  }
0xb5: {  	_ =	strace $0x90000057  }
0xb6: {  	_ =	sfence  }
0xb7: {  	s30 =	sld [smem:$0x0];
	_ =	sdelay $0x2  }
0xb8: {  	s31 =	sshll.u32 s1, $0xD;
	s1 =	sshrl.u32 s1, $0x2  }
0xb9: {  	s3 =	sand.u32 $0x4000, s31;
	s1 =	sadd.s32 s1, s30  }
0xba: {  	s0 =	sor.u32 s3, s0;
	s1 =	sshll.u32 s1, $0x11  }
0xbb: {  	s0 =	sor.u32 s1, s0  }
0xbc: {  	s0 =	sadd.s32 $0x8F2B, s0  }
0xbd: {  	[sflag:s0] =	ssyncadd.remote.s32 $0x1  }
0xbe: {  	_ =	sfence.sel $0xFFFF  }
0xbf: {  	[dreg:$0x0] =	wrdreg $0xFFFFFFFF;
	(pc) =	sbr.abs _section_cstart, $3  }
0xc0: {  	[dreg:$0x1] =	wrdreg $0xFFFFFFFF  }
0xc1: {  	_ =	task.clear_ibuf [dreg:s6], $0x2FFFF;
	_ =	strace $0x9FFFFFFF  }
0xc2: {  	(tm) =	ssettm $0x7FFFFFFF  }
0xc3: {  	_ =	shalt  }
tec
execute0_lowered:
.L_overlay_start_1:
0x0: {  	(tag) =	ssettag $0x1  }
0x1: {  	s21 =	stileid.u32  }
0x2: {  	s1 =	srdreg.scid;
	s4 =	sshrl.u32 s21, $0x2;
	s10 =	smul.u32 $0x2800, s21  }
0x3: {  	s0 =	rddreg [dreg:$0x0];
	s1 =	sand.u32 $0x1, s1;
	s4 =	smul.u32 $0x13C00, s4  }
0x4: {  	s2 =	rddreg [dreg:$0x1];
	s8 =	sor.u32 $0x10, s21;
	s7 =	smul.u32 $0x138800, s1  }
0x5: {  	s3 =	simm.s32 $0x0;
	s28 =	simm.s32 $0x80;
	s9 =	smul.u32 $0xA000, s8  }
0x6: {  	s29 =	simm.s32 $0x400;
	s11 =	sor.u32 $0x20, s21;
	s8 =	smul.u32 $0x2800, s8  }
0x7: {  	s31 =	simm.s32 $0x50;
	s14 =	sor.u32 $0x40, s21;
	s13 =	smul.u32 $0x2800, s11  }
0x8: {  	[smem:$0x7FF] =	sst s3;
	s16 =	sor.u32 $0x50, s21;
	s17 =	smul.u32 $0x2800, s14  }
0x9: {  	s5 =	sshll.u32 s21, $0x8;
	s19 =	sor.u32 $0x60, s21;
	s20 =	smul.u32 $0x2800, s16  }
0xa: {  	s12 =	sadd.s32 $0x10C00, s0;
	s25 =	sor.u32 $0x70, s21;
	s26 =	smul.u32 $0x2800, s19  }
0xb: {  	s6 =	sshll.u32 s1, $0x7;
	s5 =	sand.u32 $0x300, s5;
	s24 =	smul.u32 $0x2800, s25  }
0xc: {  	_ =	strace $0x80000056;
	[dreg:$0x3] =	wrdreg s12;
	s14 =	smul.u32 $0xA000, s14  }
0xd: {  	s12 =	sor.u32 $0x30, s21;
	s5 =	sor.u32 s6, s5;
	s6 =	smul.u32 $0xA000, s21  }
0xe: {  	s30 =	simm.s32 $0x2;
	s1 =	ssub.s32 $0x2, s1;
	s15 =	smul.u32 $0x2800, s12  }
0xf: {  	p0 =	sgt.u32 s25, $0x7C;
	s18 =	sshrl.u32 s1, $0x1;
	s12 =	smul.u32 $0xA000, s12  }
0x10: {  	s5 =	sor.u32 s4, s5;
	s4 =	sadd.s32 $0x42200, s0;
	s1 =	ssub.s32 s1, s18  }
0x11: {  	s21 =	sadd.s32 s7, s10;
	s22 =	sadd.s32 s7, s8;
	s23 =	sadd.s32 s7, s13  }
0x12: {  	s17 =	sadd.s32 s7, s17;
	s20 =	sadd.s32 s7, s20;
	s18 =	sadd.s32 s7, s26  }
0x13: {  	s10 =	smul.u32 $0xA000, s11;
	s13 =	sshrl.u32 s9, $0x2;
	s5 =	sshrl.u32 s5, $0x3  }
0x14: {  	s15 =	sadd.s32 s7, s15;
	s11 =	sshrl.u32 s6, $0x2;
	s6 =	smul.u32 $0xA000, s16  }
0x15: {  	s7 =	sadd.s32 s7, s24;
	s1 =	smax.u32 s1, $0x1;
	s24 =	smul.u32 $0xA000, s19  }
0x16: {  	s19 =	sshrl.u32 s21, $0x3;
	s21 =	sshrl.u32 s22, $0x3;
	s23 =	sshrl.u32 s23, $0x3  }
0x17: {  	s8 =	sshrl.u32 s20, $0x3;
	s18 =	sshrl.u32 s18, $0x3;
	s5 =	sadd.s32 s5, s0  }
0x18: {  	s0 =	sadd.s32 $0x69400, s0;
	[dreg:$0x6] =	wrdreg s1;
	s9 =	sadd.s32 s11, s2  }
0x19: {  	s1 =	sshrl.u32 s12, $0x2;
	s15 =	sshrl.u32 s15, $0x3;
	s7 =	sshrl.u32 s7, $0x3  }
0x1a: {  	s12 =	smul.u32 $0xA000, s25;
	s25 =	simm.s32 $0x4F00;
	s26 =	sadd.s32 $0x6E00, s5  }
0x1b: {  	s5 =	sadd.s32 $0x38400, s5;
	s22 =	sadd.s32 s0, s19;
	s15 =	sadd.s32 s0, s15  }
0x1c: {  	s18 =	sadd.s32 s0, s18;
	s19 =	sadd.s32 s0, s7;
	[dreg:$0x4] =	wrdreg s26  }
0x1d: {  	s20 =	sadd.s32 s1, s2;
	s1 =	simm.s32 $0x7700;
	[dreg:$0x5] =	wrdreg s5  }
0x1e: {  	s5 =	sshrl.u32 s10, $0x2;
	s10 =	sadd.s32 s13, s2;
	[dreg:$0x7] =	wrdreg s22  }
0x1f: {  	s13 =	sadd.s32 s0, s21;
	s26 =	sshrl.u32 s17, $0x3;
	s17 =	sadd.s32 s0, s8  }
0x20: {  	s11 =	sadd.s32 s5, s2;
	s5 =	sshrl.u32 s14, $0x2;
	s14 =	sadd.s32 s0, s23  }
0x21: {  	s16 =	sadd.s32 s0, s26;
	s23 =	sshrl.u32 s6, $0x2;
	s26 =	sshrl.u32 s24, $0x2  }
0x22: {  	s0 =	sshrl.u32 s12, $0x2;
	s6 =	simm.s32 $0x0;
	s21 =	sadd.s32 s5, s2  }
0x23: {  	s22 =	sadd.s32 s23, s2;
	s23 =	sadd.s32 s26, s2;
	s24 =	sadd.s32 s0, s2  }
0x24: {  	s26 =	simm.s32 $0x3;
	s0 =	simm.s32 $0x1;
	s5 =	simm.s32 $0x4  }
.LBB2_1:
0x25: {  	s7 =	rddreg [dreg:$0x3]  }
0x26: {  	[tilespmem:s25], [sflag:$0x3] =	stream.linear.gather [hbm4b:s7+s3], $0x2800, $0x38;
	[tilespmem:$0x1D780] =	vst v63  }
0x27: {  	_ =	swait.ge [sflag:s26], $0x2800  }
0x28: {  	[sflag:s26] =	ssyncset.done $0x0  }
0x29: {  	[sflag:s26] =	ssyncadd.s32 $0xFFFFD800  }
0x2a: {  	[spmem:s9] =	stream.linear.scatter [tilespmem:s25], [sflag:$0x3], $0x2800, $0x38;
	[tilespmem:$0x1D780] =	vst v63  }
0x2b: {  	_ =	swait.ge [sflag:s26], $0x2800  }
0x2c: {  	[sflag:s26] =	ssyncset.done $0x0  }
0x2d: {  	[sflag:s26] =	ssyncadd.s32 $0xFFFFD800  }
0x2e: {  	[spmem:s10] =	stream.linear.scatter [tilespmem:s25], [sflag:$0x3], $0x2800, $0x38;
	[tilespmem:$0x1D780] =	vst v63  }
0x2f: {  	_ =	swait.ge [sflag:s26], $0x2800  }
0x30: {  	[sflag:s26] =	ssyncset.done $0x0  }
0x31: {  	[sflag:s26] =	ssyncadd.s32 $0xFFFFD800  }
0x32: {  	[spmem:s11] =	stream.linear.scatter [tilespmem:s25], [sflag:$0x3], $0x2800, $0x38;
	[tilespmem:$0x1D780] =	vst v63  }
0x33: {  	_ =	swait.ge [sflag:s26], $0x2800  }
0x34: {  	[sflag:s26] =	ssyncset.done $0x0  }
0x35: {  	[sflag:s26] =	ssyncadd.s32 $0xFFFFD800  }
0x36: {  	[spmem:s20] =	stream.linear.scatter [tilespmem:s25], [sflag:$0x3], $0x2800, $0x38;
	[tilespmem:$0x1D780] =	vst v63  }
0x37: {  	_ =	swait.ge [sflag:s26], $0x2800  }
0x38: {  	[sflag:s26] =	ssyncset.done $0x0  }
0x39: {  	[sflag:s26] =	ssyncadd.s32 $0xFFFFD800  }
0x3a: {  	[spmem:s21] =	stream.linear.scatter [tilespmem:s25], [sflag:$0x3], $0x2800, $0x38;
	[tilespmem:$0x1D780] =	vst v63  }
0x3b: {  	_ =	swait.ge [sflag:s26], $0x2800  }
0x3c: {  	[sflag:s26] =	ssyncset.done $0x0  }
0x3d: {  	[sflag:s26] =	ssyncadd.s32 $0xFFFFD800  }
0x3e: {  	[spmem:s22] =	stream.linear.scatter [tilespmem:s25], [sflag:$0x3], $0x2800, $0x38;
	[tilespmem:$0x1D780] =	vst v63  }
0x3f: {  	_ =	swait.ge [sflag:s26], $0x2800  }
0x40: {  	[sflag:s26] =	ssyncset.done $0x0  }
0x41: {  	[sflag:s26] =	ssyncadd.s32 $0xFFFFD800  }
0x42: {  	[spmem:s23] =	stream.linear.scatter [tilespmem:s25], [sflag:$0x3], $0x2800, $0x38;
	[tilespmem:$0x1D780] =	vst v63  }
0x43: {  	_ =	swait.ge [sflag:s26], $0x2800  }
0x44: {  	[sflag:s26] =	ssyncset.done $0x0  }
0x45: {  	s7 =	simm.s32 @!p0 $0x4F00;
	[sflag:s26] =	ssyncadd.s32 $0xFFFFD800  }
0x46: {  	[spmem:s24] =	stream.linear.scatter @!p0 [tilespmem:s7], [sflag:$0x3], $0x2800, $0x38;
	[tilespmem:$0x1D780] =	vst v63  }
0x47: {  	s7 =	simm.s32 @!p0 $0x3  }
0x48: {  	_ =	swait.ge @!p0 [sflag:s7], $0x2800  }
0x49: {  	[sflag:s7] =	ssyncset.done @!p0 $0x0  }
0x4a: {  	[sflag:s7] =	ssyncadd.s32 @!p0 $0xFFFFD800  }
0x4b: {  	[bflag:$0x0] =	sbarrier.arrive $0xFFFF  }
0x4c: {  	s8 =	rddreg [dreg:$0x4]  }
0x4d: {  	[tilespmem:s3], [sflag:$0x3] =	stream.strided.gather [hbm4b:s8+s28], $0x2780, s29, s28, $0x38;
	[tilespmem:$0x1D780] =	vst v63  }
0x4e: {  	_ =	swait.ge [sflag:s26], $0x2780  }
0x4f: {  	[sflag:s26] =	ssyncset.done $0x0  }
0x50: {  	s8 =	simm.s32 $0x2780;
	s12 =	rddreg [dreg:$0x5];
	[sflag:s26] =	ssyncadd.s32 $0xFFFFD880  }
0x51: {  	[tilespmem:s8], [sflag:$0x3] =	stream.strided.gather [hbm4b:s12+s28], $0x2780, s29, s28, $0x38;
	[tilespmem:$0x1D780] =	vst v63  }
0x52: {  	_ =	swait.ge [sflag:s26], $0x2780  }
0x53: {  	[sflag:s26] =	ssyncset.done $0x0  }
0x54: {  	[sflag:s26] =	ssyncadd.s32 $0xFFFFD880  }
0x55: {  	[tilespmem:s25], [sflag:$0x1] =	stream.indirect.gather [hbm4b:s4+s31], $0x80, s3, s31, $0xb8;
	[tilespmem:$0x1D780] =	vst v63  }
0x56: {  	_ =	swait.ge [sflag:s0], $0x2800  }
0x57: {  	[sflag:s0] =	ssyncset.done $0x0  }
0x58: {  	s8 =	simm.s32 $0x50;
	[sflag:s0] =	ssyncadd.s32 $0xFFFFD800  }
0x59: {  	[tilespmem:s1], [sflag:$0x2] =	stream.indirect.gather [hbm4b:s4+s31], $0x80, s8, s31, $0xb8;
	[tilespmem:$0x1D780] =	vst v63  }
0x5a: {  	s12 =	simm.s32 $0x2780  }
0x5b: {  	[spmem:s2] =	stream.indirect.scatter.add.f32 [tilespmem:s25], [sflag:$0x3], $0x80, s12, s31, $0xb8;
	[tilespmem:$0x1D780] =	vst v63  }
0x5c: {  	_ =	swait.ge [sflag:s26], $0x2800  }
0x5d: {  	[sflag:s26] =	ssyncset.done $0x0  }
0x5e: {  	[sflag:s26] =	ssyncadd.s32 $0xFFFFD800  }
0x5f: {  	_ =	swait.ge [sflag:s30], $0x2800  }
0x60: {  	[sflag:s30] =	ssyncset.done $0x0  }
0x61: {  	s8 =	simm.s32 $0xA0;
	[sflag:s30] =	ssyncadd.s32 $0xFFFFD800  }
0x62: {  	[tilespmem:s25], [sflag:$0x1] =	stream.indirect.gather [hbm4b:s4+s31], $0x80, s8, s31, $0xb8;
	[tilespmem:$0x1D780] =	vst v63  }
0x63: {  	s12 =	simm.s32 $0x27D0  }
0x64: {  	[spmem:s2] =	stream.indirect.scatter.add.f32 [tilespmem:s1], [sflag:$0x3], $0x80, s12, s31, $0xb8;
	[tilespmem:$0x1D780] =	vst v63  }
0x65: {  	_ =	swait.ge [sflag:s26], $0x2800  }
0x66: {  	s7 =	simm.s32 $0x280;
	[sflag:s26] =	ssyncset.done $0x0  }
.LBB2_2:
0x67: {  	p1 =	sne.s32 s7, $0x9880  }
0x68: {  	[sflag:s26] =	ssyncadd.s32 $0xFFFFD800;
	s8 =	smov.u32 s7;
	s7 =	sadd.s32 $0x280, s7  }
0x69: {  	_ = 	snop  }
0x6a: {  	_ =	swait.ge [sflag:s0], $0x2800  }
0x6b: {  	s8 =	sshra.s32 s8, $0x2;
	[sflag:s0] =	ssyncset.done $0x0  }
0x6c: {  	s12 =	sadd.s32 $0x50, s8;
	[sflag:s0] =	ssyncadd.s32 $0xFFFFD800  }
0x6d: {  	[tilespmem:s1], [sflag:$0x2] =	stream.indirect.gather [hbm4b:s4+s31], $0x80, s12, s31, $0xb8;
	[tilespmem:$0x1D780] =	vst v63  }
0x6e: {  	s12 =	sadd.s32 $0x2780, s8  }
0x6f: {  	[spmem:s2] =	stream.indirect.scatter.add.f32 [tilespmem:s25], [sflag:$0x3], $0x80, s12, s31, $0xb8;
	[tilespmem:$0x1D780] =	vst v63  }
0x70: {  	_ =	swait.ge [sflag:s26], $0x2800  }
0x71: {  	[sflag:s26] =	ssyncset.done $0x0  }
0x72: {  	[sflag:s26] =	ssyncadd.s32 $0xFFFFD800  }
0x73: {  	_ =	swait.ge [sflag:s30], $0x2800  }
0x74: {  	[sflag:s30] =	ssyncset.done $0x0  }
0x75: {  	s12 =	sadd.s32 $0xA0, s8;
	[sflag:s30] =	ssyncadd.s32 $0xFFFFD800  }
0x76: {  	[tilespmem:s25], [sflag:$0x1] =	stream.indirect.gather [hbm4b:s4+s31], $0x80, s12, s31, $0xb8;
	[tilespmem:$0x1D780] =	vst v63  }
.Ltmp0:
0x77: {  	_ = 	snop;
	(pc) =	sbr.rel @p1 .LBB2_2-.Ltmp0, $4  }
0x78: {  	s8 =	sadd.s32 $0x27D0, s8  }
0x79: {  	[spmem:s2] =	stream.indirect.scatter.add.f32 [tilespmem:s1], [sflag:$0x3], $0x80, s8, s31, $0xb8;
	[tilespmem:$0x1D780] =	vst v63  }
0x7a: {  	_ =	swait.ge [sflag:s26], $0x2800  }
0x7b: {  	[sflag:s26] =	ssyncset.done $0x0  }
0x7c: {  	[sflag:s26] =	ssyncadd.s32 $0xFFFFD800  }
0x7d: {  	_ =	swait.ge [sflag:s0], $0x2800  }
0x7e: {  	[sflag:s0] =	ssyncset.done $0x0  }
0x7f: {  	s7 =	simm.s32 $0x4E40;
	[sflag:s0] =	ssyncadd.s32 $0xFFFFD800  }
0x80: {  	[spmem:s2] =	stream.indirect.scatter.add.f32 [tilespmem:s25], [sflag:$0x3], $0x80, s7, s31, $0xb8;
	[tilespmem:$0x1D780] =	vst v63  }
0x81: {  	_ =	swait.ge [sflag:s26], $0x2800  }
0x82: {  	[sflag:s26] =	ssyncset.done $0x0  }
0x83: {  	[sflag:s26] =	ssyncadd.s32 $0xFFFFD800  }
0x84: {  	[bflag:$0x0] =	sbarrier.arrive $0xFFFF  }
0x85: {  	[tilespmem:s25], [sflag:$0x4] =	stream.linear.gather [spmem:s9], $0x2800, $0x38;
	[tilespmem:$0x1D780] =	vst v63  }
0x86: {  	_ =	swait.ge [sflag:s5], $0x2800  }
0x87: {  	[sflag:s5] =	ssyncset.done $0x0  }
0x88: {  	s8 =	rddreg [dreg:$0x7];
	[sflag:s5] =	ssyncadd.s32 $0xFFFFD800  }
0x89: {  	[hbm4b:s8+s3] =	stream.linear.scatter [tilespmem:s25], [sflag:$0x3], $0x2800, $0x38;
	[tilespmem:$0x1D780] =	vst v63  }
0x8a: {  	_ =	swait.ge [sflag:s26], $0x2800  }
0x8b: {  	[sflag:s26] =	ssyncset.done $0x0  }
0x8c: {  	[sflag:s26] =	ssyncadd.s32 $0xFFFFD800  }
0x8d: {  	[tilespmem:s25], [sflag:$0x4] =	stream.linear.gather [spmem:s10], $0x2800, $0x38;
	[tilespmem:$0x1D780] =	vst v63  }
0x8e: {  	_ =	swait.ge [sflag:s5], $0x2800  }
0x8f: {  	[sflag:s5] =	ssyncset.done $0x0  }
0x90: {  	[sflag:s5] =	ssyncadd.s32 $0xFFFFD800  }
0x91: {  	[hbm4b:s13+s3] =	stream.linear.scatter [tilespmem:s25], [sflag:$0x3], $0x2800, $0x38;
	[tilespmem:$0x1D780] =	vst v63  }
0x92: {  	_ =	swait.ge [sflag:s26], $0x2800  }
0x93: {  	[sflag:s26] =	ssyncset.done $0x0  }
0x94: {  	[sflag:s26] =	ssyncadd.s32 $0xFFFFD800  }
0x95: {  	[tilespmem:s25], [sflag:$0x4] =	stream.linear.gather [spmem:s11], $0x2800, $0x38;
	[tilespmem:$0x1D780] =	vst v63  }
0x96: {  	_ =	swait.ge [sflag:s5], $0x2800  }
0x97: {  	[sflag:s5] =	ssyncset.done $0x0  }
0x98: {  	[sflag:s5] =	ssyncadd.s32 $0xFFFFD800  }
0x99: {  	[hbm4b:s14+s3] =	stream.linear.scatter [tilespmem:s25], [sflag:$0x3], $0x2800, $0x38;
	[tilespmem:$0x1D780] =	vst v63  }
0x9a: {  	_ =	swait.ge [sflag:s26], $0x2800  }
0x9b: {  	[sflag:s26] =	ssyncset.done $0x0  }
0x9c: {  	[sflag:s26] =	ssyncadd.s32 $0xFFFFD800  }
0x9d: {  	[tilespmem:s25], [sflag:$0x4] =	stream.linear.gather [spmem:s20], $0x2800, $0x38;
	[tilespmem:$0x1D780] =	vst v63  }
0x9e: {  	_ =	swait.ge [sflag:s5], $0x2800  }
0x9f: {  	[sflag:s5] =	ssyncset.done $0x0  }
0xa0: {  	[sflag:s5] =	ssyncadd.s32 $0xFFFFD800  }
0xa1: {  	[hbm4b:s15+s3] =	stream.linear.scatter [tilespmem:s25], [sflag:$0x3], $0x2800, $0x38;
	[tilespmem:$0x1D780] =	vst v63  }
0xa2: {  	_ =	swait.ge [sflag:s26], $0x2800  }
0xa3: {  	[sflag:s26] =	ssyncset.done $0x0  }
0xa4: {  	[sflag:s26] =	ssyncadd.s32 $0xFFFFD800  }
0xa5: {  	[tilespmem:s25], [sflag:$0x4] =	stream.linear.gather [spmem:s21], $0x2800, $0x38;
	[tilespmem:$0x1D780] =	vst v63  }
0xa6: {  	_ =	swait.ge [sflag:s5], $0x2800  }
0xa7: {  	[sflag:s5] =	ssyncset.done $0x0  }
0xa8: {  	[sflag:s5] =	ssyncadd.s32 $0xFFFFD800  }
0xa9: {  	[hbm4b:s16+s3] =	stream.linear.scatter [tilespmem:s25], [sflag:$0x3], $0x2800, $0x38;
	[tilespmem:$0x1D780] =	vst v63  }
0xaa: {  	_ =	swait.ge [sflag:s26], $0x2800  }
0xab: {  	[sflag:s26] =	ssyncset.done $0x0  }
0xac: {  	[sflag:s26] =	ssyncadd.s32 $0xFFFFD800  }
0xad: {  	[tilespmem:s25], [sflag:$0x4] =	stream.linear.gather [spmem:s22], $0x2800, $0x38;
	[tilespmem:$0x1D780] =	vst v63  }
0xae: {  	_ =	swait.ge [sflag:s5], $0x2800  }
0xaf: {  	[sflag:s5] =	ssyncset.done $0x0  }
0xb0: {  	[sflag:s5] =	ssyncadd.s32 $0xFFFFD800  }
0xb1: {  	[hbm4b:s17+s3] =	stream.linear.scatter [tilespmem:s25], [sflag:$0x3], $0x2800, $0x38;
	[tilespmem:$0x1D780] =	vst v63  }
0xb2: {  	_ =	swait.ge [sflag:s26], $0x2800  }
0xb3: {  	[sflag:s26] =	ssyncset.done $0x0  }
0xb4: {  	[sflag:s26] =	ssyncadd.s32 $0xFFFFD800  }
0xb5: {  	[tilespmem:s25], [sflag:$0x4] =	stream.linear.gather [spmem:s23], $0x2800, $0x38;
	[tilespmem:$0x1D780] =	vst v63  }
0xb6: {  	_ =	swait.ge [sflag:s5], $0x2800  }
0xb7: {  	[sflag:s5] =	ssyncset.done $0x0  }
0xb8: {  	[sflag:s5] =	ssyncadd.s32 $0xFFFFD800  }
0xb9: {  	[hbm4b:s18+s3] =	stream.linear.scatter [tilespmem:s25], [sflag:$0x3], $0x2800, $0x38;
	[tilespmem:$0x1D780] =	vst v63  }
0xba: {  	_ =	swait.ge [sflag:s26], $0x2800  }
0xbb: {  	[sflag:s26] =	ssyncset.done $0x0  }
0xbc: {  	s7 =	simm.s32 @!p0 $0x4F00;
	s8 =	simm.s32 @!p0 $0x4;
	[sflag:s26] =	ssyncadd.s32 $0xFFFFD800  }
0xbd: {  	[tilespmem:s7], [sflag:$0x4] =	stream.linear.gather @!p0 [spmem:s24], $0x2800, $0x38;
	[tilespmem:$0x1D780] =	vst v63  }
0xbe: {  	_ =	swait.ge @!p0 [sflag:s8], $0x2800  }
0xbf: {  	[sflag:s8] =	ssyncset.done @!p0 $0x0  }
0xc0: {  	[sflag:s8] =	ssyncadd.s32 @!p0 $0xFFFFD800;
	s8 =	simm.s32 @!p0 $0x0  }
0xc1: {  	[hbm4b:s19+s8] =	stream.linear.scatter @!p0 [tilespmem:s7], [sflag:$0x3], $0x2800, $0x38;
	[tilespmem:$0x1D780] =	vst v63  }
0xc2: {  	s7 =	simm.s32 @!p0 $0x3  }
0xc3: {  	_ =	swait.ge @!p0 [sflag:s7], $0x2800  }
0xc4: {  	s6 =	sadd.s32 $0x1, s6;
	s12 =	rddreg [dreg:$0x6]  }
0xc5: {  	p1 =	sne.s32 s6, s12  }
.Ltmp1:
0xc6: {  	_ = 	snop;
	(pc) =	sbr.rel @p1 .LBB2_1-.Ltmp1, $3  }
0xc7: {  	_ =	sdelay $0x1  }
0xc8: {  	[sflag:s7] =	ssyncset.done @!p0 $0x0  }
0xc9: {  	[sflag:s7] =	ssyncadd.s32 @!p0 $0xFFFFD800  }
0xca: {  	_ =	sfence.sel $0x180000  }
0xcb: {  	[bflag:$0x0] =	sbarrier.arrive $0xFFFF  }
0xcc: {  	_ =	strace $0x90000056  }
0xcd: {  	s0 =	stileid.u32;
	[bflag:$0x2] =	sbarrier.arrive $0xFFFF  }
0xce: {  	p0 =	sne.s32 s0, $0x0;
	s0 =	rddreg [dreg:$0x2]  }
0xcf: {  	s0 =	sadd.s32 @!p0 $0x100000, s0  }
0xd0: {  	[sflag:s0] =	ssyncadd.tile.s32 @!p0 $0x1;
	_ =	shalt  }
.Lfunc_end2:
_tile_overlayer_lowered:
.L_overlay_start_2:
0xd1: {  	(tag) =	ssettag $0x2  }
0xd2: {  	s0 =	rddreg [dreg:$0x0];
	s2 =	stileid.u32  }
0xd3: {  	s1 =	rddreg [dreg:$0x1];
	p0 =	sne.s32 s2, $0x0  }
0xd4: {  	s3 =	rddreg [dreg:$0x2];
	[bflag:$0x3] =	sbarrier.arrive $0xFFFF;
	s2 =	simm.s32 @!p0 $0x1C03  }
0xd5: {  	[timem:s3], [sflag:s2] =	dma.local @!p0 [hbm:s0], s1  }
0xd6: {  	s0 =	simm.s32 @!p0 $0x3  }
0xd7: {  	_ =	swait.ge @!p0 [sflag:s0], s1  }
0xd8: {  	s1 =	ssub.s32 @!p0 $0x0, s1;
	[sflag:s0] =	ssyncset.done @!p0 $0x0  }
0xd9: {  	[sflag:s0] =	ssyncadd.s32 @!p0 s1  }
0xda: {  	[bflag:$0x3] =	sbarrier.arrive $0xFFFF  }
0xdb: {  	_ =	shalt  }

// kernel: kernel.27.cloned.1.call-start
scs
__scs_entry_jumppad:
0x0: {  	(pc) =	sbr.rel $0x88, $3  }
0x1: {  	(tag) =	ssettag $0x0;
	lr =	simm.s32 $0x1  }
0x2: {  	[smem:$0x3F8F] =	sst lr;
	_ =	strace $0xD0000000  }
0x3: {  	_ = 	snop  }
0x4: {  	_ = 	snop  }
0x5: {  	_ = 	snop  }
0x6: {  	_ = 	snop  }
0x7: {  	_ = 	snop  }
__scs_overlays_trampoline_lowered:
0x8: {  	[smem:$0x3F9E] =	sst s0  }
0x9: {  	[smem:$0x3F9F] =	sst s1  }
0xa: {  	[smem:$0x3FA0] =	sst s2  }
0xb: {  	[smem:$0x3FA1] =	sst s3  }
0xc: {  	[smem:$0x3FA2] =	sst s4  }
0xd: {  	[smem:$0x3FA3] =	sst s5  }
0xe: {  	[smem:$0x3FA4] =	sst s6  }
0xf: {  	[smem:$0x3FA5] =	sst s7  }
0x10: {  	[smem:$0x3FA6] =	sst s8  }
0x11: {  	[smem:$0x3FA7] =	sst s9;
	s0 =	simm.s32 @!p0 $0x0  }
0x12: {  	s1 =	sld [smem:$0x3F8D];
	s0 =	simm.s32 @p0 $0x1  }
0x13: {  	[smem:$0x3FA8] =	sst s0;
	s0 =	simm.s32 @!p1 $0x0  }
0x14: {  	s2 =	sld [smem:$0x3F8C];
	s0 =	simm.s32 @p1 $0x1  }
0x15: {  	[smem:$0x3FA9] =	sst s0;
	s0 =	simm.s32 @!p2 $0x0  }
0x16: {  	s3 =	sld [smem:$0x3FDB];
	s0 =	simm.s32 @p2 $0x1  }
0x17: {  	s4 =	simm.s32 $0x1BF5;
	[smem:$0x3FAB] =	sst s0  }
0x18: {  	s0 =	sld [smem:$0x3F8E];
	_ =	swait.ge [sflag:s4], $0x0  }
0x19: {  	s7 =	sld [smem:$0x3F8F]  }
0x1a: {  	s8 =	sadd.s32 $0xFFFFE003, lr  }
0x1b: {  	s9 =	sadd.s32 $0xFFFFFEF7, lr;
	s5 =	simm.s32 $0xFFFFFFFF;
	p2 =	slt.u32 s8, $0xFFFFF086  }
0x1c: {  	p1 =	slt.u32 s9, $0xF7A;
	s5 =	simm.s32 @!p2 $0x0  }
0x1d: {  	s5 =	simm.s32 @p1 $0x1;
	p0 =	seq.s32 s7, s2  }
0x1e: {  	s7 =	smul.u32 @!p0 $0xF7A, s2;
	p2 =	seq.s32 @!p0 s5, $0x0  }
0x1f: {  	s9 =	smul.u32 $0xF7A, s1;
	s8 =	simm.s32 @!p0 $0x1BF5;
	p2 =	por !p2, p0  }
0x20: {  	[sflag:s8] =	ssyncset.s32 @!p0 $0xFFFFF086;
	s6 =	sadd.s32 @!p0 s3, s7;
	s7 =	simm.s32 @!p0 $0x108  }
0x21: {  	s3 =	sadd.s32 s3, s9;
	s6 =	sadd.s32 @!p0 $0x88, s6;
	s7 =	simm.s32 @p2 $0x1082  }
0x22: {  	[simem:s7], [sflag:s8] =	dma.local @!p0 [hbm:s6], $0xF7A  }
0x23: {  	s9 =	sor.u32 $0xD0000000, s2;
	s6 =	simm.s32 $0x108;
	_ =	swait.ge @!p0 [sflag:s8], $0x0  }
0x24: {  	s3 =	sadd.s32 $0x88, s3;
	s6 =	simm.s32 @!p1 $0x1082;
	[sflag:s4] =	ssyncset.s32 $0xFFFFF086  }
0x25: {  	[simem:s6], [sflag:s4] =	dma.local [hbm:s3], $0xF7A  }
0x26: {  	[smem:$0x3F8F] =	sst s1;
	(tag) =	ssettag s2;
	_ =	strace s9  }
0x27: {  	s1 =	sld [smem:$0x3F9F]  }
0x28: {  	s2 =	sld [smem:$0x3FA0]  }
0x29: {  	s4 =	sld [smem:$0x3FA2]  }
0x2a: {  	p0 =	seq.s32 s5, $0x0;
	s5 =	sld [smem:$0x3FA3]  }
0x2b: {  	s6 =	sld [smem:$0x3FA4]  }
0x2c: {  	s7 =	sld [smem:$0x3FA5]  }
0x2d: {  	s3 =	simm.s32 $0x108;
	s8 =	sld [smem:$0x3FA6]  }
0x2e: {  	s3 =	simm.s32 @!p0 $0x1082;
	s9 =	sld [smem:$0x3FA7]  }
0x2f: {  	lr =	sadd.s32 s0, s3;
	s0 =	sld [smem:$0x3F9E]  }
0x30: {  	s3 =	sld [smem:$0x3FA1]  }
0x31: {  	[smem:$0x3FAA] =	sst s10  }
0x32: {  	s10 =	sld [smem:$0x3FA8];
	_ =	sdelay $0x3  }
0x33: {  	p0 =	seq.s32 s10, $0x1;
	s10 =	sld [smem:$0x3FAA];
	_ =	sdelay $0x3  }
0x34: {  	[smem:$0x3FAA] =	sst s10  }
0x35: {  	s10 =	sld [smem:$0x3FA9];
	_ =	sdelay $0x3  }
0x36: {  	p1 =	seq.s32 s10, $0x1;
	s10 =	sld [smem:$0x3FAA];
	_ =	sdelay $0x3  }
0x37: {  	[smem:$0x3FAA] =	sst s10  }
0x38: {  	s10 =	sld [smem:$0x3FAB]  }
0x39: {  	_ = 	snop;
	(pc) =	sbr.ind lr, $3  }
0x3a: {  	_ = 	snop  }
0x3b: {  	_ = 	snop  }
0x3c: {  	p2 =	seq.s32 s10, $0x1;
	s10 =	sld [smem:$0x3FAA]  }
0x3d: {  	_ =	shalt  }
0x3e: {  	_ =	shalt  }
0x3f: {  	_ =	shalt  }
0x40: {  	_ =	shalt  }
0x41: {  	_ =	shalt  }
0x42: {  	_ =	shalt  }
0x43: {  	_ =	shalt  }
0x44: {  	_ =	shalt  }
0x45: {  	_ =	shalt  }
0x46: {  	_ =	shalt  }
0x47: {  	_ =	shalt  }
0x48: {  	_ =	shalt  }
0x49: {  	_ =	shalt  }
0x4a: {  	_ =	shalt  }
0x4b: {  	_ =	shalt  }
0x4c: {  	_ =	shalt  }
0x4d: {  	_ =	shalt  }
0x4e: {  	_ =	shalt  }
0x4f: {  	_ =	shalt  }
0x50: {  	_ =	shalt  }
0x51: {  	_ =	shalt  }
0x52: {  	_ =	shalt  }
0x53: {  	_ =	shalt  }
0x54: {  	_ =	shalt  }
0x55: {  	_ =	shalt  }
0x56: {  	_ =	shalt  }
0x57: {  	_ =	shalt  }
0x58: {  	_ =	shalt  }
0x59: {  	_ =	shalt  }
0x5a: {  	_ =	shalt  }
0x5b: {  	_ =	shalt  }
0x5c: {  	_ =	shalt  }
0x5d: {  	_ =	shalt  }
0x5e: {  	_ =	shalt  }
0x5f: {  	_ =	shalt  }
0x60: {  	_ =	shalt  }
0x61: {  	_ =	shalt  }
0x62: {  	_ =	shalt  }
0x63: {  	_ =	shalt  }
0x64: {  	_ =	shalt  }
0x65: {  	_ =	shalt  }
0x66: {  	_ =	shalt  }
0x67: {  	_ =	shalt  }
0x68: {  	_ =	shalt  }
0x69: {  	_ =	shalt  }
0x6a: {  	_ =	shalt  }
0x6b: {  	_ =	shalt  }
0x6c: {  	_ =	shalt  }
0x6d: {  	_ =	shalt  }
0x6e: {  	_ =	shalt  }
0x6f: {  	_ =	shalt  }
0x70: {  	_ =	shalt  }
0x71: {  	_ =	shalt  }
0x72: {  	_ =	shalt  }
0x73: {  	_ =	shalt  }
0x74: {  	_ =	shalt  }
0x75: {  	_ =	shalt  }
0x76: {  	_ =	shalt  }
0x77: {  	_ =	shalt  }
0x78: {  	_ =	shalt  }
0x79: {  	_ =	shalt  }
0x7a: {  	_ =	shalt  }
0x7b: {  	_ =	shalt  }
0x7c: {  	_ =	shalt  }
0x7d: {  	_ =	shalt  }
0x7e: {  	_ =	shalt  }
0x7f: {  	_ =	shalt  }
0x80: {  	_ =	shalt  }
0x81: {  	_ =	shalt  }
0x82: {  	_ =	shalt  }
0x83: {  	_ =	shalt  }
0x84: {  	_ =	shalt  }
0x85: {  	_ =	shalt  }
0x86: {  	_ =	shalt  }
0x87: {  	_ =	shalt  }
.Lfunc_end0:
.L_simem_size_0:
called_computation.6_lowered:
.L_overlay_start_0:
0x88: {  	s2 =	sld [smem:$0x3FD9]  }
0x89: {  	s3 =	sld [smem:$0x3FFE];
	_ =	sdelay $0x1  }
0x8a: {  	s1 =	srdreg.scid  }
0x8b: {  	s0 =	sand.u32 $0x1, s1  }
0x8c: {  	s16 =	sshll.u32 s0, $0xA;
	s2 =	sadd.s32 s3, s2  }
0x8d: {  	s2 =	sadd.s32 s2, s16  }
0x8e: {  	[smem:$0x3FB6] =	sst s2  }
0x8f: {  	_ = 	snop  }
0x90: {  	(tm) =	ssettm $0x1  }
0x91: {  	s17 =	sld [smem:$0x3FFB];
	_ =	sdelay $0x3  }
0x92: {  	_ =	strace s17  }
0x93: {  	s2 =	sld [smem:$0x3FFC];
	_ =	sdelay $0x3  }
0x94: {  	_ =	strace s2  }
0x95: {  	s2 =	sld [smem:$0x3FFD];
	_ =	sdelay $0x3  }
0x96: {  	_ =	strace s2  }
0x97: {  	_ =	strace $0x8FFFFFFF  }
0x98: {  	s18 =	sld [smem:$0x3FDB];
	_ =	sdelay $0x1  }
0x99: {  	s19 =	simm.s32 $_scs_section_size  }
0x9a: {  	s4 =	simm.s32 $_size__tile_overlayer_lowered;
	s5 =	simm.s32 $_tile_overlayer_lowered  }
0x9b: {  	s22 =	simm.s32 $0x1BFF;
	s21 =	sshll.u32 s5, $0x1;
	s2 =	sadd.s32 s19, s18  }
0x9c: {  	s6 =	simm.s32 $0x0;
	s20 =	sshll.u32 s4, $0x1;
	s4 =	sadd.s32 s21, s2  }
0x9d: {  	[timem:s6], [sflag:s22] =	dma.local [hbm:s4], s20  }
0x9e: {  	_ =	swait.ge [sflag:s22], s20  }
0x9f: {  	s3 =	ssub.s32 $0x0, s20;
	[sflag:s22] =	ssyncset.done $0x0  }
0xa0: {  	[sflag:s22] =	ssyncadd.s32 s3;
	_ =	sdelay $0x1  }
0xa1: {  	s23 =	simm.s32 $0x1B8B  }
0xa2: {  	_ =	swait.ge [sflag:s23], $0x1  }
0xa3: {  	[sflag:s23] =	ssyncset.done $0x0  }
0xa4: {  	s25 =	simm.s32 $0x1B8E;
	s24 =	sld [smem:$0x3FFE];
	[sflag:s23] =	ssyncadd.s32 $0xFFFFFFFF  }
0xa5: {  	s26 =	simm.s32 $execute0_lowered;
	[smem:$0x3FD2] =	sst s25  }
0xa6: {  	s4 =	sshll.u32 s26, $0x1;
	_ =	strace $0x80000058;
	[dreg:$0x1] =	wrdreg $0xFFFFFFFF  }
0xa7: {  	s28 =	simm.s32 $_size_execute0_lowered;
	s2 =	sadd.s32 s2, s4;
	[dreg:$0x0] =	wrdreg $0x0  }
0xa8: {  	s4 =	sshll.u32 s28, $0x1;
	[dreg:$0x2] =	wrdreg s2  }
0xa9: {  	[dreg:$0x3] =	wrdreg s4  }
0xaa: {  	[dreg:$0x4] =	wrdreg $0xC0  }
0xab: {  	_ =	task [dreg:s6], $0x5FFFF  }
0xac: {  	[dreg:$0x1] =	wrdreg $0xFFFFFFFF  }
0xad: {  	[dreg:$0x0] =	wrdreg $0x60  }
0xae: {  	[dreg:$0x2] =	wrdreg s24  }
0xaf: {  	[dreg:$0x3] =	wrdreg $0x9F000  }
0xb0: {  	[dreg:$0x4] =	wrdreg $0x9  }
0xb1: {  	_ =	task.clear_ibuf [dreg:s6], $0x5FFFF;
	_ =	strace $0x90000058  }
0xb2: {  	s29 =	simm.s32 $0x9;
	_ =	strace $0x8000005A  }
0xb3: {  	_ =	swait.ge [sflag:s29], $0x1  }
0xb4: {  	[sflag:s29] =	ssyncadd.s32 $0xFFFFFFFF  }
0xb5: {  	_ =	strace $0x9000005A  }
0xb6: {  	_ =	sfence  }
0xb7: {  	s30 =	sld [smem:$0x0];
	_ =	sdelay $0x2  }
0xb8: {  	s31 =	sshll.u32 s1, $0xD;
	s1 =	sshrl.u32 s1, $0x2  }
0xb9: {  	s3 =	sand.u32 $0x4000, s31;
	s1 =	sadd.s32 s1, s30  }
0xba: {  	s0 =	sor.u32 s3, s0;
	s1 =	sshll.u32 s1, $0x11  }
0xbb: {  	s0 =	sor.u32 s1, s0  }
0xbc: {  	s0 =	sadd.s32 $0x8F2B, s0  }
0xbd: {  	[sflag:s0] =	ssyncadd.remote.s32 $0x1  }
0xbe: {  	_ =	sfence.sel $0xFFFF  }
0xbf: {  	[dreg:$0x0] =	wrdreg $0xFFFFFFFF;
	(pc) =	sbr.abs _section_cstart, $3  }
0xc0: {  	[dreg:$0x1] =	wrdreg $0xFFFFFFFF  }
0xc1: {  	_ =	task.clear_ibuf [dreg:s6], $0x2FFFF;
	_ =	strace $0x9FFFFFFF  }
0xc2: {  	(tm) =	ssettm $0x7FFFFFFF  }
0xc3: {  	_ =	shalt  }
tec
execute0_lowered:
.L_overlay_start_1:
0x0: {  	(tag) =	ssettag $0x1  }
0x1: {  	s21 =	stileid.u32  }
0x2: {  	s1 =	srdreg.scid;
	s4 =	sshrl.u32 s21, $0x2;
	s10 =	smul.u32 $0x2800, s21  }
0x3: {  	s0 =	rddreg [dreg:$0x0];
	s1 =	sand.u32 $0x1, s1;
	s4 =	smul.u32 $0x13C00, s4  }
0x4: {  	s2 =	rddreg [dreg:$0x1];
	s8 =	sor.u32 $0x10, s21;
	s7 =	smul.u32 $0x138800, s1  }
0x5: {  	s3 =	simm.s32 $0x0;
	s28 =	simm.s32 $0x80;
	s9 =	smul.u32 $0xA000, s8  }
0x6: {  	s29 =	simm.s32 $0x400;
	s11 =	sor.u32 $0x20, s21;
	s8 =	smul.u32 $0x2800, s8  }
0x7: {  	s31 =	simm.s32 $0x50;
	s14 =	sor.u32 $0x40, s21;
	s13 =	smul.u32 $0x2800, s11  }
0x8: {  	[smem:$0x7FF] =	sst s3;
	s16 =	sor.u32 $0x50, s21;
	s17 =	smul.u32 $0x2800, s14  }
0x9: {  	s5 =	sshll.u32 s21, $0x8;
	s19 =	sor.u32 $0x60, s21;
	s20 =	smul.u32 $0x2800, s16  }
0xa: {  	s12 =	sadd.s32 $0x10C00, s0;
	s25 =	sor.u32 $0x70, s21;
	s26 =	smul.u32 $0x2800, s19  }
0xb: {  	s6 =	sshll.u32 s1, $0x7;
	s5 =	sand.u32 $0x300, s5;
	s24 =	smul.u32 $0x2800, s25  }
0xc: {  	_ =	strace $0x80000059;
	[dreg:$0x3] =	wrdreg s12;
	s14 =	smul.u32 $0xA000, s14  }
0xd: {  	s12 =	sor.u32 $0x30, s21;
	s5 =	sor.u32 s6, s5;
	s6 =	smul.u32 $0xA000, s21  }
0xe: {  	s30 =	simm.s32 $0x2;
	s1 =	ssub.s32 $0x2, s1;
	s15 =	smul.u32 $0x2800, s12  }
0xf: {  	p0 =	sgt.u32 s25, $0x7C;
	s18 =	sshrl.u32 s1, $0x1;
	s12 =	smul.u32 $0xA000, s12  }
0x10: {  	s5 =	sor.u32 s4, s5;
	s4 =	sadd.s32 $0x42200, s0;
	s1 =	ssub.s32 s1, s18  }
0x11: {  	s21 =	sadd.s32 s7, s10;
	s22 =	sadd.s32 s7, s8;
	s23 =	sadd.s32 s7, s13  }
0x12: {  	s17 =	sadd.s32 s7, s17;
	s20 =	sadd.s32 s7, s20;
	s18 =	sadd.s32 s7, s26  }
0x13: {  	s10 =	smul.u32 $0xA000, s11;
	s13 =	sshrl.u32 s9, $0x2;
	s5 =	sshrl.u32 s5, $0x3  }
0x14: {  	s15 =	sadd.s32 s7, s15;
	s11 =	sshrl.u32 s6, $0x2;
	s6 =	smul.u32 $0xA000, s16  }
0x15: {  	s7 =	sadd.s32 s7, s24;
	s1 =	smax.u32 s1, $0x1;
	s24 =	smul.u32 $0xA000, s19  }
0x16: {  	s19 =	sshrl.u32 s21, $0x3;
	s21 =	sshrl.u32 s22, $0x3;
	s23 =	sshrl.u32 s23, $0x3  }
0x17: {  	s8 =	sshrl.u32 s20, $0x3;
	s18 =	sshrl.u32 s18, $0x3;
	s5 =	sadd.s32 s5, s0  }
0x18: {  	s0 =	sadd.s32 $0x69400, s0;
	[dreg:$0x6] =	wrdreg s1;
	s9 =	sadd.s32 s11, s2  }
0x19: {  	s1 =	sshrl.u32 s12, $0x2;
	s15 =	sshrl.u32 s15, $0x3;
	s7 =	sshrl.u32 s7, $0x3  }
0x1a: {  	s12 =	smul.u32 $0xA000, s25;
	s25 =	simm.s32 $0x4F00;
	s26 =	sadd.s32 $0x6E00, s5  }
0x1b: {  	s5 =	sadd.s32 $0x38400, s5;
	s22 =	sadd.s32 s0, s19;
	s15 =	sadd.s32 s0, s15  }
0x1c: {  	s18 =	sadd.s32 s0, s18;
	s19 =	sadd.s32 s0, s7;
	[dreg:$0x4] =	wrdreg s26  }
0x1d: {  	s20 =	sadd.s32 s1, s2;
	s1 =	simm.s32 $0x7700;
	[dreg:$0x5] =	wrdreg s5  }
0x1e: {  	s5 =	sshrl.u32 s10, $0x2;
	s10 =	sadd.s32 s13, s2;
	[dreg:$0x7] =	wrdreg s22  }
0x1f: {  	s13 =	sadd.s32 s0, s21;
	s26 =	sshrl.u32 s17, $0x3;
	s17 =	sadd.s32 s0, s8  }
0x20: {  	s11 =	sadd.s32 s5, s2;
	s5 =	sshrl.u32 s14, $0x2;
	s14 =	sadd.s32 s0, s23  }
0x21: {  	s16 =	sadd.s32 s0, s26;
	s23 =	sshrl.u32 s6, $0x2;
	s26 =	sshrl.u32 s24, $0x2  }
0x22: {  	s0 =	sshrl.u32 s12, $0x2;
	s6 =	simm.s32 $0x0;
	s21 =	sadd.s32 s5, s2  }
0x23: {  	s22 =	sadd.s32 s23, s2;
	s23 =	sadd.s32 s26, s2;
	s24 =	sadd.s32 s0, s2  }
0x24: {  	s26 =	simm.s32 $0x3;
	s0 =	simm.s32 $0x1;
	s5 =	simm.s32 $0x4  }
.LBB2_1:
0x25: {  	s7 =	rddreg [dreg:$0x3]  }
0x26: {  	[tilespmem:s25], [sflag:$0x3] =	stream.linear.gather [hbm4b:s7+s3], $0x2800, $0x38;
	[tilespmem:$0x1D780] =	vst v63  }
0x27: {  	_ =	swait.ge [sflag:s26], $0x2800  }
0x28: {  	[sflag:s26] =	ssyncset.done $0x0  }
0x29: {  	[sflag:s26] =	ssyncadd.s32 $0xFFFFD800  }
0x2a: {  	[spmem:s9] =	stream.linear.scatter [tilespmem:s25], [sflag:$0x3], $0x2800, $0x38;
	[tilespmem:$0x1D780] =	vst v63  }
0x2b: {  	_ =	swait.ge [sflag:s26], $0x2800  }
0x2c: {  	[sflag:s26] =	ssyncset.done $0x0  }
0x2d: {  	[sflag:s26] =	ssyncadd.s32 $0xFFFFD800  }
0x2e: {  	[spmem:s10] =	stream.linear.scatter [tilespmem:s25], [sflag:$0x3], $0x2800, $0x38;
	[tilespmem:$0x1D780] =	vst v63  }
0x2f: {  	_ =	swait.ge [sflag:s26], $0x2800  }
0x30: {  	[sflag:s26] =	ssyncset.done $0x0  }
0x31: {  	[sflag:s26] =	ssyncadd.s32 $0xFFFFD800  }
0x32: {  	[spmem:s11] =	stream.linear.scatter [tilespmem:s25], [sflag:$0x3], $0x2800, $0x38;
	[tilespmem:$0x1D780] =	vst v63  }
0x33: {  	_ =	swait.ge [sflag:s26], $0x2800  }
0x34: {  	[sflag:s26] =	ssyncset.done $0x0  }
0x35: {  	[sflag:s26] =	ssyncadd.s32 $0xFFFFD800  }
0x36: {  	[spmem:s20] =	stream.linear.scatter [tilespmem:s25], [sflag:$0x3], $0x2800, $0x38;
	[tilespmem:$0x1D780] =	vst v63  }
0x37: {  	_ =	swait.ge [sflag:s26], $0x2800  }
0x38: {  	[sflag:s26] =	ssyncset.done $0x0  }
0x39: {  	[sflag:s26] =	ssyncadd.s32 $0xFFFFD800  }
0x3a: {  	[spmem:s21] =	stream.linear.scatter [tilespmem:s25], [sflag:$0x3], $0x2800, $0x38;
	[tilespmem:$0x1D780] =	vst v63  }
0x3b: {  	_ =	swait.ge [sflag:s26], $0x2800  }
0x3c: {  	[sflag:s26] =	ssyncset.done $0x0  }
0x3d: {  	[sflag:s26] =	ssyncadd.s32 $0xFFFFD800  }
0x3e: {  	[spmem:s22] =	stream.linear.scatter [tilespmem:s25], [sflag:$0x3], $0x2800, $0x38;
	[tilespmem:$0x1D780] =	vst v63  }
0x3f: {  	_ =	swait.ge [sflag:s26], $0x2800  }
0x40: {  	[sflag:s26] =	ssyncset.done $0x0  }
0x41: {  	[sflag:s26] =	ssyncadd.s32 $0xFFFFD800  }
0x42: {  	[spmem:s23] =	stream.linear.scatter [tilespmem:s25], [sflag:$0x3], $0x2800, $0x38;
	[tilespmem:$0x1D780] =	vst v63  }
0x43: {  	_ =	swait.ge [sflag:s26], $0x2800  }
0x44: {  	[sflag:s26] =	ssyncset.done $0x0  }
0x45: {  	s7 =	simm.s32 @!p0 $0x4F00;
	[sflag:s26] =	ssyncadd.s32 $0xFFFFD800  }
0x46: {  	[spmem:s24] =	stream.linear.scatter @!p0 [tilespmem:s7], [sflag:$0x3], $0x2800, $0x38;
	[tilespmem:$0x1D780] =	vst v63  }
0x47: {  	s7 =	simm.s32 @!p0 $0x3  }
0x48: {  	_ =	swait.ge @!p0 [sflag:s7], $0x2800  }
0x49: {  	[sflag:s7] =	ssyncset.done @!p0 $0x0  }
0x4a: {  	[sflag:s7] =	ssyncadd.s32 @!p0 $0xFFFFD800  }
0x4b: {  	[bflag:$0x0] =	sbarrier.arrive $0xFFFF  }
0x4c: {  	s8 =	rddreg [dreg:$0x4]  }
0x4d: {  	[tilespmem:s3], [sflag:$0x3] =	stream.strided.gather [hbm4b:s8+s28], $0x2780, s29, s28, $0x38;
	[tilespmem:$0x1D780] =	vst v63  }
0x4e: {  	_ =	swait.ge [sflag:s26], $0x2780  }
0x4f: {  	[sflag:s26] =	ssyncset.done $0x0  }
0x50: {  	s8 =	simm.s32 $0x2780;
	s12 =	rddreg [dreg:$0x5];
	[sflag:s26] =	ssyncadd.s32 $0xFFFFD880  }
0x51: {  	[tilespmem:s8], [sflag:$0x3] =	stream.strided.gather [hbm4b:s12+s28], $0x2780, s29, s28, $0x38;
	[tilespmem:$0x1D780] =	vst v63  }
0x52: {  	_ =	swait.ge [sflag:s26], $0x2780  }
0x53: {  	[sflag:s26] =	ssyncset.done $0x0  }
0x54: {  	[sflag:s26] =	ssyncadd.s32 $0xFFFFD880  }
0x55: {  	[tilespmem:s25], [sflag:$0x1] =	stream.indirect.gather [hbm4b:s4+s31], $0x80, s3, s31, $0xb8;
	[tilespmem:$0x1D780] =	vst v63  }
0x56: {  	_ =	swait.ge [sflag:s0], $0x2800  }
0x57: {  	[sflag:s0] =	ssyncset.done $0x0  }
0x58: {  	s8 =	simm.s32 $0x50;
	[sflag:s0] =	ssyncadd.s32 $0xFFFFD800  }
0x59: {  	[tilespmem:s1], [sflag:$0x2] =	stream.indirect.gather [hbm4b:s4+s31], $0x80, s8, s31, $0xb8;
	[tilespmem:$0x1D780] =	vst v63  }
0x5a: {  	s12 =	simm.s32 $0x2780  }
0x5b: {  	[spmem:s2] =	stream.indirect.scatter.add.f32 [tilespmem:s25], [sflag:$0x3], $0x80, s12, s31, $0xb8;
	[tilespmem:$0x1D780] =	vst v63  }
0x5c: {  	_ =	swait.ge [sflag:s26], $0x2800  }
0x5d: {  	[sflag:s26] =	ssyncset.done $0x0  }
0x5e: {  	[sflag:s26] =	ssyncadd.s32 $0xFFFFD800  }
0x5f: {  	_ =	swait.ge [sflag:s30], $0x2800  }
0x60: {  	[sflag:s30] =	ssyncset.done $0x0  }
0x61: {  	s8 =	simm.s32 $0xA0;
	[sflag:s30] =	ssyncadd.s32 $0xFFFFD800  }
0x62: {  	[tilespmem:s25], [sflag:$0x1] =	stream.indirect.gather [hbm4b:s4+s31], $0x80, s8, s31, $0xb8;
	[tilespmem:$0x1D780] =	vst v63  }
0x63: {  	s12 =	simm.s32 $0x27D0  }
0x64: {  	[spmem:s2] =	stream.indirect.scatter.add.f32 [tilespmem:s1], [sflag:$0x3], $0x80, s12, s31, $0xb8;
	[tilespmem:$0x1D780] =	vst v63  }
0x65: {  	_ =	swait.ge [sflag:s26], $0x2800  }
0x66: {  	s7 =	simm.s32 $0x280;
	[sflag:s26] =	ssyncset.done $0x0  }
.LBB2_2:
0x67: {  	p1 =	sne.s32 s7, $0x9880  }
0x68: {  	[sflag:s26] =	ssyncadd.s32 $0xFFFFD800;
	s8 =	smov.u32 s7;
	s7 =	sadd.s32 $0x280, s7  }
0x69: {  	_ = 	snop  }
0x6a: {  	_ =	swait.ge [sflag:s0], $0x2800  }
0x6b: {  	s8 =	sshra.s32 s8, $0x2;
	[sflag:s0] =	ssyncset.done $0x0  }
0x6c: {  	s12 =	sadd.s32 $0x50, s8;
	[sflag:s0] =	ssyncadd.s32 $0xFFFFD800  }
0x6d: {  	[tilespmem:s1], [sflag:$0x2] =	stream.indirect.gather [hbm4b:s4+s31], $0x80, s12, s31, $0xb8;
	[tilespmem:$0x1D780] =	vst v63  }
0x6e: {  	s12 =	sadd.s32 $0x2780, s8  }
0x6f: {  	[spmem:s2] =	stream.indirect.scatter.add.f32 [tilespmem:s25], [sflag:$0x3], $0x80, s12, s31, $0xb8;
	[tilespmem:$0x1D780] =	vst v63  }
0x70: {  	_ =	swait.ge [sflag:s26], $0x2800  }
0x71: {  	[sflag:s26] =	ssyncset.done $0x0  }
0x72: {  	[sflag:s26] =	ssyncadd.s32 $0xFFFFD800  }
0x73: {  	_ =	swait.ge [sflag:s30], $0x2800  }
0x74: {  	[sflag:s30] =	ssyncset.done $0x0  }
0x75: {  	s12 =	sadd.s32 $0xA0, s8;
	[sflag:s30] =	ssyncadd.s32 $0xFFFFD800  }
0x76: {  	[tilespmem:s25], [sflag:$0x1] =	stream.indirect.gather [hbm4b:s4+s31], $0x80, s12, s31, $0xb8;
	[tilespmem:$0x1D780] =	vst v63  }
.Ltmp0:
0x77: {  	_ = 	snop;
	(pc) =	sbr.rel @p1 .LBB2_2-.Ltmp0, $4  }
0x78: {  	s8 =	sadd.s32 $0x27D0, s8  }
0x79: {  	[spmem:s2] =	stream.indirect.scatter.add.f32 [tilespmem:s1], [sflag:$0x3], $0x80, s8, s31, $0xb8;
	[tilespmem:$0x1D780] =	vst v63  }
0x7a: {  	_ =	swait.ge [sflag:s26], $0x2800  }
0x7b: {  	[sflag:s26] =	ssyncset.done $0x0  }
0x7c: {  	[sflag:s26] =	ssyncadd.s32 $0xFFFFD800  }
0x7d: {  	_ =	swait.ge [sflag:s0], $0x2800  }
0x7e: {  	[sflag:s0] =	ssyncset.done $0x0  }
0x7f: {  	s7 =	simm.s32 $0x4E40;
	[sflag:s0] =	ssyncadd.s32 $0xFFFFD800  }
0x80: {  	[spmem:s2] =	stream.indirect.scatter.add.f32 [tilespmem:s25], [sflag:$0x3], $0x80, s7, s31, $0xb8;
	[tilespmem:$0x1D780] =	vst v63  }
0x81: {  	_ =	swait.ge [sflag:s26], $0x2800  }
0x82: {  	[sflag:s26] =	ssyncset.done $0x0  }
0x83: {  	[sflag:s26] =	ssyncadd.s32 $0xFFFFD800  }
0x84: {  	[bflag:$0x0] =	sbarrier.arrive $0xFFFF  }
0x85: {  	[tilespmem:s25], [sflag:$0x4] =	stream.linear.gather [spmem:s9], $0x2800, $0x38;
	[tilespmem:$0x1D780] =	vst v63  }
0x86: {  	_ =	swait.ge [sflag:s5], $0x2800  }
0x87: {  	[sflag:s5] =	ssyncset.done $0x0  }
0x88: {  	s8 =	rddreg [dreg:$0x7];
	[sflag:s5] =	ssyncadd.s32 $0xFFFFD800  }
0x89: {  	[hbm4b:s8+s3] =	stream.linear.scatter [tilespmem:s25], [sflag:$0x3], $0x2800, $0x38;
	[tilespmem:$0x1D780] =	vst v63  }
0x8a: {  	_ =	swait.ge [sflag:s26], $0x2800  }
0x8b: {  	[sflag:s26] =	ssyncset.done $0x0  }
0x8c: {  	[sflag:s26] =	ssyncadd.s32 $0xFFFFD800  }
0x8d: {  	[tilespmem:s25], [sflag:$0x4] =	stream.linear.gather [spmem:s10], $0x2800, $0x38;
	[tilespmem:$0x1D780] =	vst v63  }
0x8e: {  	_ =	swait.ge [sflag:s5], $0x2800  }
0x8f: {  	[sflag:s5] =	ssyncset.done $0x0  }
0x90: {  	[sflag:s5] =	ssyncadd.s32 $0xFFFFD800  }
0x91: {  	[hbm4b:s13+s3] =	stream.linear.scatter [tilespmem:s25], [sflag:$0x3], $0x2800, $0x38;
	[tilespmem:$0x1D780] =	vst v63  }
0x92: {  	_ =	swait.ge [sflag:s26], $0x2800  }
0x93: {  	[sflag:s26] =	ssyncset.done $0x0  }
0x94: {  	[sflag:s26] =	ssyncadd.s32 $0xFFFFD800  }
0x95: {  	[tilespmem:s25], [sflag:$0x4] =	stream.linear.gather [spmem:s11], $0x2800, $0x38;
	[tilespmem:$0x1D780] =	vst v63  }
0x96: {  	_ =	swait.ge [sflag:s5], $0x2800  }
0x97: {  	[sflag:s5] =	ssyncset.done $0x0  }
0x98: {  	[sflag:s5] =	ssyncadd.s32 $0xFFFFD800  }
0x99: {  	[hbm4b:s14+s3] =	stream.linear.scatter [tilespmem:s25], [sflag:$0x3], $0x2800, $0x38;
	[tilespmem:$0x1D780] =	vst v63  }
0x9a: {  	_ =	swait.ge [sflag:s26], $0x2800  }
0x9b: {  	[sflag:s26] =	ssyncset.done $0x0  }
0x9c: {  	[sflag:s26] =	ssyncadd.s32 $0xFFFFD800  }
0x9d: {  	[tilespmem:s25], [sflag:$0x4] =	stream.linear.gather [spmem:s20], $0x2800, $0x38;
	[tilespmem:$0x1D780] =	vst v63  }
0x9e: {  	_ =	swait.ge [sflag:s5], $0x2800  }
0x9f: {  	[sflag:s5] =	ssyncset.done $0x0  }
0xa0: {  	[sflag:s5] =	ssyncadd.s32 $0xFFFFD800  }
0xa1: {  	[hbm4b:s15+s3] =	stream.linear.scatter [tilespmem:s25], [sflag:$0x3], $0x2800, $0x38;
	[tilespmem:$0x1D780] =	vst v63  }
0xa2: {  	_ =	swait.ge [sflag:s26], $0x2800  }
0xa3: {  	[sflag:s26] =	ssyncset.done $0x0  }
0xa4: {  	[sflag:s26] =	ssyncadd.s32 $0xFFFFD800  }
0xa5: {  	[tilespmem:s25], [sflag:$0x4] =	stream.linear.gather [spmem:s21], $0x2800, $0x38;
	[tilespmem:$0x1D780] =	vst v63  }
0xa6: {  	_ =	swait.ge [sflag:s5], $0x2800  }
0xa7: {  	[sflag:s5] =	ssyncset.done $0x0  }
0xa8: {  	[sflag:s5] =	ssyncadd.s32 $0xFFFFD800  }
0xa9: {  	[hbm4b:s16+s3] =	stream.linear.scatter [tilespmem:s25], [sflag:$0x3], $0x2800, $0x38;
	[tilespmem:$0x1D780] =	vst v63  }
0xaa: {  	_ =	swait.ge [sflag:s26], $0x2800  }
0xab: {  	[sflag:s26] =	ssyncset.done $0x0  }
0xac: {  	[sflag:s26] =	ssyncadd.s32 $0xFFFFD800  }
0xad: {  	[tilespmem:s25], [sflag:$0x4] =	stream.linear.gather [spmem:s22], $0x2800, $0x38;
	[tilespmem:$0x1D780] =	vst v63  }
0xae: {  	_ =	swait.ge [sflag:s5], $0x2800  }
0xaf: {  	[sflag:s5] =	ssyncset.done $0x0  }
0xb0: {  	[sflag:s5] =	ssyncadd.s32 $0xFFFFD800  }
0xb1: {  	[hbm4b:s17+s3] =	stream.linear.scatter [tilespmem:s25], [sflag:$0x3], $0x2800, $0x38;
	[tilespmem:$0x1D780] =	vst v63  }
0xb2: {  	_ =	swait.ge [sflag:s26], $0x2800  }
0xb3: {  	[sflag:s26] =	ssyncset.done $0x0  }
0xb4: {  	[sflag:s26] =	ssyncadd.s32 $0xFFFFD800  }
0xb5: {  	[tilespmem:s25], [sflag:$0x4] =	stream.linear.gather [spmem:s23], $0x2800, $0x38;
	[tilespmem:$0x1D780] =	vst v63  }
0xb6: {  	_ =	swait.ge [sflag:s5], $0x2800  }
0xb7: {  	[sflag:s5] =	ssyncset.done $0x0  }
0xb8: {  	[sflag:s5] =	ssyncadd.s32 $0xFFFFD800  }
0xb9: {  	[hbm4b:s18+s3] =	stream.linear.scatter [tilespmem:s25], [sflag:$0x3], $0x2800, $0x38;
	[tilespmem:$0x1D780] =	vst v63  }
0xba: {  	_ =	swait.ge [sflag:s26], $0x2800  }
0xbb: {  	[sflag:s26] =	ssyncset.done $0x0  }
0xbc: {  	s7 =	simm.s32 @!p0 $0x4F00;
	s8 =	simm.s32 @!p0 $0x4;
	[sflag:s26] =	ssyncadd.s32 $0xFFFFD800  }
0xbd: {  	[tilespmem:s7], [sflag:$0x4] =	stream.linear.gather @!p0 [spmem:s24], $0x2800, $0x38;
	[tilespmem:$0x1D780] =	vst v63  }
0xbe: {  	_ =	swait.ge @!p0 [sflag:s8], $0x2800  }
0xbf: {  	[sflag:s8] =	ssyncset.done @!p0 $0x0  }
0xc0: {  	[sflag:s8] =	ssyncadd.s32 @!p0 $0xFFFFD800;
	s8 =	simm.s32 @!p0 $0x0  }
0xc1: {  	[hbm4b:s19+s8] =	stream.linear.scatter @!p0 [tilespmem:s7], [sflag:$0x3], $0x2800, $0x38;
	[tilespmem:$0x1D780] =	vst v63  }
0xc2: {  	s7 =	simm.s32 @!p0 $0x3  }
0xc3: {  	_ =	swait.ge @!p0 [sflag:s7], $0x2800  }
0xc4: {  	s6 =	sadd.s32 $0x1, s6;
	s12 =	rddreg [dreg:$0x6]  }
0xc5: {  	p1 =	sne.s32 s6, s12  }
.Ltmp1:
0xc6: {  	_ = 	snop;
	(pc) =	sbr.rel @p1 .LBB2_1-.Ltmp1, $3  }
0xc7: {  	_ =	sdelay $0x1  }
0xc8: {  	[sflag:s7] =	ssyncset.done @!p0 $0x0  }
0xc9: {  	[sflag:s7] =	ssyncadd.s32 @!p0 $0xFFFFD800  }
0xca: {  	_ =	sfence.sel $0x180000  }
0xcb: {  	[bflag:$0x0] =	sbarrier.arrive $0xFFFF  }
0xcc: {  	_ =	strace $0x90000059  }
0xcd: {  	s0 =	stileid.u32;
	[bflag:$0x2] =	sbarrier.arrive $0xFFFF  }
0xce: {  	p0 =	sne.s32 s0, $0x0;
	s0 =	rddreg [dreg:$0x2]  }
0xcf: {  	s0 =	sadd.s32 @!p0 $0x100000, s0  }
0xd0: {  	[sflag:s0] =	ssyncadd.tile.s32 @!p0 $0x1;
	_ =	shalt  }
.Lfunc_end2:
_tile_overlayer_lowered:
.L_overlay_start_2:
0xd1: {  	(tag) =	ssettag $0x2  }
0xd2: {  	s0 =	rddreg [dreg:$0x0];
	s2 =	stileid.u32  }
0xd3: {  	s1 =	rddreg [dreg:$0x1];
	p0 =	sne.s32 s2, $0x0  }
0xd4: {  	s3 =	rddreg [dreg:$0x2];
	[bflag:$0x3] =	sbarrier.arrive $0xFFFF;
	s2 =	simm.s32 @!p0 $0x1C03  }
0xd5: {  	[timem:s3], [sflag:s2] =	dma.local @!p0 [hbm:s0], s1  }
0xd6: {  	s0 =	simm.s32 @!p0 $0x3  }
0xd7: {  	_ =	swait.ge @!p0 [sflag:s0], s1  }
0xd8: {  	s1 =	ssub.s32 @!p0 $0x0, s1;
	[sflag:s0] =	ssyncset.done @!p0 $0x0  }
0xd9: {  	[sflag:s0] =	ssyncadd.s32 @!p0 s1  }
0xda: {  	[bflag:$0x3] =	sbarrier.arrive $0xFFFF  }
0xdb: {  	_ =	shalt  }

// kernel: kernel.30.cloned.1.call-start
scs
__scs_entry_jumppad:
0x0: {  	(pc) =	sbr.rel $0x88, $3  }
0x1: {  	(tag) =	ssettag $0x0;
	lr =	simm.s32 $0x1  }
0x2: {  	[smem:$0x3F8F] =	sst lr;
	_ =	strace $0xD0000000  }
0x3: {  	_ = 	snop  }
0x4: {  	_ = 	snop  }
0x5: {  	_ = 	snop  }
0x6: {  	_ = 	snop  }
0x7: {  	_ = 	snop  }
__scs_overlays_trampoline_lowered:
0x8: {  	[smem:$0x3F9E] =	sst s0  }
0x9: {  	[smem:$0x3F9F] =	sst s1  }
0xa: {  	[smem:$0x3FA0] =	sst s2  }
0xb: {  	[smem:$0x3FA1] =	sst s3  }
0xc: {  	[smem:$0x3FA2] =	sst s4  }
0xd: {  	[smem:$0x3FA3] =	sst s5  }
0xe: {  	[smem:$0x3FA4] =	sst s6  }
0xf: {  	[smem:$0x3FA5] =	sst s7  }
0x10: {  	[smem:$0x3FA6] =	sst s8  }
0x11: {  	[smem:$0x3FA7] =	sst s9;
	s0 =	simm.s32 @!p0 $0x0  }
0x12: {  	s1 =	sld [smem:$0x3F8D];
	s0 =	simm.s32 @p0 $0x1  }
0x13: {  	[smem:$0x3FA8] =	sst s0;
	s0 =	simm.s32 @!p1 $0x0  }
0x14: {  	s2 =	sld [smem:$0x3F8C];
	s0 =	simm.s32 @p1 $0x1  }
0x15: {  	[smem:$0x3FA9] =	sst s0;
	s0 =	simm.s32 @!p2 $0x0  }
0x16: {  	s3 =	sld [smem:$0x3FDB];
	s0 =	simm.s32 @p2 $0x1  }
0x17: {  	s4 =	simm.s32 $0x1BF5;
	[smem:$0x3FAB] =	sst s0  }
0x18: {  	s0 =	sld [smem:$0x3F8E];
	_ =	swait.ge [sflag:s4], $0x0  }
0x19: {  	s7 =	sld [smem:$0x3F8F]  }
0x1a: {  	s8 =	sadd.s32 $0xFFFFE003, lr  }
0x1b: {  	s9 =	sadd.s32 $0xFFFFFEF7, lr;
	s5 =	simm.s32 $0xFFFFFFFF;
	p2 =	slt.u32 s8, $0xFFFFF086  }
0x1c: {  	p1 =	slt.u32 s9, $0xF7A;
	s5 =	simm.s32 @!p2 $0x0  }
0x1d: {  	s5 =	simm.s32 @p1 $0x1;
	p0 =	seq.s32 s7, s2  }
0x1e: {  	s7 =	smul.u32 @!p0 $0xF7A, s2;
	p2 =	seq.s32 @!p0 s5, $0x0  }
0x1f: {  	s9 =	smul.u32 $0xF7A, s1;
	s8 =	simm.s32 @!p0 $0x1BF5;
	p2 =	por !p2, p0  }
0x20: {  	[sflag:s8] =	ssyncset.s32 @!p0 $0xFFFFF086;
	s6 =	sadd.s32 @!p0 s3, s7;
	s7 =	simm.s32 @!p0 $0x108  }
0x21: {  	s3 =	sadd.s32 s3, s9;
	s6 =	sadd.s32 @!p0 $0x88, s6;
	s7 =	simm.s32 @p2 $0x1082  }
0x22: {  	[simem:s7], [sflag:s8] =	dma.local @!p0 [hbm:s6], $0xF7A  }
0x23: {  	s9 =	sor.u32 $0xD0000000, s2;
	s6 =	simm.s32 $0x108;
	_ =	swait.ge @!p0 [sflag:s8], $0x0  }
0x24: {  	s3 =	sadd.s32 $0x88, s3;
	s6 =	simm.s32 @!p1 $0x1082;
	[sflag:s4] =	ssyncset.s32 $0xFFFFF086  }
0x25: {  	[simem:s6], [sflag:s4] =	dma.local [hbm:s3], $0xF7A  }
0x26: {  	[smem:$0x3F8F] =	sst s1;
	(tag) =	ssettag s2;
	_ =	strace s9  }
0x27: {  	s1 =	sld [smem:$0x3F9F]  }
0x28: {  	s2 =	sld [smem:$0x3FA0]  }
0x29: {  	s4 =	sld [smem:$0x3FA2]  }
0x2a: {  	p0 =	seq.s32 s5, $0x0;
	s5 =	sld [smem:$0x3FA3]  }
0x2b: {  	s6 =	sld [smem:$0x3FA4]  }
0x2c: {  	s7 =	sld [smem:$0x3FA5]  }
0x2d: {  	s3 =	simm.s32 $0x108;
	s8 =	sld [smem:$0x3FA6]  }
0x2e: {  	s3 =	simm.s32 @!p0 $0x1082;
	s9 =	sld [smem:$0x3FA7]  }
0x2f: {  	lr =	sadd.s32 s0, s3;
	s0 =	sld [smem:$0x3F9E]  }
0x30: {  	s3 =	sld [smem:$0x3FA1]  }
0x31: {  	[smem:$0x3FAA] =	sst s10  }
0x32: {  	s10 =	sld [smem:$0x3FA8];
	_ =	sdelay $0x3  }
0x33: {  	p0 =	seq.s32 s10, $0x1;
	s10 =	sld [smem:$0x3FAA];
	_ =	sdelay $0x3  }
0x34: {  	[smem:$0x3FAA] =	sst s10  }
0x35: {  	s10 =	sld [smem:$0x3FA9];
	_ =	sdelay $0x3  }
0x36: {  	p1 =	seq.s32 s10, $0x1;
	s10 =	sld [smem:$0x3FAA];
	_ =	sdelay $0x3  }
0x37: {  	[smem:$0x3FAA] =	sst s10  }
0x38: {  	s10 =	sld [smem:$0x3FAB]  }
0x39: {  	_ = 	snop;
	(pc) =	sbr.ind lr, $3  }
0x3a: {  	_ = 	snop  }
0x3b: {  	_ = 	snop  }
0x3c: {  	p2 =	seq.s32 s10, $0x1;
	s10 =	sld [smem:$0x3FAA]  }
0x3d: {  	_ =	shalt  }
0x3e: {  	_ =	shalt  }
0x3f: {  	_ =	shalt  }
0x40: {  	_ =	shalt  }
0x41: {  	_ =	shalt  }
0x42: {  	_ =	shalt  }
0x43: {  	_ =	shalt  }
0x44: {  	_ =	shalt  }
0x45: {  	_ =	shalt  }
0x46: {  	_ =	shalt  }
0x47: {  	_ =	shalt  }
0x48: {  	_ =	shalt  }
0x49: {  	_ =	shalt  }
0x4a: {  	_ =	shalt  }
0x4b: {  	_ =	shalt  }
0x4c: {  	_ =	shalt  }
0x4d: {  	_ =	shalt  }
0x4e: {  	_ =	shalt  }
0x4f: {  	_ =	shalt  }
0x50: {  	_ =	shalt  }
0x51: {  	_ =	shalt  }
0x52: {  	_ =	shalt  }
0x53: {  	_ =	shalt  }
0x54: {  	_ =	shalt  }
0x55: {  	_ =	shalt  }
0x56: {  	_ =	shalt  }
0x57: {  	_ =	shalt  }
0x58: {  	_ =	shalt  }
0x59: {  	_ =	shalt  }
0x5a: {  	_ =	shalt  }
0x5b: {  	_ =	shalt  }
0x5c: {  	_ =	shalt  }
0x5d: {  	_ =	shalt  }
0x5e: {  	_ =	shalt  }
0x5f: {  	_ =	shalt  }
0x60: {  	_ =	shalt  }
0x61: {  	_ =	shalt  }
0x62: {  	_ =	shalt  }
0x63: {  	_ =	shalt  }
0x64: {  	_ =	shalt  }
0x65: {  	_ =	shalt  }
0x66: {  	_ =	shalt  }
0x67: {  	_ =	shalt  }
0x68: {  	_ =	shalt  }
0x69: {  	_ =	shalt  }
0x6a: {  	_ =	shalt  }
0x6b: {  	_ =	shalt  }
0x6c: {  	_ =	shalt  }
0x6d: {  	_ =	shalt  }
0x6e: {  	_ =	shalt  }
0x6f: {  	_ =	shalt  }
0x70: {  	_ =	shalt  }
0x71: {  	_ =	shalt  }
0x72: {  	_ =	shalt  }
0x73: {  	_ =	shalt  }
0x74: {  	_ =	shalt  }
0x75: {  	_ =	shalt  }
0x76: {  	_ =	shalt  }
0x77: {  	_ =	shalt  }
0x78: {  	_ =	shalt  }
0x79: {  	_ =	shalt  }
0x7a: {  	_ =	shalt  }
0x7b: {  	_ =	shalt  }
0x7c: {  	_ =	shalt  }
0x7d: {  	_ =	shalt  }
0x7e: {  	_ =	shalt  }
0x7f: {  	_ =	shalt  }
0x80: {  	_ =	shalt  }
0x81: {  	_ =	shalt  }
0x82: {  	_ =	shalt  }
0x83: {  	_ =	shalt  }
0x84: {  	_ =	shalt  }
0x85: {  	_ =	shalt  }
0x86: {  	_ =	shalt  }
0x87: {  	_ =	shalt  }
.Lfunc_end0:
.L_simem_size_0:
called_computation.7_lowered:
.L_overlay_start_0:
0x88: {  	s2 =	sld [smem:$0x3FD9]  }
0x89: {  	s3 =	sld [smem:$0x3FFE];
	_ =	sdelay $0x1  }
0x8a: {  	s1 =	srdreg.scid  }
0x8b: {  	s0 =	sand.u32 $0x1, s1  }
0x8c: {  	s16 =	sshll.u32 s0, $0xA;
	s2 =	sadd.s32 s3, s2  }
0x8d: {  	s2 =	sadd.s32 s2, s16  }
0x8e: {  	[smem:$0x3FB6] =	sst s2  }
0x8f: {  	_ = 	snop  }
0x90: {  	(tm) =	ssettm $0x1  }
0x91: {  	s17 =	sld [smem:$0x3FFB];
	_ =	sdelay $0x3  }
0x92: {  	_ =	strace s17  }
0x93: {  	s2 =	sld [smem:$0x3FFC];
	_ =	sdelay $0x3  }
0x94: {  	_ =	strace s2  }
0x95: {  	s2 =	sld [smem:$0x3FFD];
	_ =	sdelay $0x3  }
0x96: {  	_ =	strace s2  }
0x97: {  	_ =	strace $0x8FFFFFFF  }
0x98: {  	s18 =	sld [smem:$0x3FDB];
	_ =	sdelay $0x1  }
0x99: {  	s19 =	simm.s32 $_scs_section_size  }
0x9a: {  	s4 =	simm.s32 $_size__tile_overlayer_lowered;
	s5 =	simm.s32 $_tile_overlayer_lowered  }
0x9b: {  	s22 =	simm.s32 $0x1BFF;
	s21 =	sshll.u32 s5, $0x1;
	s2 =	sadd.s32 s19, s18  }
0x9c: {  	s6 =	simm.s32 $0x0;
	s20 =	sshll.u32 s4, $0x1;
	s4 =	sadd.s32 s21, s2  }
0x9d: {  	[timem:s6], [sflag:s22] =	dma.local [hbm:s4], s20  }
0x9e: {  	_ =	swait.ge [sflag:s22], s20  }
0x9f: {  	s3 =	ssub.s32 $0x0, s20;
	[sflag:s22] =	ssyncset.done $0x0  }
0xa0: {  	[sflag:s22] =	ssyncadd.s32 s3;
	_ =	sdelay $0x1  }
0xa1: {  	s23 =	simm.s32 $0x1B8B  }
0xa2: {  	_ =	swait.ge [sflag:s23], $0x1  }
0xa3: {  	[sflag:s23] =	ssyncset.done $0x0  }
0xa4: {  	s25 =	simm.s32 $0x1B8E;
	s24 =	sld [smem:$0x3FFE];
	[sflag:s23] =	ssyncadd.s32 $0xFFFFFFFF  }
0xa5: {  	s26 =	simm.s32 $execute0_lowered;
	[smem:$0x3FD2] =	sst s25  }
0xa6: {  	s4 =	sshll.u32 s26, $0x1;
	_ =	strace $0x8000005B;
	[dreg:$0x1] =	wrdreg $0xFFFFFFFF  }
0xa7: {  	s28 =	simm.s32 $_size_execute0_lowered;
	s2 =	sadd.s32 s2, s4;
	[dreg:$0x0] =	wrdreg $0x0  }
0xa8: {  	s4 =	sshll.u32 s28, $0x1;
	[dreg:$0x2] =	wrdreg s2  }
0xa9: {  	[dreg:$0x3] =	wrdreg s4  }
0xaa: {  	[dreg:$0x4] =	wrdreg $0xC0  }
0xab: {  	_ =	task [dreg:s6], $0x5FFFF  }
0xac: {  	[dreg:$0x1] =	wrdreg $0xFFFFFFFF  }
0xad: {  	[dreg:$0x0] =	wrdreg $0x60  }
0xae: {  	[dreg:$0x2] =	wrdreg s24  }
0xaf: {  	[dreg:$0x3] =	wrdreg $0x9F000  }
0xb0: {  	[dreg:$0x4] =	wrdreg $0x9  }
0xb1: {  	_ =	task.clear_ibuf [dreg:s6], $0x5FFFF;
	_ =	strace $0x9000005B  }
0xb2: {  	s29 =	simm.s32 $0x9;
	_ =	strace $0x8000005D  }
0xb3: {  	_ =	swait.ge [sflag:s29], $0x1  }
0xb4: {  	[sflag:s29] =	ssyncadd.s32 $0xFFFFFFFF  }
0xb5: {  	_ =	strace $0x9000005D  }
0xb6: {  	_ =	sfence  }
0xb7: {  	s30 =	sld [smem:$0x0];
	_ =	sdelay $0x2  }
0xb8: {  	s31 =	sshll.u32 s1, $0xD;
	s1 =	sshrl.u32 s1, $0x2  }
0xb9: {  	s3 =	sand.u32 $0x4000, s31;
	s1 =	sadd.s32 s1, s30  }
0xba: {  	s0 =	sor.u32 s3, s0;
	s1 =	sshll.u32 s1, $0x11  }
0xbb: {  	s0 =	sor.u32 s1, s0  }
0xbc: {  	s0 =	sadd.s32 $0x8F2B, s0  }
0xbd: {  	[sflag:s0] =	ssyncadd.remote.s32 $0x1  }
0xbe: {  	_ =	sfence.sel $0xFFFF  }
0xbf: {  	[dreg:$0x0] =	wrdreg $0xFFFFFFFF;
	(pc) =	sbr.abs _section_cstart, $3  }
0xc0: {  	[dreg:$0x1] =	wrdreg $0xFFFFFFFF  }
0xc1: {  	_ =	task.clear_ibuf [dreg:s6], $0x2FFFF;
	_ =	strace $0x9FFFFFFF  }
0xc2: {  	(tm) =	ssettm $0x7FFFFFFF  }
0xc3: {  	_ =	shalt  }
tec
execute0_lowered:
.L_overlay_start_1:
0x0: {  	(tag) =	ssettag $0x1  }
0x1: {  	s21 =	stileid.u32  }
0x2: {  	s1 =	srdreg.scid;
	s4 =	sshrl.u32 s21, $0x2;
	s10 =	smul.u32 $0x2800, s21  }
0x3: {  	s0 =	rddreg [dreg:$0x0];
	s1 =	sand.u32 $0x1, s1;
	s4 =	smul.u32 $0x13C00, s4  }
0x4: {  	s2 =	rddreg [dreg:$0x1];
	s8 =	sor.u32 $0x10, s21;
	s7 =	smul.u32 $0x138800, s1  }
0x5: {  	s3 =	simm.s32 $0x0;
	s28 =	simm.s32 $0x80;
	s9 =	smul.u32 $0xA000, s8  }
0x6: {  	s29 =	simm.s32 $0x400;
	s11 =	sor.u32 $0x20, s21;
	s8 =	smul.u32 $0x2800, s8  }
0x7: {  	s31 =	simm.s32 $0x50;
	s14 =	sor.u32 $0x40, s21;
	s13 =	smul.u32 $0x2800, s11  }
0x8: {  	[smem:$0x7FF] =	sst s3;
	s16 =	sor.u32 $0x50, s21;
	s17 =	smul.u32 $0x2800, s14  }
0x9: {  	s5 =	sshll.u32 s21, $0x8;
	s19 =	sor.u32 $0x60, s21;
	s20 =	smul.u32 $0x2800, s16  }
0xa: {  	s12 =	sadd.s32 $0x10C00, s0;
	s25 =	sor.u32 $0x70, s21;
	s26 =	smul.u32 $0x2800, s19  }
0xb: {  	s6 =	sshll.u32 s1, $0x7;
	s5 =	sand.u32 $0x300, s5;
	s24 =	smul.u32 $0x2800, s25  }
0xc: {  	_ =	strace $0x8000005C;
	[dreg:$0x3] =	wrdreg s12;
	s14 =	smul.u32 $0xA000, s14  }
0xd: {  	s12 =	sor.u32 $0x30, s21;
	s5 =	sor.u32 s6, s5;
	s6 =	smul.u32 $0xA000, s21  }
0xe: {  	s30 =	simm.s32 $0x2;
	s1 =	ssub.s32 $0x2, s1;
	s15 =	smul.u32 $0x2800, s12  }
0xf: {  	p0 =	sgt.u32 s25, $0x7C;
	s18 =	sshrl.u32 s1, $0x1;
	s12 =	smul.u32 $0xA000, s12  }
0x10: {  	s5 =	sor.u32 s4, s5;
	s4 =	sadd.s32 $0x42200, s0;
	s1 =	ssub.s32 s1, s18  }
0x11: {  	s21 =	sadd.s32 s7, s10;
	s22 =	sadd.s32 s7, s8;
	s23 =	sadd.s32 s7, s13  }
0x12: {  	s17 =	sadd.s32 s7, s17;
	s20 =	sadd.s32 s7, s20;
	s18 =	sadd.s32 s7, s26  }
0x13: {  	s10 =	smul.u32 $0xA000, s11;
	s13 =	sshrl.u32 s9, $0x2;
	s5 =	sshrl.u32 s5, $0x3  }
0x14: {  	s15 =	sadd.s32 s7, s15;
	s11 =	sshrl.u32 s6, $0x2;
	s6 =	smul.u32 $0xA000, s16  }
0x15: {  	s7 =	sadd.s32 s7, s24;
	s1 =	smax.u32 s1, $0x1;
	s24 =	smul.u32 $0xA000, s19  }
0x16: {  	s19 =	sshrl.u32 s21, $0x3;
	s21 =	sshrl.u32 s22, $0x3;
	s23 =	sshrl.u32 s23, $0x3  }
0x17: {  	s8 =	sshrl.u32 s20, $0x3;
	s18 =	sshrl.u32 s18, $0x3;
	s5 =	sadd.s32 s5, s0  }
0x18: {  	s0 =	sadd.s32 $0x69400, s0;
	[dreg:$0x6] =	wrdreg s1;
	s9 =	sadd.s32 s11, s2  }
0x19: {  	s1 =	sshrl.u32 s12, $0x2;
	s15 =	sshrl.u32 s15, $0x3;
	s7 =	sshrl.u32 s7, $0x3  }
0x1a: {  	s12 =	smul.u32 $0xA000, s25;
	s25 =	simm.s32 $0x4F00;
	s26 =	sadd.s32 $0x6E00, s5  }
0x1b: {  	s5 =	sadd.s32 $0x38400, s5;
	s22 =	sadd.s32 s0, s19;
	s15 =	sadd.s32 s0, s15  }
0x1c: {  	s18 =	sadd.s32 s0, s18;
	s19 =	sadd.s32 s0, s7;
	[dreg:$0x4] =	wrdreg s26  }
0x1d: {  	s20 =	sadd.s32 s1, s2;
	s1 =	simm.s32 $0x7700;
	[dreg:$0x5] =	wrdreg s5  }
0x1e: {  	s5 =	sshrl.u32 s10, $0x2;
	s10 =	sadd.s32 s13, s2;
	[dreg:$0x7] =	wrdreg s22  }
0x1f: {  	s13 =	sadd.s32 s0, s21;
	s26 =	sshrl.u32 s17, $0x3;
	s17 =	sadd.s32 s0, s8  }
0x20: {  	s11 =	sadd.s32 s5, s2;
	s5 =	sshrl.u32 s14, $0x2;
	s14 =	sadd.s32 s0, s23  }
0x21: {  	s16 =	sadd.s32 s0, s26;
	s23 =	sshrl.u32 s6, $0x2;
	s26 =	sshrl.u32 s24, $0x2  }
0x22: {  	s0 =	sshrl.u32 s12, $0x2;
	s6 =	simm.s32 $0x0;
	s21 =	sadd.s32 s5, s2  }
0x23: {  	s22 =	sadd.s32 s23, s2;
	s23 =	sadd.s32 s26, s2;
	s24 =	sadd.s32 s0, s2  }
0x24: {  	s26 =	simm.s32 $0x3;
	s0 =	simm.s32 $0x1;
	s5 =	simm.s32 $0x4  }
.LBB2_1:
0x25: {  	s7 =	rddreg [dreg:$0x3]  }
0x26: {  	[tilespmem:s25], [sflag:$0x3] =	stream.linear.gather [hbm4b:s7+s3], $0x2800, $0x38;
	[tilespmem:$0x1D780] =	vst v63  }
0x27: {  	_ =	swait.ge [sflag:s26], $0x2800  }
0x28: {  	[sflag:s26] =	ssyncset.done $0x0  }
0x29: {  	[sflag:s26] =	ssyncadd.s32 $0xFFFFD800  }
0x2a: {  	[spmem:s9] =	stream.linear.scatter [tilespmem:s25], [sflag:$0x3], $0x2800, $0x38;
	[tilespmem:$0x1D780] =	vst v63  }
0x2b: {  	_ =	swait.ge [sflag:s26], $0x2800  }
0x2c: {  	[sflag:s26] =	ssyncset.done $0x0  }
0x2d: {  	[sflag:s26] =	ssyncadd.s32 $0xFFFFD800  }
0x2e: {  	[spmem:s10] =	stream.linear.scatter [tilespmem:s25], [sflag:$0x3], $0x2800, $0x38;
	[tilespmem:$0x1D780] =	vst v63  }
0x2f: {  	_ =	swait.ge [sflag:s26], $0x2800  }
0x30: {  	[sflag:s26] =	ssyncset.done $0x0  }
0x31: {  	[sflag:s26] =	ssyncadd.s32 $0xFFFFD800  }
0x32: {  	[spmem:s11] =	stream.linear.scatter [tilespmem:s25], [sflag:$0x3], $0x2800, $0x38;
	[tilespmem:$0x1D780] =	vst v63  }
0x33: {  	_ =	swait.ge [sflag:s26], $0x2800  }
0x34: {  	[sflag:s26] =	ssyncset.done $0x0  }
0x35: {  	[sflag:s26] =	ssyncadd.s32 $0xFFFFD800  }
0x36: {  	[spmem:s20] =	stream.linear.scatter [tilespmem:s25], [sflag:$0x3], $0x2800, $0x38;
	[tilespmem:$0x1D780] =	vst v63  }
0x37: {  	_ =	swait.ge [sflag:s26], $0x2800  }
0x38: {  	[sflag:s26] =	ssyncset.done $0x0  }
0x39: {  	[sflag:s26] =	ssyncadd.s32 $0xFFFFD800  }
0x3a: {  	[spmem:s21] =	stream.linear.scatter [tilespmem:s25], [sflag:$0x3], $0x2800, $0x38;
	[tilespmem:$0x1D780] =	vst v63  }
0x3b: {  	_ =	swait.ge [sflag:s26], $0x2800  }
0x3c: {  	[sflag:s26] =	ssyncset.done $0x0  }
0x3d: {  	[sflag:s26] =	ssyncadd.s32 $0xFFFFD800  }
0x3e: {  	[spmem:s22] =	stream.linear.scatter [tilespmem:s25], [sflag:$0x3], $0x2800, $0x38;
	[tilespmem:$0x1D780] =	vst v63  }
0x3f: {  	_ =	swait.ge [sflag:s26], $0x2800  }
0x40: {  	[sflag:s26] =	ssyncset.done $0x0  }
0x41: {  	[sflag:s26] =	ssyncadd.s32 $0xFFFFD800  }
0x42: {  	[spmem:s23] =	stream.linear.scatter [tilespmem:s25], [sflag:$0x3], $0x2800, $0x38;
	[tilespmem:$0x1D780] =	vst v63  }
0x43: {  	_ =	swait.ge [sflag:s26], $0x2800  }
0x44: {  	[sflag:s26] =	ssyncset.done $0x0  }
0x45: {  	s7 =	simm.s32 @!p0 $0x4F00;
	[sflag:s26] =	ssyncadd.s32 $0xFFFFD800  }
0x46: {  	[spmem:s24] =	stream.linear.scatter @!p0 [tilespmem:s7], [sflag:$0x3], $0x2800, $0x38;
	[tilespmem:$0x1D780] =	vst v63  }
0x47: {  	s7 =	simm.s32 @!p0 $0x3  }
0x48: {  	_ =	swait.ge @!p0 [sflag:s7], $0x2800  }
0x49: {  	[sflag:s7] =	ssyncset.done @!p0 $0x0  }
0x4a: {  	[sflag:s7] =	ssyncadd.s32 @!p0 $0xFFFFD800  }
0x4b: {  	[bflag:$0x0] =	sbarrier.arrive $0xFFFF  }
0x4c: {  	s8 =	rddreg [dreg:$0x4]  }
0x4d: {  	[tilespmem:s3], [sflag:$0x3] =	stream.strided.gather [hbm4b:s8+s28], $0x2780, s29, s28, $0x38;
	[tilespmem:$0x1D780] =	vst v63  }
0x4e: {  	_ =	swait.ge [sflag:s26], $0x2780  }
0x4f: {  	[sflag:s26] =	ssyncset.done $0x0  }
0x50: {  	s8 =	simm.s32 $0x2780;
	s12 =	rddreg [dreg:$0x5];
	[sflag:s26] =	ssyncadd.s32 $0xFFFFD880  }
0x51: {  	[tilespmem:s8], [sflag:$0x3] =	stream.strided.gather [hbm4b:s12+s28], $0x2780, s29, s28, $0x38;
	[tilespmem:$0x1D780] =	vst v63  }
0x52: {  	_ =	swait.ge [sflag:s26], $0x2780  }
0x53: {  	[sflag:s26] =	ssyncset.done $0x0  }
0x54: {  	[sflag:s26] =	ssyncadd.s32 $0xFFFFD880  }
0x55: {  	[tilespmem:s25], [sflag:$0x1] =	stream.indirect.gather [hbm4b:s4+s31], $0x80, s3, s31, $0xb8;
	[tilespmem:$0x1D780] =	vst v63  }
0x56: {  	_ =	swait.ge [sflag:s0], $0x2800  }
0x57: {  	[sflag:s0] =	ssyncset.done $0x0  }
0x58: {  	s8 =	simm.s32 $0x50;
	[sflag:s0] =	ssyncadd.s32 $0xFFFFD800  }
0x59: {  	[tilespmem:s1], [sflag:$0x2] =	stream.indirect.gather [hbm4b:s4+s31], $0x80, s8, s31, $0xb8;
	[tilespmem:$0x1D780] =	vst v63  }
0x5a: {  	s12 =	simm.s32 $0x2780  }
0x5b: {  	[spmem:s2] =	stream.indirect.scatter.add.f32 [tilespmem:s25], [sflag:$0x3], $0x80, s12, s31, $0xb8;
	[tilespmem:$0x1D780] =	vst v63  }
0x5c: {  	_ =	swait.ge [sflag:s26], $0x2800  }
0x5d: {  	[sflag:s26] =	ssyncset.done $0x0  }
0x5e: {  	[sflag:s26] =	ssyncadd.s32 $0xFFFFD800  }
0x5f: {  	_ =	swait.ge [sflag:s30], $0x2800  }
0x60: {  	[sflag:s30] =	ssyncset.done $0x0  }
0x61: {  	s8 =	simm.s32 $0xA0;
	[sflag:s30] =	ssyncadd.s32 $0xFFFFD800  }
0x62: {  	[tilespmem:s25], [sflag:$0x1] =	stream.indirect.gather [hbm4b:s4+s31], $0x80, s8, s31, $0xb8;
	[tilespmem:$0x1D780] =	vst v63  }
0x63: {  	s12 =	simm.s32 $0x27D0  }
0x64: {  	[spmem:s2] =	stream.indirect.scatter.add.f32 [tilespmem:s1], [sflag:$0x3], $0x80, s12, s31, $0xb8;
	[tilespmem:$0x1D780] =	vst v63  }
0x65: {  	_ =	swait.ge [sflag:s26], $0x2800  }
0x66: {  	s7 =	simm.s32 $0x280;
	[sflag:s26] =	ssyncset.done $0x0  }
.LBB2_2:
0x67: {  	p1 =	sne.s32 s7, $0x9880  }
0x68: {  	[sflag:s26] =	ssyncadd.s32 $0xFFFFD800;
	s8 =	smov.u32 s7;
	s7 =	sadd.s32 $0x280, s7  }
0x69: {  	_ = 	snop  }
0x6a: {  	_ =	swait.ge [sflag:s0], $0x2800  }
0x6b: {  	s8 =	sshra.s32 s8, $0x2;
	[sflag:s0] =	ssyncset.done $0x0  }
0x6c: {  	s12 =	sadd.s32 $0x50, s8;
	[sflag:s0] =	ssyncadd.s32 $0xFFFFD800  }
0x6d: {  	[tilespmem:s1], [sflag:$0x2] =	stream.indirect.gather [hbm4b:s4+s31], $0x80, s12, s31, $0xb8;
	[tilespmem:$0x1D780] =	vst v63  }
0x6e: {  	s12 =	sadd.s32 $0x2780, s8  }
0x6f: {  	[spmem:s2] =	stream.indirect.scatter.add.f32 [tilespmem:s25], [sflag:$0x3], $0x80, s12, s31, $0xb8;
	[tilespmem:$0x1D780] =	vst v63  }
0x70: {  	_ =	swait.ge [sflag:s26], $0x2800  }
0x71: {  	[sflag:s26] =	ssyncset.done $0x0  }
0x72: {  	[sflag:s26] =	ssyncadd.s32 $0xFFFFD800  }
0x73: {  	_ =	swait.ge [sflag:s30], $0x2800  }
0x74: {  	[sflag:s30] =	ssyncset.done $0x0  }
0x75: {  	s12 =	sadd.s32 $0xA0, s8;
	[sflag:s30] =	ssyncadd.s32 $0xFFFFD800  }
0x76: {  	[tilespmem:s25], [sflag:$0x1] =	stream.indirect.gather [hbm4b:s4+s31], $0x80, s12, s31, $0xb8;
	[tilespmem:$0x1D780] =	vst v63  }
.Ltmp0:
0x77: {  	_ = 	snop;
	(pc) =	sbr.rel @p1 .LBB2_2-.Ltmp0, $4  }
0x78: {  	s8 =	sadd.s32 $0x27D0, s8  }
0x79: {  	[spmem:s2] =	stream.indirect.scatter.add.f32 [tilespmem:s1], [sflag:$0x3], $0x80, s8, s31, $0xb8;
	[tilespmem:$0x1D780] =	vst v63  }
0x7a: {  	_ =	swait.ge [sflag:s26], $0x2800  }
0x7b: {  	[sflag:s26] =	ssyncset.done $0x0  }
0x7c: {  	[sflag:s26] =	ssyncadd.s32 $0xFFFFD800  }
0x7d: {  	_ =	swait.ge [sflag:s0], $0x2800  }
0x7e: {  	[sflag:s0] =	ssyncset.done $0x0  }
0x7f: {  	s7 =	simm.s32 $0x4E40;
	[sflag:s0] =	ssyncadd.s32 $0xFFFFD800  }
0x80: {  	[spmem:s2] =	stream.indirect.scatter.add.f32 [tilespmem:s25], [sflag:$0x3], $0x80, s7, s31, $0xb8;
	[tilespmem:$0x1D780] =	vst v63  }
0x81: {  	_ =	swait.ge [sflag:s26], $0x2800  }
0x82: {  	[sflag:s26] =	ssyncset.done $0x0  }
0x83: {  	[sflag:s26] =	ssyncadd.s32 $0xFFFFD800  }
0x84: {  	[bflag:$0x0] =	sbarrier.arrive $0xFFFF  }
0x85: {  	[tilespmem:s25], [sflag:$0x4] =	stream.linear.gather [spmem:s9], $0x2800, $0x38;
	[tilespmem:$0x1D780] =	vst v63  }
0x86: {  	_ =	swait.ge [sflag:s5], $0x2800  }
0x87: {  	[sflag:s5] =	ssyncset.done $0x0  }
0x88: {  	s8 =	rddreg [dreg:$0x7];
	[sflag:s5] =	ssyncadd.s32 $0xFFFFD800  }
0x89: {  	[hbm4b:s8+s3] =	stream.linear.scatter [tilespmem:s25], [sflag:$0x3], $0x2800, $0x38;
	[tilespmem:$0x1D780] =	vst v63  }
0x8a: {  	_ =	swait.ge [sflag:s26], $0x2800  }
0x8b: {  	[sflag:s26] =	ssyncset.done $0x0  }
0x8c: {  	[sflag:s26] =	ssyncadd.s32 $0xFFFFD800  }
0x8d: {  	[tilespmem:s25], [sflag:$0x4] =	stream.linear.gather [spmem:s10], $0x2800, $0x38;
	[tilespmem:$0x1D780] =	vst v63  }
0x8e: {  	_ =	swait.ge [sflag:s5], $0x2800  }
0x8f: {  	[sflag:s5] =	ssyncset.done $0x0  }
0x90: {  	[sflag:s5] =	ssyncadd.s32 $0xFFFFD800  }
0x91: {  	[hbm4b:s13+s3] =	stream.linear.scatter [tilespmem:s25], [sflag:$0x3], $0x2800, $0x38;
	[tilespmem:$0x1D780] =	vst v63  }
0x92: {  	_ =	swait.ge [sflag:s26], $0x2800  }
0x93: {  	[sflag:s26] =	ssyncset.done $0x0  }
0x94: {  	[sflag:s26] =	ssyncadd.s32 $0xFFFFD800  }
0x95: {  	[tilespmem:s25], [sflag:$0x4] =	stream.linear.gather [spmem:s11], $0x2800, $0x38;
	[tilespmem:$0x1D780] =	vst v63  }
0x96: {  	_ =	swait.ge [sflag:s5], $0x2800  }
0x97: {  	[sflag:s5] =	ssyncset.done $0x0  }
0x98: {  	[sflag:s5] =	ssyncadd.s32 $0xFFFFD800  }
0x99: {  	[hbm4b:s14+s3] =	stream.linear.scatter [tilespmem:s25], [sflag:$0x3], $0x2800, $0x38;
	[tilespmem:$0x1D780] =	vst v63  }
0x9a: {  	_ =	swait.ge [sflag:s26], $0x2800  }
0x9b: {  	[sflag:s26] =	ssyncset.done $0x0  }
0x9c: {  	[sflag:s26] =	ssyncadd.s32 $0xFFFFD800  }
0x9d: {  	[tilespmem:s25], [sflag:$0x4] =	stream.linear.gather [spmem:s20], $0x2800, $0x38;
	[tilespmem:$0x1D780] =	vst v63  }
0x9e: {  	_ =	swait.ge [sflag:s5], $0x2800  }
0x9f: {  	[sflag:s5] =	ssyncset.done $0x0  }
0xa0: {  	[sflag:s5] =	ssyncadd.s32 $0xFFFFD800  }
0xa1: {  	[hbm4b:s15+s3] =	stream.linear.scatter [tilespmem:s25], [sflag:$0x3], $0x2800, $0x38;
	[tilespmem:$0x1D780] =	vst v63  }
0xa2: {  	_ =	swait.ge [sflag:s26], $0x2800  }
0xa3: {  	[sflag:s26] =	ssyncset.done $0x0  }
0xa4: {  	[sflag:s26] =	ssyncadd.s32 $0xFFFFD800  }
0xa5: {  	[tilespmem:s25], [sflag:$0x4] =	stream.linear.gather [spmem:s21], $0x2800, $0x38;
	[tilespmem:$0x1D780] =	vst v63  }
0xa6: {  	_ =	swait.ge [sflag:s5], $0x2800  }
0xa7: {  	[sflag:s5] =	ssyncset.done $0x0  }
0xa8: {  	[sflag:s5] =	ssyncadd.s32 $0xFFFFD800  }
0xa9: {  	[hbm4b:s16+s3] =	stream.linear.scatter [tilespmem:s25], [sflag:$0x3], $0x2800, $0x38;
	[tilespmem:$0x1D780] =	vst v63  }
0xaa: {  	_ =	swait.ge [sflag:s26], $0x2800  }
0xab: {  	[sflag:s26] =	ssyncset.done $0x0  }
0xac: {  	[sflag:s26] =	ssyncadd.s32 $0xFFFFD800  }
0xad: {  	[tilespmem:s25], [sflag:$0x4] =	stream.linear.gather [spmem:s22], $0x2800, $0x38;
	[tilespmem:$0x1D780] =	vst v63  }
0xae: {  	_ =	swait.ge [sflag:s5], $0x2800  }
0xaf: {  	[sflag:s5] =	ssyncset.done $0x0  }
0xb0: {  	[sflag:s5] =	ssyncadd.s32 $0xFFFFD800  }
0xb1: {  	[hbm4b:s17+s3] =	stream.linear.scatter [tilespmem:s25], [sflag:$0x3], $0x2800, $0x38;
	[tilespmem:$0x1D780] =	vst v63  }
0xb2: {  	_ =	swait.ge [sflag:s26], $0x2800  }
0xb3: {  	[sflag:s26] =	ssyncset.done $0x0  }
0xb4: {  	[sflag:s26] =	ssyncadd.s32 $0xFFFFD800  }
0xb5: {  	[tilespmem:s25], [sflag:$0x4] =	stream.linear.gather [spmem:s23], $0x2800, $0x38;
	[tilespmem:$0x1D780] =	vst v63  }
0xb6: {  	_ =	swait.ge [sflag:s5], $0x2800  }
0xb7: {  	[sflag:s5] =	ssyncset.done $0x0  }
0xb8: {  	[sflag:s5] =	ssyncadd.s32 $0xFFFFD800  }
0xb9: {  	[hbm4b:s18+s3] =	stream.linear.scatter [tilespmem:s25], [sflag:$0x3], $0x2800, $0x38;
	[tilespmem:$0x1D780] =	vst v63  }
0xba: {  	_ =	swait.ge [sflag:s26], $0x2800  }
0xbb: {  	[sflag:s26] =	ssyncset.done $0x0  }
0xbc: {  	s7 =	simm.s32 @!p0 $0x4F00;
	s8 =	simm.s32 @!p0 $0x4;
	[sflag:s26] =	ssyncadd.s32 $0xFFFFD800  }
0xbd: {  	[tilespmem:s7], [sflag:$0x4] =	stream.linear.gather @!p0 [spmem:s24], $0x2800, $0x38;
	[tilespmem:$0x1D780] =	vst v63  }
0xbe: {  	_ =	swait.ge @!p0 [sflag:s8], $0x2800  }
0xbf: {  	[sflag:s8] =	ssyncset.done @!p0 $0x0  }
0xc0: {  	[sflag:s8] =	ssyncadd.s32 @!p0 $0xFFFFD800;
	s8 =	simm.s32 @!p0 $0x0  }
0xc1: {  	[hbm4b:s19+s8] =	stream.linear.scatter @!p0 [tilespmem:s7], [sflag:$0x3], $0x2800, $0x38;
	[tilespmem:$0x1D780] =	vst v63  }
0xc2: {  	s7 =	simm.s32 @!p0 $0x3  }
0xc3: {  	_ =	swait.ge @!p0 [sflag:s7], $0x2800  }
0xc4: {  	s6 =	sadd.s32 $0x1, s6;
	s12 =	rddreg [dreg:$0x6]  }
0xc5: {  	p1 =	sne.s32 s6, s12  }
.Ltmp1:
0xc6: {  	_ = 	snop;
	(pc) =	sbr.rel @p1 .LBB2_1-.Ltmp1, $3  }
0xc7: {  	_ =	sdelay $0x1  }
0xc8: {  	[sflag:s7] =	ssyncset.done @!p0 $0x0  }
0xc9: {  	[sflag:s7] =	ssyncadd.s32 @!p0 $0xFFFFD800  }
0xca: {  	_ =	sfence.sel $0x180000  }
0xcb: {  	[bflag:$0x0] =	sbarrier.arrive $0xFFFF  }
0xcc: {  	_ =	strace $0x9000005C  }
0xcd: {  	s0 =	stileid.u32;
	[bflag:$0x2] =	sbarrier.arrive $0xFFFF  }
0xce: {  	p0 =	sne.s32 s0, $0x0;
	s0 =	rddreg [dreg:$0x2]  }
0xcf: {  	s0 =	sadd.s32 @!p0 $0x100000, s0  }
0xd0: {  	[sflag:s0] =	ssyncadd.tile.s32 @!p0 $0x1;
	_ =	shalt  }
.Lfunc_end2:
_tile_overlayer_lowered:
.L_overlay_start_2:
0xd1: {  	(tag) =	ssettag $0x2  }
0xd2: {  	s0 =	rddreg [dreg:$0x0];
	s2 =	stileid.u32  }
0xd3: {  	s1 =	rddreg [dreg:$0x1];
	p0 =	sne.s32 s2, $0x0  }
0xd4: {  	s3 =	rddreg [dreg:$0x2];
	[bflag:$0x3] =	sbarrier.arrive $0xFFFF;
	s2 =	simm.s32 @!p0 $0x1C03  }
0xd5: {  	[timem:s3], [sflag:s2] =	dma.local @!p0 [hbm:s0], s1  }
0xd6: {  	s0 =	simm.s32 @!p0 $0x3  }
0xd7: {  	_ =	swait.ge @!p0 [sflag:s0], s1  }
0xd8: {  	s1 =	ssub.s32 @!p0 $0x0, s1;
	[sflag:s0] =	ssyncset.done @!p0 $0x0  }
0xd9: {  	[sflag:s0] =	ssyncadd.s32 @!p0 s1  }
0xda: {  	[bflag:$0x3] =	sbarrier.arrive $0xFFFF  }
0xdb: {  	_ =	shalt  }

</sc_bundles>
